<compile_context>
chip_gen: v7x
topology: tpu7x:2x2x1
jax: 0.10.2.dev20260603
libtpu: 0.0.44.dev20260713+nightly
codegen_flags: <defaults>
</compile_context>

<pallas_src>
import functools

import jax
import jax.numpy as jnp
import numpy as np
from jax import lax
from jax.experimental import pallas as pl
from jax.experimental.pallas import tpu as pltpu
from jax.experimental.pallas import tpu_sc as plsc

N = 10000
E = 320000
NF = 128
POS = 3
NC = 2
NS = 16
NW = NC * NS
NPT = 632
NPAD = NPT * NS
CB = 80
NCH = E // (NW * CB)
LUB = ((NCH + 2 + 3) // 4) * 4
CBS = 40
NCHS = E // (NW * CBS)
LUBS = ((NCHS + 2 + 3) // 4) * 4

_f32 = jnp.float32
_bf16 = jnp.bfloat16

_PERM = np.concatenate(
    [np.concatenate([32 * k + np.arange(0, 32, 2), 32 * k + np.arange(1, 32, 2)])
     for k in range(NF // 32)]
)



def _node_pre_body(ps_ref, pw0_ref, pb0_ref, pw1_ref, pb1_ref,
                   wrr_ref, wrs_ref, rb0_ref, u1_ref, ppb_ref,
                   wr_ref, ws_ref,
                   pr_out, psn_out, pe2_out, a0_out, b0_out):
    ps = ps_ref[...]
    h = jnp.maximum(jnp.dot(ps, pw0_ref[...], preferred_element_type=_f32)
                    + pb0_ref[...], 0.0)
    pe = jnp.maximum(jnp.dot(h, pw1_ref[...], preferred_element_type=_f32)
                     + pb1_ref[...], 0.0)
    pr_out[...] = jnp.dot(ps, wrr_ref[...], preferred_element_type=_f32) + rb0_ref[...]
    psn_out[...] = jnp.dot(ps, wrs_ref[...], preferred_element_type=_f32)
    pe2_out[...] = jnp.dot(pe, u1_ref[...], preferred_element_type=_f32) + ppb_ref[...]
    a0_out[...] = jnp.dot(pe, wr_ref[...], preferred_element_type=_f32)
    b0_out[...] = jnp.dot(pe, ws_ref[...], preferred_element_type=_f32)


def _node_pre(ps, pw0, pb0, pw1, pb1, wrr, wrs, rb0, u1, ppb, wr, ws):
    bn = 1000
    grid = (N // bn,)
    row = pl.BlockSpec((bn, NF), lambda i: (i, 0))
    w16 = pl.BlockSpec((16, NF), lambda i: (0, 0))
    w128 = pl.BlockSpec((NF, NF), lambda i: (0, 0))
    bias = pl.BlockSpec((1, NF), lambda i: (0, 0))
    return pl.pallas_call(
        _node_pre_body,
        grid=grid,
        in_specs=[pl.BlockSpec((bn, 16), lambda i: (i, 0)),
                  w16, bias, w128, bias,
                  w16, w16, bias, w128, bias, w128, w128],
        out_specs=[row, row, row, row, row],
        out_shape=[jax.ShapeDtypeStruct((N, NF), _f32)] * 5,
    )(ps, pw0, pb0, pw1, pb1, wrr, wrs, rb0, u1, ppb, wr, ws)


def _edge_mlp_body(g_ref, ra_ref, wv_ref, w1_ref, b1_ref, w2_ref, b2_ref,
                   wre_ref, rb_ref, c_out):
    re0 = jnp.maximum(g_ref[...] + ra_ref[...] * wv_ref[...], 0.0).astype(_bf16)
    h = jnp.maximum(jnp.dot(re0, w1_ref[...], preferred_element_type=_f32)
                    + b1_ref[...], 0.0).astype(_bf16)
    h = jnp.maximum(jnp.dot(h, w2_ref[...], preferred_element_type=_f32)
                    + b2_ref[...], 0.0).astype(_bf16)
    c_out[...] = jnp.dot(h, wre_ref[...], preferred_element_type=_f32) + rb_ref[...]


def _edge_mlp(g, ra_col, wvec, w1, b1, w2, b2, wre, rb):
    be = 3200
    grid = (E // be,)
    row = pl.BlockSpec((be, NF), lambda i: (i, 0))
    w128 = pl.BlockSpec((NF, NF), lambda i: (0, 0))
    bias = pl.BlockSpec((1, NF), lambda i: (0, 0))
    return pl.pallas_call(
        _edge_mlp_body,
        grid=grid,
        in_specs=[row, pl.BlockSpec((be, 1), lambda i: (i, 0)), bias,
                  w128, bias, w128, bias, w128, bias],
        out_specs=row,
        out_shape=jax.ShapeDtypeStruct((E, NF), _f32),
    )(g, ra_col, wvec, w1, b1, w2, b2, wre, rb)


def _update_ab_body(aggp_ref, pe2_ref, u2p_ref, wr_ref, ws_ref, a_out, b_out):
    agg = (aggp_ref[0] + aggp_ref[1]).astype(_bf16)
    eff = jnp.maximum(pe2_ref[...]
                      + jnp.dot(agg, u2p_ref[...], preferred_element_type=_f32),
                      0.0).astype(_bf16)
    a_out[...] = jnp.dot(eff, wr_ref[...], preferred_element_type=_f32)
    b_out[...] = jnp.dot(eff, ws_ref[...], preferred_element_type=_f32)


def _update_ab(aggp, pe2, u2p, wr, ws):
    bn = 1000
    grid = (N // bn,)
    row = pl.BlockSpec((bn, NF), lambda i: (i, 0))
    w128 = pl.BlockSpec((NF, NF), lambda i: (0, 0))
    return pl.pallas_call(
        _update_ab_body,
        grid=grid,
        in_specs=[pl.BlockSpec((2, bn, NF), lambda i: (0, i, 0)), row, w128, w128, w128],
        out_specs=[row, row],
        out_shape=[jax.ShapeDtypeStruct((N, NF), _f32)] * 2,
    )(aggp, pe2, u2p, wr, ws)


def _update_pred_body(aggp_ref, pe2_ref, u2p_ref, w0_ref, b0_ref,
                      w1_ref, b1_ref, w2_ref, b2_ref, p_out):
    agg = (aggp_ref[0] + aggp_ref[1]).astype(_bf16)
    eff = jnp.maximum(pe2_ref[...]
                      + jnp.dot(agg, u2p_ref[...], preferred_element_type=_f32),
                      0.0).astype(_bf16)
    h = jnp.maximum(jnp.dot(eff, w0_ref[...], preferred_element_type=_f32)
                    + b0_ref[...], 0.0).astype(_bf16)
    h = jnp.maximum(jnp.dot(h, w1_ref[...], preferred_element_type=_f32)
                    + b1_ref[...], 0.0).astype(_bf16)
    p_out[...] = jnp.dot(h, w2_ref[...], preferred_element_type=_f32) + b2_ref[...]


def _update_pred(aggp, pe2, u2p, w0, b0, w1, b1, w2, b2):
    bn = 1000
    grid = (N // bn,)
    row = pl.BlockSpec((bn, NF), lambda i: (i, 0))
    w128 = pl.BlockSpec((NF, NF), lambda i: (0, 0))
    bias = pl.BlockSpec((1, NF), lambda i: (0, 0))
    return pl.pallas_call(
        _update_pred_body,
        grid=grid,
        in_specs=[pl.BlockSpec((2, bn, NF), lambda i: (0, i, 0)), row, w128,
                  w128, bias, w128, bias,
                  pl.BlockSpec((NF, POS), lambda i: (0, 0)),
                  pl.BlockSpec((1, POS), lambda i: (0, 0))],
        out_specs=pl.BlockSpec((bn, POS), lambda i: (i, 0)),
        out_shape=jax.ShapeDtypeStruct((N, POS), _f32),
    )(aggp, pe2, u2p, w0, b0, w1, b1, w2, b2)



def _sc_mesh():
    return plsc.VectorSubcoreMesh(core_axis_name="c", subcore_axis_name="s",
                                  num_cores=NC, num_subcores=NS)


def _sc_stage1(recv1, send1, pr, psn):
    @functools.partial(
        pl.kernel,
        out_type=jax.ShapeDtypeStruct((E, NF), _f32),
        mesh=_sc_mesh(),
        scratch_types=(
            [pltpu.VMEM((CB,), jnp.int32)] * 8
            + [pltpu.VMEM((CB, NF), _f32)] * 6
            + [pltpu.SemaphoreType.DMA] * 8
        ),
    )
    def k(recv_hbm, send_hbm, pr_hbm, ps_hbm, out_hbm,
          ri0, ri1, ri2, ri3, si0, si1, si2, si3,
          pv0, pv1, sv0, sv1, ov0, ov1,
          smi0, smi1, smi2, smi3, smg0, smg1, smo0, smo1):
        ridx = [ri0, ri1, ri2, ri3]
        sidx = [si0, si1, si2, si3]
        pv = [pv0, pv1]
        sv = [sv0, sv1]
        ov = [ov0, ov1]
        sem_i = [smi0, smi1, smi2, smi3]
        sem_g = [smg0, smg1]
        sem_o = [smo0, smo1]
        c = lax.axis_index("c")
        s = lax.axis_index("s")
        w = c * NS + s
        e0 = w * (NCH * CB)

        def issue_idx(kk, sl):
            eb = e0 + kk * CB
            pltpu.async_copy(recv_hbm.at[pl.ds(eb, CB)], ridx[sl], sem_i[sl])
            pltpu.async_copy(send_hbm.at[pl.ds(eb, CB)], sidx[sl], sem_i[sl])

        def wait_idx(sl):
            pltpu.make_async_copy(recv_hbm.at[pl.ds(e0, CB)], ridx[sl], sem_i[sl]).wait()
            pltpu.make_async_copy(send_hbm.at[pl.ds(e0, CB)], sidx[sl], sem_i[sl]).wait()

        def issue_gather(kk, sl, b):
            pltpu.async_copy(pr_hbm.at[ridx[sl]], pv[b], sem_g[b])
            pltpu.async_copy(ps_hbm.at[sidx[sl]], sv[b], sem_g[b])

        def wait_gather(sl, b):
            pltpu.make_async_copy(pr_hbm.at[ridx[sl]], pv[b], sem_g[b]).wait()
            pltpu.make_async_copy(ps_hbm.at[sidx[sl]], sv[b], sem_g[b]).wait()

        issue_idx(0, 0)
        wait_idx(0)
        issue_gather(0, 0, 0)
        issue_idx(1, 1)

        @pl.loop(0, LUB, step=4)
        def _outer(k4):
            for b4 in range(4):
                kk = k4 + b4
                b = b4 % 2

                @pl.when(kk + 1 < NCH)
                def _():
                    wait_idx((b4 + 1) % 4)
                    issue_gather(kk + 1, (b4 + 1) % 4, 1 - b)

                @pl.when(kk < NCH)
                def _():
                    wait_gather(b4, b)

                @pl.when(kk + 2 < NCH)
                def _():
                    issue_idx(kk + 2, (b4 + 2) % 4)

                @pl.when((kk >= 2) & (kk < NCH + 2))
                def _():
                    pltpu.make_async_copy(
                        ov[b], out_hbm.at[pl.ds(e0, CB)], sem_o[b]).wait()

                @pl.when(kk < NCH)
                def _():
                    @pl.loop(0, CB)
                    def _e(i):
                        for j in range(8):
                            sl = pl.ds(j * 16, 16)
                            ov[b][i, sl] = pv[b][i, sl] + sv[b][i, sl]

                    pltpu.async_copy(ov[b], out_hbm.at[pl.ds(e0 + kk * CB, CB)],
                                     sem_o[b])

    return k(recv1, send1, pr, psn)


def _sc_step(c_arr, a_arr, b_arr, recv1, send1, zeros_n):
    @functools.partial(
        pl.kernel,
        out_type=jax.ShapeDtypeStruct((NC, NPAD, NF), _f32),
        mesh=_sc_mesh(),
        scratch_types=(
            [pltpu.VMEM((CBS,), jnp.int32)] * 8
            + [pltpu.VMEM((CBS, NF), _f32)] * 8
            + [pltpu.VMEM_SHARED((NPAD, NF), _f32)]
            + [pltpu.SemaphoreType.DMA] * 8
        ),
    )
    def k(c_hbm, a_hbm, b_hbm, recv_hbm, send_hbm, z_hbm, out_hbm,
          ri0, ri1, ri2, ri3, si0, si1, si2, si3,
          av0, av1, bv0, bv1, cv0, cv1, ev0, ev1, agg_sh,
          smi0, smi1, smi2, smi3, smg0, smg1, sms0, sms1):
        ridx = [ri0, ri1, ri2, ri3]
        sidx = [si0, si1, si2, si3]
        av = [av0, av1]
        bv = [bv0, bv1]
        cv = [cv0, cv1]
        ev = [ev0, ev1]
        sem_i = [smi0, smi1, smi2, smi3]
        sem_g = [smg0, smg1]
        sem_s = [sms0, sms1]
        c = lax.axis_index("c")
        s = lax.axis_index("s")
        w = c * NS + s
        e0 = w * (NCHS * CBS)
        pltpu.sync_copy(z_hbm.at[pl.ds(s * NPT, NPT)], agg_sh.at[pl.ds(s * NPT, NPT)])
        plsc.subcore_barrier()

        def issue_idx(kk, sl):
            eb = e0 + kk * CBS
            pltpu.async_copy(recv_hbm.at[pl.ds(eb, CBS)], ridx[sl], sem_i[sl])
            pltpu.async_copy(send_hbm.at[pl.ds(eb, CBS)], sidx[sl], sem_i[sl])

        def wait_idx(sl):
            pltpu.make_async_copy(recv_hbm.at[pl.ds(e0, CBS)], ridx[sl], sem_i[sl]).wait()
            pltpu.make_async_copy(send_hbm.at[pl.ds(e0, CBS)], sidx[sl], sem_i[sl]).wait()

        def issue_gather(kk, sl, b):
            pltpu.async_copy(a_hbm.at[ridx[sl]], av[b], sem_g[b])
            pltpu.async_copy(b_hbm.at[sidx[sl]], bv[b], sem_g[b])
            pltpu.async_copy(c_hbm.at[pl.ds(e0 + kk * CBS, CBS)], cv[b], sem_g[b])

        def wait_gather(sl, b):
            pltpu.make_async_copy(a_hbm.at[ridx[sl]], av[b], sem_g[b]).wait()
            pltpu.make_async_copy(b_hbm.at[sidx[sl]], bv[b], sem_g[b]).wait()
            pltpu.make_async_copy(c_hbm.at[pl.ds(e0, CBS)], cv[b], sem_g[b]).wait()

        issue_idx(0, 0)
        wait_idx(0)
        issue_gather(0, 0, 0)
        issue_idx(1, 1)

        @pl.loop(0, LUBS, step=4)
        def _outer(k4):
            for b4 in range(4):
                kk = k4 + b4
                b = b4 % 2

                @pl.when(kk + 1 < NCHS)
                def _():
                    wait_idx((b4 + 1) % 4)
                    issue_gather(kk + 1, (b4 + 1) % 4, 1 - b)

                @pl.when(kk < NCHS)
                def _():
                    wait_gather(b4, b)

                @pl.when(kk < NCHS)
                def _():
                    @pl.loop(0, CBS)
                    def _e(i):
                        for j in range(8):
                            sl = pl.ds(j * 16, 16)
                            ev[b][i, sl] = jnp.maximum(
                                av[b][i, sl] + bv[b][i, sl] + cv[b][i, sl], 0.0)

                    pltpu.sync_copy(ev[b], agg_sh.at[ridx[b4]], add=True)

                @pl.when(kk + 2 < NCHS)
                def _():
                    issue_idx(kk + 2, (b4 + 2) % 4)

        plsc.subcore_barrier()
        pltpu.sync_copy(agg_sh.at[pl.ds(s * NPT, NPT)],
                        out_hbm.at[c].at[pl.ds(s * NPT, NPT)])

    return k(c_arr, a_arr, b_arr, recv1, send1, zeros_n)



def kernel(attr, state, edge_index, Ra, pe_w0, pe_b0, pe_w1, pe_b1,
           re_w0, re_b0, re_w1, re_b1, re_w2, re_b2,
           rp_w, rp_b, pp_w, pp_b,
           pr_w0, pr_b0, pr_w1, pr_b1, pr_w2, pr_b2):
    zcol = jnp.zeros((N, 1), _f32)
    ps = jnp.concatenate([attr, state, zcol], axis=1)
    recv1 = edge_index[0]
    send1 = edge_index[1]

    zrow = jnp.zeros((1, NF), _f32)
    pw0 = jnp.concatenate([pe_w0, zrow], axis=0)
    wrr = jnp.concatenate([re_w0[0:15], zrow], axis=0)
    wrs = jnp.concatenate([re_w0[15:30], zrow], axis=0)
    wvec = re_w0[30]
    u1 = pp_w[0:NF]
    u2p = pp_w[NF:2 * NF].astype(_bf16)
    wre = rp_w[0:NF].astype(_bf16)
    wr = rp_w[NF:2 * NF]
    ws = rp_w[2 * NF:3 * NF]

    b = lambda x: x.reshape(1, -1)

    pr, psn, pe2, a, bb = _node_pre(ps, pw0, b(pe_b0), pe_w1, b(pe_b1),
                                    wrr, wrs, b(re_b0), u1, b(pp_b), wr, ws)
    g = _sc_stage1(recv1, send1, pr, psn)
    c_arr = _edge_mlp(g, Ra, b(wvec), re_w1.astype(_bf16), b(re_b1),
                      re_w2.astype(_bf16), b(re_b2), wre, b(rp_b))

    zeros_n = jnp.zeros((NPAD, NF), _f32)
    aggp = _sc_step(c_arr, a, bb, recv1, send1, zeros_n)
    a, bb = _update_ab(aggp, pe2, u2p, wr.astype(_bf16), ws.astype(_bf16))
    aggp = _sc_step(c_arr, a, bb, recv1, send1, zeros_n)
    return _update_pred(aggp, pe2, u2p, pr_w0.astype(_bf16), b(pr_b0),
                        pr_w1.astype(_bf16), b(pr_b1),
                        pr_w2.astype(_bf16), b(pr_b2))

# --- scband reference (transcript-rebuilt; emitter-appended) ---
"""Pipeline reference for scband-my-model4-75557064671889 (READ-ONLY COPY).

The authoritative reference and input builder live on the scoring server;
editing this copy changes nothing except your own understanding.
"""

import jax, jax.numpy as jnp
import numpy as np

N = 10000
E = 320000
ATTR = 3
STATE = 12
REL = 1
NF = 128
POS = 3
PSTEP = 2


def _lin_init(key, fan_in, fan_out):
    k1, k2 = jax.random.split(key)
    w = jax.random.normal(k1, (fan_in, fan_out), jnp.float32) / np.sqrt(fan_in)
    b = jax.random.normal(k2, (fan_out,), jnp.float32) * 0.01
    return w, b


def setup_inputs(seed: int = 0):
    key = jax.random.key(seed)
    ks = jax.random.split(key, 16)
    inp = {}
    inp["attr"] = jax.random.normal(ks[0], (N, ATTR), jnp.float32)
    inp["state"] = jax.random.normal(ks[1], (N, STATE), jnp.float32)
    inp["edge_index"] = jax.random.randint(ks[2], (2, E), 0, N, dtype=jnp.int32)
    inp["Ra"] = jax.random.normal(ks[3], (E, REL), jnp.float32)
    inp["pe_w0"], inp["pe_b0"] = _lin_init(ks[4], ATTR + STATE, NF)
    inp["pe_w1"], inp["pe_b1"] = _lin_init(ks[5], NF, NF)
    inp["re_w0"], inp["re_b0"] = _lin_init(ks[6], 2 * (ATTR + STATE) + REL, NF)
    inp["re_w1"], inp["re_b1"] = _lin_init(ks[7], NF, NF)
    inp["re_w2"], inp["re_b2"] = _lin_init(ks[8], NF, NF)
    inp["rp_w"], inp["rp_b"] = _lin_init(ks[9], NF + 2 * NF, NF)
    inp["pp_w"], inp["pp_b"] = _lin_init(ks[10], 2 * NF, NF)
    inp["pr_w0"], inp["pr_b0"] = _lin_init(ks[11], NF, NF)
    inp["pr_w1"], inp["pr_b1"] = _lin_init(ks[12], NF, NF)
    inp["pr_w2"], inp["pr_b2"] = _lin_init(ks[13], NF, POS)
    return inp


def reference(attr, state, edge_index, Ra, pe_w0, pe_b0, pe_w1, pe_b1,
              re_w0, re_b0, re_w1, re_b1, re_w2, re_b2,
              rp_w, rp_b, pp_w, pp_b,
              pr_w0, pr_b0, pr_w1, pr_b1, pr_w2, pr_b2):
    relu = jax.nn.relu
    recv = edge_index[0]
    send = edge_index[1]
    # ParticleEncoder: Linear-ReLU-Linear-ReLU on [attr, state]
    ps = jnp.concatenate([attr, state], axis=1)
    pe = relu(relu(ps @ pe_w0 + pe_b0) @ pe_w1 + pe_b1)
    # RelationEncoder: Linear-ReLU x3 on [recv attrs/states, send attrs/states, Ra]
    re_in = jnp.concatenate([ps[recv], ps[send], Ra], axis=1)
    re = relu(re_in @ re_w0 + re_b0)
    re = relu(re @ re_w1 + re_b1)
    re = relu(re @ re_w2 + re_b2)
    # Propagation steps: relation propagator -> scatter-add -> particle propagator
    effect = pe
    for _ in range(PSTEP):
        e_in = jnp.concatenate([re, effect[recv], effect[send]], axis=1)
        e_rel = relu(e_in @ rp_w + rp_b)
        agg = jnp.zeros((N, NF), jnp.float32).at[recv].add(e_rel)
        effect = relu(jnp.concatenate([pe, agg], axis=1) @ pp_w + pp_b)
    # ParticlePredictor (fluid): Linear-ReLU-Linear-ReLU-Linear
    h = relu(effect @ pr_w0 + pr_b0)
    h = relu(h @ pr_w1 + pr_b1)
    pred = h @ pr_w2 + pr_b2
    return pred

if __name__ == "__main__":
    import jax
    _d = setup_inputs()
    print(jax.jit(kernel)(*tuple(_d.values())))

</pallas_src>

<mosaic_0001>
#map = affine_map<(d0, d1) -> (0)>
#map1 = affine_map<(d0, d1) -> (0, 0)>
module attributes {stable_mosaic.version = 14 : i64} {
  func.func @k(%arg0: i32, %arg1: i32, %arg2: memref<320000xi32, #tpu.memory_space<hbm>>, %arg3: memref<320000xi32, #tpu.memory_space<hbm>>, %arg4: memref<10000x128xf32, #tpu.memory_space<hbm>>, %arg5: memref<10000x128xf32, #tpu.memory_space<hbm>>, %arg6: memref<320000x128xf32, #tpu.memory_space<hbm>>, %arg7: memref<80xi32, #tpu.memory_space<vmem>>, %arg8: memref<80xi32, #tpu.memory_space<vmem>>, %arg9: memref<80xi32, #tpu.memory_space<vmem>>, %arg10: memref<80xi32, #tpu.memory_space<vmem>>, %arg11: memref<80xi32, #tpu.memory_space<vmem>>, %arg12: memref<80xi32, #tpu.memory_space<vmem>>, %arg13: memref<80xi32, #tpu.memory_space<vmem>>, %arg14: memref<80xi32, #tpu.memory_space<vmem>>, %arg15: memref<80x128xf32, #tpu.memory_space<vmem>>, %arg16: memref<80x128xf32, #tpu.memory_space<vmem>>, %arg17: memref<80x128xf32, #tpu.memory_space<vmem>>, %arg18: memref<80x128xf32, #tpu.memory_space<vmem>>, %arg19: memref<80x128xf32, #tpu.memory_space<vmem>>, %arg20: memref<80x128xf32, #tpu.memory_space<vmem>>, %arg21: memref<!tpu.dma_semaphore, #tpu.memory_space<semaphore_mem>>, %arg22: memref<!tpu.dma_semaphore, #tpu.memory_space<semaphore_mem>>, %arg23: memref<!tpu.dma_semaphore, #tpu.memory_space<semaphore_mem>>, %arg24: memref<!tpu.dma_semaphore, #tpu.memory_space<semaphore_mem>>, %arg25: memref<!tpu.dma_semaphore, #tpu.memory_space<semaphore_mem>>, %arg26: memref<!tpu.dma_semaphore, #tpu.memory_space<semaphore_mem>>, %arg27: memref<!tpu.dma_semaphore, #tpu.memory_space<semaphore_mem>>, %arg28: memref<!tpu.dma_semaphore, #tpu.memory_space<semaphore_mem>>) attributes {dimension_semantics = [#tpu.dimension_semantics<core_parallel>, #tpu.dimension_semantics<subcore_parallel>], iteration_bounds = array<i64: 2, 16>, scalar_prefetch = 0 : i64, scratch_operands = 22 : i64, tpu.core_type = #tpu.core_type<sc_vector_subcore>, window_params = [{transform_indices = #map}, {transform_indices = #map}, {transform_indices = #map1}, {transform_indices = #map1}, {transform_indices = #map1}]} {
    %mul3A = arith.constant 16 : i32
    %mul3A_0 = arith.muli %arg0, %mul3A : i32
    %add3A = arith.addi %mul3A_0, %arg1 : i32
    %mul3A_1 = arith.constant 10000 : i32
    %mul3A_2 = arith.muli %add3A, %mul3A_1 : i32
    %add3A_3 = arith.constant 0 : i32
    %add3A_4 = arith.addi %mul3A_2, %add3A_3 : i32
    %dma_start3A = tpu.memref_slice %arg2[%add3A_4] : memref<320000xi32, #tpu.memory_space<hbm>> -> memref<80xi32, #tpu.memory_space<hbm>>
    %dma_start3A_5 = tpu.memref_slice %arg2[%add3A_4] : memref<320000xi32, #tpu.memory_space<hbm>> -> memref<80xi32, #tpu.memory_space<hbm>>
    tpu.enqueue_dma source(%dma_start3A_5 : memref<80xi32, #tpu.memory_space<hbm>>) target(%arg7 : memref<80xi32, #tpu.memory_space<vmem>>) target_semaphore(%arg21 : memref<!tpu.dma_semaphore, #tpu.memory_space<semaphore_mem>>)
    %dma_start3A_6 = tpu.memref_slice %arg3[%add3A_4] : memref<320000xi32, #tpu.memory_space<hbm>> -> memref<80xi32, #tpu.memory_space<hbm>>
    %dma_start3A_7 = tpu.memref_slice %arg3[%add3A_4] : memref<320000xi32, #tpu.memory_space<hbm>> -> memref<80xi32, #tpu.memory_space<hbm>>
    tpu.enqueue_dma source(%dma_start3A_7 : memref<80xi32, #tpu.memory_space<hbm>>) target(%arg11 : memref<80xi32, #tpu.memory_space<vmem>>) target_semaphore(%arg21 : memref<!tpu.dma_semaphore, #tpu.memory_space<semaphore_mem>>)
    %dma_wait3A = tpu.memref_slice %arg2[%mul3A_2] : memref<320000xi32, #tpu.memory_space<hbm>> -> memref<80xi32, #tpu.memory_space<hbm>>
    %dma_wait3A_8 = tpu.memref_slice %arg2[%mul3A_2] : memref<320000xi32, #tpu.memory_space<hbm>> -> memref<80xi32, #tpu.memory_space<hbm>>
    tpu.wait_dma2 semaphore(%arg21 : memref<!tpu.dma_semaphore, #tpu.memory_space<semaphore_mem>>) src(%dma_wait3A_8 : memref<80xi32, #tpu.memory_space<hbm>>) dst(%arg7 : memref<80xi32, #tpu.memory_space<vmem>>)
    %dma_wait3A_9 = tpu.memref_slice %arg3[%mul3A_2] : memref<320000xi32, #tpu.memory_space<hbm>> -> memref<80xi32, #tpu.memory_space<hbm>>
    %dma_wait3A_10 = tpu.memref_slice %arg3[%mul3A_2] : memref<320000xi32, #tpu.memory_space<hbm>> -> memref<80xi32, #tpu.memory_space<hbm>>
    tpu.wait_dma2 semaphore(%arg21 : memref<!tpu.dma_semaphore, #tpu.memory_space<semaphore_mem>>) src(%dma_wait3A_10 : memref<80xi32, #tpu.memory_space<hbm>>) dst(%arg11 : memref<80xi32, #tpu.memory_space<vmem>>)
    %dma_start3A_11 = arith.constant 0 : i32
    %dma_start3A_12 = arith.constant 0 : i32
    %dma_start3A_13 = tpu.memref_slice %arg4[%dma_start3A_11, %dma_start3A_12] : memref<10000x128xf32, #tpu.memory_space<hbm>> -> memref<10000x128xf32, #tpu.memory_space<hbm>>
    tpu.enqueue_indirect_dma source(%dma_start3A_13 : memref<10000x128xf32, #tpu.memory_space<hbm>>) target(%arg15 : memref<80x128xf32, #tpu.memory_space<vmem>>) offsets(%arg7 : memref<80xi32, #tpu.memory_space<vmem>>) semaphore(%arg25 : memref<!tpu.dma_semaphore, #tpu.memory_space<semaphore_mem>>)
    %dma_start3A_14 = arith.constant 0 : i32
    %dma_start3A_15 = arith.constant 0 : i32
    %dma_start3A_16 = tpu.memref_slice %arg5[%dma_start3A_14, %dma_start3A_15] : memref<10000x128xf32, #tpu.memory_space<hbm>> -> memref<10000x128xf32, #tpu.memory_space<hbm>>
    tpu.enqueue_indirect_dma source(%dma_start3A_16 : memref<10000x128xf32, #tpu.memory_space<hbm>>) target(%arg17 : memref<80x128xf32, #tpu.memory_space<vmem>>) offsets(%arg11 : memref<80xi32, #tpu.memory_space<vmem>>) semaphore(%arg25 : memref<!tpu.dma_semaphore, #tpu.memory_space<semaphore_mem>>)
    %add3A_17 = arith.constant 80 : i32
    %add3A_18 = arith.addi %mul3A_2, %add3A_17 : i32
    %dma_start3A_19 = tpu.memref_slice %arg2[%add3A_18] : memref<320000xi32, #tpu.memory_space<hbm>> -> memref<80xi32, #tpu.memory_space<hbm>>
    %dma_start3A_20 = tpu.memref_slice %arg2[%add3A_18] : memref<320000xi32, #tpu.memory_space<hbm>> -> memref<80xi32, #tpu.memory_space<hbm>>
    tpu.enqueue_dma source(%dma_start3A_20 : memref<80xi32, #tpu.memory_space<hbm>>) target(%arg8 : memref<80xi32, #tpu.memory_space<vmem>>) target_semaphore(%arg22 : memref<!tpu.dma_semaphore, #tpu.memory_space<semaphore_mem>>)
    %dma_start3A_21 = tpu.memref_slice %arg3[%add3A_18] : memref<320000xi32, #tpu.memory_space<hbm>> -> memref<80xi32, #tpu.memory_space<hbm>>
    %dma_start3A_22 = tpu.memref_slice %arg3[%add3A_18] : memref<320000xi32, #tpu.memory_space<hbm>> -> memref<80xi32, #tpu.memory_space<hbm>>
    tpu.enqueue_dma source(%dma_start3A_22 : memref<80xi32, #tpu.memory_space<hbm>>) target(%arg12 : memref<80xi32, #tpu.memory_space<vmem>>) target_semaphore(%arg22 : memref<!tpu.dma_semaphore, #tpu.memory_space<semaphore_mem>>)
    %scan3A = arith.constant 0 : i32
    %scan3A_23 = arith.constant 32 : i32
    %scan3A_24 = arith.addi %scan3A, %scan3A_23 : i32
    %scan3A_25 = arith.constant 1 : i32
    scf.for %scan3A_27 = %scan3A to %scan3A_24 step %scan3A_25  : i32 {
      %mul3A_28 = arith.constant 4 : i32
      %mul3A_29 = arith.muli %scan3A_27, %mul3A_28 : i32
      %add3A_30 = arith.constant 0 : i32
      %add3A_31 = arith.addi %add3A_30, %mul3A_29 : i32
      %add3A_32 = arith.constant 0 : i32
      %add3A_33 = arith.addi %add3A_31, %add3A_32 : i32
      %add3A_34 = arith.constant 1 : i32
      %add3A_35 = arith.addi %add3A_33, %add3A_34 : i32
      %lt3A = arith.constant 125 : i32
      %lt3A_36 = arith.cmpi slt, %add3A_35, %lt3A : i32
      %convert_element_type3A = arith.extui %lt3A_36 : i1 to i32
      %cond3A = arith.constant 0 : i32
      %cond3A_37 = arith.cmpi ne, %convert_element_type3A, %cond3A : i32
      scf.if %cond3A_37 {
        %dma_wait3A_163 = tpu.memref_slice %arg2[%mul3A_2] : memref<320000xi32, #tpu.memory_space<hbm>> -> memref<80xi32, #tpu.memory_space<hbm>>
        %dma_wait3A_164 = tpu.memref_slice %arg2[%mul3A_2] : memref<320000xi32, #tpu.memory_space<hbm>> -> memref<80xi32, #tpu.memory_space<hbm>>
        tpu.wait_dma2 semaphore(%arg22 : memref<!tpu.dma_semaphore, #tpu.memory_space<semaphore_mem>>) src(%dma_wait3A_164 : memref<80xi32, #tpu.memory_space<hbm>>) dst(%arg8 : memref<80xi32, #tpu.memory_space<vmem>>)
        %dma_wait3A_165 = tpu.memref_slice %arg3[%mul3A_2] : memref<320000xi32, #tpu.memory_space<hbm>> -> memref<80xi32, #tpu.memory_space<hbm>>
        %dma_wait3A_166 = tpu.memref_slice %arg3[%mul3A_2] : memref<320000xi32, #tpu.memory_space<hbm>> -> memref<80xi32, #tpu.memory_space<hbm>>
        tpu.wait_dma2 semaphore(%arg22 : memref<!tpu.dma_semaphore, #tpu.memory_space<semaphore_mem>>) src(%dma_wait3A_166 : memref<80xi32, #tpu.memory_space<hbm>>) dst(%arg12 : memref<80xi32, #tpu.memory_space<vmem>>)
        %add3A_167 = arith.constant 1 : i32
        %add3A_168 = arith.addi %add3A_33, %add3A_167 : i32
        %dma_start3A_169 = arith.constant 0 : i32
        %dma_start3A_170 = arith.constant 0 : i32
        %dma_start3A_171 = tpu.memref_slice %arg4[%dma_start3A_169, %dma_start3A_170] : memref<10000x128xf32, #tpu.memory_space<hbm>> -> memref<10000x128xf32, #tpu.memory_space<hbm>>
        tpu.enqueue_indirect_dma source(%dma_start3A_171 : memref<10000x128xf32, #tpu.memory_space<hbm>>) target(%arg16 : memref<80x128xf32, #tpu.memory_space<vmem>>) offsets(%arg8 : memref<80xi32, #tpu.memory_space<vmem>>) semaphore(%arg26 : memref<!tpu.dma_semaphore, #tpu.memory_space<semaphore_mem>>)
        %dma_start3A_172 = arith.constant 0 : i32
        %dma_start3A_173 = arith.constant 0 : i32
        %dma_start3A_174 = tpu.memref_slice %arg5[%dma_start3A_172, %dma_start3A_173] : memref<10000x128xf32, #tpu.memory_space<hbm>> -> memref<10000x128xf32, #tpu.memory_space<hbm>>
        tpu.enqueue_indirect_dma source(%dma_start3A_174 : memref<10000x128xf32, #tpu.memory_space<hbm>>) target(%arg18 : memref<80x128xf32, #tpu.memory_space<vmem>>) offsets(%arg12 : memref<80xi32, #tpu.memory_space<vmem>>) semaphore(%arg26 : memref<!tpu.dma_semaphore, #tpu.memory_space<semaphore_mem>>)
      } else {
      }
      %lt3A_38 = arith.constant 125 : i32
      %lt3A_39 = arith.cmpi slt, %add3A_33, %lt3A_38 : i32
      %convert_element_type3A_40 = arith.extui %lt3A_39 : i1 to i32
      %cond3A_41 = arith.constant 0 : i32
      %cond3A_42 = arith.cmpi ne, %convert_element_type3A_40, %cond3A_41 : i32
      scf.if %cond3A_42 {
        %dma_wait3A_163 = arith.constant 0 : i32
        %dma_wait3A_164 = arith.constant 0 : i32
        %dma_wait3A_165 = tpu.memref_slice %arg4[%dma_wait3A_163, %dma_wait3A_164] : memref<10000x128xf32, #tpu.memory_space<hbm>> -> memref<10000x128xf32, #tpu.memory_space<hbm>>
        tpu.wait_indirect_dma semaphore(%arg25 : memref<!tpu.dma_semaphore, #tpu.memory_space<semaphore_mem>>) src(%dma_wait3A_165 : memref<10000x128xf32, #tpu.memory_space<hbm>>) dst(%arg15 : memref<80x128xf32, #tpu.memory_space<vmem>>)
        %dma_wait3A_166 = arith.constant 0 : i32
        %dma_wait3A_167 = arith.constant 0 : i32
        %dma_wait3A_168 = tpu.memref_slice %arg5[%dma_wait3A_166, %dma_wait3A_167] : memref<10000x128xf32, #tpu.memory_space<hbm>> -> memref<10000x128xf32, #tpu.memory_space<hbm>>
        tpu.wait_indirect_dma semaphore(%arg25 : memref<!tpu.dma_semaphore, #tpu.memory_space<semaphore_mem>>) src(%dma_wait3A_168 : memref<10000x128xf32, #tpu.memory_space<hbm>>) dst(%arg17 : memref<80x128xf32, #tpu.memory_space<vmem>>)
      } else {
      }
      %add3A_43 = arith.constant 2 : i32
      %add3A_44 = arith.addi %add3A_33, %add3A_43 : i32
      %lt3A_45 = arith.constant 125 : i32
      %lt3A_46 = arith.cmpi slt, %add3A_44, %lt3A_45 : i32
      %convert_element_type3A_47 = arith.extui %lt3A_46 : i1 to i32
      %cond3A_48 = arith.constant 0 : i32
      %cond3A_49 = arith.cmpi ne, %convert_element_type3A_47, %cond3A_48 : i32
      scf.if %cond3A_49 {
        %add3A_163 = arith.constant 2 : i32
        %add3A_164 = arith.addi %add3A_33, %add3A_163 : i32
        %mul3A_165 = arith.constant 80 : i32
        %mul3A_166 = arith.muli %add3A_164, %mul3A_165 : i32
        %add3A_167 = arith.addi %mul3A_2, %mul3A_166 : i32
        %dma_start3A_168 = tpu.memref_slice %arg2[%add3A_167] : memref<320000xi32, #tpu.memory_space<hbm>> -> memref<80xi32, #tpu.memory_space<hbm>>
        %dma_start3A_169 = tpu.memref_slice %arg2[%add3A_167] : memref<320000xi32, #tpu.memory_space<hbm>> -> memref<80xi32, #tpu.memory_space<hbm>>
        tpu.enqueue_dma source(%dma_start3A_169 : memref<80xi32, #tpu.memory_space<hbm>>) target(%arg9 : memref<80xi32, #tpu.memory_space<vmem>>) target_semaphore(%arg23 : memref<!tpu.dma_semaphore, #tpu.memory_space<semaphore_mem>>)
        %dma_start3A_170 = tpu.memref_slice %arg3[%add3A_167] : memref<320000xi32, #tpu.memory_space<hbm>> -> memref<80xi32, #tpu.memory_space<hbm>>
        %dma_start3A_171 = tpu.memref_slice %arg3[%add3A_167] : memref<320000xi32, #tpu.memory_space<hbm>> -> memref<80xi32, #tpu.memory_space<hbm>>
        tpu.enqueue_dma source(%dma_start3A_171 : memref<80xi32, #tpu.memory_space<hbm>>) target(%arg13 : memref<80xi32, #tpu.memory_space<vmem>>) target_semaphore(%arg23 : memref<!tpu.dma_semaphore, #tpu.memory_space<semaphore_mem>>)
      } else {
      }
      %ge3A = arith.constant 2 : i32
      %ge3A_50 = arith.cmpi sge, %add3A_33, %ge3A : i32
      %lt3A_51 = arith.constant 127 : i32
      %lt3A_52 = arith.cmpi slt, %add3A_33, %lt3A_51 : i32
      %and3A = arith.andi %ge3A_50, %lt3A_52 : i1
      %convert_element_type3A_53 = arith.extui %and3A : i1 to i32
      %cond3A_54 = arith.constant 0 : i32
      %cond3A_55 = arith.cmpi ne, %convert_element_type3A_53, %cond3A_54 : i32
      scf.if %cond3A_55 {
        %dma_wait3A_163 = arith.constant 0 : i32
        %dma_wait3A_164 = tpu.memref_slice %arg6[%mul3A_2, %dma_wait3A_163] : memref<320000x128xf32, #tpu.memory_space<hbm>> -> memref<80x128xf32, #tpu.memory_space<hbm>>
        %dma_wait3A_165 = arith.constant 0 : i32
        %dma_wait3A_166 = tpu.memref_slice %arg6[%mul3A_2, %dma_wait3A_165] : memref<320000x128xf32, #tpu.memory_space<hbm>> -> memref<80x128xf32, #tpu.memory_space<hbm>>
        tpu.wait_dma2 semaphore(%arg27 : memref<!tpu.dma_semaphore, #tpu.memory_space<semaphore_mem>>) src(%arg19 : memref<80x128xf32, #tpu.memory_space<vmem>>) dst(%dma_wait3A_166 : memref<80x128xf32, #tpu.memory_space<hbm>>)
      } else {
      }
      %lt3A_56 = arith.constant 125 : i32
      %lt3A_57 = arith.cmpi slt, %add3A_33, %lt3A_56 : i32
      %convert_element_type3A_58 = arith.extui %lt3A_57 : i1 to i32
      %cond3A_59 = arith.constant 0 : i32
      %cond3A_60 = arith.cmpi ne, %convert_element_type3A_58, %cond3A_59 : i32
      scf.if %cond3A_60 {
        %scan3A_163 = arith.constant 0 : i32
        %scan3A_164 = arith.constant 80 : i32
        %scan3A_165 = arith.addi %scan3A_163, %scan3A_164 : i32
        %scan3A_166 = arith.constant 1 : i32
        scf.for %scan3A_175 = %scan3A_163 to %scan3A_165 step %scan3A_166  : i32 {
          %mul3A_176 = arith.constant 1 : i32
          %mul3A_177 = arith.muli %scan3A_175, %mul3A_176 : i32
          %add3A_178 = arith.constant 0 : i32
          %add3A_179 = arith.addi %add3A_178, %mul3A_177 : i32
          %get3A = arith.index_cast %add3A_179 : i32 to index
          %get3A_180 = arith.constant 0 : index
          %get3A_181 = tpu.vector_load %arg15[%get3A, %get3A_180] {strides = array<i32>} : memref<80x128xf32, #tpu.memory_space<vmem>>, vector<1x16xf32>,
          %get3A_182 = vector.shape_cast %get3A_181 : vector<1x16xf32> to vector<16xf32>
          %get3A_183 = arith.index_cast %add3A_179 : i32 to index
          %get3A_184 = arith.constant 0 : index
          %get3A_185 = tpu.vector_load %arg17[%get3A_183, %get3A_184] {strides = array<i32>} : memref<80x128xf32, #tpu.memory_space<vmem>>, vector<1x16xf32>,
          %get3A_186 = vector.shape_cast %get3A_185 : vector<1x16xf32> to vector<16xf32>
          %add3A_187 = arith.addf %get3A_182, %get3A_186 : vector<16xf32>
          %swap3A = arith.index_cast %add3A_179 : i32 to index
          %swap3A_188 = arith.constant 0 : index
          %swap3A_189 = tpu.vector_load %arg19[%swap3A, %swap3A_188] {strides = array<i32>} : memref<80x128xf32, #tpu.memory_space<vmem>>, vector<1x16xf32>,
          %swap3A_190 = vector.shape_cast %swap3A_189 : vector<1x16xf32> to vector<16xf32>
          %swap3A_191 = vector.shape_cast %add3A_187 : vector<16xf32> to vector<1x16xf32>
          tpu.vector_store %arg19[%swap3A, %swap3A_188], %swap3A_191 {strides = array<i32>} : memref<80x128xf32, #tpu.memory_space<vmem>>, vector<1x16xf32>,
          %get3A_192 = arith.index_cast %add3A_179 : i32 to index
          %get3A_193 = arith.constant 16 : index
          %get3A_194 = tpu.vector_load %arg15[%get3A_192, %get3A_193] {strides = array<i32>} : memref<80x128xf32, #tpu.memory_space<vmem>>, vector<1x16xf32>,
          %get3A_195 = vector.shape_cast %get3A_194 : vector<1x16xf32> to vector<16xf32>
          %get3A_196 = arith.index_cast %add3A_179 : i32 to index
          %get3A_197 = arith.constant 16 : index
          %get3A_198 = tpu.vector_load %arg17[%get3A_196, %get3A_197] {strides = array<i32>} : memref<80x128xf32, #tpu.memory_space<vmem>>, vector<1x16xf32>,
          %get3A_199 = vector.shape_cast %get3A_198 : vector<1x16xf32> to vector<16xf32>
          %add3A_200 = arith.addf %get3A_195, %get3A_199 : vector<16xf32>
          %swap3A_201 = arith.index_cast %add3A_179 : i32 to index
          %swap3A_202 = arith.constant 16 : index
          %swap3A_203 = tpu.vector_load %arg19[%swap3A_201, %swap3A_202] {strides = array<i32>} : memref<80x128xf32, #tpu.memory_space<vmem>>, vector<1x16xf32>,
          %swap3A_204 = vector.shape_cast %swap3A_203 : vector<1x16xf32> to vector<16xf32>
          %swap3A_205 = vector.shape_cast %add3A_200 : vector<16xf32> to vector<1x16xf32>
          tpu.vector_store %arg19[%swap3A_201, %swap3A_202], %swap3A_205 {strides = array<i32>} : memref<80x128xf32, #tpu.memory_space<vmem>>, vector<1x16xf32>,
          %get3A_206 = arith.index_cast %add3A_179 : i32 to index
          %get3A_207 = arith.constant 32 : index
          %get3A_208 = tpu.vector_load %arg15[%get3A_206, %get3A_207] {strides = array<i32>} : memref<80x128xf32, #tpu.memory_space<vmem>>, vector<1x16xf32>,
          %get3A_209 = vector.shape_cast %get3A_208 : vector<1x16xf32> to vector<16xf32>
          %get3A_210 = arith.index_cast %add3A_179 : i32 to index
          %get3A_211 = arith.constant 32 : index
          %get3A_212 = tpu.vector_load %arg17[%get3A_210, %get3A_211] {strides = array<i32>} : memref<80x128xf32, #tpu.memory_space<vmem>>, vector<1x16xf32>,
          %get3A_213 = vector.shape_cast %get3A_212 : vector<1x16xf32> to vector<16xf32>
          %add3A_214 = arith.addf %get3A_209, %get3A_213 : vector<16xf32>
          %swap3A_215 = arith.index_cast %add3A_179 : i32 to index
          %swap3A_216 = arith.constant 32 : index
          %swap3A_217 = tpu.vector_load %arg19[%swap3A_215, %swap3A_216] {strides = array<i32>} : memref<80x128xf32, #tpu.memory_space<vmem>>, vector<1x16xf32>,
          %swap3A_218 = vector.shape_cast %swap3A_217 : vector<1x16xf32> to vector<16xf32>
          %swap3A_219 = vector.shape_cast %add3A_214 : vector<16xf32> to vector<1x16xf32>
          tpu.vector_store %arg19[%swap3A_215, %swap3A_216], %swap3A_219 {strides = array<i32>} : memref<80x128xf32, #tpu.memory_space<vmem>>, vector<1x16xf32>,
          %get3A_220 = arith.index_cast %add3A_179 : i32 to index
          %get3A_221 = arith.constant 48 : index
          %get3A_222 = tpu.vector_load %arg15[%get3A_220, %get3A_221] {strides = array<i32>} : memref<80x128xf32, #tpu.memory_space<vmem>>, vector<1x16xf32>,
          %get3A_223 = vector.shape_cast %get3A_222 : vector<1x16xf32> to vector<16xf32>
          %get3A_224 = arith.index_cast %add3A_179 : i32 to index
          %get3A_225 = arith.constant 48 : index
          %get3A_226 = tpu.vector_load %arg17[%get3A_224, %get3A_225] {strides = array<i32>} : memref<80x128xf32, #tpu.memory_space<vmem>>, vector<1x16xf32>,
          %get3A_227 = vector.shape_cast %get3A_226 : vector<1x16xf32> to vector<16xf32>
          %add3A_228 = arith.addf %get3A_223, %get3A_227 : vector<16xf32>
          %swap3A_229 = arith.index_cast %add3A_179 : i32 to index
          %swap3A_230 = arith.constant 48 : index
          %swap3A_231 = tpu.vector_load %arg19[%swap3A_229, %swap3A_230] {strides = array<i32>} : memref<80x128xf32, #tpu.memory_space<vmem>>, vector<1x16xf32>,
          %swap3A_232 = vector.shape_cast %swap3A_231 : vector<1x16xf32> to vector<16xf32>
          %swap3A_233 = vector.shape_cast %add3A_228 : vector<16xf32> to vector<1x16xf32>
          tpu.vector_store %arg19[%swap3A_229, %swap3A_230], %swap3A_233 {strides = array<i32>} : memref<80x128xf32, #tpu.memory_space<vmem>>, vector<1x16xf32>,
          %get3A_234 = arith.index_cast %add3A_179 : i32 to index
          %get3A_235 = arith.constant 64 : index
          %get3A_236 = tpu.vector_load %arg15[%get3A_234, %get3A_235] {strides = array<i32>} : memref<80x128xf32, #tpu.memory_space<vmem>>, vector<1x16xf32>,
          %get3A_237 = vector.shape_cast %get3A_236 : vector<1x16xf32> to vector<16xf32>
          %get3A_238 = arith.index_cast %add3A_179 : i32 to index
          %get3A_239 = arith.constant 64 : index
          %get3A_240 = tpu.vector_load %arg17[%get3A_238, %get3A_239] {strides = array<i32>} : memref<80x128xf32, #tpu.memory_space<vmem>>, vector<1x16xf32>,
          %get3A_241 = vector.shape_cast %get3A_240 : vector<1x16xf32> to vector<16xf32>
          %add3A_242 = arith.addf %get3A_237, %get3A_241 : vector<16xf32>
          %swap3A_243 = arith.index_cast %add3A_179 : i32 to index
          %swap3A_244 = arith.constant 64 : index
          %swap3A_245 = tpu.vector_load %arg19[%swap3A_243, %swap3A_244] {strides = array<i32>} : memref<80x128xf32, #tpu.memory_space<vmem>>, vector<1x16xf32>,
          %swap3A_246 = vector.shape_cast %swap3A_245 : vector<1x16xf32> to vector<16xf32>
          %swap3A_247 = vector.shape_cast %add3A_242 : vector<16xf32> to vector<1x16xf32>
          tpu.vector_store %arg19[%swap3A_243, %swap3A_244], %swap3A_247 {strides = array<i32>} : memref<80x128xf32, #tpu.memory_space<vmem>>, vector<1x16xf32>,
          %get3A_248 = arith.index_cast %add3A_179 : i32 to index
          %get3A_249 = arith.constant 80 : index
          %get3A_250 = tpu.vector_load %arg15[%get3A_248, %get3A_249] {strides = array<i32>} : memref<80x128xf32, #tpu.memory_space<vmem>>, vector<1x16xf32>,
          %get3A_251 = vector.shape_cast %get3A_250 : vector<1x16xf32> to vector<16xf32>
          %get3A_252 = arith.index_cast %add3A_179 : i32 to index
          %get3A_253 = arith.constant 80 : index
          %get3A_254 = tpu.vector_load %arg17[%get3A_252, %get3A_253] {strides = array<i32>} : memref<80x128xf32, #tpu.memory_space<vmem>>, vector<1x16xf32>,
          %get3A_255 = vector.shape_cast %get3A_254 : vector<1x16xf32> to vector<16xf32>
          %add3A_256 = arith.addf %get3A_251, %get3A_255 : vector<16xf32>
          %swap3A_257 = arith.index_cast %add3A_179 : i32 to index
          %swap3A_258 = arith.constant 80 : index
          %swap3A_259 = tpu.vector_load %arg19[%swap3A_257, %swap3A_258] {strides = array<i32>} : memref<80x128xf32, #tpu.memory_space<vmem>>, vector<1x16xf32>,
          %swap3A_260 = vector.shape_cast %swap3A_259 : vector<1x16xf32> to vector<16xf32>
          %swap3A_261 = vector.shape_cast %add3A_256 : vector<16xf32> to vector<1x16xf32>
          tpu.vector_store %arg19[%swap3A_257, %swap3A_258], %swap3A_261 {strides = array<i32>} : memref<80x128xf32, #tpu.memory_space<vmem>>, vector<1x16xf32>,
          %get3A_262 = arith.index_cast %add3A_179 : i32 to index
          %get3A_263 = arith.constant 96 : index
          %get3A_264 = tpu.vector_load %arg15[%get3A_262, %get3A_263] {strides = array<i32>} : memref<80x128xf32, #tpu.memory_space<vmem>>, vector<1x16xf32>,
          %get3A_265 = vector.shape_cast %get3A_264 : vector<1x16xf32> to vector<16xf32>
          %get3A_266 = arith.index_cast %add3A_179 : i32 to index
          %get3A_267 = arith.constant 96 : index
          %get3A_268 = tpu.vector_load %arg17[%get3A_266, %get3A_267] {strides = array<i32>} : memref<80x128xf32, #tpu.memory_space<vmem>>, vector<1x16xf32>,
          %get3A_269 = vector.shape_cast %get3A_268 : vector<1x16xf32> to vector<16xf32>
          %add3A_270 = arith.addf %get3A_265, %get3A_269 : vector<16xf32>
          %swap3A_271 = arith.index_cast %add3A_179 : i32 to index
          %swap3A_272 = arith.constant 96 : index
          %swap3A_273 = tpu.vector_load %arg19[%swap3A_271, %swap3A_272] {strides = array<i32>} : memref<80x128xf32, #tpu.memory_space<vmem>>, vector<1x16xf32>,
          %swap3A_274 = vector.shape_cast %swap3A_273 : vector<1x16xf32> to vector<16xf32>
          %swap3A_275 = vector.shape_cast %add3A_270 : vector<16xf32> to vector<1x16xf32>
          tpu.vector_store %arg19[%swap3A_271, %swap3A_272], %swap3A_275 {strides = array<i32>} : memref<80x128xf32, #tpu.memory_space<vmem>>, vector<1x16xf32>,
          %get3A_276 = arith.index_cast %add3A_179 : i32 to index
          %get3A_277 = arith.constant 112 : index
          %get3A_278 = tpu.vector_load %arg15[%get3A_276, %get3A_277] {strides = array<i32>} : memref<80x128xf32, #tpu.memory_space<vmem>>, vector<1x16xf32>,
          %get3A_279 = vector.shape_cast %get3A_278 : vector<1x16xf32> to vector<16xf32>
          %get3A_280 = arith.index_cast %add3A_179 : i32 to index
          %get3A_281 = arith.constant 112 : index
          %get3A_282 = tpu.vector_load %arg17[%get3A_280, %get3A_281] {strides = array<i32>} : memref<80x128xf32, #tpu.memory_space<vmem>>, vector<1x16xf32>,
          %get3A_283 = vector.shape_cast %get3A_282 : vector<1x16xf32> to vector<16xf32>
          %add3A_284 = arith.addf %get3A_279, %get3A_283 : vector<16xf32>
          %swap3A_285 = arith.index_cast %add3A_179 : i32 to index
          %swap3A_286 = arith.constant 112 : index
          %swap3A_287 = tpu.vector_load %arg19[%swap3A_285, %swap3A_286] {strides = array<i32>} : memref<80x128xf32, #tpu.memory_space<vmem>>, vector<1x16xf32>,
          %swap3A_288 = vector.shape_cast %swap3A_287 : vector<1x16xf32> to vector<16xf32>
          %swap3A_289 = vector.shape_cast %add3A_284 : vector<16xf32> to vector<1x16xf32>
          tpu.vector_store %arg19[%swap3A_285, %swap3A_286], %swap3A_289 {strides = array<i32>} : memref<80x128xf32, #tpu.memory_space<vmem>>, vector<1x16xf32>,
        }
        %scan3A_167 = arith.constant 80 : i32
        %mul3A_168 = arith.constant 80 : i32
        %mul3A_169 = arith.muli %add3A_33, %mul3A_168 : i32
        %add3A_170 = arith.addi %mul3A_2, %mul3A_169 : i32
        %dma_start3A_171 = arith.constant 0 : i32
        %dma_start3A_172 = tpu.memref_slice %arg6[%add3A_170, %dma_start3A_171] : memref<320000x128xf32, #tpu.memory_space<hbm>> -> memref<80x128xf32, #tpu.memory_space<hbm>>
        %dma_start3A_173 = arith.constant 0 : i32
        %dma_start3A_174 = tpu.memref_slice %arg6[%add3A_170, %dma_start3A_173] : memref<320000x128xf32, #tpu.memory_space<hbm>> -> memref<80x128xf32, #tpu.memory_space<hbm>>
        tpu.enqueue_dma source(%arg19 : memref<80x128xf32, #tpu.memory_space<vmem>>) target(%dma_start3A_174 : memref<80x128xf32, #tpu.memory_space<hbm>>) target_semaphore(%arg27 : memref<!tpu.dma_semaphore, #tpu.memory_space<semaphore_mem>>)
      } else {
      }
      %add3A_61 = arith.constant 1 : i32
      %add3A_62 = arith.addi %add3A_31, %add3A_61 : i32
      %add3A_63 = arith.constant 1 : i32
      %add3A_64 = arith.addi %add3A_62, %add3A_63 : i32
      %lt3A_65 = arith.constant 125 : i32
      %lt3A_66 = arith.cmpi slt, %add3A_64, %lt3A_65 : i32
      %convert_element_type3A_67 = arith.extui %lt3A_66 : i1 to i32
      %cond3A_68 = arith.constant 0 : i32
      %cond3A_69 = arith.cmpi ne, %convert_element_type3A_67, %cond3A_68 : i32
      scf.if %cond3A_69 {
        %dma_wait3A_163 = tpu.memref_slice %arg2[%mul3A_2] : memref<320000xi32, #tpu.memory_space<hbm>> -> memref<80xi32, #tpu.memory_space<hbm>>
        %dma_wait3A_164 = tpu.memref_slice %arg2[%mul3A_2] : memref<320000xi32, #tpu.memory_space<hbm>> -> memref<80xi32, #tpu.memory_space<hbm>>
        tpu.wait_dma2 semaphore(%arg23 : memref<!tpu.dma_semaphore, #tpu.memory_space<semaphore_mem>>) src(%dma_wait3A_164 : memref<80xi32, #tpu.memory_space<hbm>>) dst(%arg9 : memref<80xi32, #tpu.memory_space<vmem>>)
        %dma_wait3A_165 = tpu.memref_slice %arg3[%mul3A_2] : memref<320000xi32, #tpu.memory_space<hbm>> -> memref<80xi32, #tpu.memory_space<hbm>>
        %dma_wait3A_166 = tpu.memref_slice %arg3[%mul3A_2] : memref<320000xi32, #tpu.memory_space<hbm>> -> memref<80xi32, #tpu.memory_space<hbm>>
        tpu.wait_dma2 semaphore(%arg23 : memref<!tpu.dma_semaphore, #tpu.memory_space<semaphore_mem>>) src(%dma_wait3A_166 : memref<80xi32, #tpu.memory_space<hbm>>) dst(%arg13 : memref<80xi32, #tpu.memory_space<vmem>>)
        %add3A_167 = arith.constant 1 : i32
        %add3A_168 = arith.addi %add3A_62, %add3A_167 : i32
        %dma_start3A_169 = arith.constant 0 : i32
        %dma_start3A_170 = arith.constant 0 : i32
        %dma_start3A_171 = tpu.memref_slice %arg4[%dma_start3A_169, %dma_start3A_170] : memref<10000x128xf32, #tpu.memory_space<hbm>> -> memref<10000x128xf32, #tpu.memory_space<hbm>>
        tpu.enqueue_indirect_dma source(%dma_start3A_171 : memref<10000x128xf32, #tpu.memory_space<hbm>>) target(%arg15 : memref<80x128xf32, #tpu.memory_space<vmem>>) offsets(%arg9 : memref<80xi32, #tpu.memory_space<vmem>>) semaphore(%arg25 : memref<!tpu.dma_semaphore, #tpu.memory_space<semaphore_mem>>)
        %dma_start3A_172 = arith.constant 0 : i32
        %dma_start3A_173 = arith.constant 0 : i32
        %dma_start3A_174 = tpu.memref_slice %arg5[%dma_start3A_172, %dma_start3A_173] : memref<10000x128xf32, #tpu.memory_space<hbm>> -> memref<10000x128xf32, #tpu.memory_space<hbm>>
        tpu.enqueue_indirect_dma source(%dma_start3A_174 : memref<10000x128xf32, #tpu.memory_space<hbm>>) target(%arg17 : memref<80x128xf32, #tpu.memory_space<vmem>>) offsets(%arg13 : memref<80xi32, #tpu.memory_space<vmem>>) semaphore(%arg25 : memref<!tpu.dma_semaphore, #tpu.memory_space<semaphore_mem>>)
      } else {
      }
      %lt3A_70 = arith.constant 125 : i32
      %lt3A_71 = arith.cmpi slt, %add3A_62, %lt3A_70 : i32
      %convert_element_type3A_72 = arith.extui %lt3A_71 : i1 to i32
      %cond3A_73 = arith.constant 0 : i32
      %cond3A_74 = arith.cmpi ne, %convert_element_type3A_72, %cond3A_73 : i32
      scf.if %cond3A_74 {
        %dma_wait3A_163 = arith.constant 0 : i32
        %dma_wait3A_164 = arith.constant 0 : i32
        %dma_wait3A_165 = tpu.memref_slice %arg4[%dma_wait3A_163, %dma_wait3A_164] : memref<10000x128xf32, #tpu.memory_space<hbm>> -> memref<10000x128xf32, #tpu.memory_space<hbm>>
        tpu.wait_indirect_dma semaphore(%arg26 : memref<!tpu.dma_semaphore, #tpu.memory_space<semaphore_mem>>) src(%dma_wait3A_165 : memref<10000x128xf32, #tpu.memory_space<hbm>>) dst(%arg16 : memref<80x128xf32, #tpu.memory_space<vmem>>)
        %dma_wait3A_166 = arith.constant 0 : i32
        %dma_wait3A_167 = arith.constant 0 : i32
        %dma_wait3A_168 = tpu.memref_slice %arg5[%dma_wait3A_166, %dma_wait3A_167] : memref<10000x128xf32, #tpu.memory_space<hbm>> -> memref<10000x128xf32, #tpu.memory_space<hbm>>
        tpu.wait_indirect_dma semaphore(%arg26 : memref<!tpu.dma_semaphore, #tpu.memory_space<semaphore_mem>>) src(%dma_wait3A_168 : memref<10000x128xf32, #tpu.memory_space<hbm>>) dst(%arg18 : memref<80x128xf32, #tpu.memory_space<vmem>>)
      } else {
      }
      %add3A_75 = arith.constant 2 : i32
      %add3A_76 = arith.addi %add3A_62, %add3A_75 : i32
      %lt3A_77 = arith.constant 125 : i32
      %lt3A_78 = arith.cmpi slt, %add3A_76, %lt3A_77 : i32
      %convert_element_type3A_79 = arith.extui %lt3A_78 : i1 to i32
      %cond3A_80 = arith.constant 0 : i32
      %cond3A_81 = arith.cmpi ne, %convert_element_type3A_79, %cond3A_80 : i32
      scf.if %cond3A_81 {
        %add3A_163 = arith.constant 2 : i32
        %add3A_164 = arith.addi %add3A_62, %add3A_163 : i32
        %mul3A_165 = arith.constant 80 : i32
        %mul3A_166 = arith.muli %add3A_164, %mul3A_165 : i32
        %add3A_167 = arith.addi %mul3A_2, %mul3A_166 : i32
        %dma_start3A_168 = tpu.memref_slice %arg2[%add3A_167] : memref<320000xi32, #tpu.memory_space<hbm>> -> memref<80xi32, #tpu.memory_space<hbm>>
        %dma_start3A_169 = tpu.memref_slice %arg2[%add3A_167] : memref<320000xi32, #tpu.memory_space<hbm>> -> memref<80xi32, #tpu.memory_space<hbm>>
        tpu.enqueue_dma source(%dma_start3A_169 : memref<80xi32, #tpu.memory_space<hbm>>) target(%arg10 : memref<80xi32, #tpu.memory_space<vmem>>) target_semaphore(%arg24 : memref<!tpu.dma_semaphore, #tpu.memory_space<semaphore_mem>>)
        %dma_start3A_170 = tpu.memref_slice %arg3[%add3A_167] : memref<320000xi32, #tpu.memory_space<hbm>> -> memref<80xi32, #tpu.memory_space<hbm>>
        %dma_start3A_171 = tpu.memref_slice %arg3[%add3A_167] : memref<320000xi32, #tpu.memory_space<hbm>> -> memref<80xi32, #tpu.memory_space<hbm>>
        tpu.enqueue_dma source(%dma_start3A_171 : memref<80xi32, #tpu.memory_space<hbm>>) target(%arg14 : memref<80xi32, #tpu.memory_space<vmem>>) target_semaphore(%arg24 : memref<!tpu.dma_semaphore, #tpu.memory_space<semaphore_mem>>)
      } else {
      }
      %ge3A_82 = arith.constant 2 : i32
      %ge3A_83 = arith.cmpi sge, %add3A_62, %ge3A_82 : i32
      %lt3A_84 = arith.constant 127 : i32
      %lt3A_85 = arith.cmpi slt, %add3A_62, %lt3A_84 : i32
      %and3A_86 = arith.andi %ge3A_83, %lt3A_85 : i1
      %convert_element_type3A_87 = arith.extui %and3A_86 : i1 to i32
      %cond3A_88 = arith.constant 0 : i32
      %cond3A_89 = arith.cmpi ne, %convert_element_type3A_87, %cond3A_88 : i32
      scf.if %cond3A_89 {
        %dma_wait3A_163 = arith.constant 0 : i32
        %dma_wait3A_164 = tpu.memref_slice %arg6[%mul3A_2, %dma_wait3A_163] : memref<320000x128xf32, #tpu.memory_space<hbm>> -> memref<80x128xf32, #tpu.memory_space<hbm>>
        %dma_wait3A_165 = arith.constant 0 : i32
        %dma_wait3A_166 = tpu.memref_slice %arg6[%mul3A_2, %dma_wait3A_165] : memref<320000x128xf32, #tpu.memory_space<hbm>> -> memref<80x128xf32, #tpu.memory_space<hbm>>
        tpu.wait_dma2 semaphore(%arg28 : memref<!tpu.dma_semaphore, #tpu.memory_space<semaphore_mem>>) src(%arg20 : memref<80x128xf32, #tpu.memory_space<vmem>>) dst(%dma_wait3A_166 : memref<80x128xf32, #tpu.memory_space<hbm>>)
      } else {
      }
      %lt3A_90 = arith.constant 125 : i32
      %lt3A_91 = arith.cmpi slt, %add3A_62, %lt3A_90 : i32
      %convert_element_type3A_92 = arith.extui %lt3A_91 : i1 to i32
      %cond3A_93 = arith.constant 0 : i32
      %cond3A_94 = arith.cmpi ne, %convert_element_type3A_92, %cond3A_93 : i32
      scf.if %cond3A_94 {
        %scan3A_163 = arith.constant 0 : i32
        %scan3A_164 = arith.constant 80 : i32
        %scan3A_165 = arith.addi %scan3A_163, %scan3A_164 : i32
        %scan3A_166 = arith.constant 1 : i32
        scf.for %scan3A_175 = %scan3A_163 to %scan3A_165 step %scan3A_166  : i32 {
          %mul3A_176 = arith.constant 1 : i32
          %mul3A_177 = arith.muli %scan3A_175, %mul3A_176 : i32
          %add3A_178 = arith.constant 0 : i32
          %add3A_179 = arith.addi %add3A_178, %mul3A_177 : i32
          %get3A = arith.index_cast %add3A_179 : i32 to index
          %get3A_180 = arith.constant 0 : index
          %get3A_181 = tpu.vector_load %arg16[%get3A, %get3A_180] {strides = array<i32>} : memref<80x128xf32, #tpu.memory_space<vmem>>, vector<1x16xf32>,
          %get3A_182 = vector.shape_cast %get3A_181 : vector<1x16xf32> to vector<16xf32>
          %get3A_183 = arith.index_cast %add3A_179 : i32 to index
          %get3A_184 = arith.constant 0 : index
          %get3A_185 = tpu.vector_load %arg18[%get3A_183, %get3A_184] {strides = array<i32>} : memref<80x128xf32, #tpu.memory_space<vmem>>, vector<1x16xf32>,
          %get3A_186 = vector.shape_cast %get3A_185 : vector<1x16xf32> to vector<16xf32>
          %add3A_187 = arith.addf %get3A_182, %get3A_186 : vector<16xf32>
          %swap3A = arith.index_cast %add3A_179 : i32 to index
          %swap3A_188 = arith.constant 0 : index
          %swap3A_189 = tpu.vector_load %arg20[%swap3A, %swap3A_188] {strides = array<i32>} : memref<80x128xf32, #tpu.memory_space<vmem>>, vector<1x16xf32>,
          %swap3A_190 = vector.shape_cast %swap3A_189 : vector<1x16xf32> to vector<16xf32>
          %swap3A_191 = vector.shape_cast %add3A_187 : vector<16xf32> to vector<1x16xf32>
          tpu.vector_store %arg20[%swap3A, %swap3A_188], %swap3A_191 {strides = array<i32>} : memref<80x128xf32, #tpu.memory_space<vmem>>, vector<1x16xf32>,
          %get3A_192 = arith.index_cast %add3A_179 : i32 to index
          %get3A_193 = arith.constant 16 : index
          %get3A_194 = tpu.vector_load %arg16[%get3A_192, %get3A_193] {strides = array<i32>} : memref<80x128xf32, #tpu.memory_space<vmem>>, vector<1x16xf32>,
          %get3A_195 = vector.shape_cast %get3A_194 : vector<1x16xf32> to vector<16xf32>
          %get3A_196 = arith.index_cast %add3A_179 : i32 to index
          %get3A_197 = arith.constant 16 : index
          %get3A_198 = tpu.vector_load %arg18[%get3A_196, %get3A_197] {strides = array<i32>} : memref<80x128xf32, #tpu.memory_space<vmem>>, vector<1x16xf32>,
          %get3A_199 = vector.shape_cast %get3A_198 : vector<1x16xf32> to vector<16xf32>
          %add3A_200 = arith.addf %get3A_195, %get3A_199 : vector<16xf32>
          %swap3A_201 = arith.index_cast %add3A_179 : i32 to index
          %swap3A_202 = arith.constant 16 : index
          %swap3A_203 = tpu.vector_load %arg20[%swap3A_201, %swap3A_202] {strides = array<i32>} : memref<80x128xf32, #tpu.memory_space<vmem>>, vector<1x16xf32>,
          %swap3A_204 = vector.shape_cast %swap3A_203 : vector<1x16xf32> to vector<16xf32>
          %swap3A_205 = vector.shape_cast %add3A_200 : vector<16xf32> to vector<1x16xf32>
          tpu.vector_store %arg20[%swap3A_201, %swap3A_202], %swap3A_205 {strides = array<i32>} : memref<80x128xf32, #tpu.memory_space<vmem>>, vector<1x16xf32>,
          %get3A_206 = arith.index_cast %add3A_179 : i32 to index
          %get3A_207 = arith.constant 32 : index
          %get3A_208 = tpu.vector_load %arg16[%get3A_206, %get3A_207] {strides = array<i32>} : memref<80x128xf32, #tpu.memory_space<vmem>>, vector<1x16xf32>,
          %get3A_209 = vector.shape_cast %get3A_208 : vector<1x16xf32> to vector<16xf32>
          %get3A_210 = arith.index_cast %add3A_179 : i32 to index
          %get3A_211 = arith.constant 32 : index
          %get3A_212 = tpu.vector_load %arg18[%get3A_210, %get3A_211] {strides = array<i32>} : memref<80x128xf32, #tpu.memory_space<vmem>>, vector<1x16xf32>,
          %get3A_213 = vector.shape_cast %get3A_212 : vector<1x16xf32> to vector<16xf32>
          %add3A_214 = arith.addf %get3A_209, %get3A_213 : vector<16xf32>
          %swap3A_215 = arith.index_cast %add3A_179 : i32 to index
          %swap3A_216 = arith.constant 32 : index
          %swap3A_217 = tpu.vector_load %arg20[%swap3A_215, %swap3A_216] {strides = array<i32>} : memref<80x128xf32, #tpu.memory_space<vmem>>, vector<1x16xf32>,
          %swap3A_218 = vector.shape_cast %swap3A_217 : vector<1x16xf32> to vector<16xf32>
          %swap3A_219 = vector.shape_cast %add3A_214 : vector<16xf32> to vector<1x16xf32>
          tpu.vector_store %arg20[%swap3A_215, %swap3A_216], %swap3A_219 {strides = array<i32>} : memref<80x128xf32, #tpu.memory_space<vmem>>, vector<1x16xf32>,
          %get3A_220 = arith.index_cast %add3A_179 : i32 to index
          %get3A_221 = arith.constant 48 : index
          %get3A_222 = tpu.vector_load %arg16[%get3A_220, %get3A_221] {strides = array<i32>} : memref<80x128xf32, #tpu.memory_space<vmem>>, vector<1x16xf32>,
          %get3A_223 = vector.shape_cast %get3A_222 : vector<1x16xf32> to vector<16xf32>
          %get3A_224 = arith.index_cast %add3A_179 : i32 to index
          %get3A_225 = arith.constant 48 : index
          %get3A_226 = tpu.vector_load %arg18[%get3A_224, %get3A_225] {strides = array<i32>} : memref<80x128xf32, #tpu.memory_space<vmem>>, vector<1x16xf32>,
          %get3A_227 = vector.shape_cast %get3A_226 : vector<1x16xf32> to vector<16xf32>
          %add3A_228 = arith.addf %get3A_223, %get3A_227 : vector<16xf32>
          %swap3A_229 = arith.index_cast %add3A_179 : i32 to index
          %swap3A_230 = arith.constant 48 : index
          %swap3A_231 = tpu.vector_load %arg20[%swap3A_229, %swap3A_230] {strides = array<i32>} : memref<80x128xf32, #tpu.memory_space<vmem>>, vector<1x16xf32>,
          %swap3A_232 = vector.shape_cast %swap3A_231 : vector<1x16xf32> to vector<16xf32>
          %swap3A_233 = vector.shape_cast %add3A_228 : vector<16xf32> to vector<1x16xf32>
          tpu.vector_store %arg20[%swap3A_229, %swap3A_230], %swap3A_233 {strides = array<i32>} : memref<80x128xf32, #tpu.memory_space<vmem>>, vector<1x16xf32>,
          %get3A_234 = arith.index_cast %add3A_179 : i32 to index
          %get3A_235 = arith.constant 64 : index
          %get3A_236 = tpu.vector_load %arg16[%get3A_234, %get3A_235] {strides = array<i32>} : memref<80x128xf32, #tpu.memory_space<vmem>>, vector<1x16xf32>,
          %get3A_237 = vector.shape_cast %get3A_236 : vector<1x16xf32> to vector<16xf32>
          %get3A_238 = arith.index_cast %add3A_179 : i32 to index
          %get3A_239 = arith.constant 64 : index
          %get3A_240 = tpu.vector_load %arg18[%get3A_238, %get3A_239] {strides = array<i32>} : memref<80x128xf32, #tpu.memory_space<vmem>>, vector<1x16xf32>,
          %get3A_241 = vector.shape_cast %get3A_240 : vector<1x16xf32> to vector<16xf32>
          %add3A_242 = arith.addf %get3A_237, %get3A_241 : vector<16xf32>
          %swap3A_243 = arith.index_cast %add3A_179 : i32 to index
          %swap3A_244 = arith.constant 64 : index
          %swap3A_245 = tpu.vector_load %arg20[%swap3A_243, %swap3A_244] {strides = array<i32>} : memref<80x128xf32, #tpu.memory_space<vmem>>, vector<1x16xf32>,
          %swap3A_246 = vector.shape_cast %swap3A_245 : vector<1x16xf32> to vector<16xf32>
          %swap3A_247 = vector.shape_cast %add3A_242 : vector<16xf32> to vector<1x16xf32>
          tpu.vector_store %arg20[%swap3A_243, %swap3A_244], %swap3A_247 {strides = array<i32>} : memref<80x128xf32, #tpu.memory_space<vmem>>, vector<1x16xf32>,
          %get3A_248 = arith.index_cast %add3A_179 : i32 to index
          %get3A_249 = arith.constant 80 : index
          %get3A_250 = tpu.vector_load %arg16[%get3A_248, %get3A_249] {strides = array<i32>} : memref<80x128xf32, #tpu.memory_space<vmem>>, vector<1x16xf32>,
          %get3A_251 = vector.shape_cast %get3A_250 : vector<1x16xf32> to vector<16xf32>
          %get3A_252 = arith.index_cast %add3A_179 : i32 to index
          %get3A_253 = arith.constant 80 : index
          %get3A_254 = tpu.vector_load %arg18[%get3A_252, %get3A_253] {strides = array<i32>} : memref<80x128xf32, #tpu.memory_space<vmem>>, vector<1x16xf32>,
          %get3A_255 = vector.shape_cast %get3A_254 : vector<1x16xf32> to vector<16xf32>
          %add3A_256 = arith.addf %get3A_251, %get3A_255 : vector<16xf32>
          %swap3A_257 = arith.index_cast %add3A_179 : i32 to index
          %swap3A_258 = arith.constant 80 : index
          %swap3A_259 = tpu.vector_load %arg20[%swap3A_257, %swap3A_258] {strides = array<i32>} : memref<80x128xf32, #tpu.memory_space<vmem>>, vector<1x16xf32>,
          %swap3A_260 = vector.shape_cast %swap3A_259 : vector<1x16xf32> to vector<16xf32>
          %swap3A_261 = vector.shape_cast %add3A_256 : vector<16xf32> to vector<1x16xf32>
          tpu.vector_store %arg20[%swap3A_257, %swap3A_258], %swap3A_261 {strides = array<i32>} : memref<80x128xf32, #tpu.memory_space<vmem>>, vector<1x16xf32>,
          %get3A_262 = arith.index_cast %add3A_179 : i32 to index
          %get3A_263 = arith.constant 96 : index
          %get3A_264 = tpu.vector_load %arg16[%get3A_262, %get3A_263] {strides = array<i32>} : memref<80x128xf32, #tpu.memory_space<vmem>>, vector<1x16xf32>,
          %get3A_265 = vector.shape_cast %get3A_264 : vector<1x16xf32> to vector<16xf32>
          %get3A_266 = arith.index_cast %add3A_179 : i32 to index
          %get3A_267 = arith.constant 96 : index
          %get3A_268 = tpu.vector_load %arg18[%get3A_266, %get3A_267] {strides = array<i32>} : memref<80x128xf32, #tpu.memory_space<vmem>>, vector<1x16xf32>,
          %get3A_269 = vector.shape_cast %get3A_268 : vector<1x16xf32> to vector<16xf32>
          %add3A_270 = arith.addf %get3A_265, %get3A_269 : vector<16xf32>
          %swap3A_271 = arith.index_cast %add3A_179 : i32 to index
          %swap3A_272 = arith.constant 96 : index
          %swap3A_273 = tpu.vector_load %arg20[%swap3A_271, %swap3A_272] {strides = array<i32>} : memref<80x128xf32, #tpu.memory_space<vmem>>, vector<1x16xf32>,
          %swap3A_274 = vector.shape_cast %swap3A_273 : vector<1x16xf32> to vector<16xf32>
          %swap3A_275 = vector.shape_cast %add3A_270 : vector<16xf32> to vector<1x16xf32>
          tpu.vector_store %arg20[%swap3A_271, %swap3A_272], %swap3A_275 {strides = array<i32>} : memref<80x128xf32, #tpu.memory_space<vmem>>, vector<1x16xf32>,
          %get3A_276 = arith.index_cast %add3A_179 : i32 to index
          %get3A_277 = arith.constant 112 : index
          %get3A_278 = tpu.vector_load %arg16[%get3A_276, %get3A_277] {strides = array<i32>} : memref<80x128xf32, #tpu.memory_space<vmem>>, vector<1x16xf32>,
          %get3A_279 = vector.shape_cast %get3A_278 : vector<1x16xf32> to vector<16xf32>
          %get3A_280 = arith.index_cast %add3A_179 : i32 to index
          %get3A_281 = arith.constant 112 : index
          %get3A_282 = tpu.vector_load %arg18[%get3A_280, %get3A_281] {strides = array<i32>} : memref<80x128xf32, #tpu.memory_space<vmem>>, vector<1x16xf32>,
          %get3A_283 = vector.shape_cast %get3A_282 : vector<1x16xf32> to vector<16xf32>
          %add3A_284 = arith.addf %get3A_279, %get3A_283 : vector<16xf32>
          %swap3A_285 = arith.index_cast %add3A_179 : i32 to index
          %swap3A_286 = arith.constant 112 : index
          %swap3A_287 = tpu.vector_load %arg20[%swap3A_285, %swap3A_286] {strides = array<i32>} : memref<80x128xf32, #tpu.memory_space<vmem>>, vector<1x16xf32>,
          %swap3A_288 = vector.shape_cast %swap3A_287 : vector<1x16xf32> to vector<16xf32>
          %swap3A_289 = vector.shape_cast %add3A_284 : vector<16xf32> to vector<1x16xf32>
          tpu.vector_store %arg20[%swap3A_285, %swap3A_286], %swap3A_289 {strides = array<i32>} : memref<80x128xf32, #tpu.memory_space<vmem>>, vector<1x16xf32>,
        }
        %scan3A_167 = arith.constant 80 : i32
        %mul3A_168 = arith.constant 80 : i32
        %mul3A_169 = arith.muli %add3A_62, %mul3A_168 : i32
        %add3A_170 = arith.addi %mul3A_2, %mul3A_169 : i32
        %dma_start3A_171 = arith.constant 0 : i32
        %dma_start3A_172 = tpu.memref_slice %arg6[%add3A_170, %dma_start3A_171] : memref<320000x128xf32, #tpu.memory_space<hbm>> -> memref<80x128xf32, #tpu.memory_space<hbm>>
        %dma_start3A_173 = arith.constant 0 : i32
        %dma_start3A_174 = tpu.memref_slice %arg6[%add3A_170, %dma_start3A_173] : memref<320000x128xf32, #tpu.memory_space<hbm>> -> memref<80x128xf32, #tpu.memory_space<hbm>>
        tpu.enqueue_dma source(%arg20 : memref<80x128xf32, #tpu.memory_space<vmem>>) target(%dma_start3A_174 : memref<80x128xf32, #tpu.memory_space<hbm>>) target_semaphore(%arg28 : memref<!tpu.dma_semaphore, #tpu.memory_space<semaphore_mem>>)
      } else {
      }
      %add3A_95 = arith.constant 2 : i32
      %add3A_96 = arith.addi %add3A_31, %add3A_95 : i32
      %add3A_97 = arith.constant 1 : i32
      %add3A_98 = arith.addi %add3A_96, %add3A_97 : i32
      %lt3A_99 = arith.constant 125 : i32
      %lt3A_100 = arith.cmpi slt, %add3A_98, %lt3A_99 : i32
      %convert_element_type3A_101 = arith.extui %lt3A_100 : i1 to i32
      %cond3A_102 = arith.constant 0 : i32
      %cond3A_103 = arith.cmpi ne, %convert_element_type3A_101, %cond3A_102 : i32
      scf.if %cond3A_103 {
        %dma_wait3A_163 = tpu.memref_slice %arg2[%mul3A_2] : memref<320000xi32, #tpu.memory_space<hbm>> -> memref<80xi32, #tpu.memory_space<hbm>>
        %dma_wait3A_164 = tpu.memref_slice %arg2[%mul3A_2] : memref<320000xi32, #tpu.memory_space<hbm>> -> memref<80xi32, #tpu.memory_space<hbm>>
        tpu.wait_dma2 semaphore(%arg24 : memref<!tpu.dma_semaphore, #tpu.memory_space<semaphore_mem>>) src(%dma_wait3A_164 : memref<80xi32, #tpu.memory_space<hbm>>) dst(%arg10 : memref<80xi32, #tpu.memory_space<vmem>>)
        %dma_wait3A_165 = tpu.memref_slice %arg3[%mul3A_2] : memref<320000xi32, #tpu.memory_space<hbm>> -> memref<80xi32, #tpu.memory_space<hbm>>
        %dma_wait3A_166 = tpu.memref_slice %arg3[%mul3A_2] : memref<320000xi32, #tpu.memory_space<hbm>> -> memref<80xi32, #tpu.memory_space<hbm>>
        tpu.wait_dma2 semaphore(%arg24 : memref<!tpu.dma_semaphore, #tpu.memory_space<semaphore_mem>>) src(%dma_wait3A_166 : memref<80xi32, #tpu.memory_space<hbm>>) dst(%arg14 : memref<80xi32, #tpu.memory_space<vmem>>)
        %add3A_167 = arith.constant 1 : i32
        %add3A_168 = arith.addi %add3A_96, %add3A_167 : i32
        %dma_start3A_169 = arith.constant 0 : i32
        %dma_start3A_170 = arith.constant 0 : i32
        %dma_start3A_171 = tpu.memref_slice %arg4[%dma_start3A_169, %dma_start3A_170] : memref<10000x128xf32, #tpu.memory_space<hbm>> -> memref<10000x128xf32, #tpu.memory_space<hbm>>
        tpu.enqueue_indirect_dma source(%dma_start3A_171 : memref<10000x128xf32, #tpu.memory_space<hbm>>) target(%arg16 : memref<80x128xf32, #tpu.memory_space<vmem>>) offsets(%arg10 : memref<80xi32, #tpu.memory_space<vmem>>) semaphore(%arg26 : memref<!tpu.dma_semaphore, #tpu.memory_space<semaphore_mem>>)
        %dma_start3A_172 = arith.constant 0 : i32
        %dma_start3A_173 = arith.constant 0 : i32
        %dma_start3A_174 = tpu.memref_slice %arg5[%dma_start3A_172, %dma_start3A_173] : memref<10000x128xf32, #tpu.memory_space<hbm>> -> memref<10000x128xf32, #tpu.memory_space<hbm>>
        tpu.enqueue_indirect_dma source(%dma_start3A_174 : memref<10000x128xf32, #tpu.memory_space<hbm>>) target(%arg18 : memref<80x128xf32, #tpu.memory_space<vmem>>) offsets(%arg14 : memref<80xi32, #tpu.memory_space<vmem>>) semaphore(%arg26 : memref<!tpu.dma_semaphore, #tpu.memory_space<semaphore_mem>>)
      } else {
      }
      %lt3A_104 = arith.constant 125 : i32
      %lt3A_105 = arith.cmpi slt, %add3A_96, %lt3A_104 : i32
      %convert_element_type3A_106 = arith.extui %lt3A_105 : i1 to i32
      %cond3A_107 = arith.constant 0 : i32
      %cond3A_108 = arith.cmpi ne, %convert_element_type3A_106, %cond3A_107 : i32
      scf.if %cond3A_108 {
        %dma_wait3A_163 = arith.constant 0 : i32
        %dma_wait3A_164 = arith.constant 0 : i32
        %dma_wait3A_165 = tpu.memref_slice %arg4[%dma_wait3A_163, %dma_wait3A_164] : memref<10000x128xf32, #tpu.memory_space<hbm>> -> memref<10000x128xf32, #tpu.memory_space<hbm>>
        tpu.wait_indirect_dma semaphore(%arg25 : memref<!tpu.dma_semaphore, #tpu.memory_space<semaphore_mem>>) src(%dma_wait3A_165 : memref<10000x128xf32, #tpu.memory_space<hbm>>) dst(%arg15 : memref<80x128xf32, #tpu.memory_space<vmem>>)
        %dma_wait3A_166 = arith.constant 0 : i32
        %dma_wait3A_167 = arith.constant 0 : i32
        %dma_wait3A_168 = tpu.memref_slice %arg5[%dma_wait3A_166, %dma_wait3A_167] : memref<10000x128xf32, #tpu.memory_space<hbm>> -> memref<10000x128xf32, #tpu.memory_space<hbm>>
        tpu.wait_indirect_dma semaphore(%arg25 : memref<!tpu.dma_semaphore, #tpu.memory_space<semaphore_mem>>) src(%dma_wait3A_168 : memref<10000x128xf32, #tpu.memory_space<hbm>>) dst(%arg17 : memref<80x128xf32, #tpu.memory_space<vmem>>)
      } else {
      }
      %add3A_109 = arith.constant 2 : i32
      %add3A_110 = arith.addi %add3A_96, %add3A_109 : i32
      %lt3A_111 = arith.constant 125 : i32
      %lt3A_112 = arith.cmpi slt, %add3A_110, %lt3A_111 : i32
      %convert_element_type3A_113 = arith.extui %lt3A_112 : i1 to i32
      %cond3A_114 = arith.constant 0 : i32
      %cond3A_115 = arith.cmpi ne, %convert_element_type3A_113, %cond3A_114 : i32
      scf.if %cond3A_115 {
        %add3A_163 = arith.constant 2 : i32
        %add3A_164 = arith.addi %add3A_96, %add3A_163 : i32
        %mul3A_165 = arith.constant 80 : i32
        %mul3A_166 = arith.muli %add3A_164, %mul3A_165 : i32
        %add3A_167 = arith.addi %mul3A_2, %mul3A_166 : i32
        %dma_start3A_168 = tpu.memref_slice %arg2[%add3A_167] : memref<320000xi32, #tpu.memory_space<hbm>> -> memref<80xi32, #tpu.memory_space<hbm>>
        %dma_start3A_169 = tpu.memref_slice %arg2[%add3A_167] : memref<320000xi32, #tpu.memory_space<hbm>> -> memref<80xi32, #tpu.memory_space<hbm>>
        tpu.enqueue_dma source(%dma_start3A_169 : memref<80xi32, #tpu.memory_space<hbm>>) target(%arg7 : memref<80xi32, #tpu.memory_space<vmem>>) target_semaphore(%arg21 : memref<!tpu.dma_semaphore, #tpu.memory_space<semaphore_mem>>)
        %dma_start3A_170 = tpu.memref_slice %arg3[%add3A_167] : memref<320000xi32, #tpu.memory_space<hbm>> -> memref<80xi32, #tpu.memory_space<hbm>>
        %dma_start3A_171 = tpu.memref_slice %arg3[%add3A_167] : memref<320000xi32, #tpu.memory_space<hbm>> -> memref<80xi32, #tpu.memory_space<hbm>>
        tpu.enqueue_dma source(%dma_start3A_171 : memref<80xi32, #tpu.memory_space<hbm>>) target(%arg11 : memref<80xi32, #tpu.memory_space<vmem>>) target_semaphore(%arg21 : memref<!tpu.dma_semaphore, #tpu.memory_space<semaphore_mem>>)
      } else {
      }
      %ge3A_116 = arith.constant 2 : i32
      %ge3A_117 = arith.cmpi sge, %add3A_96, %ge3A_116 : i32
      %lt3A_118 = arith.constant 127 : i32
      %lt3A_119 = arith.cmpi slt, %add3A_96, %lt3A_118 : i32
      %and3A_120 = arith.andi %ge3A_117, %lt3A_119 : i1
      %convert_element_type3A_121 = arith.extui %and3A_120 : i1 to i32
      %cond3A_122 = arith.constant 0 : i32
      %cond3A_123 = arith.cmpi ne, %convert_element_type3A_121, %cond3A_122 : i32
      scf.if %cond3A_123 {
        %dma_wait3A_163 = arith.constant 0 : i32
        %dma_wait3A_164 = tpu.memref_slice %arg6[%mul3A_2, %dma_wait3A_163] : memref<320000x128xf32, #tpu.memory_space<hbm>> -> memref<80x128xf32, #tpu.memory_space<hbm>>
        %dma_wait3A_165 = arith.constant 0 : i32
        %dma_wait3A_166 = tpu.memref_slice %arg6[%mul3A_2, %dma_wait3A_165] : memref<320000x128xf32, #tpu.memory_space<hbm>> -> memref<80x128xf32, #tpu.memory_space<hbm>>
        tpu.wait_dma2 semaphore(%arg27 : memref<!tpu.dma_semaphore, #tpu.memory_space<semaphore_mem>>) src(%arg19 : memref<80x128xf32, #tpu.memory_space<vmem>>) dst(%dma_wait3A_166 : memref<80x128xf32, #tpu.memory_space<hbm>>)
      } else {
      }
      %lt3A_124 = arith.constant 125 : i32
      %lt3A_125 = arith.cmpi slt, %add3A_96, %lt3A_124 : i32
      %convert_element_type3A_126 = arith.extui %lt3A_125 : i1 to i32
      %cond3A_127 = arith.constant 0 : i32
      %cond3A_128 = arith.cmpi ne, %convert_element_type3A_126, %cond3A_127 : i32
      scf.if %cond3A_128 {
        %scan3A_163 = arith.constant 0 : i32
        %scan3A_164 = arith.constant 80 : i32
        %scan3A_165 = arith.addi %scan3A_163, %scan3A_164 : i32
        %scan3A_166 = arith.constant 1 : i32
        scf.for %scan3A_175 = %scan3A_163 to %scan3A_165 step %scan3A_166  : i32 {
          %mul3A_176 = arith.constant 1 : i32
          %mul3A_177 = arith.muli %scan3A_175, %mul3A_176 : i32
          %add3A_178 = arith.constant 0 : i32
          %add3A_179 = arith.addi %add3A_178, %mul3A_177 : i32
          %get3A = arith.index_cast %add3A_179 : i32 to index
          %get3A_180 = arith.constant 0 : index
          %get3A_181 = tpu.vector_load %arg15[%get3A, %get3A_180] {strides = array<i32>} : memref<80x128xf32, #tpu.memory_space<vmem>>, vector<1x16xf32>,
          %get3A_182 = vector.shape_cast %get3A_181 : vector<1x16xf32> to vector<16xf32>
          %get3A_183 = arith.index_cast %add3A_179 : i32 to index
          %get3A_184 = arith.constant 0 : index
          %get3A_185 = tpu.vector_load %arg17[%get3A_183, %get3A_184] {strides = array<i32>} : memref<80x128xf32, #tpu.memory_space<vmem>>, vector<1x16xf32>,
          %get3A_186 = vector.shape_cast %get3A_185 : vector<1x16xf32> to vector<16xf32>
          %add3A_187 = arith.addf %get3A_182, %get3A_186 : vector<16xf32>
          %swap3A = arith.index_cast %add3A_179 : i32 to index
          %swap3A_188 = arith.constant 0 : index
          %swap3A_189 = tpu.vector_load %arg19[%swap3A, %swap3A_188] {strides = array<i32>} : memref<80x128xf32, #tpu.memory_space<vmem>>, vector<1x16xf32>,
          %swap3A_190 = vector.shape_cast %swap3A_189 : vector<1x16xf32> to vector<16xf32>
          %swap3A_191 = vector.shape_cast %add3A_187 : vector<16xf32> to vector<1x16xf32>
          tpu.vector_store %arg19[%swap3A, %swap3A_188], %swap3A_191 {strides = array<i32>} : memref<80x128xf32, #tpu.memory_space<vmem>>, vector<1x16xf32>,
          %get3A_192 = arith.index_cast %add3A_179 : i32 to index
          %get3A_193 = arith.constant 16 : index
          %get3A_194 = tpu.vector_load %arg15[%get3A_192, %get3A_193] {strides = array<i32>} : memref<80x128xf32, #tpu.memory_space<vmem>>, vector<1x16xf32>,
          %get3A_195 = vector.shape_cast %get3A_194 : vector<1x16xf32> to vector<16xf32>
          %get3A_196 = arith.index_cast %add3A_179 : i32 to index
          %get3A_197 = arith.constant 16 : index
          %get3A_198 = tpu.vector_load %arg17[%get3A_196, %get3A_197] {strides = array<i32>} : memref<80x128xf32, #tpu.memory_space<vmem>>, vector<1x16xf32>,
          %get3A_199 = vector.shape_cast %get3A_198 : vector<1x16xf32> to vector<16xf32>
          %add3A_200 = arith.addf %get3A_195, %get3A_199 : vector<16xf32>
          %swap3A_201 = arith.index_cast %add3A_179 : i32 to index
          %swap3A_202 = arith.constant 16 : index
          %swap3A_203 = tpu.vector_load %arg19[%swap3A_201, %swap3A_202] {strides = array<i32>} : memref<80x128xf32, #tpu.memory_space<vmem>>, vector<1x16xf32>,
          %swap3A_204 = vector.shape_cast %swap3A_203 : vector<1x16xf32> to vector<16xf32>
          %swap3A_205 = vector.shape_cast %add3A_200 : vector<16xf32> to vector<1x16xf32>
          tpu.vector_store %arg19[%swap3A_201, %swap3A_202], %swap3A_205 {strides = array<i32>} : memref<80x128xf32, #tpu.memory_space<vmem>>, vector<1x16xf32>,
          %get3A_206 = arith.index_cast %add3A_179 : i32 to index
          %get3A_207 = arith.constant 32 : index
          %get3A_208 = tpu.vector_load %arg15[%get3A_206, %get3A_207] {strides = array<i32>} : memref<80x128xf32, #tpu.memory_space<vmem>>, vector<1x16xf32>,
          %get3A_209 = vector.shape_cast %get3A_208 : vector<1x16xf32> to vector<16xf32>
          %get3A_210 = arith.index_cast %add3A_179 : i32 to index
          %get3A_211 = arith.constant 32 : index
          %get3A_212 = tpu.vector_load %arg17[%get3A_210, %get3A_211] {strides = array<i32>} : memref<80x128xf32, #tpu.memory_space<vmem>>, vector<1x16xf32>,
          %get3A_213 = vector.shape_cast %get3A_212 : vector<1x16xf32> to vector<16xf32>
          %add3A_214 = arith.addf %get3A_209, %get3A_213 : vector<16xf32>
          %swap3A_215 = arith.index_cast %add3A_179 : i32 to index
          %swap3A_216 = arith.constant 32 : index
          %swap3A_217 = tpu.vector_load %arg19[%swap3A_215, %swap3A_216] {strides = array<i32>} : memref<80x128xf32, #tpu.memory_space<vmem>>, vector<1x16xf32>,
          %swap3A_218 = vector.shape_cast %swap3A_217 : vector<1x16xf32> to vector<16xf32>
          %swap3A_219 = vector.shape_cast %add3A_214 : vector<16xf32> to vector<1x16xf32>
          tpu.vector_store %arg19[%swap3A_215, %swap3A_216], %swap3A_219 {strides = array<i32>} : memref<80x128xf32, #tpu.memory_space<vmem>>, vector<1x16xf32>,
          %get3A_220 = arith.index_cast %add3A_179 : i32 to index
          %get3A_221 = arith.constant 48 : index
          %get3A_222 = tpu.vector_load %arg15[%get3A_220, %get3A_221] {strides = array<i32>} : memref<80x128xf32, #tpu.memory_space<vmem>>, vector<1x16xf32>,
          %get3A_223 = vector.shape_cast %get3A_222 : vector<1x16xf32> to vector<16xf32>
          %get3A_224 = arith.index_cast %add3A_179 : i32 to index
          %get3A_225 = arith.constant 48 : index
          %get3A_226 = tpu.vector_load %arg17[%get3A_224, %get3A_225] {strides = array<i32>} : memref<80x128xf32, #tpu.memory_space<vmem>>, vector<1x16xf32>,
          %get3A_227 = vector.shape_cast %get3A_226 : vector<1x16xf32> to vector<16xf32>
          %add3A_228 = arith.addf %get3A_223, %get3A_227 : vector<16xf32>
          %swap3A_229 = arith.index_cast %add3A_179 : i32 to index
          %swap3A_230 = arith.constant 48 : index
          %swap3A_231 = tpu.vector_load %arg19[%swap3A_229, %swap3A_230] {strides = array<i32>} : memref<80x128xf32, #tpu.memory_space<vmem>>, vector<1x16xf32>,
          %swap3A_232 = vector.shape_cast %swap3A_231 : vector<1x16xf32> to vector<16xf32>
          %swap3A_233 = vector.shape_cast %add3A_228 : vector<16xf32> to vector<1x16xf32>
          tpu.vector_store %arg19[%swap3A_229, %swap3A_230], %swap3A_233 {strides = array<i32>} : memref<80x128xf32, #tpu.memory_space<vmem>>, vector<1x16xf32>,
          %get3A_234 = arith.index_cast %add3A_179 : i32 to index
          %get3A_235 = arith.constant 64 : index
          %get3A_236 = tpu.vector_load %arg15[%get3A_234, %get3A_235] {strides = array<i32>} : memref<80x128xf32, #tpu.memory_space<vmem>>, vector<1x16xf32>,
          %get3A_237 = vector.shape_cast %get3A_236 : vector<1x16xf32> to vector<16xf32>
          %get3A_238 = arith.index_cast %add3A_179 : i32 to index
          %get3A_239 = arith.constant 64 : index
          %get3A_240 = tpu.vector_load %arg17[%get3A_238, %get3A_239] {strides = array<i32>} : memref<80x128xf32, #tpu.memory_space<vmem>>, vector<1x16xf32>,
          %get3A_241 = vector.shape_cast %get3A_240 : vector<1x16xf32> to vector<16xf32>
          %add3A_242 = arith.addf %get3A_237, %get3A_241 : vector<16xf32>
          %swap3A_243 = arith.index_cast %add3A_179 : i32 to index
          %swap3A_244 = arith.constant 64 : index
          %swap3A_245 = tpu.vector_load %arg19[%swap3A_243, %swap3A_244] {strides = array<i32>} : memref<80x128xf32, #tpu.memory_space<vmem>>, vector<1x16xf32>,
          %swap3A_246 = vector.shape_cast %swap3A_245 : vector<1x16xf32> to vector<16xf32>
          %swap3A_247 = vector.shape_cast %add3A_242 : vector<16xf32> to vector<1x16xf32>
          tpu.vector_store %arg19[%swap3A_243, %swap3A_244], %swap3A_247 {strides = array<i32>} : memref<80x128xf32, #tpu.memory_space<vmem>>, vector<1x16xf32>,
          %get3A_248 = arith.index_cast %add3A_179 : i32 to index
          %get3A_249 = arith.constant 80 : index
          %get3A_250 = tpu.vector_load %arg15[%get3A_248, %get3A_249] {strides = array<i32>} : memref<80x128xf32, #tpu.memory_space<vmem>>, vector<1x16xf32>,
          %get3A_251 = vector.shape_cast %get3A_250 : vector<1x16xf32> to vector<16xf32>
          %get3A_252 = arith.index_cast %add3A_179 : i32 to index
          %get3A_253 = arith.constant 80 : index
          %get3A_254 = tpu.vector_load %arg17[%get3A_252, %get3A_253] {strides = array<i32>} : memref<80x128xf32, #tpu.memory_space<vmem>>, vector<1x16xf32>,
          %get3A_255 = vector.shape_cast %get3A_254 : vector<1x16xf32> to vector<16xf32>
          %add3A_256 = arith.addf %get3A_251, %get3A_255 : vector<16xf32>
          %swap3A_257 = arith.index_cast %add3A_179 : i32 to index
          %swap3A_258 = arith.constant 80 : index
          %swap3A_259 = tpu.vector_load %arg19[%swap3A_257, %swap3A_258] {strides = array<i32>} : memref<80x128xf32, #tpu.memory_space<vmem>>, vector<1x16xf32>,
          %swap3A_260 = vector.shape_cast %swap3A_259 : vector<1x16xf32> to vector<16xf32>
          %swap3A_261 = vector.shape_cast %add3A_256 : vector<16xf32> to vector<1x16xf32>
          tpu.vector_store %arg19[%swap3A_257, %swap3A_258], %swap3A_261 {strides = array<i32>} : memref<80x128xf32, #tpu.memory_space<vmem>>, vector<1x16xf32>,
          %get3A_262 = arith.index_cast %add3A_179 : i32 to index
          %get3A_263 = arith.constant 96 : index
          %get3A_264 = tpu.vector_load %arg15[%get3A_262, %get3A_263] {strides = array<i32>} : memref<80x128xf32, #tpu.memory_space<vmem>>, vector<1x16xf32>,
          %get3A_265 = vector.shape_cast %get3A_264 : vector<1x16xf32> to vector<16xf32>
          %get3A_266 = arith.index_cast %add3A_179 : i32 to index
          %get3A_267 = arith.constant 96 : index
          %get3A_268 = tpu.vector_load %arg17[%get3A_266, %get3A_267] {strides = array<i32>} : memref<80x128xf32, #tpu.memory_space<vmem>>, vector<1x16xf32>,
          %get3A_269 = vector.shape_cast %get3A_268 : vector<1x16xf32> to vector<16xf32>
          %add3A_270 = arith.addf %get3A_265, %get3A_269 : vector<16xf32>
          %swap3A_271 = arith.index_cast %add3A_179 : i32 to index
          %swap3A_272 = arith.constant 96 : index
          %swap3A_273 = tpu.vector_load %arg19[%swap3A_271, %swap3A_272] {strides = array<i32>} : memref<80x128xf32, #tpu.memory_space<vmem>>, vector<1x16xf32>,
          %swap3A_274 = vector.shape_cast %swap3A_273 : vector<1x16xf32> to vector<16xf32>
          %swap3A_275 = vector.shape_cast %add3A_270 : vector<16xf32> to vector<1x16xf32>
          tpu.vector_store %arg19[%swap3A_271, %swap3A_272], %swap3A_275 {strides = array<i32>} : memref<80x128xf32, #tpu.memory_space<vmem>>, vector<1x16xf32>,
          %get3A_276 = arith.index_cast %add3A_179 : i32 to index
          %get3A_277 = arith.constant 112 : index
          %get3A_278 = tpu.vector_load %arg15[%get3A_276, %get3A_277] {strides = array<i32>} : memref<80x128xf32, #tpu.memory_space<vmem>>, vector<1x16xf32>,
          %get3A_279 = vector.shape_cast %get3A_278 : vector<1x16xf32> to vector<16xf32>
          %get3A_280 = arith.index_cast %add3A_179 : i32 to index
          %get3A_281 = arith.constant 112 : index
          %get3A_282 = tpu.vector_load %arg17[%get3A_280, %get3A_281] {strides = array<i32>} : memref<80x128xf32, #tpu.memory_space<vmem>>, vector<1x16xf32>,
          %get3A_283 = vector.shape_cast %get3A_282 : vector<1x16xf32> to vector<16xf32>
          %add3A_284 = arith.addf %get3A_279, %get3A_283 : vector<16xf32>
          %swap3A_285 = arith.index_cast %add3A_179 : i32 to index
          %swap3A_286 = arith.constant 112 : index
          %swap3A_287 = tpu.vector_load %arg19[%swap3A_285, %swap3A_286] {strides = array<i32>} : memref<80x128xf32, #tpu.memory_space<vmem>>, vector<1x16xf32>,
          %swap3A_288 = vector.shape_cast %swap3A_287 : vector<1x16xf32> to vector<16xf32>
          %swap3A_289 = vector.shape_cast %add3A_284 : vector<16xf32> to vector<1x16xf32>
          tpu.vector_store %arg19[%swap3A_285, %swap3A_286], %swap3A_289 {strides = array<i32>} : memref<80x128xf32, #tpu.memory_space<vmem>>, vector<1x16xf32>,
        }
        %scan3A_167 = arith.constant 80 : i32
        %mul3A_168 = arith.constant 80 : i32
        %mul3A_169 = arith.muli %add3A_96, %mul3A_168 : i32
        %add3A_170 = arith.addi %mul3A_2, %mul3A_169 : i32
        %dma_start3A_171 = arith.constant 0 : i32
        %dma_start3A_172 = tpu.memref_slice %arg6[%add3A_170, %dma_start3A_171] : memref<320000x128xf32, #tpu.memory_space<hbm>> -> memref<80x128xf32, #tpu.memory_space<hbm>>
        %dma_start3A_173 = arith.constant 0 : i32
        %dma_start3A_174 = tpu.memref_slice %arg6[%add3A_170, %dma_start3A_173] : memref<320000x128xf32, #tpu.memory_space<hbm>> -> memref<80x128xf32, #tpu.memory_space<hbm>>
        tpu.enqueue_dma source(%arg19 : memref<80x128xf32, #tpu.memory_space<vmem>>) target(%dma_start3A_174 : memref<80x128xf32, #tpu.memory_space<hbm>>) target_semaphore(%arg27 : memref<!tpu.dma_semaphore, #tpu.memory_space<semaphore_mem>>)
      } else {
      }
      %add3A_129 = arith.constant 3 : i32
      %add3A_130 = arith.addi %add3A_31, %add3A_129 : i32
      %add3A_131 = arith.constant 1 : i32
      %add3A_132 = arith.addi %add3A_130, %add3A_131 : i32
      %lt3A_133 = arith.constant 125 : i32
      %lt3A_134 = arith.cmpi slt, %add3A_132, %lt3A_133 : i32
      %convert_element_type3A_135 = arith.extui %lt3A_134 : i1 to i32
      %cond3A_136 = arith.constant 0 : i32
      %cond3A_137 = arith.cmpi ne, %convert_element_type3A_135, %cond3A_136 : i32
      scf.if %cond3A_137 {
        %dma_wait3A_163 = tpu.memref_slice %arg2[%mul3A_2] : memref<320000xi32, #tpu.memory_space<hbm>> -> memref<80xi32, #tpu.memory_space<hbm>>
        %dma_wait3A_164 = tpu.memref_slice %arg2[%mul3A_2] : memref<320000xi32, #tpu.memory_space<hbm>> -> memref<80xi32, #tpu.memory_space<hbm>>
        tpu.wait_dma2 semaphore(%arg21 : memref<!tpu.dma_semaphore, #tpu.memory_space<semaphore_mem>>) src(%dma_wait3A_164 : memref<80xi32, #tpu.memory_space<hbm>>) dst(%arg7 : memref<80xi32, #tpu.memory_space<vmem>>)
        %dma_wait3A_165 = tpu.memref_slice %arg3[%mul3A_2] : memref<320000xi32, #tpu.memory_space<hbm>> -> memref<80xi32, #tpu.memory_space<hbm>>
        %dma_wait3A_166 = tpu.memref_slice %arg3[%mul3A_2] : memref<320000xi32, #tpu.memory_space<hbm>> -> memref<80xi32, #tpu.memory_space<hbm>>
        tpu.wait_dma2 semaphore(%arg21 : memref<!tpu.dma_semaphore, #tpu.memory_space<semaphore_mem>>) src(%dma_wait3A_166 : memref<80xi32, #tpu.memory_space<hbm>>) dst(%arg11 : memref<80xi32, #tpu.memory_space<vmem>>)
        %add3A_167 = arith.constant 1 : i32
        %add3A_168 = arith.addi %add3A_130, %add3A_167 : i32
        %dma_start3A_169 = arith.constant 0 : i32
        %dma_start3A_170 = arith.constant 0 : i32
        %dma_start3A_171 = tpu.memref_slice %arg4[%dma_start3A_169, %dma_start3A_170] : memref<10000x128xf32, #tpu.memory_space<hbm>> -> memref<10000x128xf32, #tpu.memory_space<hbm>>
        tpu.enqueue_indirect_dma source(%dma_start3A_171 : memref<10000x128xf32, #tpu.memory_space<hbm>>) target(%arg15 : memref<80x128xf32, #tpu.memory_space<vmem>>) offsets(%arg7 : memref<80xi32, #tpu.memory_space<vmem>>) semaphore(%arg25 : memref<!tpu.dma_semaphore, #tpu.memory_space<semaphore_mem>>)
        %dma_start3A_172 = arith.constant 0 : i32
        %dma_start3A_173 = arith.constant 0 : i32
        %dma_start3A_174 = tpu.memref_slice %arg5[%dma_start3A_172, %dma_start3A_173] : memref<10000x128xf32, #tpu.memory_space<hbm>> -> memref<10000x128xf32, #tpu.memory_space<hbm>>
        tpu.enqueue_indirect_dma source(%dma_start3A_174 : memref<10000x128xf32, #tpu.memory_space<hbm>>) target(%arg17 : memref<80x128xf32, #tpu.memory_space<vmem>>) offsets(%arg11 : memref<80xi32, #tpu.memory_space<vmem>>) semaphore(%arg25 : memref<!tpu.dma_semaphore, #tpu.memory_space<semaphore_mem>>)
      } else {
      }
      %lt3A_138 = arith.constant 125 : i32
      %lt3A_139 = arith.cmpi slt, %add3A_130, %lt3A_138 : i32
      %convert_element_type3A_140 = arith.extui %lt3A_139 : i1 to i32
      %cond3A_141 = arith.constant 0 : i32
      %cond3A_142 = arith.cmpi ne, %convert_element_type3A_140, %cond3A_141 : i32
      scf.if %cond3A_142 {
        %dma_wait3A_163 = arith.constant 0 : i32
        %dma_wait3A_164 = arith.constant 0 : i32
        %dma_wait3A_165 = tpu.memref_slice %arg4[%dma_wait3A_163, %dma_wait3A_164] : memref<10000x128xf32, #tpu.memory_space<hbm>> -> memref<10000x128xf32, #tpu.memory_space<hbm>>
        tpu.wait_indirect_dma semaphore(%arg26 : memref<!tpu.dma_semaphore, #tpu.memory_space<semaphore_mem>>) src(%dma_wait3A_165 : memref<10000x128xf32, #tpu.memory_space<hbm>>) dst(%arg16 : memref<80x128xf32, #tpu.memory_space<vmem>>)
        %dma_wait3A_166 = arith.constant 0 : i32
        %dma_wait3A_167 = arith.constant 0 : i32
        %dma_wait3A_168 = tpu.memref_slice %arg5[%dma_wait3A_166, %dma_wait3A_167] : memref<10000x128xf32, #tpu.memory_space<hbm>> -> memref<10000x128xf32, #tpu.memory_space<hbm>>
        tpu.wait_indirect_dma semaphore(%arg26 : memref<!tpu.dma_semaphore, #tpu.memory_space<semaphore_mem>>) src(%dma_wait3A_168 : memref<10000x128xf32, #tpu.memory_space<hbm>>) dst(%arg18 : memref<80x128xf32, #tpu.memory_space<vmem>>)
      } else {
      }
      %add3A_143 = arith.constant 2 : i32
      %add3A_144 = arith.addi %add3A_130, %add3A_143 : i32
      %lt3A_145 = arith.constant 125 : i32
      %lt3A_146 = arith.cmpi slt, %add3A_144, %lt3A_145 : i32
      %convert_element_type3A_147 = arith.extui %lt3A_146 : i1 to i32
      %cond3A_148 = arith.constant 0 : i32
      %cond3A_149 = arith.cmpi ne, %convert_element_type3A_147, %cond3A_148 : i32
      scf.if %cond3A_149 {
        %add3A_163 = arith.constant 2 : i32
        %add3A_164 = arith.addi %add3A_130, %add3A_163 : i32
        %mul3A_165 = arith.constant 80 : i32
        %mul3A_166 = arith.muli %add3A_164, %mul3A_165 : i32
        %add3A_167 = arith.addi %mul3A_2, %mul3A_166 : i32
        %dma_start3A_168 = tpu.memref_slice %arg2[%add3A_167] : memref<320000xi32, #tpu.memory_space<hbm>> -> memref<80xi32, #tpu.memory_space<hbm>>
        %dma_start3A_169 = tpu.memref_slice %arg2[%add3A_167] : memref<320000xi32, #tpu.memory_space<hbm>> -> memref<80xi32, #tpu.memory_space<hbm>>
        tpu.enqueue_dma source(%dma_start3A_169 : memref<80xi32, #tpu.memory_space<hbm>>) target(%arg8 : memref<80xi32, #tpu.memory_space<vmem>>) target_semaphore(%arg22 : memref<!tpu.dma_semaphore, #tpu.memory_space<semaphore_mem>>)
        %dma_start3A_170 = tpu.memref_slice %arg3[%add3A_167] : memref<320000xi32, #tpu.memory_space<hbm>> -> memref<80xi32, #tpu.memory_space<hbm>>
        %dma_start3A_171 = tpu.memref_slice %arg3[%add3A_167] : memref<320000xi32, #tpu.memory_space<hbm>> -> memref<80xi32, #tpu.memory_space<hbm>>
        tpu.enqueue_dma source(%dma_start3A_171 : memref<80xi32, #tpu.memory_space<hbm>>) target(%arg12 : memref<80xi32, #tpu.memory_space<vmem>>) target_semaphore(%arg22 : memref<!tpu.dma_semaphore, #tpu.memory_space<semaphore_mem>>)
      } else {
      }
      %ge3A_150 = arith.constant 2 : i32
      %ge3A_151 = arith.cmpi sge, %add3A_130, %ge3A_150 : i32
      %lt3A_152 = arith.constant 127 : i32
      %lt3A_153 = arith.cmpi slt, %add3A_130, %lt3A_152 : i32
      %and3A_154 = arith.andi %ge3A_151, %lt3A_153 : i1
      %convert_element_type3A_155 = arith.extui %and3A_154 : i1 to i32
      %cond3A_156 = arith.constant 0 : i32
      %cond3A_157 = arith.cmpi ne, %convert_element_type3A_155, %cond3A_156 : i32
      scf.if %cond3A_157 {
        %dma_wait3A_163 = arith.constant 0 : i32
        %dma_wait3A_164 = tpu.memref_slice %arg6[%mul3A_2, %dma_wait3A_163] : memref<320000x128xf32, #tpu.memory_space<hbm>> -> memref<80x128xf32, #tpu.memory_space<hbm>>
        %dma_wait3A_165 = arith.constant 0 : i32
        %dma_wait3A_166 = tpu.memref_slice %arg6[%mul3A_2, %dma_wait3A_165] : memref<320000x128xf32, #tpu.memory_space<hbm>> -> memref<80x128xf32, #tpu.memory_space<hbm>>
        tpu.wait_dma2 semaphore(%arg28 : memref<!tpu.dma_semaphore, #tpu.memory_space<semaphore_mem>>) src(%arg20 : memref<80x128xf32, #tpu.memory_space<vmem>>) dst(%dma_wait3A_166 : memref<80x128xf32, #tpu.memory_space<hbm>>)
      } else {
      }
      %lt3A_158 = arith.constant 125 : i32
      %lt3A_159 = arith.cmpi slt, %add3A_130, %lt3A_158 : i32
      %convert_element_type3A_160 = arith.extui %lt3A_159 : i1 to i32
      %cond3A_161 = arith.constant 0 : i32
      %cond3A_162 = arith.cmpi ne, %convert_element_type3A_160, %cond3A_161 : i32
      scf.if %cond3A_162 {
        %scan3A_163 = arith.constant 0 : i32
        %scan3A_164 = arith.constant 80 : i32
        %scan3A_165 = arith.addi %scan3A_163, %scan3A_164 : i32
        %scan3A_166 = arith.constant 1 : i32
        scf.for %scan3A_175 = %scan3A_163 to %scan3A_165 step %scan3A_166  : i32 {
          %mul3A_176 = arith.constant 1 : i32
          %mul3A_177 = arith.muli %scan3A_175, %mul3A_176 : i32
          %add3A_178 = arith.constant 0 : i32
          %add3A_179 = arith.addi %add3A_178, %mul3A_177 : i32
          %get3A = arith.index_cast %add3A_179 : i32 to index
          %get3A_180 = arith.constant 0 : index
          %get3A_181 = tpu.vector_load %arg16[%get3A, %get3A_180] {strides = array<i32>} : memref<80x128xf32, #tpu.memory_space<vmem>>, vector<1x16xf32>,
          %get3A_182 = vector.shape_cast %get3A_181 : vector<1x16xf32> to vector<16xf32>
          %get3A_183 = arith.index_cast %add3A_179 : i32 to index
          %get3A_184 = arith.constant 0 : index
          %get3A_185 = tpu.vector_load %arg18[%get3A_183, %get3A_184] {strides = array<i32>} : memref<80x128xf32, #tpu.memory_space<vmem>>, vector<1x16xf32>,
          %get3A_186 = vector.shape_cast %get3A_185 : vector<1x16xf32> to vector<16xf32>
          %add3A_187 = arith.addf %get3A_182, %get3A_186 : vector<16xf32>
          %swap3A = arith.index_cast %add3A_179 : i32 to index
          %swap3A_188 = arith.constant 0 : index
          %swap3A_189 = tpu.vector_load %arg20[%swap3A, %swap3A_188] {strides = array<i32>} : memref<80x128xf32, #tpu.memory_space<vmem>>, vector<1x16xf32>,
          %swap3A_190 = vector.shape_cast %swap3A_189 : vector<1x16xf32> to vector<16xf32>
          %swap3A_191 = vector.shape_cast %add3A_187 : vector<16xf32> to vector<1x16xf32>
          tpu.vector_store %arg20[%swap3A, %swap3A_188], %swap3A_191 {strides = array<i32>} : memref<80x128xf32, #tpu.memory_space<vmem>>, vector<1x16xf32>,
          %get3A_192 = arith.index_cast %add3A_179 : i32 to index
          %get3A_193 = arith.constant 16 : index
          %get3A_194 = tpu.vector_load %arg16[%get3A_192, %get3A_193] {strides = array<i32>} : memref<80x128xf32, #tpu.memory_space<vmem>>, vector<1x16xf32>,
          %get3A_195 = vector.shape_cast %get3A_194 : vector<1x16xf32> to vector<16xf32>
          %get3A_196 = arith.index_cast %add3A_179 : i32 to index
          %get3A_197 = arith.constant 16 : index
          %get3A_198 = tpu.vector_load %arg18[%get3A_196, %get3A_197] {strides = array<i32>} : memref<80x128xf32, #tpu.memory_space<vmem>>, vector<1x16xf32>,
          %get3A_199 = vector.shape_cast %get3A_198 : vector<1x16xf32> to vector<16xf32>
          %add3A_200 = arith.addf %get3A_195, %get3A_199 : vector<16xf32>
          %swap3A_201 = arith.index_cast %add3A_179 : i32 to index
          %swap3A_202 = arith.constant 16 : index
          %swap3A_203 = tpu.vector_load %arg20[%swap3A_201, %swap3A_202] {strides = array<i32>} : memref<80x128xf32, #tpu.memory_space<vmem>>, vector<1x16xf32>,
          %swap3A_204 = vector.shape_cast %swap3A_203 : vector<1x16xf32> to vector<16xf32>
          %swap3A_205 = vector.shape_cast %add3A_200 : vector<16xf32> to vector<1x16xf32>
          tpu.vector_store %arg20[%swap3A_201, %swap3A_202], %swap3A_205 {strides = array<i32>} : memref<80x128xf32, #tpu.memory_space<vmem>>, vector<1x16xf32>,
          %get3A_206 = arith.index_cast %add3A_179 : i32 to index
          %get3A_207 = arith.constant 32 : index
          %get3A_208 = tpu.vector_load %arg16[%get3A_206, %get3A_207] {strides = array<i32>} : memref<80x128xf32, #tpu.memory_space<vmem>>, vector<1x16xf32>,
          %get3A_209 = vector.shape_cast %get3A_208 : vector<1x16xf32> to vector<16xf32>
          %get3A_210 = arith.index_cast %add3A_179 : i32 to index
          %get3A_211 = arith.constant 32 : index
          %get3A_212 = tpu.vector_load %arg18[%get3A_210, %get3A_211] {strides = array<i32>} : memref<80x128xf32, #tpu.memory_space<vmem>>, vector<1x16xf32>,
          %get3A_213 = vector.shape_cast %get3A_212 : vector<1x16xf32> to vector<16xf32>
          %add3A_214 = arith.addf %get3A_209, %get3A_213 : vector<16xf32>
          %swap3A_215 = arith.index_cast %add3A_179 : i32 to index
          %swap3A_216 = arith.constant 32 : index
          %swap3A_217 = tpu.vector_load %arg20[%swap3A_215, %swap3A_216] {strides = array<i32>} : memref<80x128xf32, #tpu.memory_space<vmem>>, vector<1x16xf32>,
          %swap3A_218 = vector.shape_cast %swap3A_217 : vector<1x16xf32> to vector<16xf32>
          %swap3A_219 = vector.shape_cast %add3A_214 : vector<16xf32> to vector<1x16xf32>
          tpu.vector_store %arg20[%swap3A_215, %swap3A_216], %swap3A_219 {strides = array<i32>} : memref<80x128xf32, #tpu.memory_space<vmem>>, vector<1x16xf32>,
          %get3A_220 = arith.index_cast %add3A_179 : i32 to index
          %get3A_221 = arith.constant 48 : index
          %get3A_222 = tpu.vector_load %arg16[%get3A_220, %get3A_221] {strides = array<i32>} : memref<80x128xf32, #tpu.memory_space<vmem>>, vector<1x16xf32>,
          %get3A_223 = vector.shape_cast %get3A_222 : vector<1x16xf32> to vector<16xf32>
          %get3A_224 = arith.index_cast %add3A_179 : i32 to index
          %get3A_225 = arith.constant 48 : index
          %get3A_226 = tpu.vector_load %arg18[%get3A_224, %get3A_225] {strides = array<i32>} : memref<80x128xf32, #tpu.memory_space<vmem>>, vector<1x16xf32>,
          %get3A_227 = vector.shape_cast %get3A_226 : vector<1x16xf32> to vector<16xf32>
          %add3A_228 = arith.addf %get3A_223, %get3A_227 : vector<16xf32>
          %swap3A_229 = arith.index_cast %add3A_179 : i32 to index
          %swap3A_230 = arith.constant 48 : index
          %swap3A_231 = tpu.vector_load %arg20[%swap3A_229, %swap3A_230] {strides = array<i32>} : memref<80x128xf32, #tpu.memory_space<vmem>>, vector<1x16xf32>,
          %swap3A_232 = vector.shape_cast %swap3A_231 : vector<1x16xf32> to vector<16xf32>
          %swap3A_233 = vector.shape_cast %add3A_228 : vector<16xf32> to vector<1x16xf32>
          tpu.vector_store %arg20[%swap3A_229, %swap3A_230], %swap3A_233 {strides = array<i32>} : memref<80x128xf32, #tpu.memory_space<vmem>>, vector<1x16xf32>,
          %get3A_234 = arith.index_cast %add3A_179 : i32 to index
          %get3A_235 = arith.constant 64 : index
          %get3A_236 = tpu.vector_load %arg16[%get3A_234, %get3A_235] {strides = array<i32>} : memref<80x128xf32, #tpu.memory_space<vmem>>, vector<1x16xf32>,
          %get3A_237 = vector.shape_cast %get3A_236 : vector<1x16xf32> to vector<16xf32>
          %get3A_238 = arith.index_cast %add3A_179 : i32 to index
          %get3A_239 = arith.constant 64 : index
          %get3A_240 = tpu.vector_load %arg18[%get3A_238, %get3A_239] {strides = array<i32>} : memref<80x128xf32, #tpu.memory_space<vmem>>, vector<1x16xf32>,
          %get3A_241 = vector.shape_cast %get3A_240 : vector<1x16xf32> to vector<16xf32>
          %add3A_242 = arith.addf %get3A_237, %get3A_241 : vector<16xf32>
          %swap3A_243 = arith.index_cast %add3A_179 : i32 to index
          %swap3A_244 = arith.constant 64 : index
          %swap3A_245 = tpu.vector_load %arg20[%swap3A_243, %swap3A_244] {strides = array<i32>} : memref<80x128xf32, #tpu.memory_space<vmem>>, vector<1x16xf32>,
          %swap3A_246 = vector.shape_cast %swap3A_245 : vector<1x16xf32> to vector<16xf32>
          %swap3A_247 = vector.shape_cast %add3A_242 : vector<16xf32> to vector<1x16xf32>
          tpu.vector_store %arg20[%swap3A_243, %swap3A_244], %swap3A_247 {strides = array<i32>} : memref<80x128xf32, #tpu.memory_space<vmem>>, vector<1x16xf32>,
          %get3A_248 = arith.index_cast %add3A_179 : i32 to index
          %get3A_249 = arith.constant 80 : index
          %get3A_250 = tpu.vector_load %arg16[%get3A_248, %get3A_249] {strides = array<i32>} : memref<80x128xf32, #tpu.memory_space<vmem>>, vector<1x16xf32>,
          %get3A_251 = vector.shape_cast %get3A_250 : vector<1x16xf32> to vector<16xf32>
          %get3A_252 = arith.index_cast %add3A_179 : i32 to index
          %get3A_253 = arith.constant 80 : index
          %get3A_254 = tpu.vector_load %arg18[%get3A_252, %get3A_253] {strides = array<i32>} : memref<80x128xf32, #tpu.memory_space<vmem>>, vector<1x16xf32>,
          %get3A_255 = vector.shape_cast %get3A_254 : vector<1x16xf32> to vector<16xf32>
          %add3A_256 = arith.addf %get3A_251, %get3A_255 : vector<16xf32>
          %swap3A_257 = arith.index_cast %add3A_179 : i32 to index
          %swap3A_258 = arith.constant 80 : index
          %swap3A_259 = tpu.vector_load %arg20[%swap3A_257, %swap3A_258] {strides = array<i32>} : memref<80x128xf32, #tpu.memory_space<vmem>>, vector<1x16xf32>,
          %swap3A_260 = vector.shape_cast %swap3A_259 : vector<1x16xf32> to vector<16xf32>
          %swap3A_261 = vector.shape_cast %add3A_256 : vector<16xf32> to vector<1x16xf32>
          tpu.vector_store %arg20[%swap3A_257, %swap3A_258], %swap3A_261 {strides = array<i32>} : memref<80x128xf32, #tpu.memory_space<vmem>>, vector<1x16xf32>,
          %get3A_262 = arith.index_cast %add3A_179 : i32 to index
          %get3A_263 = arith.constant 96 : index
          %get3A_264 = tpu.vector_load %arg16[%get3A_262, %get3A_263] {strides = array<i32>} : memref<80x128xf32, #tpu.memory_space<vmem>>, vector<1x16xf32>,
          %get3A_265 = vector.shape_cast %get3A_264 : vector<1x16xf32> to vector<16xf32>
          %get3A_266 = arith.index_cast %add3A_179 : i32 to index
          %get3A_267 = arith.constant 96 : index
          %get3A_268 = tpu.vector_load %arg18[%get3A_266, %get3A_267] {strides = array<i32>} : memref<80x128xf32, #tpu.memory_space<vmem>>, vector<1x16xf32>,
          %get3A_269 = vector.shape_cast %get3A_268 : vector<1x16xf32> to vector<16xf32>
          %add3A_270 = arith.addf %get3A_265, %get3A_269 : vector<16xf32>
          %swap3A_271 = arith.index_cast %add3A_179 : i32 to index
          %swap3A_272 = arith.constant 96 : index
          %swap3A_273 = tpu.vector_load %arg20[%swap3A_271, %swap3A_272] {strides = array<i32>} : memref<80x128xf32, #tpu.memory_space<vmem>>, vector<1x16xf32>,
          %swap3A_274 = vector.shape_cast %swap3A_273 : vector<1x16xf32> to vector<16xf32>
          %swap3A_275 = vector.shape_cast %add3A_270 : vector<16xf32> to vector<1x16xf32>
          tpu.vector_store %arg20[%swap3A_271, %swap3A_272], %swap3A_275 {strides = array<i32>} : memref<80x128xf32, #tpu.memory_space<vmem>>, vector<1x16xf32>,
          %get3A_276 = arith.index_cast %add3A_179 : i32 to index
          %get3A_277 = arith.constant 112 : index
          %get3A_278 = tpu.vector_load %arg16[%get3A_276, %get3A_277] {strides = array<i32>} : memref<80x128xf32, #tpu.memory_space<vmem>>, vector<1x16xf32>,
          %get3A_279 = vector.shape_cast %get3A_278 : vector<1x16xf32> to vector<16xf32>
          %get3A_280 = arith.index_cast %add3A_179 : i32 to index
          %get3A_281 = arith.constant 112 : index
          %get3A_282 = tpu.vector_load %arg18[%get3A_280, %get3A_281] {strides = array<i32>} : memref<80x128xf32, #tpu.memory_space<vmem>>, vector<1x16xf32>,
          %get3A_283 = vector.shape_cast %get3A_282 : vector<1x16xf32> to vector<16xf32>
          %add3A_284 = arith.addf %get3A_279, %get3A_283 : vector<16xf32>
          %swap3A_285 = arith.index_cast %add3A_179 : i32 to index
          %swap3A_286 = arith.constant 112 : index
          %swap3A_287 = tpu.vector_load %arg20[%swap3A_285, %swap3A_286] {strides = array<i32>} : memref<80x128xf32, #tpu.memory_space<vmem>>, vector<1x16xf32>,
          %swap3A_288 = vector.shape_cast %swap3A_287 : vector<1x16xf32> to vector<16xf32>
          %swap3A_289 = vector.shape_cast %add3A_284 : vector<16xf32> to vector<1x16xf32>
          tpu.vector_store %arg20[%swap3A_285, %swap3A_286], %swap3A_289 {strides = array<i32>} : memref<80x128xf32, #tpu.memory_space<vmem>>, vector<1x16xf32>,
        }
        %scan3A_167 = arith.constant 80 : i32
        %mul3A_168 = arith.constant 80 : i32
        %mul3A_169 = arith.muli %add3A_130, %mul3A_168 : i32
        %add3A_170 = arith.addi %mul3A_2, %mul3A_169 : i32
        %dma_start3A_171 = arith.constant 0 : i32
        %dma_start3A_172 = tpu.memref_slice %arg6[%add3A_170, %dma_start3A_171] : memref<320000x128xf32, #tpu.memory_space<hbm>> -> memref<80x128xf32, #tpu.memory_space<hbm>>
        %dma_start3A_173 = arith.constant 0 : i32
        %dma_start3A_174 = tpu.memref_slice %arg6[%add3A_170, %dma_start3A_173] : memref<320000x128xf32, #tpu.memory_space<hbm>> -> memref<80x128xf32, #tpu.memory_space<hbm>>
        tpu.enqueue_dma source(%arg20 : memref<80x128xf32, #tpu.memory_space<vmem>>) target(%dma_start3A_174 : memref<80x128xf32, #tpu.memory_space<hbm>>) target_semaphore(%arg28 : memref<!tpu.dma_semaphore, #tpu.memory_space<semaphore_mem>>)
      } else {
      }
    }
    %scan3A_26 = arith.constant 32 : i32
    return
  }
}

#map = affine_map<(d0, d1) -> (0, 0)>
#map1 = affine_map<(d0, d1) -> (0)>
#map2 = affine_map<(d0, d1) -> (0, 0, 0)>
module attributes {stable_mosaic.version = 14 : i64} {
  func.func @k(%arg0: i32, %arg1: i32, %arg2: memref<320000x128xf32, #tpu.memory_space<hbm>>, %arg3: memref<10000x128xf32, #tpu.memory_space<hbm>>, %arg4: memref<10000x128xf32, #tpu.memory_space<hbm>>, %arg5: memref<320000xi32, #tpu.memory_space<hbm>>, %arg6: memref<320000xi32, #tpu.memory_space<hbm>>, %arg7: memref<10112x128xf32, #tpu.memory_space<hbm>>, %arg8: memref<2x10112x128xf32, #tpu.memory_space<hbm>>, %arg9: memref<40xi32, #tpu.memory_space<vmem>>, %arg10: memref<40xi32, #tpu.memory_space<vmem>>, %arg11: memref<40xi32, #tpu.memory_space<vmem>>, %arg12: memref<40xi32, #tpu.memory_space<vmem>>, %arg13: memref<40xi32, #tpu.memory_space<vmem>>, %arg14: memref<40xi32, #tpu.memory_space<vmem>>, %arg15: memref<40xi32, #tpu.memory_space<vmem>>, %arg16: memref<40xi32, #tpu.memory_space<vmem>>, %arg17: memref<40x128xf32, #tpu.memory_space<vmem>>, %arg18: memref<40x128xf32, #tpu.memory_space<vmem>>, %arg19: memref<40x128xf32, #tpu.memory_space<vmem>>, %arg20: memref<40x128xf32, #tpu.memory_space<vmem>>, %arg21: memref<40x128xf32, #tpu.memory_space<vmem>>, %arg22: memref<40x128xf32, #tpu.memory_space<vmem>>, %arg23: memref<40x128xf32, #tpu.memory_space<vmem>>, %arg24: memref<40x128xf32, #tpu.memory_space<vmem>>, %arg25: memref<10112x128xf32, #tpu.memory_space<vmem_shared>>, %arg26: memref<!tpu.dma_semaphore, #tpu.memory_space<semaphore_mem>>, %arg27: memref<!tpu.dma_semaphore, #tpu.memory_space<semaphore_mem>>, %arg28: memref<!tpu.dma_semaphore, #tpu.memory_space<semaphore_mem>>, %arg29: memref<!tpu.dma_semaphore, #tpu.memory_space<semaphore_mem>>, %arg30: memref<!tpu.dma_semaphore, #tpu.memory_space<semaphore_mem>>, %arg31: memref<!tpu.dma_semaphore, #tpu.memory_space<semaphore_mem>>, %arg32: memref<!tpu.dma_semaphore, #tpu.memory_space<semaphore_mem>>, %arg33: memref<!tpu.dma_semaphore, #tpu.memory_space<semaphore_mem>>) attributes {dimension_semantics = [#tpu.dimension_semantics<core_parallel>, #tpu.dimension_semantics<subcore_parallel>], iteration_bounds = array<i64: 2, 16>, scalar_prefetch = 0 : i64, scratch_operands = 25 : i64, tpu.core_type = #tpu.core_type<sc_vector_subcore>, window_params = [{transform_indices = #map}, {transform_indices = #map}, {transform_indices = #map}, {transform_indices = #map1}, {transform_indices = #map1}, {transform_indices = #map}, {transform_indices = #map2}]} {
    %mul3A = arith.constant 16 : i32
    %mul3A_0 = arith.muli %arg0, %mul3A : i32
    %add3A = arith.addi %mul3A_0, %arg1 : i32
    %mul3A_1 = arith.constant 10000 : i32
    %mul3A_2 = arith.muli %add3A, %mul3A_1 : i32
    %mul3A_3 = arith.constant 632 : i32
    %mul3A_4 = arith.muli %arg1, %mul3A_3 : i32
    %mul3A_5 = arith.constant 632 : i32
    %mul3A_6 = arith.muli %arg1, %mul3A_5 : i32
    "tpu.region"() ({
      %run_scoped3A = tpu.sem_alloc : memref<!tpu.dma_semaphore, #tpu.memory_space<semaphore_mem>>
      %dma_start3A_42 = arith.constant 0 : i32
      %dma_start3A_43 = tpu.memref_slice %arg25[%mul3A_6, %dma_start3A_42] : memref<10112x128xf32, #tpu.memory_space<vmem_shared>> -> memref<632x128xf32, #tpu.memory_space<vmem_shared>>
      %dma_start3A_44 = arith.constant 0 : i32
      %dma_start3A_45 = tpu.memref_slice %arg7[%mul3A_4, %dma_start3A_44] : memref<10112x128xf32, #tpu.memory_space<hbm>> -> memref<632x128xf32, #tpu.memory_space<hbm>>
      tpu.enqueue_dma source(%dma_start3A_45 : memref<632x128xf32, #tpu.memory_space<hbm>>) target(%dma_start3A_43 : memref<632x128xf32, #tpu.memory_space<vmem_shared>>) target_semaphore(%run_scoped3A : memref<!tpu.dma_semaphore, #tpu.memory_space<semaphore_mem>>)
      %dma_wait3A_46 = arith.constant 0 : i32
      %dma_wait3A_47 = tpu.memref_slice %arg25[%mul3A_6, %dma_wait3A_46] : memref<10112x128xf32, #tpu.memory_space<vmem_shared>> -> memref<632x128xf32, #tpu.memory_space<vmem_shared>>
      %dma_wait3A_48 = arith.constant 0 : i32
      %dma_wait3A_49 = tpu.memref_slice %arg7[%mul3A_4, %dma_wait3A_48] : memref<10112x128xf32, #tpu.memory_space<hbm>> -> memref<632x128xf32, #tpu.memory_space<hbm>>
      tpu.wait_dma2 semaphore(%run_scoped3A : memref<!tpu.dma_semaphore, #tpu.memory_space<semaphore_mem>>) src(%dma_wait3A_49 : memref<632x128xf32, #tpu.memory_space<hbm>>) dst(%dma_wait3A_47 : memref<632x128xf32, #tpu.memory_space<vmem_shared>>)
      tpu.yield
    }) : () -> ()
    %barrier3A = arith.constant 0 : index
    tpu.barrier barrier_id(%barrier3A)
    %add3A_7 = arith.constant 0 : i32
    %add3A_8 = arith.addi %mul3A_2, %add3A_7 : i32
    %dma_start3A = tpu.memref_slice %arg5[%add3A_8] : memref<320000xi32, #tpu.memory_space<hbm>> -> memref<40xi32, #tpu.memory_space<hbm>>
    %dma_start3A_9 = tpu.memref_slice %arg5[%add3A_8] : memref<320000xi32, #tpu.memory_space<hbm>> -> memref<40xi32, #tpu.memory_space<hbm>>
    tpu.enqueue_dma source(%dma_start3A_9 : memref<40xi32, #tpu.memory_space<hbm>>) target(%arg9 : memref<40xi32, #tpu.memory_space<vmem>>) target_semaphore(%arg26 : memref<!tpu.dma_semaphore, #tpu.memory_space<semaphore_mem>>)
    %dma_start3A_10 = tpu.memref_slice %arg6[%add3A_8] : memref<320000xi32, #tpu.memory_space<hbm>> -> memref<40xi32, #tpu.memory_space<hbm>>
    %dma_start3A_11 = tpu.memref_slice %arg6[%add3A_8] : memref<320000xi32, #tpu.memory_space<hbm>> -> memref<40xi32, #tpu.memory_space<hbm>>
    tpu.enqueue_dma source(%dma_start3A_11 : memref<40xi32, #tpu.memory_space<hbm>>) target(%arg13 : memref<40xi32, #tpu.memory_space<vmem>>) target_semaphore(%arg26 : memref<!tpu.dma_semaphore, #tpu.memory_space<semaphore_mem>>)
    %dma_wait3A = tpu.memref_slice %arg5[%mul3A_2] : memref<320000xi32, #tpu.memory_space<hbm>> -> memref<40xi32, #tpu.memory_space<hbm>>
    %dma_wait3A_12 = tpu.memref_slice %arg5[%mul3A_2] : memref<320000xi32, #tpu.memory_space<hbm>> -> memref<40xi32, #tpu.memory_space<hbm>>
    tpu.wait_dma2 semaphore(%arg26 : memref<!tpu.dma_semaphore, #tpu.memory_space<semaphore_mem>>) src(%dma_wait3A_12 : memref<40xi32, #tpu.memory_space<hbm>>) dst(%arg9 : memref<40xi32, #tpu.memory_space<vmem>>)
    %dma_wait3A_13 = tpu.memref_slice %arg6[%mul3A_2] : memref<320000xi32, #tpu.memory_space<hbm>> -> memref<40xi32, #tpu.memory_space<hbm>>
    %dma_wait3A_14 = tpu.memref_slice %arg6[%mul3A_2] : memref<320000xi32, #tpu.memory_space<hbm>> -> memref<40xi32, #tpu.memory_space<hbm>>
    tpu.wait_dma2 semaphore(%arg26 : memref<!tpu.dma_semaphore, #tpu.memory_space<semaphore_mem>>) src(%dma_wait3A_14 : memref<40xi32, #tpu.memory_space<hbm>>) dst(%arg13 : memref<40xi32, #tpu.memory_space<vmem>>)
    %dma_start3A_15 = arith.constant 0 : i32
    %dma_start3A_16 = arith.constant 0 : i32
    %dma_start3A_17 = tpu.memref_slice %arg3[%dma_start3A_15, %dma_start3A_16] : memref<10000x128xf32, #tpu.memory_space<hbm>> -> memref<10000x128xf32, #tpu.memory_space<hbm>>
    tpu.enqueue_indirect_dma source(%dma_start3A_17 : memref<10000x128xf32, #tpu.memory_space<hbm>>) target(%arg17 : memref<40x128xf32, #tpu.memory_space<vmem>>) offsets(%arg9 : memref<40xi32, #tpu.memory_space<vmem>>) semaphore(%arg30 : memref<!tpu.dma_semaphore, #tpu.memory_space<semaphore_mem>>)
    %dma_start3A_18 = arith.constant 0 : i32
    %dma_start3A_19 = arith.constant 0 : i32
    %dma_start3A_20 = tpu.memref_slice %arg4[%dma_start3A_18, %dma_start3A_19] : memref<10000x128xf32, #tpu.memory_space<hbm>> -> memref<10000x128xf32, #tpu.memory_space<hbm>>
    tpu.enqueue_indirect_dma source(%dma_start3A_20 : memref<10000x128xf32, #tpu.memory_space<hbm>>) target(%arg19 : memref<40x128xf32, #tpu.memory_space<vmem>>) offsets(%arg13 : memref<40xi32, #tpu.memory_space<vmem>>) semaphore(%arg30 : memref<!tpu.dma_semaphore, #tpu.memory_space<semaphore_mem>>)
    %add3A_21 = arith.constant 0 : i32
    %add3A_22 = arith.addi %mul3A_2, %add3A_21 : i32
    %dma_start3A_23 = arith.constant 0 : i32
    %dma_start3A_24 = tpu.memref_slice %arg2[%add3A_22, %dma_start3A_23] : memref<320000x128xf32, #tpu.memory_space<hbm>> -> memref<40x128xf32, #tpu.memory_space<hbm>>
    %dma_start3A_25 = arith.constant 0 : i32
    %dma_start3A_26 = tpu.memref_slice %arg2[%add3A_22, %dma_start3A_25] : memref<320000x128xf32, #tpu.memory_space<hbm>> -> memref<40x128xf32, #tpu.memory_space<hbm>>
    tpu.enqueue_dma source(%dma_start3A_26 : memref<40x128xf32, #tpu.memory_space<hbm>>) target(%arg21 : memref<40x128xf32, #tpu.memory_space<vmem>>) target_semaphore(%arg30 : memref<!tpu.dma_semaphore, #tpu.memory_space<semaphore_mem>>)
    %add3A_27 = arith.constant 40 : i32
    %add3A_28 = arith.addi %mul3A_2, %add3A_27 : i32
    %dma_start3A_29 = tpu.memref_slice %arg5[%add3A_28] : memref<320000xi32, #tpu.memory_space<hbm>> -> memref<40xi32, #tpu.memory_space<hbm>>
    %dma_start3A_30 = tpu.memref_slice %arg5[%add3A_28] : memref<320000xi32, #tpu.memory_space<hbm>> -> memref<40xi32, #tpu.memory_space<hbm>>
    tpu.enqueue_dma source(%dma_start3A_30 : memref<40xi32, #tpu.memory_space<hbm>>) target(%arg10 : memref<40xi32, #tpu.memory_space<vmem>>) target_semaphore(%arg27 : memref<!tpu.dma_semaphore, #tpu.memory_space<semaphore_mem>>)
    %dma_start3A_31 = tpu.memref_slice %arg6[%add3A_28] : memref<320000xi32, #tpu.memory_space<hbm>> -> memref<40xi32, #tpu.memory_space<hbm>>
    %dma_start3A_32 = tpu.memref_slice %arg6[%add3A_28] : memref<320000xi32, #tpu.memory_space<hbm>> -> memref<40xi32, #tpu.memory_space<hbm>>
    tpu.enqueue_dma source(%dma_start3A_32 : memref<40xi32, #tpu.memory_space<hbm>>) target(%arg14 : memref<40xi32, #tpu.memory_space<vmem>>) target_semaphore(%arg27 : memref<!tpu.dma_semaphore, #tpu.memory_space<semaphore_mem>>)
    %scan3A = arith.constant 0 : i32
    %scan3A_33 = arith.constant 63 : i32
    %scan3A_34 = arith.addi %scan3A, %scan3A_33 : i32
    %scan3A_35 = arith.constant 1 : i32
    scf.for %scan3A_42 = %scan3A to %scan3A_34 step %scan3A_35  : i32 {
      %mul3A_43 = arith.constant 4 : i32
      %mul3A_44 = arith.muli %scan3A_42, %mul3A_43 : i32
      %add3A_45 = arith.constant 0 : i32
      %add3A_46 = arith.addi %add3A_45, %mul3A_44 : i32
      %add3A_47 = arith.constant 0 : i32
      %add3A_48 = arith.addi %add3A_46, %add3A_47 : i32
      %add3A_49 = arith.constant 1 : i32
      %add3A_50 = arith.addi %add3A_48, %add3A_49 : i32
      %lt3A = arith.constant 250 : i32
      %lt3A_51 = arith.cmpi slt, %add3A_50, %lt3A : i32
      %convert_element_type3A = arith.extui %lt3A_51 : i1 to i32
      %cond3A = arith.constant 0 : i32
      %cond3A_52 = arith.cmpi ne, %convert_element_type3A, %cond3A : i32
      scf.if %cond3A_52 {
        %dma_wait3A_148 = tpu.memref_slice %arg5[%mul3A_2] : memref<320000xi32, #tpu.memory_space<hbm>> -> memref<40xi32, #tpu.memory_space<hbm>>
        %dma_wait3A_149 = tpu.memref_slice %arg5[%mul3A_2] : memref<320000xi32, #tpu.memory_space<hbm>> -> memref<40xi32, #tpu.memory_space<hbm>>
        tpu.wait_dma2 semaphore(%arg27 : memref<!tpu.dma_semaphore, #tpu.memory_space<semaphore_mem>>) src(%dma_wait3A_149 : memref<40xi32, #tpu.memory_space<hbm>>) dst(%arg10 : memref<40xi32, #tpu.memory_space<vmem>>)
        %dma_wait3A_150 = tpu.memref_slice %arg6[%mul3A_2] : memref<320000xi32, #tpu.memory_space<hbm>> -> memref<40xi32, #tpu.memory_space<hbm>>
        %dma_wait3A_151 = tpu.memref_slice %arg6[%mul3A_2] : memref<320000xi32, #tpu.memory_space<hbm>> -> memref<40xi32, #tpu.memory_space<hbm>>
        tpu.wait_dma2 semaphore(%arg27 : memref<!tpu.dma_semaphore, #tpu.memory_space<semaphore_mem>>) src(%dma_wait3A_151 : memref<40xi32, #tpu.memory_space<hbm>>) dst(%arg14 : memref<40xi32, #tpu.memory_space<vmem>>)
        %add3A_152 = arith.constant 1 : i32
        %add3A_153 = arith.addi %add3A_48, %add3A_152 : i32
        %dma_start3A_154 = arith.constant 0 : i32
        %dma_start3A_155 = arith.constant 0 : i32
        %dma_start3A_156 = tpu.memref_slice %arg3[%dma_start3A_154, %dma_start3A_155] : memref<10000x128xf32, #tpu.memory_space<hbm>> -> memref<10000x128xf32, #tpu.memory_space<hbm>>
        tpu.enqueue_indirect_dma source(%dma_start3A_156 : memref<10000x128xf32, #tpu.memory_space<hbm>>) target(%arg18 : memref<40x128xf32, #tpu.memory_space<vmem>>) offsets(%arg10 : memref<40xi32, #tpu.memory_space<vmem>>) semaphore(%arg31 : memref<!tpu.dma_semaphore, #tpu.memory_space<semaphore_mem>>)
        %dma_start3A_157 = arith.constant 0 : i32
        %dma_start3A_158 = arith.constant 0 : i32
        %dma_start3A_159 = tpu.memref_slice %arg4[%dma_start3A_157, %dma_start3A_158] : memref<10000x128xf32, #tpu.memory_space<hbm>> -> memref<10000x128xf32, #tpu.memory_space<hbm>>
        tpu.enqueue_indirect_dma source(%dma_start3A_159 : memref<10000x128xf32, #tpu.memory_space<hbm>>) target(%arg20 : memref<40x128xf32, #tpu.memory_space<vmem>>) offsets(%arg14 : memref<40xi32, #tpu.memory_space<vmem>>) semaphore(%arg31 : memref<!tpu.dma_semaphore, #tpu.memory_space<semaphore_mem>>)
        %mul3A_160 = arith.constant 40 : i32
        %mul3A_161 = arith.muli %add3A_153, %mul3A_160 : i32
        %add3A_162 = arith.addi %mul3A_2, %mul3A_161 : i32
        %dma_start3A_163 = arith.constant 0 : i32
        %dma_start3A_164 = tpu.memref_slice %arg2[%add3A_162, %dma_start3A_163] : memref<320000x128xf32, #tpu.memory_space<hbm>> -> memref<40x128xf32, #tpu.memory_space<hbm>>
        %dma_start3A_165 = arith.constant 0 : i32
        %dma_start3A_166 = tpu.memref_slice %arg2[%add3A_162, %dma_start3A_165] : memref<320000x128xf32, #tpu.memory_space<hbm>> -> memref<40x128xf32, #tpu.memory_space<hbm>>
        tpu.enqueue_dma source(%dma_start3A_166 : memref<40x128xf32, #tpu.memory_space<hbm>>) target(%arg22 : memref<40x128xf32, #tpu.memory_space<vmem>>) target_semaphore(%arg31 : memref<!tpu.dma_semaphore, #tpu.memory_space<semaphore_mem>>)
      } else {
      }
      %lt3A_53 = arith.constant 250 : i32
      %lt3A_54 = arith.cmpi slt, %add3A_48, %lt3A_53 : i32
      %convert_element_type3A_55 = arith.extui %lt3A_54 : i1 to i32
      %cond3A_56 = arith.constant 0 : i32
      %cond3A_57 = arith.cmpi ne, %convert_element_type3A_55, %cond3A_56 : i32
      scf.if %cond3A_57 {
        %dma_wait3A_148 = arith.constant 0 : i32
        %dma_wait3A_149 = arith.constant 0 : i32
        %dma_wait3A_150 = tpu.memref_slice %arg3[%dma_wait3A_148, %dma_wait3A_149] : memref<10000x128xf32, #tpu.memory_space<hbm>> -> memref<10000x128xf32, #tpu.memory_space<hbm>>
        tpu.wait_indirect_dma semaphore(%arg30 : memref<!tpu.dma_semaphore, #tpu.memory_space<semaphore_mem>>) src(%dma_wait3A_150 : memref<10000x128xf32, #tpu.memory_space<hbm>>) dst(%arg17 : memref<40x128xf32, #tpu.memory_space<vmem>>)
        %dma_wait3A_151 = arith.constant 0 : i32
        %dma_wait3A_152 = arith.constant 0 : i32
        %dma_wait3A_153 = tpu.memref_slice %arg4[%dma_wait3A_151, %dma_wait3A_152] : memref<10000x128xf32, #tpu.memory_space<hbm>> -> memref<10000x128xf32, #tpu.memory_space<hbm>>
        tpu.wait_indirect_dma semaphore(%arg30 : memref<!tpu.dma_semaphore, #tpu.memory_space<semaphore_mem>>) src(%dma_wait3A_153 : memref<10000x128xf32, #tpu.memory_space<hbm>>) dst(%arg19 : memref<40x128xf32, #tpu.memory_space<vmem>>)
        %dma_wait3A_154 = arith.constant 0 : i32
        %dma_wait3A_155 = tpu.memref_slice %arg2[%mul3A_2, %dma_wait3A_154] : memref<320000x128xf32, #tpu.memory_space<hbm>> -> memref<40x128xf32, #tpu.memory_space<hbm>>
        %dma_wait3A_156 = arith.constant 0 : i32
        %dma_wait3A_157 = tpu.memref_slice %arg2[%mul3A_2, %dma_wait3A_156] : memref<320000x128xf32, #tpu.memory_space<hbm>> -> memref<40x128xf32, #tpu.memory_space<hbm>>
        tpu.wait_dma2 semaphore(%arg30 : memref<!tpu.dma_semaphore, #tpu.memory_space<semaphore_mem>>) src(%dma_wait3A_157 : memref<40x128xf32, #tpu.memory_space<hbm>>) dst(%arg21 : memref<40x128xf32, #tpu.memory_space<vmem>>)
      } else {
      }
      %lt3A_58 = arith.constant 250 : i32
      %lt3A_59 = arith.cmpi slt, %add3A_48, %lt3A_58 : i32
      %convert_element_type3A_60 = arith.extui %lt3A_59 : i1 to i32
      %cond3A_61 = arith.constant 0 : i32
      %cond3A_62 = arith.cmpi ne, %convert_element_type3A_60, %cond3A_61 : i32
      scf.if %cond3A_62 {
        %scan3A_148 = arith.constant 0 : i32
        %scan3A_149 = arith.constant 40 : i32
        %scan3A_150 = arith.addi %scan3A_148, %scan3A_149 : i32
        %scan3A_151 = arith.constant 1 : i32
        scf.for %scan3A_153 = %scan3A_148 to %scan3A_150 step %scan3A_151  : i32 {
          %mul3A_154 = arith.constant 1 : i32
          %mul3A_155 = arith.muli %scan3A_153, %mul3A_154 : i32
          %add3A_156 = arith.constant 0 : i32
          %add3A_157 = arith.addi %add3A_156, %mul3A_155 : i32
          %get3A = arith.index_cast %add3A_157 : i32 to index
          %get3A_158 = arith.constant 0 : index
          %get3A_159 = tpu.vector_load %arg17[%get3A, %get3A_158] {strides = array<i32>} : memref<40x128xf32, #tpu.memory_space<vmem>>, vector<1x16xf32>,
          %get3A_160 = vector.shape_cast %get3A_159 : vector<1x16xf32> to vector<16xf32>
          %get3A_161 = arith.index_cast %add3A_157 : i32 to index
          %get3A_162 = arith.constant 0 : index
          %get3A_163 = tpu.vector_load %arg19[%get3A_161, %get3A_162] {strides = array<i32>} : memref<40x128xf32, #tpu.memory_space<vmem>>, vector<1x16xf32>,
          %get3A_164 = vector.shape_cast %get3A_163 : vector<1x16xf32> to vector<16xf32>
          %add3A_165 = arith.addf %get3A_160, %get3A_164 : vector<16xf32>
          %get3A_166 = arith.index_cast %add3A_157 : i32 to index
          %get3A_167 = arith.constant 0 : index
          %get3A_168 = tpu.vector_load %arg21[%get3A_166, %get3A_167] {strides = array<i32>} : memref<40x128xf32, #tpu.memory_space<vmem>>, vector<1x16xf32>,
          %get3A_169 = vector.shape_cast %get3A_168 : vector<1x16xf32> to vector<16xf32>
          %add3A_170 = arith.addf %add3A_165, %get3A_169 : vector<16xf32>
          %max3A = arith.constant 0.000000e+00 : f32
          %max3A_171 = vector.broadcast %max3A : f32 to vector<16xf32>
          %max3A_172 = arith.maximumf %add3A_170, %max3A_171 : vector<16xf32>
          %swap3A = arith.index_cast %add3A_157 : i32 to index
          %swap3A_173 = arith.constant 0 : index
          %swap3A_174 = tpu.vector_load %arg23[%swap3A, %swap3A_173] {strides = array<i32>} : memref<40x128xf32, #tpu.memory_space<vmem>>, vector<1x16xf32>,
          %swap3A_175 = vector.shape_cast %swap3A_174 : vector<1x16xf32> to vector<16xf32>
          %swap3A_176 = vector.shape_cast %max3A_172 : vector<16xf32> to vector<1x16xf32>
          tpu.vector_store %arg23[%swap3A, %swap3A_173], %swap3A_176 {strides = array<i32>} : memref<40x128xf32, #tpu.memory_space<vmem>>, vector<1x16xf32>,
          %get3A_177 = arith.index_cast %add3A_157 : i32 to index
          %get3A_178 = arith.constant 16 : index
          %get3A_179 = tpu.vector_load %arg17[%get3A_177, %get3A_178] {strides = array<i32>} : memref<40x128xf32, #tpu.memory_space<vmem>>, vector<1x16xf32>,
          %get3A_180 = vector.shape_cast %get3A_179 : vector<1x16xf32> to vector<16xf32>
          %get3A_181 = arith.index_cast %add3A_157 : i32 to index
          %get3A_182 = arith.constant 16 : index
          %get3A_183 = tpu.vector_load %arg19[%get3A_181, %get3A_182] {strides = array<i32>} : memref<40x128xf32, #tpu.memory_space<vmem>>, vector<1x16xf32>,
          %get3A_184 = vector.shape_cast %get3A_183 : vector<1x16xf32> to vector<16xf32>
          %add3A_185 = arith.addf %get3A_180, %get3A_184 : vector<16xf32>
          %get3A_186 = arith.index_cast %add3A_157 : i32 to index
          %get3A_187 = arith.constant 16 : index
          %get3A_188 = tpu.vector_load %arg21[%get3A_186, %get3A_187] {strides = array<i32>} : memref<40x128xf32, #tpu.memory_space<vmem>>, vector<1x16xf32>,
          %get3A_189 = vector.shape_cast %get3A_188 : vector<1x16xf32> to vector<16xf32>
          %add3A_190 = arith.addf %add3A_185, %get3A_189 : vector<16xf32>
          %max3A_191 = arith.constant 0.000000e+00 : f32
          %max3A_192 = vector.broadcast %max3A_191 : f32 to vector<16xf32>
          %max3A_193 = arith.maximumf %add3A_190, %max3A_192 : vector<16xf32>
          %swap3A_194 = arith.index_cast %add3A_157 : i32 to index
          %swap3A_195 = arith.constant 16 : index
          %swap3A_196 = tpu.vector_load %arg23[%swap3A_194, %swap3A_195] {strides = array<i32>} : memref<40x128xf32, #tpu.memory_space<vmem>>, vector<1x16xf32>,
          %swap3A_197 = vector.shape_cast %swap3A_196 : vector<1x16xf32> to vector<16xf32>
          %swap3A_198 = vector.shape_cast %max3A_193 : vector<16xf32> to vector<1x16xf32>
          tpu.vector_store %arg23[%swap3A_194, %swap3A_195], %swap3A_198 {strides = array<i32>} : memref<40x128xf32, #tpu.memory_space<vmem>>, vector<1x16xf32>,
          %get3A_199 = arith.index_cast %add3A_157 : i32 to index
          %get3A_200 = arith.constant 32 : index
          %get3A_201 = tpu.vector_load %arg17[%get3A_199, %get3A_200] {strides = array<i32>} : memref<40x128xf32, #tpu.memory_space<vmem>>, vector<1x16xf32>,
          %get3A_202 = vector.shape_cast %get3A_201 : vector<1x16xf32> to vector<16xf32>
          %get3A_203 = arith.index_cast %add3A_157 : i32 to index
          %get3A_204 = arith.constant 32 : index
          %get3A_205 = tpu.vector_load %arg19[%get3A_203, %get3A_204] {strides = array<i32>} : memref<40x128xf32, #tpu.memory_space<vmem>>, vector<1x16xf32>,
          %get3A_206 = vector.shape_cast %get3A_205 : vector<1x16xf32> to vector<16xf32>
          %add3A_207 = arith.addf %get3A_202, %get3A_206 : vector<16xf32>
          %get3A_208 = arith.index_cast %add3A_157 : i32 to index
          %get3A_209 = arith.constant 32 : index
          %get3A_210 = tpu.vector_load %arg21[%get3A_208, %get3A_209] {strides = array<i32>} : memref<40x128xf32, #tpu.memory_space<vmem>>, vector<1x16xf32>,
          %get3A_211 = vector.shape_cast %get3A_210 : vector<1x16xf32> to vector<16xf32>
          %add3A_212 = arith.addf %add3A_207, %get3A_211 : vector<16xf32>
          %max3A_213 = arith.constant 0.000000e+00 : f32
          %max3A_214 = vector.broadcast %max3A_213 : f32 to vector<16xf32>
          %max3A_215 = arith.maximumf %add3A_212, %max3A_214 : vector<16xf32>
          %swap3A_216 = arith.index_cast %add3A_157 : i32 to index
          %swap3A_217 = arith.constant 32 : index
          %swap3A_218 = tpu.vector_load %arg23[%swap3A_216, %swap3A_217] {strides = array<i32>} : memref<40x128xf32, #tpu.memory_space<vmem>>, vector<1x16xf32>,
          %swap3A_219 = vector.shape_cast %swap3A_218 : vector<1x16xf32> to vector<16xf32>
          %swap3A_220 = vector.shape_cast %max3A_215 : vector<16xf32> to vector<1x16xf32>
          tpu.vector_store %arg23[%swap3A_216, %swap3A_217], %swap3A_220 {strides = array<i32>} : memref<40x128xf32, #tpu.memory_space<vmem>>, vector<1x16xf32>,
          %get3A_221 = arith.index_cast %add3A_157 : i32 to index
          %get3A_222 = arith.constant 48 : index
          %get3A_223 = tpu.vector_load %arg17[%get3A_221, %get3A_222] {strides = array<i32>} : memref<40x128xf32, #tpu.memory_space<vmem>>, vector<1x16xf32>,
          %get3A_224 = vector.shape_cast %get3A_223 : vector<1x16xf32> to vector<16xf32>
          %get3A_225 = arith.index_cast %add3A_157 : i32 to index
          %get3A_226 = arith.constant 48 : index
          %get3A_227 = tpu.vector_load %arg19[%get3A_225, %get3A_226] {strides = array<i32>} : memref<40x128xf32, #tpu.memory_space<vmem>>, vector<1x16xf32>,
          %get3A_228 = vector.shape_cast %get3A_227 : vector<1x16xf32> to vector<16xf32>
          %add3A_229 = arith.addf %get3A_224, %get3A_228 : vector<16xf32>
          %get3A_230 = arith.index_cast %add3A_157 : i32 to index
          %get3A_231 = arith.constant 48 : index
          %get3A_232 = tpu.vector_load %arg21[%get3A_230, %get3A_231] {strides = array<i32>} : memref<40x128xf32, #tpu.memory_space<vmem>>, vector<1x16xf32>,
          %get3A_233 = vector.shape_cast %get3A_232 : vector<1x16xf32> to vector<16xf32>
          %add3A_234 = arith.addf %add3A_229, %get3A_233 : vector<16xf32>
          %max3A_235 = arith.constant 0.000000e+00 : f32
          %max3A_236 = vector.broadcast %max3A_235 : f32 to vector<16xf32>
          %max3A_237 = arith.maximumf %add3A_234, %max3A_236 : vector<16xf32>
          %swap3A_238 = arith.index_cast %add3A_157 : i32 to index
          %swap3A_239 = arith.constant 48 : index
          %swap3A_240 = tpu.vector_load %arg23[%swap3A_238, %swap3A_239] {strides = array<i32>} : memref<40x128xf32, #tpu.memory_space<vmem>>, vector<1x16xf32>,
          %swap3A_241 = vector.shape_cast %swap3A_240 : vector<1x16xf32> to vector<16xf32>
          %swap3A_242 = vector.shape_cast %max3A_237 : vector<16xf32> to vector<1x16xf32>
          tpu.vector_store %arg23[%swap3A_238, %swap3A_239], %swap3A_242 {strides = array<i32>} : memref<40x128xf32, #tpu.memory_space<vmem>>, vector<1x16xf32>,
          %get3A_243 = arith.index_cast %add3A_157 : i32 to index
          %get3A_244 = arith.constant 64 : index
          %get3A_245 = tpu.vector_load %arg17[%get3A_243, %get3A_244] {strides = array<i32>} : memref<40x128xf32, #tpu.memory_space<vmem>>, vector<1x16xf32>,
          %get3A_246 = vector.shape_cast %get3A_245 : vector<1x16xf32> to vector<16xf32>
          %get3A_247 = arith.index_cast %add3A_157 : i32 to index
          %get3A_248 = arith.constant 64 : index
          %get3A_249 = tpu.vector_load %arg19[%get3A_247, %get3A_248] {strides = array<i32>} : memref<40x128xf32, #tpu.memory_space<vmem>>, vector<1x16xf32>,
          %get3A_250 = vector.shape_cast %get3A_249 : vector<1x16xf32> to vector<16xf32>
          %add3A_251 = arith.addf %get3A_246, %get3A_250 : vector<16xf32>
          %get3A_252 = arith.index_cast %add3A_157 : i32 to index
          %get3A_253 = arith.constant 64 : index
          %get3A_254 = tpu.vector_load %arg21[%get3A_252, %get3A_253] {strides = array<i32>} : memref<40x128xf32, #tpu.memory_space<vmem>>, vector<1x16xf32>,
          %get3A_255 = vector.shape_cast %get3A_254 : vector<1x16xf32> to vector<16xf32>
          %add3A_256 = arith.addf %add3A_251, %get3A_255 : vector<16xf32>
          %max3A_257 = arith.constant 0.000000e+00 : f32
          %max3A_258 = vector.broadcast %max3A_257 : f32 to vector<16xf32>
          %max3A_259 = arith.maximumf %add3A_256, %max3A_258 : vector<16xf32>
          %swap3A_260 = arith.index_cast %add3A_157 : i32 to index
          %swap3A_261 = arith.constant 64 : index
          %swap3A_262 = tpu.vector_load %arg23[%swap3A_260, %swap3A_261] {strides = array<i32>} : memref<40x128xf32, #tpu.memory_space<vmem>>, vector<1x16xf32>,
          %swap3A_263 = vector.shape_cast %swap3A_262 : vector<1x16xf32> to vector<16xf32>
          %swap3A_264 = vector.shape_cast %max3A_259 : vector<16xf32> to vector<1x16xf32>
          tpu.vector_store %arg23[%swap3A_260, %swap3A_261], %swap3A_264 {strides = array<i32>} : memref<40x128xf32, #tpu.memory_space<vmem>>, vector<1x16xf32>,
          %get3A_265 = arith.index_cast %add3A_157 : i32 to index
          %get3A_266 = arith.constant 80 : index
          %get3A_267 = tpu.vector_load %arg17[%get3A_265, %get3A_266] {strides = array<i32>} : memref<40x128xf32, #tpu.memory_space<vmem>>, vector<1x16xf32>,
          %get3A_268 = vector.shape_cast %get3A_267 : vector<1x16xf32> to vector<16xf32>
          %get3A_269 = arith.index_cast %add3A_157 : i32 to index
          %get3A_270 = arith.constant 80 : index
          %get3A_271 = tpu.vector_load %arg19[%get3A_269, %get3A_270] {strides = array<i32>} : memref<40x128xf32, #tpu.memory_space<vmem>>, vector<1x16xf32>,
          %get3A_272 = vector.shape_cast %get3A_271 : vector<1x16xf32> to vector<16xf32>
          %add3A_273 = arith.addf %get3A_268, %get3A_272 : vector<16xf32>
          %get3A_274 = arith.index_cast %add3A_157 : i32 to index
          %get3A_275 = arith.constant 80 : index
          %get3A_276 = tpu.vector_load %arg21[%get3A_274, %get3A_275] {strides = array<i32>} : memref<40x128xf32, #tpu.memory_space<vmem>>, vector<1x16xf32>,
          %get3A_277 = vector.shape_cast %get3A_276 : vector<1x16xf32> to vector<16xf32>
          %add3A_278 = arith.addf %add3A_273, %get3A_277 : vector<16xf32>
          %max3A_279 = arith.constant 0.000000e+00 : f32
          %max3A_280 = vector.broadcast %max3A_279 : f32 to vector<16xf32>
          %max3A_281 = arith.maximumf %add3A_278, %max3A_280 : vector<16xf32>
          %swap3A_282 = arith.index_cast %add3A_157 : i32 to index
          %swap3A_283 = arith.constant 80 : index
          %swap3A_284 = tpu.vector_load %arg23[%swap3A_282, %swap3A_283] {strides = array<i32>} : memref<40x128xf32, #tpu.memory_space<vmem>>, vector<1x16xf32>,
          %swap3A_285 = vector.shape_cast %swap3A_284 : vector<1x16xf32> to vector<16xf32>
          %swap3A_286 = vector.shape_cast %max3A_281 : vector<16xf32> to vector<1x16xf32>
          tpu.vector_store %arg23[%swap3A_282, %swap3A_283], %swap3A_286 {strides = array<i32>} : memref<40x128xf32, #tpu.memory_space<vmem>>, vector<1x16xf32>,
          %get3A_287 = arith.index_cast %add3A_157 : i32 to index
          %get3A_288 = arith.constant 96 : index
          %get3A_289 = tpu.vector_load %arg17[%get3A_287, %get3A_288] {strides = array<i32>} : memref<40x128xf32, #tpu.memory_space<vmem>>, vector<1x16xf32>,
          %get3A_290 = vector.shape_cast %get3A_289 : vector<1x16xf32> to vector<16xf32>
          %get3A_291 = arith.index_cast %add3A_157 : i32 to index
          %get3A_292 = arith.constant 96 : index
          %get3A_293 = tpu.vector_load %arg19[%get3A_291, %get3A_292] {strides = array<i32>} : memref<40x128xf32, #tpu.memory_space<vmem>>, vector<1x16xf32>,
          %get3A_294 = vector.shape_cast %get3A_293 : vector<1x16xf32> to vector<16xf32>
          %add3A_295 = arith.addf %get3A_290, %get3A_294 : vector<16xf32>
          %get3A_296 = arith.index_cast %add3A_157 : i32 to index
          %get3A_297 = arith.constant 96 : index
          %get3A_298 = tpu.vector_load %arg21[%get3A_296, %get3A_297] {strides = array<i32>} : memref<40x128xf32, #tpu.memory_space<vmem>>, vector<1x16xf32>,
          %get3A_299 = vector.shape_cast %get3A_298 : vector<1x16xf32> to vector<16xf32>
          %add3A_300 = arith.addf %add3A_295, %get3A_299 : vector<16xf32>
          %max3A_301 = arith.constant 0.000000e+00 : f32
          %max3A_302 = vector.broadcast %max3A_301 : f32 to vector<16xf32>
          %max3A_303 = arith.maximumf %add3A_300, %max3A_302 : vector<16xf32>
          %swap3A_304 = arith.index_cast %add3A_157 : i32 to index
          %swap3A_305 = arith.constant 96 : index
          %swap3A_306 = tpu.vector_load %arg23[%swap3A_304, %swap3A_305] {strides = array<i32>} : memref<40x128xf32, #tpu.memory_space<vmem>>, vector<1x16xf32>,
          %swap3A_307 = vector.shape_cast %swap3A_306 : vector<1x16xf32> to vector<16xf32>
          %swap3A_308 = vector.shape_cast %max3A_303 : vector<16xf32> to vector<1x16xf32>
          tpu.vector_store %arg23[%swap3A_304, %swap3A_305], %swap3A_308 {strides = array<i32>} : memref<40x128xf32, #tpu.memory_space<vmem>>, vector<1x16xf32>,
          %get3A_309 = arith.index_cast %add3A_157 : i32 to index
          %get3A_310 = arith.constant 112 : index
          %get3A_311 = tpu.vector_load %arg17[%get3A_309, %get3A_310] {strides = array<i32>} : memref<40x128xf32, #tpu.memory_space<vmem>>, vector<1x16xf32>,
          %get3A_312 = vector.shape_cast %get3A_311 : vector<1x16xf32> to vector<16xf32>
          %get3A_313 = arith.index_cast %add3A_157 : i32 to index
          %get3A_314 = arith.constant 112 : index
          %get3A_315 = tpu.vector_load %arg19[%get3A_313, %get3A_314] {strides = array<i32>} : memref<40x128xf32, #tpu.memory_space<vmem>>, vector<1x16xf32>,
          %get3A_316 = vector.shape_cast %get3A_315 : vector<1x16xf32> to vector<16xf32>
          %add3A_317 = arith.addf %get3A_312, %get3A_316 : vector<16xf32>
          %get3A_318 = arith.index_cast %add3A_157 : i32 to index
          %get3A_319 = arith.constant 112 : index
          %get3A_320 = tpu.vector_load %arg21[%get3A_318, %get3A_319] {strides = array<i32>} : memref<40x128xf32, #tpu.memory_space<vmem>>, vector<1x16xf32>,
          %get3A_321 = vector.shape_cast %get3A_320 : vector<1x16xf32> to vector<16xf32>
          %add3A_322 = arith.addf %add3A_317, %get3A_321 : vector<16xf32>
          %max3A_323 = arith.constant 0.000000e+00 : f32
          %max3A_324 = vector.broadcast %max3A_323 : f32 to vector<16xf32>
          %max3A_325 = arith.maximumf %add3A_322, %max3A_324 : vector<16xf32>
          %swap3A_326 = arith.index_cast %add3A_157 : i32 to index
          %swap3A_327 = arith.constant 112 : index
          %swap3A_328 = tpu.vector_load %arg23[%swap3A_326, %swap3A_327] {strides = array<i32>} : memref<40x128xf32, #tpu.memory_space<vmem>>, vector<1x16xf32>,
          %swap3A_329 = vector.shape_cast %swap3A_328 : vector<1x16xf32> to vector<16xf32>
          %swap3A_330 = vector.shape_cast %max3A_325 : vector<16xf32> to vector<1x16xf32>
          tpu.vector_store %arg23[%swap3A_326, %swap3A_327], %swap3A_330 {strides = array<i32>} : memref<40x128xf32, #tpu.memory_space<vmem>>, vector<1x16xf32>,
        }
        %scan3A_152 = arith.constant 40 : i32
        "tpu.region"() ({
          %run_scoped3A = tpu.sem_alloc : memref<!tpu.dma_semaphore, #tpu.memory_space<semaphore_mem>>
          %dma_start3A_153 = arith.constant 0 : i32
          %dma_start3A_154 = arith.constant 0 : i32
          %dma_start3A_155 = tpu.memref_slice %arg25[%dma_start3A_153, %dma_start3A_154] : memref<10112x128xf32, #tpu.memory_space<vmem_shared>> -> memref<10112x128xf32, #tpu.memory_space<vmem_shared>>
          tpu.enqueue_indirect_dma source(%arg23 : memref<40x128xf32, #tpu.memory_space<vmem>>) target(%dma_start3A_155 : memref<10112x128xf32, #tpu.memory_space<vmem_shared>>) offsets(%arg9 : memref<40xi32, #tpu.memory_space<vmem>>) semaphore(%run_scoped3A : memref<!tpu.dma_semaphore, #tpu.memory_space<semaphore_mem>>) {add = true}
          %dma_wait3A_156 = arith.constant 0 : i32
          %dma_wait3A_157 = arith.constant 0 : i32
          %dma_wait3A_158 = tpu.memref_slice %arg25[%dma_wait3A_156, %dma_wait3A_157] : memref<10112x128xf32, #tpu.memory_space<vmem_shared>> -> memref<10112x128xf32, #tpu.memory_space<vmem_shared>>
          tpu.wait_indirect_dma semaphore(%run_scoped3A : memref<!tpu.dma_semaphore, #tpu.memory_space<semaphore_mem>>) src(%arg23 : memref<40x128xf32, #tpu.memory_space<vmem>>) dst(%dma_wait3A_158 : memref<10112x128xf32, #tpu.memory_space<vmem_shared>>)
          tpu.yield
        }) : () -> ()
      } else {
      }
      %add3A_63 = arith.constant 2 : i32
      %add3A_64 = arith.addi %add3A_48, %add3A_63 : i32
      %lt3A_65 = arith.constant 250 : i32
      %lt3A_66 = arith.cmpi slt, %add3A_64, %lt3A_65 : i32
      %convert_element_type3A_67 = arith.extui %lt3A_66 : i1 to i32
      %cond3A_68 = arith.constant 0 : i32
      %cond3A_69 = arith.cmpi ne, %convert_element_type3A_67, %cond3A_68 : i32
      scf.if %cond3A_69 {
        %add3A_148 = arith.constant 2 : i32
        %add3A_149 = arith.addi %add3A_48, %add3A_148 : i32
        %mul3A_150 = arith.constant 40 : i32
        %mul3A_151 = arith.muli %add3A_149, %mul3A_150 : i32
        %add3A_152 = arith.addi %mul3A_2, %mul3A_151 : i32
        %dma_start3A_153 = tpu.memref_slice %arg5[%add3A_152] : memref<320000xi32, #tpu.memory_space<hbm>> -> memref<40xi32, #tpu.memory_space<hbm>>
        %dma_start3A_154 = tpu.memref_slice %arg5[%add3A_152] : memref<320000xi32, #tpu.memory_space<hbm>> -> memref<40xi32, #tpu.memory_space<hbm>>
        tpu.enqueue_dma source(%dma_start3A_154 : memref<40xi32, #tpu.memory_space<hbm>>) target(%arg11 : memref<40xi32, #tpu.memory_space<vmem>>) target_semaphore(%arg28 : memref<!tpu.dma_semaphore, #tpu.memory_space<semaphore_mem>>)
        %dma_start3A_155 = tpu.memref_slice %arg6[%add3A_152] : memref<320000xi32, #tpu.memory_space<hbm>> -> memref<40xi32, #tpu.memory_space<hbm>>
        %dma_start3A_156 = tpu.memref_slice %arg6[%add3A_152] : memref<320000xi32, #tpu.memory_space<hbm>> -> memref<40xi32, #tpu.memory_space<hbm>>
        tpu.enqueue_dma source(%dma_start3A_156 : memref<40xi32, #tpu.memory_space<hbm>>) target(%arg15 : memref<40xi32, #tpu.memory_space<vmem>>) target_semaphore(%arg28 : memref<!tpu.dma_semaphore, #tpu.memory_space<semaphore_mem>>)
      } else {
      }
      %add3A_70 = arith.constant 1 : i32
      %add3A_71 = arith.addi %add3A_46, %add3A_70 : i32
      %add3A_72 = arith.constant 1 : i32
      %add3A_73 = arith.addi %add3A_71, %add3A_72 : i32
      %lt3A_74 = arith.constant 250 : i32
      %lt3A_75 = arith.cmpi slt, %add3A_73, %lt3A_74 : i32
      %convert_element_type3A_76 = arith.extui %lt3A_75 : i1 to i32
      %cond3A_77 = arith.constant 0 : i32
      %cond3A_78 = arith.cmpi ne, %convert_element_type3A_76, %cond3A_77 : i32
      scf.if %cond3A_78 {
        %dma_wait3A_148 = tpu.memref_slice %arg5[%mul3A_2] : memref<320000xi32, #tpu.memory_space<hbm>> -> memref<40xi32, #tpu.memory_space<hbm>>
        %dma_wait3A_149 = tpu.memref_slice %arg5[%mul3A_2] : memref<320000xi32, #tpu.memory_space<hbm>> -> memref<40xi32, #tpu.memory_space<hbm>>
        tpu.wait_dma2 semaphore(%arg28 : memref<!tpu.dma_semaphore, #tpu.memory_space<semaphore_mem>>) src(%dma_wait3A_149 : memref<40xi32, #tpu.memory_space<hbm>>) dst(%arg11 : memref<40xi32, #tpu.memory_space<vmem>>)
        %dma_wait3A_150 = tpu.memref_slice %arg6[%mul3A_2] : memref<320000xi32, #tpu.memory_space<hbm>> -> memref<40xi32, #tpu.memory_space<hbm>>
        %dma_wait3A_151 = tpu.memref_slice %arg6[%mul3A_2] : memref<320000xi32, #tpu.memory_space<hbm>> -> memref<40xi32, #tpu.memory_space<hbm>>
        tpu.wait_dma2 semaphore(%arg28 : memref<!tpu.dma_semaphore, #tpu.memory_space<semaphore_mem>>) src(%dma_wait3A_151 : memref<40xi32, #tpu.memory_space<hbm>>) dst(%arg15 : memref<40xi32, #tpu.memory_space<vmem>>)
        %add3A_152 = arith.constant 1 : i32
        %add3A_153 = arith.addi %add3A_71, %add3A_152 : i32
        %dma_start3A_154 = arith.constant 0 : i32
        %dma_start3A_155 = arith.constant 0 : i32
        %dma_start3A_156 = tpu.memref_slice %arg3[%dma_start3A_154, %dma_start3A_155] : memref<10000x128xf32, #tpu.memory_space<hbm>> -> memref<10000x128xf32, #tpu.memory_space<hbm>>
        tpu.enqueue_indirect_dma source(%dma_start3A_156 : memref<10000x128xf32, #tpu.memory_space<hbm>>) target(%arg17 : memref<40x128xf32, #tpu.memory_space<vmem>>) offsets(%arg11 : memref<40xi32, #tpu.memory_space<vmem>>) semaphore(%arg30 : memref<!tpu.dma_semaphore, #tpu.memory_space<semaphore_mem>>)
        %dma_start3A_157 = arith.constant 0 : i32
        %dma_start3A_158 = arith.constant 0 : i32
        %dma_start3A_159 = tpu.memref_slice %arg4[%dma_start3A_157, %dma_start3A_158] : memref<10000x128xf32, #tpu.memory_space<hbm>> -> memref<10000x128xf32, #tpu.memory_space<hbm>>
        tpu.enqueue_indirect_dma source(%dma_start3A_159 : memref<10000x128xf32, #tpu.memory_space<hbm>>) target(%arg19 : memref<40x128xf32, #tpu.memory_space<vmem>>) offsets(%arg15 : memref<40xi32, #tpu.memory_space<vmem>>) semaphore(%arg30 : memref<!tpu.dma_semaphore, #tpu.memory_space<semaphore_mem>>)
        %mul3A_160 = arith.constant 40 : i32
        %mul3A_161 = arith.muli %add3A_153, %mul3A_160 : i32
        %add3A_162 = arith.addi %mul3A_2, %mul3A_161 : i32
        %dma_start3A_163 = arith.constant 0 : i32
        %dma_start3A_164 = tpu.memref_slice %arg2[%add3A_162, %dma_start3A_163] : memref<320000x128xf32, #tpu.memory_space<hbm>> -> memref<40x128xf32, #tpu.memory_space<hbm>>
        %dma_start3A_165 = arith.constant 0 : i32
        %dma_start3A_166 = tpu.memref_slice %arg2[%add3A_162, %dma_start3A_165] : memref<320000x128xf32, #tpu.memory_space<hbm>> -> memref<40x128xf32, #tpu.memory_space<hbm>>
        tpu.enqueue_dma source(%dma_start3A_166 : memref<40x128xf32, #tpu.memory_space<hbm>>) target(%arg21 : memref<40x128xf32, #tpu.memory_space<vmem>>) target_semaphore(%arg30 : memref<!tpu.dma_semaphore, #tpu.memory_space<semaphore_mem>>)
      } else {
      }
      %lt3A_79 = arith.constant 250 : i32
      %lt3A_80 = arith.cmpi slt, %add3A_71, %lt3A_79 : i32
      %convert_element_type3A_81 = arith.extui %lt3A_80 : i1 to i32
      %cond3A_82 = arith.constant 0 : i32
      %cond3A_83 = arith.cmpi ne, %convert_element_type3A_81, %cond3A_82 : i32
      scf.if %cond3A_83 {
        %dma_wait3A_148 = arith.constant 0 : i32
        %dma_wait3A_149 = arith.constant 0 : i32
        %dma_wait3A_150 = tpu.memref_slice %arg3[%dma_wait3A_148, %dma_wait3A_149] : memref<10000x128xf32, #tpu.memory_space<hbm>> -> memref<10000x128xf32, #tpu.memory_space<hbm>>
        tpu.wait_indirect_dma semaphore(%arg31 : memref<!tpu.dma_semaphore, #tpu.memory_space<semaphore_mem>>) src(%dma_wait3A_150 : memref<10000x128xf32, #tpu.memory_space<hbm>>) dst(%arg18 : memref<40x128xf32, #tpu.memory_space<vmem>>)
        %dma_wait3A_151 = arith.constant 0 : i32
        %dma_wait3A_152 = arith.constant 0 : i32
        %dma_wait3A_153 = tpu.memref_slice %arg4[%dma_wait3A_151, %dma_wait3A_152] : memref<10000x128xf32, #tpu.memory_space<hbm>> -> memref<10000x128xf32, #tpu.memory_space<hbm>>
        tpu.wait_indirect_dma semaphore(%arg31 : memref<!tpu.dma_semaphore, #tpu.memory_space<semaphore_mem>>) src(%dma_wait3A_153 : memref<10000x128xf32, #tpu.memory_space<hbm>>) dst(%arg20 : memref<40x128xf32, #tpu.memory_space<vmem>>)
        %dma_wait3A_154 = arith.constant 0 : i32
        %dma_wait3A_155 = tpu.memref_slice %arg2[%mul3A_2, %dma_wait3A_154] : memref<320000x128xf32, #tpu.memory_space<hbm>> -> memref<40x128xf32, #tpu.memory_space<hbm>>
        %dma_wait3A_156 = arith.constant 0 : i32
        %dma_wait3A_157 = tpu.memref_slice %arg2[%mul3A_2, %dma_wait3A_156] : memref<320000x128xf32, #tpu.memory_space<hbm>> -> memref<40x128xf32, #tpu.memory_space<hbm>>
        tpu.wait_dma2 semaphore(%arg31 : memref<!tpu.dma_semaphore, #tpu.memory_space<semaphore_mem>>) src(%dma_wait3A_157 : memref<40x128xf32, #tpu.memory_space<hbm>>) dst(%arg22 : memref<40x128xf32, #tpu.memory_space<vmem>>)
      } else {
      }
      %lt3A_84 = arith.constant 250 : i32
      %lt3A_85 = arith.cmpi slt, %add3A_71, %lt3A_84 : i32
      %convert_element_type3A_86 = arith.extui %lt3A_85 : i1 to i32
      %cond3A_87 = arith.constant 0 : i32
      %cond3A_88 = arith.cmpi ne, %convert_element_type3A_86, %cond3A_87 : i32
      scf.if %cond3A_88 {
        %scan3A_148 = arith.constant 0 : i32
        %scan3A_149 = arith.constant 40 : i32
        %scan3A_150 = arith.addi %scan3A_148, %scan3A_149 : i32
        %scan3A_151 = arith.constant 1 : i32
        scf.for %scan3A_153 = %scan3A_148 to %scan3A_150 step %scan3A_151  : i32 {
          %mul3A_154 = arith.constant 1 : i32
          %mul3A_155 = arith.muli %scan3A_153, %mul3A_154 : i32
          %add3A_156 = arith.constant 0 : i32
          %add3A_157 = arith.addi %add3A_156, %mul3A_155 : i32
          %get3A = arith.index_cast %add3A_157 : i32 to index
          %get3A_158 = arith.constant 0 : index
          %get3A_159 = tpu.vector_load %arg18[%get3A, %get3A_158] {strides = array<i32>} : memref<40x128xf32, #tpu.memory_space<vmem>>, vector<1x16xf32>,
          %get3A_160 = vector.shape_cast %get3A_159 : vector<1x16xf32> to vector<16xf32>
          %get3A_161 = arith.index_cast %add3A_157 : i32 to index
          %get3A_162 = arith.constant 0 : index
          %get3A_163 = tpu.vector_load %arg20[%get3A_161, %get3A_162] {strides = array<i32>} : memref<40x128xf32, #tpu.memory_space<vmem>>, vector<1x16xf32>,
          %get3A_164 = vector.shape_cast %get3A_163 : vector<1x16xf32> to vector<16xf32>
          %add3A_165 = arith.addf %get3A_160, %get3A_164 : vector<16xf32>
          %get3A_166 = arith.index_cast %add3A_157 : i32 to index
          %get3A_167 = arith.constant 0 : index
          %get3A_168 = tpu.vector_load %arg22[%get3A_166, %get3A_167] {strides = array<i32>} : memref<40x128xf32, #tpu.memory_space<vmem>>, vector<1x16xf32>,
          %get3A_169 = vector.shape_cast %get3A_168 : vector<1x16xf32> to vector<16xf32>
          %add3A_170 = arith.addf %add3A_165, %get3A_169 : vector<16xf32>
          %max3A = arith.constant 0.000000e+00 : f32
          %max3A_171 = vector.broadcast %max3A : f32 to vector<16xf32>
          %max3A_172 = arith.maximumf %add3A_170, %max3A_171 : vector<16xf32>
          %swap3A = arith.index_cast %add3A_157 : i32 to index
          %swap3A_173 = arith.constant 0 : index
          %swap3A_174 = tpu.vector_load %arg24[%swap3A, %swap3A_173] {strides = array<i32>} : memref<40x128xf32, #tpu.memory_space<vmem>>, vector<1x16xf32>,
          %swap3A_175 = vector.shape_cast %swap3A_174 : vector<1x16xf32> to vector<16xf32>
          %swap3A_176 = vector.shape_cast %max3A_172 : vector<16xf32> to vector<1x16xf32>
          tpu.vector_store %arg24[%swap3A, %swap3A_173], %swap3A_176 {strides = array<i32>} : memref<40x128xf32, #tpu.memory_space<vmem>>, vector<1x16xf32>,
          %get3A_177 = arith.index_cast %add3A_157 : i32 to index
          %get3A_178 = arith.constant 16 : index
          %get3A_179 = tpu.vector_load %arg18[%get3A_177, %get3A_178] {strides = array<i32>} : memref<40x128xf32, #tpu.memory_space<vmem>>, vector<1x16xf32>,
          %get3A_180 = vector.shape_cast %get3A_179 : vector<1x16xf32> to vector<16xf32>
          %get3A_181 = arith.index_cast %add3A_157 : i32 to index
          %get3A_182 = arith.constant 16 : index
          %get3A_183 = tpu.vector_load %arg20[%get3A_181, %get3A_182] {strides = array<i32>} : memref<40x128xf32, #tpu.memory_space<vmem>>, vector<1x16xf32>,
          %get3A_184 = vector.shape_cast %get3A_183 : vector<1x16xf32> to vector<16xf32>
          %add3A_185 = arith.addf %get3A_180, %get3A_184 : vector<16xf32>
          %get3A_186 = arith.index_cast %add3A_157 : i32 to index
          %get3A_187 = arith.constant 16 : index
          %get3A_188 = tpu.vector_load %arg22[%get3A_186, %get3A_187] {strides = array<i32>} : memref<40x128xf32, #tpu.memory_space<vmem>>, vector<1x16xf32>,
          %get3A_189 = vector.shape_cast %get3A_188 : vector<1x16xf32> to vector<16xf32>
          %add3A_190 = arith.addf %add3A_185, %get3A_189 : vector<16xf32>
          %max3A_191 = arith.constant 0.000000e+00 : f32
          %max3A_192 = vector.broadcast %max3A_191 : f32 to vector<16xf32>
          %max3A_193 = arith.maximumf %add3A_190, %max3A_192 : vector<16xf32>
          %swap3A_194 = arith.index_cast %add3A_157 : i32 to index
          %swap3A_195 = arith.constant 16 : index
          %swap3A_196 = tpu.vector_load %arg24[%swap3A_194, %swap3A_195] {strides = array<i32>} : memref<40x128xf32, #tpu.memory_space<vmem>>, vector<1x16xf32>,
          %swap3A_197 = vector.shape_cast %swap3A_196 : vector<1x16xf32> to vector<16xf32>
          %swap3A_198 = vector.shape_cast %max3A_193 : vector<16xf32> to vector<1x16xf32>
          tpu.vector_store %arg24[%swap3A_194, %swap3A_195], %swap3A_198 {strides = array<i32>} : memref<40x128xf32, #tpu.memory_space<vmem>>, vector<1x16xf32>,
          %get3A_199 = arith.index_cast %add3A_157 : i32 to index
          %get3A_200 = arith.constant 32 : index
          %get3A_201 = tpu.vector_load %arg18[%get3A_199, %get3A_200] {strides = array<i32>} : memref<40x128xf32, #tpu.memory_space<vmem>>, vector<1x16xf32>,
          %get3A_202 = vector.shape_cast %get3A_201 : vector<1x16xf32> to vector<16xf32>
          %get3A_203 = arith.index_cast %add3A_157 : i32 to index
          %get3A_204 = arith.constant 32 : index
          %get3A_205 = tpu.vector_load %arg20[%get3A_203, %get3A_204] {strides = array<i32>} : memref<40x128xf32, #tpu.memory_space<vmem>>, vector<1x16xf32>,
          %get3A_206 = vector.shape_cast %get3A_205 : vector<1x16xf32> to vector<16xf32>
          %add3A_207 = arith.addf %get3A_202, %get3A_206 : vector<16xf32>
          %get3A_208 = arith.index_cast %add3A_157 : i32 to index
          %get3A_209 = arith.constant 32 : index
          %get3A_210 = tpu.vector_load %arg22[%get3A_208, %get3A_209] {strides = array<i32>} : memref<40x128xf32, #tpu.memory_space<vmem>>, vector<1x16xf32>,
          %get3A_211 = vector.shape_cast %get3A_210 : vector<1x16xf32> to vector<16xf32>
          %add3A_212 = arith.addf %add3A_207, %get3A_211 : vector<16xf32>
          %max3A_213 = arith.constant 0.000000e+00 : f32
          %max3A_214 = vector.broadcast %max3A_213 : f32 to vector<16xf32>
          %max3A_215 = arith.maximumf %add3A_212, %max3A_214 : vector<16xf32>
          %swap3A_216 = arith.index_cast %add3A_157 : i32 to index
          %swap3A_217 = arith.constant 32 : index
          %swap3A_218 = tpu.vector_load %arg24[%swap3A_216, %swap3A_217] {strides = array<i32>} : memref<40x128xf32, #tpu.memory_space<vmem>>, vector<1x16xf32>,
          %swap3A_219 = vector.shape_cast %swap3A_218 : vector<1x16xf32> to vector<16xf32>
          %swap3A_220 = vector.shape_cast %max3A_215 : vector<16xf32> to vector<1x16xf32>
          tpu.vector_store %arg24[%swap3A_216, %swap3A_217], %swap3A_220 {strides = array<i32>} : memref<40x128xf32, #tpu.memory_space<vmem>>, vector<1x16xf32>,
          %get3A_221 = arith.index_cast %add3A_157 : i32 to index
          %get3A_222 = arith.constant 48 : index
          %get3A_223 = tpu.vector_load %arg18[%get3A_221, %get3A_222] {strides = array<i32>} : memref<40x128xf32, #tpu.memory_space<vmem>>, vector<1x16xf32>,
          %get3A_224 = vector.shape_cast %get3A_223 : vector<1x16xf32> to vector<16xf32>
          %get3A_225 = arith.index_cast %add3A_157 : i32 to index
          %get3A_226 = arith.constant 48 : index
          %get3A_227 = tpu.vector_load %arg20[%get3A_225, %get3A_226] {strides = array<i32>} : memref<40x128xf32, #tpu.memory_space<vmem>>, vector<1x16xf32>,
          %get3A_228 = vector.shape_cast %get3A_227 : vector<1x16xf32> to vector<16xf32>
          %add3A_229 = arith.addf %get3A_224, %get3A_228 : vector<16xf32>
          %get3A_230 = arith.index_cast %add3A_157 : i32 to index
          %get3A_231 = arith.constant 48 : index
          %get3A_232 = tpu.vector_load %arg22[%get3A_230, %get3A_231] {strides = array<i32>} : memref<40x128xf32, #tpu.memory_space<vmem>>, vector<1x16xf32>,
          %get3A_233 = vector.shape_cast %get3A_232 : vector<1x16xf32> to vector<16xf32>
          %add3A_234 = arith.addf %add3A_229, %get3A_233 : vector<16xf32>
          %max3A_235 = arith.constant 0.000000e+00 : f32
          %max3A_236 = vector.broadcast %max3A_235 : f32 to vector<16xf32>
          %max3A_237 = arith.maximumf %add3A_234, %max3A_236 : vector<16xf32>
          %swap3A_238 = arith.index_cast %add3A_157 : i32 to index
          %swap3A_239 = arith.constant 48 : index
          %swap3A_240 = tpu.vector_load %arg24[%swap3A_238, %swap3A_239] {strides = array<i32>} : memref<40x128xf32, #tpu.memory_space<vmem>>, vector<1x16xf32>,
          %swap3A_241 = vector.shape_cast %swap3A_240 : vector<1x16xf32> to vector<16xf32>
          %swap3A_242 = vector.shape_cast %max3A_237 : vector<16xf32> to vector<1x16xf32>
          tpu.vector_store %arg24[%swap3A_238, %swap3A_239], %swap3A_242 {strides = array<i32>} : memref<40x128xf32, #tpu.memory_space<vmem>>, vector<1x16xf32>,
          %get3A_243 = arith.index_cast %add3A_157 : i32 to index
          %get3A_244 = arith.constant 64 : index
          %get3A_245 = tpu.vector_load %arg18[%get3A_243, %get3A_244] {strides = array<i32>} : memref<40x128xf32, #tpu.memory_space<vmem>>, vector<1x16xf32>,
          %get3A_246 = vector.shape_cast %get3A_245 : vector<1x16xf32> to vector<16xf32>
          %get3A_247 = arith.index_cast %add3A_157 : i32 to index
          %get3A_248 = arith.constant 64 : index
          %get3A_249 = tpu.vector_load %arg20[%get3A_247, %get3A_248] {strides = array<i32>} : memref<40x128xf32, #tpu.memory_space<vmem>>, vector<1x16xf32>,
          %get3A_250 = vector.shape_cast %get3A_249 : vector<1x16xf32> to vector<16xf32>
          %add3A_251 = arith.addf %get3A_246, %get3A_250 : vector<16xf32>
          %get3A_252 = arith.index_cast %add3A_157 : i32 to index
          %get3A_253 = arith.constant 64 : index
          %get3A_254 = tpu.vector_load %arg22[%get3A_252, %get3A_253] {strides = array<i32>} : memref<40x128xf32, #tpu.memory_space<vmem>>, vector<1x16xf32>,
          %get3A_255 = vector.shape_cast %get3A_254 : vector<1x16xf32> to vector<16xf32>
          %add3A_256 = arith.addf %add3A_251, %get3A_255 : vector<16xf32>
          %max3A_257 = arith.constant 0.000000e+00 : f32
          %max3A_258 = vector.broadcast %max3A_257 : f32 to vector<16xf32>
          %max3A_259 = arith.maximumf %add3A_256, %max3A_258 : vector<16xf32>
          %swap3A_260 = arith.index_cast %add3A_157 : i32 to index
          %swap3A_261 = arith.constant 64 : index
          %swap3A_262 = tpu.vector_load %arg24[%swap3A_260, %swap3A_261] {strides = array<i32>} : memref<40x128xf32, #tpu.memory_space<vmem>>, vector<1x16xf32>,
          %swap3A_263 = vector.shape_cast %swap3A_262 : vector<1x16xf32> to vector<16xf32>
          %swap3A_264 = vector.shape_cast %max3A_259 : vector<16xf32> to vector<1x16xf32>
          tpu.vector_store %arg24[%swap3A_260, %swap3A_261], %swap3A_264 {strides = array<i32>} : memref<40x128xf32, #tpu.memory_space<vmem>>, vector<1x16xf32>,
          %get3A_265 = arith.index_cast %add3A_157 : i32 to index
          %get3A_266 = arith.constant 80 : index
          %get3A_267 = tpu.vector_load %arg18[%get3A_265, %get3A_266] {strides = array<i32>} : memref<40x128xf32, #tpu.memory_space<vmem>>, vector<1x16xf32>,
          %get3A_268 = vector.shape_cast %get3A_267 : vector<1x16xf32> to vector<16xf32>
          %get3A_269 = arith.index_cast %add3A_157 : i32 to index
          %get3A_270 = arith.constant 80 : index
          %get3A_271 = tpu.vector_load %arg20[%get3A_269, %get3A_270] {strides = array<i32>} : memref<40x128xf32, #tpu.memory_space<vmem>>, vector<1x16xf32>,
          %get3A_272 = vector.shape_cast %get3A_271 : vector<1x16xf32> to vector<16xf32>
          %add3A_273 = arith.addf %get3A_268, %get3A_272 : vector<16xf32>
          %get3A_274 = arith.index_cast %add3A_157 : i32 to index
          %get3A_275 = arith.constant 80 : index
          %get3A_276 = tpu.vector_load %arg22[%get3A_274, %get3A_275] {strides = array<i32>} : memref<40x128xf32, #tpu.memory_space<vmem>>, vector<1x16xf32>,
          %get3A_277 = vector.shape_cast %get3A_276 : vector<1x16xf32> to vector<16xf32>
          %add3A_278 = arith.addf %add3A_273, %get3A_277 : vector<16xf32>
          %max3A_279 = arith.constant 0.000000e+00 : f32
          %max3A_280 = vector.broadcast %max3A_279 : f32 to vector<16xf32>
          %max3A_281 = arith.maximumf %add3A_278, %max3A_280 : vector<16xf32>
          %swap3A_282 = arith.index_cast %add3A_157 : i32 to index
          %swap3A_283 = arith.constant 80 : index
          %swap3A_284 = tpu.vector_load %arg24[%swap3A_282, %swap3A_283] {strides = array<i32>} : memref<40x128xf32, #tpu.memory_space<vmem>>, vector<1x16xf32>,
          %swap3A_285 = vector.shape_cast %swap3A_284 : vector<1x16xf32> to vector<16xf32>
          %swap3A_286 = vector.shape_cast %max3A_281 : vector<16xf32> to vector<1x16xf32>
          tpu.vector_store %arg24[%swap3A_282, %swap3A_283], %swap3A_286 {strides = array<i32>} : memref<40x128xf32, #tpu.memory_space<vmem>>, vector<1x16xf32>,
          %get3A_287 = arith.index_cast %add3A_157 : i32 to index
          %get3A_288 = arith.constant 96 : index
          %get3A_289 = tpu.vector_load %arg18[%get3A_287, %get3A_288] {strides = array<i32>} : memref<40x128xf32, #tpu.memory_space<vmem>>, vector<1x16xf32>,
          %get3A_290 = vector.shape_cast %get3A_289 : vector<1x16xf32> to vector<16xf32>
          %get3A_291 = arith.index_cast %add3A_157 : i32 to index
          %get3A_292 = arith.constant 96 : index
          %get3A_293 = tpu.vector_load %arg20[%get3A_291, %get3A_292] {strides = array<i32>} : memref<40x128xf32, #tpu.memory_space<vmem>>, vector<1x16xf32>,
          %get3A_294 = vector.shape_cast %get3A_293 : vector<1x16xf32> to vector<16xf32>
          %add3A_295 = arith.addf %get3A_290, %get3A_294 : vector<16xf32>
          %get3A_296 = arith.index_cast %add3A_157 : i32 to index
          %get3A_297 = arith.constant 96 : index
          %get3A_298 = tpu.vector_load %arg22[%get3A_296, %get3A_297] {strides = array<i32>} : memref<40x128xf32, #tpu.memory_space<vmem>>, vector<1x16xf32>,
          %get3A_299 = vector.shape_cast %get3A_298 : vector<1x16xf32> to vector<16xf32>
          %add3A_300 = arith.addf %add3A_295, %get3A_299 : vector<16xf32>
          %max3A_301 = arith.constant 0.000000e+00 : f32
          %max3A_302 = vector.broadcast %max3A_301 : f32 to vector<16xf32>
          %max3A_303 = arith.maximumf %add3A_300, %max3A_302 : vector<16xf32>
          %swap3A_304 = arith.index_cast %add3A_157 : i32 to index
          %swap3A_305 = arith.constant 96 : index
          %swap3A_306 = tpu.vector_load %arg24[%swap3A_304, %swap3A_305] {strides = array<i32>} : memref<40x128xf32, #tpu.memory_space<vmem>>, vector<1x16xf32>,
          %swap3A_307 = vector.shape_cast %swap3A_306 : vector<1x16xf32> to vector<16xf32>
          %swap3A_308 = vector.shape_cast %max3A_303 : vector<16xf32> to vector<1x16xf32>
          tpu.vector_store %arg24[%swap3A_304, %swap3A_305], %swap3A_308 {strides = array<i32>} : memref<40x128xf32, #tpu.memory_space<vmem>>, vector<1x16xf32>,
          %get3A_309 = arith.index_cast %add3A_157 : i32 to index
          %get3A_310 = arith.constant 112 : index
          %get3A_311 = tpu.vector_load %arg18[%get3A_309, %get3A_310] {strides = array<i32>} : memref<40x128xf32, #tpu.memory_space<vmem>>, vector<1x16xf32>,
          %get3A_312 = vector.shape_cast %get3A_311 : vector<1x16xf32> to vector<16xf32>
          %get3A_313 = arith.index_cast %add3A_157 : i32 to index
          %get3A_314 = arith.constant 112 : index
          %get3A_315 = tpu.vector_load %arg20[%get3A_313, %get3A_314] {strides = array<i32>} : memref<40x128xf32, #tpu.memory_space<vmem>>, vector<1x16xf32>,
          %get3A_316 = vector.shape_cast %get3A_315 : vector<1x16xf32> to vector<16xf32>
          %add3A_317 = arith.addf %get3A_312, %get3A_316 : vector<16xf32>
          %get3A_318 = arith.index_cast %add3A_157 : i32 to index
          %get3A_319 = arith.constant 112 : index
          %get3A_320 = tpu.vector_load %arg22[%get3A_318, %get3A_319] {strides = array<i32>} : memref<40x128xf32, #tpu.memory_space<vmem>>, vector<1x16xf32>,
          %get3A_321 = vector.shape_cast %get3A_320 : vector<1x16xf32> to vector<16xf32>
          %add3A_322 = arith.addf %add3A_317, %get3A_321 : vector<16xf32>
          %max3A_323 = arith.constant 0.000000e+00 : f32
          %max3A_324 = vector.broadcast %max3A_323 : f32 to vector<16xf32>
          %max3A_325 = arith.maximumf %add3A_322, %max3A_324 : vector<16xf32>
          %swap3A_326 = arith.index_cast %add3A_157 : i32 to index
          %swap3A_327 = arith.constant 112 : index
          %swap3A_328 = tpu.vector_load %arg24[%swap3A_326, %swap3A_327] {strides = array<i32>} : memref<40x128xf32, #tpu.memory_space<vmem>>, vector<1x16xf32>,
          %swap3A_329 = vector.shape_cast %swap3A_328 : vector<1x16xf32> to vector<16xf32>
          %swap3A_330 = vector.shape_cast %max3A_325 : vector<16xf32> to vector<1x16xf32>
          tpu.vector_store %arg24[%swap3A_326, %swap3A_327], %swap3A_330 {strides = array<i32>} : memref<40x128xf32, #tpu.memory_space<vmem>>, vector<1x16xf32>,
        }
        %scan3A_152 = arith.constant 40 : i32
        "tpu.region"() ({
          %run_scoped3A = tpu.sem_alloc : memref<!tpu.dma_semaphore, #tpu.memory_space<semaphore_mem>>
          %dma_start3A_153 = arith.constant 0 : i32
          %dma_start3A_154 = arith.constant 0 : i32
          %dma_start3A_155 = tpu.memref_slice %arg25[%dma_start3A_153, %dma_start3A_154] : memref<10112x128xf32, #tpu.memory_space<vmem_shared>> -> memref<10112x128xf32, #tpu.memory_space<vmem_shared>>
          tpu.enqueue_indirect_dma source(%arg24 : memref<40x128xf32, #tpu.memory_space<vmem>>) target(%dma_start3A_155 : memref<10112x128xf32, #tpu.memory_space<vmem_shared>>) offsets(%arg10 : memref<40xi32, #tpu.memory_space<vmem>>) semaphore(%run_scoped3A : memref<!tpu.dma_semaphore, #tpu.memory_space<semaphore_mem>>) {add = true}
          %dma_wait3A_156 = arith.constant 0 : i32
          %dma_wait3A_157 = arith.constant 0 : i32
          %dma_wait3A_158 = tpu.memref_slice %arg25[%dma_wait3A_156, %dma_wait3A_157] : memref<10112x128xf32, #tpu.memory_space<vmem_shared>> -> memref<10112x128xf32, #tpu.memory_space<vmem_shared>>
          tpu.wait_indirect_dma semaphore(%run_scoped3A : memref<!tpu.dma_semaphore, #tpu.memory_space<semaphore_mem>>) src(%arg24 : memref<40x128xf32, #tpu.memory_space<vmem>>) dst(%dma_wait3A_158 : memref<10112x128xf32, #tpu.memory_space<vmem_shared>>)
          tpu.yield
        }) : () -> ()
      } else {
      }
      %add3A_89 = arith.constant 2 : i32
      %add3A_90 = arith.addi %add3A_71, %add3A_89 : i32
      %lt3A_91 = arith.constant 250 : i32
      %lt3A_92 = arith.cmpi slt, %add3A_90, %lt3A_91 : i32
      %convert_element_type3A_93 = arith.extui %lt3A_92 : i1 to i32
      %cond3A_94 = arith.constant 0 : i32
      %cond3A_95 = arith.cmpi ne, %convert_element_type3A_93, %cond3A_94 : i32
      scf.if %cond3A_95 {
        %add3A_148 = arith.constant 2 : i32
        %add3A_149 = arith.addi %add3A_71, %add3A_148 : i32
        %mul3A_150 = arith.constant 40 : i32
        %mul3A_151 = arith.muli %add3A_149, %mul3A_150 : i32
        %add3A_152 = arith.addi %mul3A_2, %mul3A_151 : i32
        %dma_start3A_153 = tpu.memref_slice %arg5[%add3A_152] : memref<320000xi32, #tpu.memory_space<hbm>> -> memref<40xi32, #tpu.memory_space<hbm>>
        %dma_start3A_154 = tpu.memref_slice %arg5[%add3A_152] : memref<320000xi32, #tpu.memory_space<hbm>> -> memref<40xi32, #tpu.memory_space<hbm>>
        tpu.enqueue_dma source(%dma_start3A_154 : memref<40xi32, #tpu.memory_space<hbm>>) target(%arg12 : memref<40xi32, #tpu.memory_space<vmem>>) target_semaphore(%arg29 : memref<!tpu.dma_semaphore, #tpu.memory_space<semaphore_mem>>)
        %dma_start3A_155 = tpu.memref_slice %arg6[%add3A_152] : memref<320000xi32, #tpu.memory_space<hbm>> -> memref<40xi32, #tpu.memory_space<hbm>>
        %dma_start3A_156 = tpu.memref_slice %arg6[%add3A_152] : memref<320000xi32, #tpu.memory_space<hbm>> -> memref<40xi32, #tpu.memory_space<hbm>>
        tpu.enqueue_dma source(%dma_start3A_156 : memref<40xi32, #tpu.memory_space<hbm>>) target(%arg16 : memref<40xi32, #tpu.memory_space<vmem>>) target_semaphore(%arg29 : memref<!tpu.dma_semaphore, #tpu.memory_space<semaphore_mem>>)
      } else {
      }
      %add3A_96 = arith.constant 2 : i32
      %add3A_97 = arith.addi %add3A_46, %add3A_96 : i32
      %add3A_98 = arith.constant 1 : i32
      %add3A_99 = arith.addi %add3A_97, %add3A_98 : i32
      %lt3A_100 = arith.constant 250 : i32
      %lt3A_101 = arith.cmpi slt, %add3A_99, %lt3A_100 : i32
      %convert_element_type3A_102 = arith.extui %lt3A_101 : i1 to i32
      %cond3A_103 = arith.constant 0 : i32
      %cond3A_104 = arith.cmpi ne, %convert_element_type3A_102, %cond3A_103 : i32
      scf.if %cond3A_104 {
        %dma_wait3A_148 = tpu.memref_slice %arg5[%mul3A_2] : memref<320000xi32, #tpu.memory_space<hbm>> -> memref<40xi32, #tpu.memory_space<hbm>>
        %dma_wait3A_149 = tpu.memref_slice %arg5[%mul3A_2] : memref<320000xi32, #tpu.memory_space<hbm>> -> memref<40xi32, #tpu.memory_space<hbm>>
        tpu.wait_dma2 semaphore(%arg29 : memref<!tpu.dma_semaphore, #tpu.memory_space<semaphore_mem>>) src(%dma_wait3A_149 : memref<40xi32, #tpu.memory_space<hbm>>) dst(%arg12 : memref<40xi32, #tpu.memory_space<vmem>>)
        %dma_wait3A_150 = tpu.memref_slice %arg6[%mul3A_2] : memref<320000xi32, #tpu.memory_space<hbm>> -> memref<40xi32, #tpu.memory_space<hbm>>
        %dma_wait3A_151 = tpu.memref_slice %arg6[%mul3A_2] : memref<320000xi32, #tpu.memory_space<hbm>> -> memref<40xi32, #tpu.memory_space<hbm>>
        tpu.wait_dma2 semaphore(%arg29 : memref<!tpu.dma_semaphore, #tpu.memory_space<semaphore_mem>>) src(%dma_wait3A_151 : memref<40xi32, #tpu.memory_space<hbm>>) dst(%arg16 : memref<40xi32, #tpu.memory_space<vmem>>)
        %add3A_152 = arith.constant 1 : i32
        %add3A_153 = arith.addi %add3A_97, %add3A_152 : i32
        %dma_start3A_154 = arith.constant 0 : i32
        %dma_start3A_155 = arith.constant 0 : i32
        %dma_start3A_156 = tpu.memref_slice %arg3[%dma_start3A_154, %dma_start3A_155] : memref<10000x128xf32, #tpu.memory_space<hbm>> -> memref<10000x128xf32, #tpu.memory_space<hbm>>
        tpu.enqueue_indirect_dma source(%dma_start3A_156 : memref<10000x128xf32, #tpu.memory_space<hbm>>) target(%arg18 : memref<40x128xf32, #tpu.memory_space<vmem>>) offsets(%arg12 : memref<40xi32, #tpu.memory_space<vmem>>) semaphore(%arg31 : memref<!tpu.dma_semaphore, #tpu.memory_space<semaphore_mem>>)
        %dma_start3A_157 = arith.constant 0 : i32
        %dma_start3A_158 = arith.constant 0 : i32
        %dma_start3A_159 = tpu.memref_slice %arg4[%dma_start3A_157, %dma_start3A_158] : memref<10000x128xf32, #tpu.memory_space<hbm>> -> memref<10000x128xf32, #tpu.memory_space<hbm>>
        tpu.enqueue_indirect_dma source(%dma_start3A_159 : memref<10000x128xf32, #tpu.memory_space<hbm>>) target(%arg20 : memref<40x128xf32, #tpu.memory_space<vmem>>) offsets(%arg16 : memref<40xi32, #tpu.memory_space<vmem>>) semaphore(%arg31 : memref<!tpu.dma_semaphore, #tpu.memory_space<semaphore_mem>>)
        %mul3A_160 = arith.constant 40 : i32
        %mul3A_161 = arith.muli %add3A_153, %mul3A_160 : i32
        %add3A_162 = arith.addi %mul3A_2, %mul3A_161 : i32
        %dma_start3A_163 = arith.constant 0 : i32
        %dma_start3A_164 = tpu.memref_slice %arg2[%add3A_162, %dma_start3A_163] : memref<320000x128xf32, #tpu.memory_space<hbm>> -> memref<40x128xf32, #tpu.memory_space<hbm>>
        %dma_start3A_165 = arith.constant 0 : i32
        %dma_start3A_166 = tpu.memref_slice %arg2[%add3A_162, %dma_start3A_165] : memref<320000x128xf32, #tpu.memory_space<hbm>> -> memref<40x128xf32, #tpu.memory_space<hbm>>
        tpu.enqueue_dma source(%dma_start3A_166 : memref<40x128xf32, #tpu.memory_space<hbm>>) target(%arg22 : memref<40x128xf32, #tpu.memory_space<vmem>>) target_semaphore(%arg31 : memref<!tpu.dma_semaphore, #tpu.memory_space<semaphore_mem>>)
      } else {
      }
      %lt3A_105 = arith.constant 250 : i32
      %lt3A_106 = arith.cmpi slt, %add3A_97, %lt3A_105 : i32
      %convert_element_type3A_107 = arith.extui %lt3A_106 : i1 to i32
      %cond3A_108 = arith.constant 0 : i32
      %cond3A_109 = arith.cmpi ne, %convert_element_type3A_107, %cond3A_108 : i32
      scf.if %cond3A_109 {
        %dma_wait3A_148 = arith.constant 0 : i32
        %dma_wait3A_149 = arith.constant 0 : i32
        %dma_wait3A_150 = tpu.memref_slice %arg3[%dma_wait3A_148, %dma_wait3A_149] : memref<10000x128xf32, #tpu.memory_space<hbm>> -> memref<10000x128xf32, #tpu.memory_space<hbm>>
        tpu.wait_indirect_dma semaphore(%arg30 : memref<!tpu.dma_semaphore, #tpu.memory_space<semaphore_mem>>) src(%dma_wait3A_150 : memref<10000x128xf32, #tpu.memory_space<hbm>>) dst(%arg17 : memref<40x128xf32, #tpu.memory_space<vmem>>)
        %dma_wait3A_151 = arith.constant 0 : i32
        %dma_wait3A_152 = arith.constant 0 : i32
        %dma_wait3A_153 = tpu.memref_slice %arg4[%dma_wait3A_151, %dma_wait3A_152] : memref<10000x128xf32, #tpu.memory_space<hbm>> -> memref<10000x128xf32, #tpu.memory_space<hbm>>
        tpu.wait_indirect_dma semaphore(%arg30 : memref<!tpu.dma_semaphore, #tpu.memory_space<semaphore_mem>>) src(%dma_wait3A_153 : memref<10000x128xf32, #tpu.memory_space<hbm>>) dst(%arg19 : memref<40x128xf32, #tpu.memory_space<vmem>>)
        %dma_wait3A_154 = arith.constant 0 : i32
        %dma_wait3A_155 = tpu.memref_slice %arg2[%mul3A_2, %dma_wait3A_154] : memref<320000x128xf32, #tpu.memory_space<hbm>> -> memref<40x128xf32, #tpu.memory_space<hbm>>
        %dma_wait3A_156 = arith.constant 0 : i32
        %dma_wait3A_157 = tpu.memref_slice %arg2[%mul3A_2, %dma_wait3A_156] : memref<320000x128xf32, #tpu.memory_space<hbm>> -> memref<40x128xf32, #tpu.memory_space<hbm>>
        tpu.wait_dma2 semaphore(%arg30 : memref<!tpu.dma_semaphore, #tpu.memory_space<semaphore_mem>>) src(%dma_wait3A_157 : memref<40x128xf32, #tpu.memory_space<hbm>>) dst(%arg21 : memref<40x128xf32, #tpu.memory_space<vmem>>)
      } else {
      }
      %lt3A_110 = arith.constant 250 : i32
      %lt3A_111 = arith.cmpi slt, %add3A_97, %lt3A_110 : i32
      %convert_element_type3A_112 = arith.extui %lt3A_111 : i1 to i32
      %cond3A_113 = arith.constant 0 : i32
      %cond3A_114 = arith.cmpi ne, %convert_element_type3A_112, %cond3A_113 : i32
      scf.if %cond3A_114 {
        %scan3A_148 = arith.constant 0 : i32
        %scan3A_149 = arith.constant 40 : i32
        %scan3A_150 = arith.addi %scan3A_148, %scan3A_149 : i32
        %scan3A_151 = arith.constant 1 : i32
        scf.for %scan3A_153 = %scan3A_148 to %scan3A_150 step %scan3A_151  : i32 {
          %mul3A_154 = arith.constant 1 : i32
          %mul3A_155 = arith.muli %scan3A_153, %mul3A_154 : i32
          %add3A_156 = arith.constant 0 : i32
          %add3A_157 = arith.addi %add3A_156, %mul3A_155 : i32
          %get3A = arith.index_cast %add3A_157 : i32 to index
          %get3A_158 = arith.constant 0 : index
          %get3A_159 = tpu.vector_load %arg17[%get3A, %get3A_158] {strides = array<i32>} : memref<40x128xf32, #tpu.memory_space<vmem>>, vector<1x16xf32>,
          %get3A_160 = vector.shape_cast %get3A_159 : vector<1x16xf32> to vector<16xf32>
          %get3A_161 = arith.index_cast %add3A_157 : i32 to index
          %get3A_162 = arith.constant 0 : index
          %get3A_163 = tpu.vector_load %arg19[%get3A_161, %get3A_162] {strides = array<i32>} : memref<40x128xf32, #tpu.memory_space<vmem>>, vector<1x16xf32>,
          %get3A_164 = vector.shape_cast %get3A_163 : vector<1x16xf32> to vector<16xf32>
          %add3A_165 = arith.addf %get3A_160, %get3A_164 : vector<16xf32>
          %get3A_166 = arith.index_cast %add3A_157 : i32 to index
          %get3A_167 = arith.constant 0 : index
          %get3A_168 = tpu.vector_load %arg21[%get3A_166, %get3A_167] {strides = array<i32>} : memref<40x128xf32, #tpu.memory_space<vmem>>, vector<1x16xf32>,
          %get3A_169 = vector.shape_cast %get3A_168 : vector<1x16xf32> to vector<16xf32>
          %add3A_170 = arith.addf %add3A_165, %get3A_169 : vector<16xf32>
          %max3A = arith.constant 0.000000e+00 : f32
          %max3A_171 = vector.broadcast %max3A : f32 to vector<16xf32>
          %max3A_172 = arith.maximumf %add3A_170, %max3A_171 : vector<16xf32>
          %swap3A = arith.index_cast %add3A_157 : i32 to index
          %swap3A_173 = arith.constant 0 : index
          %swap3A_174 = tpu.vector_load %arg23[%swap3A, %swap3A_173] {strides = array<i32>} : memref<40x128xf32, #tpu.memory_space<vmem>>, vector<1x16xf32>,
          %swap3A_175 = vector.shape_cast %swap3A_174 : vector<1x16xf32> to vector<16xf32>
          %swap3A_176 = vector.shape_cast %max3A_172 : vector<16xf32> to vector<1x16xf32>
          tpu.vector_store %arg23[%swap3A, %swap3A_173], %swap3A_176 {strides = array<i32>} : memref<40x128xf32, #tpu.memory_space<vmem>>, vector<1x16xf32>,
          %get3A_177 = arith.index_cast %add3A_157 : i32 to index
          %get3A_178 = arith.constant 16 : index
          %get3A_179 = tpu.vector_load %arg17[%get3A_177, %get3A_178] {strides = array<i32>} : memref<40x128xf32, #tpu.memory_space<vmem>>, vector<1x16xf32>,
          %get3A_180 = vector.shape_cast %get3A_179 : vector<1x16xf32> to vector<16xf32>
          %get3A_181 = arith.index_cast %add3A_157 : i32 to index
          %get3A_182 = arith.constant 16 : index
          %get3A_183 = tpu.vector_load %arg19[%get3A_181, %get3A_182] {strides = array<i32>} : memref<40x128xf32, #tpu.memory_space<vmem>>, vector<1x16xf32>,
          %get3A_184 = vector.shape_cast %get3A_183 : vector<1x16xf32> to vector<16xf32>
          %add3A_185 = arith.addf %get3A_180, %get3A_184 : vector<16xf32>
          %get3A_186 = arith.index_cast %add3A_157 : i32 to index
          %get3A_187 = arith.constant 16 : index
          %get3A_188 = tpu.vector_load %arg21[%get3A_186, %get3A_187] {strides = array<i32>} : memref<40x128xf32, #tpu.memory_space<vmem>>, vector<1x16xf32>,
          %get3A_189 = vector.shape_cast %get3A_188 : vector<1x16xf32> to vector<16xf32>
          %add3A_190 = arith.addf %add3A_185, %get3A_189 : vector<16xf32>
          %max3A_191 = arith.constant 0.000000e+00 : f32
          %max3A_192 = vector.broadcast %max3A_191 : f32 to vector<16xf32>
          %max3A_193 = arith.maximumf %add3A_190, %max3A_192 : vector<16xf32>
          %swap3A_194 = arith.index_cast %add3A_157 : i32 to index
          %swap3A_195 = arith.constant 16 : index
          %swap3A_196 = tpu.vector_load %arg23[%swap3A_194, %swap3A_195] {strides = array<i32>} : memref<40x128xf32, #tpu.memory_space<vmem>>, vector<1x16xf32>,
          %swap3A_197 = vector.shape_cast %swap3A_196 : vector<1x16xf32> to vector<16xf32>
          %swap3A_198 = vector.shape_cast %max3A_193 : vector<16xf32> to vector<1x16xf32>
          tpu.vector_store %arg23[%swap3A_194, %swap3A_195], %swap3A_198 {strides = array<i32>} : memref<40x128xf32, #tpu.memory_space<vmem>>, vector<1x16xf32>,
          %get3A_199 = arith.index_cast %add3A_157 : i32 to index
          %get3A_200 = arith.constant 32 : index
          %get3A_201 = tpu.vector_load %arg17[%get3A_199, %get3A_200] {strides = array<i32>} : memref<40x128xf32, #tpu.memory_space<vmem>>, vector<1x16xf32>,
          %get3A_202 = vector.shape_cast %get3A_201 : vector<1x16xf32> to vector<16xf32>
          %get3A_203 = arith.index_cast %add3A_157 : i32 to index
          %get3A_204 = arith.constant 32 : index
          %get3A_205 = tpu.vector_load %arg19[%get3A_203, %get3A_204] {strides = array<i32>} : memref<40x128xf32, #tpu.memory_space<vmem>>, vector<1x16xf32>,
          %get3A_206 = vector.shape_cast %get3A_205 : vector<1x16xf32> to vector<16xf32>
          %add3A_207 = arith.addf %get3A_202, %get3A_206 : vector<16xf32>
          %get3A_208 = arith.index_cast %add3A_157 : i32 to index
          %get3A_209 = arith.constant 32 : index
          %get3A_210 = tpu.vector_load %arg21[%get3A_208, %get3A_209] {strides = array<i32>} : memref<40x128xf32, #tpu.memory_space<vmem>>, vector<1x16xf32>,
          %get3A_211 = vector.shape_cast %get3A_210 : vector<1x16xf32> to vector<16xf32>
          %add3A_212 = arith.addf %add3A_207, %get3A_211 : vector<16xf32>
          %max3A_213 = arith.constant 0.000000e+00 : f32
          %max3A_214 = vector.broadcast %max3A_213 : f32 to vector<16xf32>
          %max3A_215 = arith.maximumf %add3A_212, %max3A_214 : vector<16xf32>
          %swap3A_216 = arith.index_cast %add3A_157 : i32 to index
          %swap3A_217 = arith.constant 32 : index
          %swap3A_218 = tpu.vector_load %arg23[%swap3A_216, %swap3A_217] {strides = array<i32>} : memref<40x128xf32, #tpu.memory_space<vmem>>, vector<1x16xf32>,
          %swap3A_219 = vector.shape_cast %swap3A_218 : vector<1x16xf32> to vector<16xf32>
          %swap3A_220 = vector.shape_cast %max3A_215 : vector<16xf32> to vector<1x16xf32>
          tpu.vector_store %arg23[%swap3A_216, %swap3A_217], %swap3A_220 {strides = array<i32>} : memref<40x128xf32, #tpu.memory_space<vmem>>, vector<1x16xf32>,
          %get3A_221 = arith.index_cast %add3A_157 : i32 to index
          %get3A_222 = arith.constant 48 : index
          %get3A_223 = tpu.vector_load %arg17[%get3A_221, %get3A_222] {strides = array<i32>} : memref<40x128xf32, #tpu.memory_space<vmem>>, vector<1x16xf32>,
          %get3A_224 = vector.shape_cast %get3A_223 : vector<1x16xf32> to vector<16xf32>
          %get3A_225 = arith.index_cast %add3A_157 : i32 to index
          %get3A_226 = arith.constant 48 : index
          %get3A_227 = tpu.vector_load %arg19[%get3A_225, %get3A_226] {strides = array<i32>} : memref<40x128xf32, #tpu.memory_space<vmem>>, vector<1x16xf32>,
          %get3A_228 = vector.shape_cast %get3A_227 : vector<1x16xf32> to vector<16xf32>
          %add3A_229 = arith.addf %get3A_224, %get3A_228 : vector<16xf32>
          %get3A_230 = arith.index_cast %add3A_157 : i32 to index
          %get3A_231 = arith.constant 48 : index
          %get3A_232 = tpu.vector_load %arg21[%get3A_230, %get3A_231] {strides = array<i32>} : memref<40x128xf32, #tpu.memory_space<vmem>>, vector<1x16xf32>,
          %get3A_233 = vector.shape_cast %get3A_232 : vector<1x16xf32> to vector<16xf32>
          %add3A_234 = arith.addf %add3A_229, %get3A_233 : vector<16xf32>
          %max3A_235 = arith.constant 0.000000e+00 : f32
          %max3A_236 = vector.broadcast %max3A_235 : f32 to vector<16xf32>
          %max3A_237 = arith.maximumf %add3A_234, %max3A_236 : vector<16xf32>
          %swap3A_238 = arith.index_cast %add3A_157 : i32 to index
          %swap3A_239 = arith.constant 48 : index
          %swap3A_240 = tpu.vector_load %arg23[%swap3A_238, %swap3A_239] {strides = array<i32>} : memref<40x128xf32, #tpu.memory_space<vmem>>, vector<1x16xf32>,
          %swap3A_241 = vector.shape_cast %swap3A_240 : vector<1x16xf32> to vector<16xf32>
          %swap3A_242 = vector.shape_cast %max3A_237 : vector<16xf32> to vector<1x16xf32>
          tpu.vector_store %arg23[%swap3A_238, %swap3A_239], %swap3A_242 {strides = array<i32>} : memref<40x128xf32, #tpu.memory_space<vmem>>, vector<1x16xf32>,
          %get3A_243 = arith.index_cast %add3A_157 : i32 to index
          %get3A_244 = arith.constant 64 : index
          %get3A_245 = tpu.vector_load %arg17[%get3A_243, %get3A_244] {strides = array<i32>} : memref<40x128xf32, #tpu.memory_space<vmem>>, vector<1x16xf32>,
          %get3A_246 = vector.shape_cast %get3A_245 : vector<1x16xf32> to vector<16xf32>
          %get3A_247 = arith.index_cast %add3A_157 : i32 to index
          %get3A_248 = arith.constant 64 : index
          %get3A_249 = tpu.vector_load %arg19[%get3A_247, %get3A_248] {strides = array<i32>} : memref<40x128xf32, #tpu.memory_space<vmem>>, vector<1x16xf32>,
          %get3A_250 = vector.shape_cast %get3A_249 : vector<1x16xf32> to vector<16xf32>
          %add3A_251 = arith.addf %get3A_246, %get3A_250 : vector<16xf32>
          %get3A_252 = arith.index_cast %add3A_157 : i32 to index
          %get3A_253 = arith.constant 64 : index
          %get3A_254 = tpu.vector_load %arg21[%get3A_252, %get3A_253] {strides = array<i32>} : memref<40x128xf32, #tpu.memory_space<vmem>>, vector<1x16xf32>,
          %get3A_255 = vector.shape_cast %get3A_254 : vector<1x16xf32> to vector<16xf32>
          %add3A_256 = arith.addf %add3A_251, %get3A_255 : vector<16xf32>
          %max3A_257 = arith.constant 0.000000e+00 : f32
          %max3A_258 = vector.broadcast %max3A_257 : f32 to vector<16xf32>
          %max3A_259 = arith.maximumf %add3A_256, %max3A_258 : vector<16xf32>
          %swap3A_260 = arith.index_cast %add3A_157 : i32 to index
          %swap3A_261 = arith.constant 64 : index
          %swap3A_262 = tpu.vector_load %arg23[%swap3A_260, %swap3A_261] {strides = array<i32>} : memref<40x128xf32, #tpu.memory_space<vmem>>, vector<1x16xf32>,
          %swap3A_263 = vector.shape_cast %swap3A_262 : vector<1x16xf32> to vector<16xf32>
          %swap3A_264 = vector.shape_cast %max3A_259 : vector<16xf32> to vector<1x16xf32>
          tpu.vector_store %arg23[%swap3A_260, %swap3A_261], %swap3A_264 {strides = array<i32>} : memref<40x128xf32, #tpu.memory_space<vmem>>, vector<1x16xf32>,
          %get3A_265 = arith.index_cast %add3A_157 : i32 to index
          %get3A_266 = arith.constant 80 : index
          %get3A_267 = tpu.vector_load %arg17[%get3A_265, %get3A_266] {strides = array<i32>} : memref<40x128xf32, #tpu.memory_space<vmem>>, vector<1x16xf32>,
          %get3A_268 = vector.shape_cast %get3A_267 : vector<1x16xf32> to vector<16xf32>
          %get3A_269 = arith.index_cast %add3A_157 : i32 to index
          %get3A_270 = arith.constant 80 : index
          %get3A_271 = tpu.vector_load %arg19[%get3A_269, %get3A_270] {strides = array<i32>} : memref<40x128xf32, #tpu.memory_space<vmem>>, vector<1x16xf32>,
          %get3A_272 = vector.shape_cast %get3A_271 : vector<1x16xf32> to vector<16xf32>
          %add3A_273 = arith.addf %get3A_268, %get3A_272 : vector<16xf32>
          %get3A_274 = arith.index_cast %add3A_157 : i32 to index
          %get3A_275 = arith.constant 80 : index
          %get3A_276 = tpu.vector_load %arg21[%get3A_274, %get3A_275] {strides = array<i32>} : memref<40x128xf32, #tpu.memory_space<vmem>>, vector<1x16xf32>,
          %get3A_277 = vector.shape_cast %get3A_276 : vector<1x16xf32> to vector<16xf32>
          %add3A_278 = arith.addf %add3A_273, %get3A_277 : vector<16xf32>
          %max3A_279 = arith.constant 0.000000e+00 : f32
          %max3A_280 = vector.broadcast %max3A_279 : f32 to vector<16xf32>
          %max3A_281 = arith.maximumf %add3A_278, %max3A_280 : vector<16xf32>
          %swap3A_282 = arith.index_cast %add3A_157 : i32 to index
          %swap3A_283 = arith.constant 80 : index
          %swap3A_284 = tpu.vector_load %arg23[%swap3A_282, %swap3A_283] {strides = array<i32>} : memref<40x128xf32, #tpu.memory_space<vmem>>, vector<1x16xf32>,
          %swap3A_285 = vector.shape_cast %swap3A_284 : vector<1x16xf32> to vector<16xf32>
          %swap3A_286 = vector.shape_cast %max3A_281 : vector<16xf32> to vector<1x16xf32>
          tpu.vector_store %arg23[%swap3A_282, %swap3A_283], %swap3A_286 {strides = array<i32>} : memref<40x128xf32, #tpu.memory_space<vmem>>, vector<1x16xf32>,
          %get3A_287 = arith.index_cast %add3A_157 : i32 to index
          %get3A_288 = arith.constant 96 : index
          %get3A_289 = tpu.vector_load %arg17[%get3A_287, %get3A_288] {strides = array<i32>} : memref<40x128xf32, #tpu.memory_space<vmem>>, vector<1x16xf32>,
          %get3A_290 = vector.shape_cast %get3A_289 : vector<1x16xf32> to vector<16xf32>
          %get3A_291 = arith.index_cast %add3A_157 : i32 to index
          %get3A_292 = arith.constant 96 : index
          %get3A_293 = tpu.vector_load %arg19[%get3A_291, %get3A_292] {strides = array<i32>} : memref<40x128xf32, #tpu.memory_space<vmem>>, vector<1x16xf32>,
          %get3A_294 = vector.shape_cast %get3A_293 : vector<1x16xf32> to vector<16xf32>
          %add3A_295 = arith.addf %get3A_290, %get3A_294 : vector<16xf32>
          %get3A_296 = arith.index_cast %add3A_157 : i32 to index
          %get3A_297 = arith.constant 96 : index
          %get3A_298 = tpu.vector_load %arg21[%get3A_296, %get3A_297] {strides = array<i32>} : memref<40x128xf32, #tpu.memory_space<vmem>>, vector<1x16xf32>,
          %get3A_299 = vector.shape_cast %get3A_298 : vector<1x16xf32> to vector<16xf32>
          %add3A_300 = arith.addf %add3A_295, %get3A_299 : vector<16xf32>
          %max3A_301 = arith.constant 0.000000e+00 : f32
          %max3A_302 = vector.broadcast %max3A_301 : f32 to vector<16xf32>
          %max3A_303 = arith.maximumf %add3A_300, %max3A_302 : vector<16xf32>
          %swap3A_304 = arith.index_cast %add3A_157 : i32 to index
          %swap3A_305 = arith.constant 96 : index
          %swap3A_306 = tpu.vector_load %arg23[%swap3A_304, %swap3A_305] {strides = array<i32>} : memref<40x128xf32, #tpu.memory_space<vmem>>, vector<1x16xf32>,
          %swap3A_307 = vector.shape_cast %swap3A_306 : vector<1x16xf32> to vector<16xf32>
          %swap3A_308 = vector.shape_cast %max3A_303 : vector<16xf32> to vector<1x16xf32>
          tpu.vector_store %arg23[%swap3A_304, %swap3A_305], %swap3A_308 {strides = array<i32>} : memref<40x128xf32, #tpu.memory_space<vmem>>, vector<1x16xf32>,
          %get3A_309 = arith.index_cast %add3A_157 : i32 to index
          %get3A_310 = arith.constant 112 : index
          %get3A_311 = tpu.vector_load %arg17[%get3A_309, %get3A_310] {strides = array<i32>} : memref<40x128xf32, #tpu.memory_space<vmem>>, vector<1x16xf32>,
          %get3A_312 = vector.shape_cast %get3A_311 : vector<1x16xf32> to vector<16xf32>
          %get3A_313 = arith.index_cast %add3A_157 : i32 to index
          %get3A_314 = arith.constant 112 : index
          %get3A_315 = tpu.vector_load %arg19[%get3A_313, %get3A_314] {strides = array<i32>} : memref<40x128xf32, #tpu.memory_space<vmem>>, vector<1x16xf32>,
          %get3A_316 = vector.shape_cast %get3A_315 : vector<1x16xf32> to vector<16xf32>
          %add3A_317 = arith.addf %get3A_312, %get3A_316 : vector<16xf32>
          %get3A_318 = arith.index_cast %add3A_157 : i32 to index
          %get3A_319 = arith.constant 112 : index
          %get3A_320 = tpu.vector_load %arg21[%get3A_318, %get3A_319] {strides = array<i32>} : memref<40x128xf32, #tpu.memory_space<vmem>>, vector<1x16xf32>,
          %get3A_321 = vector.shape_cast %get3A_320 : vector<1x16xf32> to vector<16xf32>
          %add3A_322 = arith.addf %add3A_317, %get3A_321 : vector<16xf32>
          %max3A_323 = arith.constant 0.000000e+00 : f32
          %max3A_324 = vector.broadcast %max3A_323 : f32 to vector<16xf32>
          %max3A_325 = arith.maximumf %add3A_322, %max3A_324 : vector<16xf32>
          %swap3A_326 = arith.index_cast %add3A_157 : i32 to index
          %swap3A_327 = arith.constant 112 : index
          %swap3A_328 = tpu.vector_load %arg23[%swap3A_326, %swap3A_327] {strides = array<i32>} : memref<40x128xf32, #tpu.memory_space<vmem>>, vector<1x16xf32>,
          %swap3A_329 = vector.shape_cast %swap3A_328 : vector<1x16xf32> to vector<16xf32>
          %swap3A_330 = vector.shape_cast %max3A_325 : vector<16xf32> to vector<1x16xf32>
          tpu.vector_store %arg23[%swap3A_326, %swap3A_327], %swap3A_330 {strides = array<i32>} : memref<40x128xf32, #tpu.memory_space<vmem>>, vector<1x16xf32>,
        }
        %scan3A_152 = arith.constant 40 : i32
        "tpu.region"() ({
          %run_scoped3A = tpu.sem_alloc : memref<!tpu.dma_semaphore, #tpu.memory_space<semaphore_mem>>
          %dma_start3A_153 = arith.constant 0 : i32
          %dma_start3A_154 = arith.constant 0 : i32
          %dma_start3A_155 = tpu.memref_slice %arg25[%dma_start3A_153, %dma_start3A_154] : memref<10112x128xf32, #tpu.memory_space<vmem_shared>> -> memref<10112x128xf32, #tpu.memory_space<vmem_shared>>
          tpu.enqueue_indirect_dma source(%arg23 : memref<40x128xf32, #tpu.memory_space<vmem>>) target(%dma_start3A_155 : memref<10112x128xf32, #tpu.memory_space<vmem_shared>>) offsets(%arg11 : memref<40xi32, #tpu.memory_space<vmem>>) semaphore(%run_scoped3A : memref<!tpu.dma_semaphore, #tpu.memory_space<semaphore_mem>>) {add = true}
          %dma_wait3A_156 = arith.constant 0 : i32
          %dma_wait3A_157 = arith.constant 0 : i32
          %dma_wait3A_158 = tpu.memref_slice %arg25[%dma_wait3A_156, %dma_wait3A_157] : memref<10112x128xf32, #tpu.memory_space<vmem_shared>> -> memref<10112x128xf32, #tpu.memory_space<vmem_shared>>
          tpu.wait_indirect_dma semaphore(%run_scoped3A : memref<!tpu.dma_semaphore, #tpu.memory_space<semaphore_mem>>) src(%arg23 : memref<40x128xf32, #tpu.memory_space<vmem>>) dst(%dma_wait3A_158 : memref<10112x128xf32, #tpu.memory_space<vmem_shared>>)
          tpu.yield
        }) : () -> ()
      } else {
      }
      %add3A_115 = arith.constant 2 : i32
      %add3A_116 = arith.addi %add3A_97, %add3A_115 : i32
      %lt3A_117 = arith.constant 250 : i32
      %lt3A_118 = arith.cmpi slt, %add3A_116, %lt3A_117 : i32
      %convert_element_type3A_119 = arith.extui %lt3A_118 : i1 to i32
      %cond3A_120 = arith.constant 0 : i32
      %cond3A_121 = arith.cmpi ne, %convert_element_type3A_119, %cond3A_120 : i32
      scf.if %cond3A_121 {
        %add3A_148 = arith.constant 2 : i32
        %add3A_149 = arith.addi %add3A_97, %add3A_148 : i32
        %mul3A_150 = arith.constant 40 : i32
        %mul3A_151 = arith.muli %add3A_149, %mul3A_150 : i32
        %add3A_152 = arith.addi %mul3A_2, %mul3A_151 : i32
        %dma_start3A_153 = tpu.memref_slice %arg5[%add3A_152] : memref<320000xi32, #tpu.memory_space<hbm>> -> memref<40xi32, #tpu.memory_space<hbm>>
        %dma_start3A_154 = tpu.memref_slice %arg5[%add3A_152] : memref<320000xi32, #tpu.memory_space<hbm>> -> memref<40xi32, #tpu.memory_space<hbm>>
        tpu.enqueue_dma source(%dma_start3A_154 : memref<40xi32, #tpu.memory_space<hbm>>) target(%arg9 : memref<40xi32, #tpu.memory_space<vmem>>) target_semaphore(%arg26 : memref<!tpu.dma_semaphore, #tpu.memory_space<semaphore_mem>>)
        %dma_start3A_155 = tpu.memref_slice %arg6[%add3A_152] : memref<320000xi32, #tpu.memory_space<hbm>> -> memref<40xi32, #tpu.memory_space<hbm>>
        %dma_start3A_156 = tpu.memref_slice %arg6[%add3A_152] : memref<320000xi32, #tpu.memory_space<hbm>> -> memref<40xi32, #tpu.memory_space<hbm>>
        tpu.enqueue_dma source(%dma_start3A_156 : memref<40xi32, #tpu.memory_space<hbm>>) target(%arg13 : memref<40xi32, #tpu.memory_space<vmem>>) target_semaphore(%arg26 : memref<!tpu.dma_semaphore, #tpu.memory_space<semaphore_mem>>)
      } else {
      }
      %add3A_122 = arith.constant 3 : i32
      %add3A_123 = arith.addi %add3A_46, %add3A_122 : i32
      %add3A_124 = arith.constant 1 : i32
      %add3A_125 = arith.addi %add3A_123, %add3A_124 : i32
      %lt3A_126 = arith.constant 250 : i32
      %lt3A_127 = arith.cmpi slt, %add3A_125, %lt3A_126 : i32
      %convert_element_type3A_128 = arith.extui %lt3A_127 : i1 to i32
      %cond3A_129 = arith.constant 0 : i32
      %cond3A_130 = arith.cmpi ne, %convert_element_type3A_128, %cond3A_129 : i32
      scf.if %cond3A_130 {
        %dma_wait3A_148 = tpu.memref_slice %arg5[%mul3A_2] : memref<320000xi32, #tpu.memory_space<hbm>> -> memref<40xi32, #tpu.memory_space<hbm>>
        %dma_wait3A_149 = tpu.memref_slice %arg5[%mul3A_2] : memref<320000xi32, #tpu.memory_space<hbm>> -> memref<40xi32, #tpu.memory_space<hbm>>
        tpu.wait_dma2 semaphore(%arg26 : memref<!tpu.dma_semaphore, #tpu.memory_space<semaphore_mem>>) src(%dma_wait3A_149 : memref<40xi32, #tpu.memory_space<hbm>>) dst(%arg9 : memref<40xi32, #tpu.memory_space<vmem>>)
        %dma_wait3A_150 = tpu.memref_slice %arg6[%mul3A_2] : memref<320000xi32, #tpu.memory_space<hbm>> -> memref<40xi32, #tpu.memory_space<hbm>>
        %dma_wait3A_151 = tpu.memref_slice %arg6[%mul3A_2] : memref<320000xi32, #tpu.memory_space<hbm>> -> memref<40xi32, #tpu.memory_space<hbm>>
        tpu.wait_dma2 semaphore(%arg26 : memref<!tpu.dma_semaphore, #tpu.memory_space<semaphore_mem>>) src(%dma_wait3A_151 : memref<40xi32, #tpu.memory_space<hbm>>) dst(%arg13 : memref<40xi32, #tpu.memory_space<vmem>>)
        %add3A_152 = arith.constant 1 : i32
        %add3A_153 = arith.addi %add3A_123, %add3A_152 : i32
        %dma_start3A_154 = arith.constant 0 : i32
        %dma_start3A_155 = arith.constant 0 : i32
        %dma_start3A_156 = tpu.memref_slice %arg3[%dma_start3A_154, %dma_start3A_155] : memref<10000x128xf32, #tpu.memory_space<hbm>> -> memref<10000x128xf32, #tpu.memory_space<hbm>>
        tpu.enqueue_indirect_dma source(%dma_start3A_156 : memref<10000x128xf32, #tpu.memory_space<hbm>>) target(%arg17 : memref<40x128xf32, #tpu.memory_space<vmem>>) offsets(%arg9 : memref<40xi32, #tpu.memory_space<vmem>>) semaphore(%arg30 : memref<!tpu.dma_semaphore, #tpu.memory_space<semaphore_mem>>)
        %dma_start3A_157 = arith.constant 0 : i32
        %dma_start3A_158 = arith.constant 0 : i32
        %dma_start3A_159 = tpu.memref_slice %arg4[%dma_start3A_157, %dma_start3A_158] : memref<10000x128xf32, #tpu.memory_space<hbm>> -> memref<10000x128xf32, #tpu.memory_space<hbm>>
        tpu.enqueue_indirect_dma source(%dma_start3A_159 : memref<10000x128xf32, #tpu.memory_space<hbm>>) target(%arg19 : memref<40x128xf32, #tpu.memory_space<vmem>>) offsets(%arg13 : memref<40xi32, #tpu.memory_space<vmem>>) semaphore(%arg30 : memref<!tpu.dma_semaphore, #tpu.memory_space<semaphore_mem>>)
        %mul3A_160 = arith.constant 40 : i32
        %mul3A_161 = arith.muli %add3A_153, %mul3A_160 : i32
        %add3A_162 = arith.addi %mul3A_2, %mul3A_161 : i32
        %dma_start3A_163 = arith.constant 0 : i32
        %dma_start3A_164 = tpu.memref_slice %arg2[%add3A_162, %dma_start3A_163] : memref<320000x128xf32, #tpu.memory_space<hbm>> -> memref<40x128xf32, #tpu.memory_space<hbm>>
        %dma_start3A_165 = arith.constant 0 : i32
        %dma_start3A_166 = tpu.memref_slice %arg2[%add3A_162, %dma_start3A_165] : memref<320000x128xf32, #tpu.memory_space<hbm>> -> memref<40x128xf32, #tpu.memory_space<hbm>>
        tpu.enqueue_dma source(%dma_start3A_166 : memref<40x128xf32, #tpu.memory_space<hbm>>) target(%arg21 : memref<40x128xf32, #tpu.memory_space<vmem>>) target_semaphore(%arg30 : memref<!tpu.dma_semaphore, #tpu.memory_space<semaphore_mem>>)
      } else {
      }
      %lt3A_131 = arith.constant 250 : i32
      %lt3A_132 = arith.cmpi slt, %add3A_123, %lt3A_131 : i32
      %convert_element_type3A_133 = arith.extui %lt3A_132 : i1 to i32
      %cond3A_134 = arith.constant 0 : i32
      %cond3A_135 = arith.cmpi ne, %convert_element_type3A_133, %cond3A_134 : i32
      scf.if %cond3A_135 {
        %dma_wait3A_148 = arith.constant 0 : i32
        %dma_wait3A_149 = arith.constant 0 : i32
        %dma_wait3A_150 = tpu.memref_slice %arg3[%dma_wait3A_148, %dma_wait3A_149] : memref<10000x128xf32, #tpu.memory_space<hbm>> -> memref<10000x128xf32, #tpu.memory_space<hbm>>
        tpu.wait_indirect_dma semaphore(%arg31 : memref<!tpu.dma_semaphore, #tpu.memory_space<semaphore_mem>>) src(%dma_wait3A_150 : memref<10000x128xf32, #tpu.memory_space<hbm>>) dst(%arg18 : memref<40x128xf32, #tpu.memory_space<vmem>>)
        %dma_wait3A_151 = arith.constant 0 : i32
        %dma_wait3A_152 = arith.constant 0 : i32
        %dma_wait3A_153 = tpu.memref_slice %arg4[%dma_wait3A_151, %dma_wait3A_152] : memref<10000x128xf32, #tpu.memory_space<hbm>> -> memref<10000x128xf32, #tpu.memory_space<hbm>>
        tpu.wait_indirect_dma semaphore(%arg31 : memref<!tpu.dma_semaphore, #tpu.memory_space<semaphore_mem>>) src(%dma_wait3A_153 : memref<10000x128xf32, #tpu.memory_space<hbm>>) dst(%arg20 : memref<40x128xf32, #tpu.memory_space<vmem>>)
        %dma_wait3A_154 = arith.constant 0 : i32
        %dma_wait3A_155 = tpu.memref_slice %arg2[%mul3A_2, %dma_wait3A_154] : memref<320000x128xf32, #tpu.memory_space<hbm>> -> memref<40x128xf32, #tpu.memory_space<hbm>>
        %dma_wait3A_156 = arith.constant 0 : i32
        %dma_wait3A_157 = tpu.memref_slice %arg2[%mul3A_2, %dma_wait3A_156] : memref<320000x128xf32, #tpu.memory_space<hbm>> -> memref<40x128xf32, #tpu.memory_space<hbm>>
        tpu.wait_dma2 semaphore(%arg31 : memref<!tpu.dma_semaphore, #tpu.memory_space<semaphore_mem>>) src(%dma_wait3A_157 : memref<40x128xf32, #tpu.memory_space<hbm>>) dst(%arg22 : memref<40x128xf32, #tpu.memory_space<vmem>>)
      } else {
      }
      %lt3A_136 = arith.constant 250 : i32
      %lt3A_137 = arith.cmpi slt, %add3A_123, %lt3A_136 : i32
      %convert_element_type3A_138 = arith.extui %lt3A_137 : i1 to i32
      %cond3A_139 = arith.constant 0 : i32
      %cond3A_140 = arith.cmpi ne, %convert_element_type3A_138, %cond3A_139 : i32
      scf.if %cond3A_140 {
        %scan3A_148 = arith.constant 0 : i32
        %scan3A_149 = arith.constant 40 : i32
        %scan3A_150 = arith.addi %scan3A_148, %scan3A_149 : i32
        %scan3A_151 = arith.constant 1 : i32
        scf.for %scan3A_153 = %scan3A_148 to %scan3A_150 step %scan3A_151  : i32 {
          %mul3A_154 = arith.constant 1 : i32
          %mul3A_155 = arith.muli %scan3A_153, %mul3A_154 : i32
          %add3A_156 = arith.constant 0 : i32
          %add3A_157 = arith.addi %add3A_156, %mul3A_155 : i32
          %get3A = arith.index_cast %add3A_157 : i32 to index
          %get3A_158 = arith.constant 0 : index
          %get3A_159 = tpu.vector_load %arg18[%get3A, %get3A_158] {strides = array<i32>} : memref<40x128xf32, #tpu.memory_space<vmem>>, vector<1x16xf32>,
          %get3A_160 = vector.shape_cast %get3A_159 : vector<1x16xf32> to vector<16xf32>
          %get3A_161 = arith.index_cast %add3A_157 : i32 to index
          %get3A_162 = arith.constant 0 : index
          %get3A_163 = tpu.vector_load %arg20[%get3A_161, %get3A_162] {strides = array<i32>} : memref<40x128xf32, #tpu.memory_space<vmem>>, vector<1x16xf32>,
          %get3A_164 = vector.shape_cast %get3A_163 : vector<1x16xf32> to vector<16xf32>
          %add3A_165 = arith.addf %get3A_160, %get3A_164 : vector<16xf32>
          %get3A_166 = arith.index_cast %add3A_157 : i32 to index
          %get3A_167 = arith.constant 0 : index
          %get3A_168 = tpu.vector_load %arg22[%get3A_166, %get3A_167] {strides = array<i32>} : memref<40x128xf32, #tpu.memory_space<vmem>>, vector<1x16xf32>,
          %get3A_169 = vector.shape_cast %get3A_168 : vector<1x16xf32> to vector<16xf32>
          %add3A_170 = arith.addf %add3A_165, %get3A_169 : vector<16xf32>
          %max3A = arith.constant 0.000000e+00 : f32
          %max3A_171 = vector.broadcast %max3A : f32 to vector<16xf32>
          %max3A_172 = arith.maximumf %add3A_170, %max3A_171 : vector<16xf32>
          %swap3A = arith.index_cast %add3A_157 : i32 to index
          %swap3A_173 = arith.constant 0 : index
          %swap3A_174 = tpu.vector_load %arg24[%swap3A, %swap3A_173] {strides = array<i32>} : memref<40x128xf32, #tpu.memory_space<vmem>>, vector<1x16xf32>,
          %swap3A_175 = vector.shape_cast %swap3A_174 : vector<1x16xf32> to vector<16xf32>
          %swap3A_176 = vector.shape_cast %max3A_172 : vector<16xf32> to vector<1x16xf32>
          tpu.vector_store %arg24[%swap3A, %swap3A_173], %swap3A_176 {strides = array<i32>} : memref<40x128xf32, #tpu.memory_space<vmem>>, vector<1x16xf32>,
          %get3A_177 = arith.index_cast %add3A_157 : i32 to index
          %get3A_178 = arith.constant 16 : index
          %get3A_179 = tpu.vector_load %arg18[%get3A_177, %get3A_178] {strides = array<i32>} : memref<40x128xf32, #tpu.memory_space<vmem>>, vector<1x16xf32>,
          %get3A_180 = vector.shape_cast %get3A_179 : vector<1x16xf32> to vector<16xf32>
          %get3A_181 = arith.index_cast %add3A_157 : i32 to index
          %get3A_182 = arith.constant 16 : index
          %get3A_183 = tpu.vector_load %arg20[%get3A_181, %get3A_182] {strides = array<i32>} : memref<40x128xf32, #tpu.memory_space<vmem>>, vector<1x16xf32>,
          %get3A_184 = vector.shape_cast %get3A_183 : vector<1x16xf32> to vector<16xf32>
          %add3A_185 = arith.addf %get3A_180, %get3A_184 : vector<16xf32>
          %get3A_186 = arith.index_cast %add3A_157 : i32 to index
          %get3A_187 = arith.constant 16 : index
          %get3A_188 = tpu.vector_load %arg22[%get3A_186, %get3A_187] {strides = array<i32>} : memref<40x128xf32, #tpu.memory_space<vmem>>, vector<1x16xf32>,
          %get3A_189 = vector.shape_cast %get3A_188 : vector<1x16xf32> to vector<16xf32>
          %add3A_190 = arith.addf %add3A_185, %get3A_189 : vector<16xf32>
          %max3A_191 = arith.constant 0.000000e+00 : f32
          %max3A_192 = vector.broadcast %max3A_191 : f32 to vector<16xf32>
          %max3A_193 = arith.maximumf %add3A_190, %max3A_192 : vector<16xf32>
          %swap3A_194 = arith.index_cast %add3A_157 : i32 to index
          %swap3A_195 = arith.constant 16 : index
          %swap3A_196 = tpu.vector_load %arg24[%swap3A_194, %swap3A_195] {strides = array<i32>} : memref<40x128xf32, #tpu.memory_space<vmem>>, vector<1x16xf32>,
          %swap3A_197 = vector.shape_cast %swap3A_196 : vector<1x16xf32> to vector<16xf32>
          %swap3A_198 = vector.shape_cast %max3A_193 : vector<16xf32> to vector<1x16xf32>
          tpu.vector_store %arg24[%swap3A_194, %swap3A_195], %swap3A_198 {strides = array<i32>} : memref<40x128xf32, #tpu.memory_space<vmem>>, vector<1x16xf32>,
          %get3A_199 = arith.index_cast %add3A_157 : i32 to index
          %get3A_200 = arith.constant 32 : index
          %get3A_201 = tpu.vector_load %arg18[%get3A_199, %get3A_200] {strides = array<i32>} : memref<40x128xf32, #tpu.memory_space<vmem>>, vector<1x16xf32>,
          %get3A_202 = vector.shape_cast %get3A_201 : vector<1x16xf32> to vector<16xf32>
          %get3A_203 = arith.index_cast %add3A_157 : i32 to index
          %get3A_204 = arith.constant 32 : index
          %get3A_205 = tpu.vector_load %arg20[%get3A_203, %get3A_204] {strides = array<i32>} : memref<40x128xf32, #tpu.memory_space<vmem>>, vector<1x16xf32>,
          %get3A_206 = vector.shape_cast %get3A_205 : vector<1x16xf32> to vector<16xf32>
          %add3A_207 = arith.addf %get3A_202, %get3A_206 : vector<16xf32>
          %get3A_208 = arith.index_cast %add3A_157 : i32 to index
          %get3A_209 = arith.constant 32 : index
          %get3A_210 = tpu.vector_load %arg22[%get3A_208, %get3A_209] {strides = array<i32>} : memref<40x128xf32, #tpu.memory_space<vmem>>, vector<1x16xf32>,
          %get3A_211 = vector.shape_cast %get3A_210 : vector<1x16xf32> to vector<16xf32>
          %add3A_212 = arith.addf %add3A_207, %get3A_211 : vector<16xf32>
          %max3A_213 = arith.constant 0.000000e+00 : f32
          %max3A_214 = vector.broadcast %max3A_213 : f32 to vector<16xf32>
          %max3A_215 = arith.maximumf %add3A_212, %max3A_214 : vector<16xf32>
          %swap3A_216 = arith.index_cast %add3A_157 : i32 to index
          %swap3A_217 = arith.constant 32 : index
          %swap3A_218 = tpu.vector_load %arg24[%swap3A_216, %swap3A_217] {strides = array<i32>} : memref<40x128xf32, #tpu.memory_space<vmem>>, vector<1x16xf32>,
          %swap3A_219 = vector.shape_cast %swap3A_218 : vector<1x16xf32> to vector<16xf32>
          %swap3A_220 = vector.shape_cast %max3A_215 : vector<16xf32> to vector<1x16xf32>
          tpu.vector_store %arg24[%swap3A_216, %swap3A_217], %swap3A_220 {strides = array<i32>} : memref<40x128xf32, #tpu.memory_space<vmem>>, vector<1x16xf32>,
          %get3A_221 = arith.index_cast %add3A_157 : i32 to index
          %get3A_222 = arith.constant 48 : index
          %get3A_223 = tpu.vector_load %arg18[%get3A_221, %get3A_222] {strides = array<i32>} : memref<40x128xf32, #tpu.memory_space<vmem>>, vector<1x16xf32>,
          %get3A_224 = vector.shape_cast %get3A_223 : vector<1x16xf32> to vector<16xf32>
          %get3A_225 = arith.index_cast %add3A_157 : i32 to index
          %get3A_226 = arith.constant 48 : index
          %get3A_227 = tpu.vector_load %arg20[%get3A_225, %get3A_226] {strides = array<i32>} : memref<40x128xf32, #tpu.memory_space<vmem>>, vector<1x16xf32>,
          %get3A_228 = vector.shape_cast %get3A_227 : vector<1x16xf32> to vector<16xf32>
          %add3A_229 = arith.addf %get3A_224, %get3A_228 : vector<16xf32>
          %get3A_230 = arith.index_cast %add3A_157 : i32 to index
          %get3A_231 = arith.constant 48 : index
          %get3A_232 = tpu.vector_load %arg22[%get3A_230, %get3A_231] {strides = array<i32>} : memref<40x128xf32, #tpu.memory_space<vmem>>, vector<1x16xf32>,
          %get3A_233 = vector.shape_cast %get3A_232 : vector<1x16xf32> to vector<16xf32>
          %add3A_234 = arith.addf %add3A_229, %get3A_233 : vector<16xf32>
          %max3A_235 = arith.constant 0.000000e+00 : f32
          %max3A_236 = vector.broadcast %max3A_235 : f32 to vector<16xf32>
          %max3A_237 = arith.maximumf %add3A_234, %max3A_236 : vector<16xf32>
          %swap3A_238 = arith.index_cast %add3A_157 : i32 to index
          %swap3A_239 = arith.constant 48 : index
          %swap3A_240 = tpu.vector_load %arg24[%swap3A_238, %swap3A_239] {strides = array<i32>} : memref<40x128xf32, #tpu.memory_space<vmem>>, vector<1x16xf32>,
          %swap3A_241 = vector.shape_cast %swap3A_240 : vector<1x16xf32> to vector<16xf32>
          %swap3A_242 = vector.shape_cast %max3A_237 : vector<16xf32> to vector<1x16xf32>
          tpu.vector_store %arg24[%swap3A_238, %swap3A_239], %swap3A_242 {strides = array<i32>} : memref<40x128xf32, #tpu.memory_space<vmem>>, vector<1x16xf32>,
          %get3A_243 = arith.index_cast %add3A_157 : i32 to index
          %get3A_244 = arith.constant 64 : index
          %get3A_245 = tpu.vector_load %arg18[%get3A_243, %get3A_244] {strides = array<i32>} : memref<40x128xf32, #tpu.memory_space<vmem>>, vector<1x16xf32>,
          %get3A_246 = vector.shape_cast %get3A_245 : vector<1x16xf32> to vector<16xf32>
          %get3A_247 = arith.index_cast %add3A_157 : i32 to index
          %get3A_248 = arith.constant 64 : index
          %get3A_249 = tpu.vector_load %arg20[%get3A_247, %get3A_248] {strides = array<i32>} : memref<40x128xf32, #tpu.memory_space<vmem>>, vector<1x16xf32>,
          %get3A_250 = vector.shape_cast %get3A_249 : vector<1x16xf32> to vector<16xf32>
          %add3A_251 = arith.addf %get3A_246, %get3A_250 : vector<16xf32>
          %get3A_252 = arith.index_cast %add3A_157 : i32 to index
          %get3A_253 = arith.constant 64 : index
          %get3A_254 = tpu.vector_load %arg22[%get3A_252, %get3A_253] {strides = array<i32>} : memref<40x128xf32, #tpu.memory_space<vmem>>, vector<1x16xf32>,
          %get3A_255 = vector.shape_cast %get3A_254 : vector<1x16xf32> to vector<16xf32>
          %add3A_256 = arith.addf %add3A_251, %get3A_255 : vector<16xf32>
          %max3A_257 = arith.constant 0.000000e+00 : f32
          %max3A_258 = vector.broadcast %max3A_257 : f32 to vector<16xf32>
          %max3A_259 = arith.maximumf %add3A_256, %max3A_258 : vector<16xf32>
          %swap3A_260 = arith.index_cast %add3A_157 : i32 to index
          %swap3A_261 = arith.constant 64 : index
          %swap3A_262 = tpu.vector_load %arg24[%swap3A_260, %swap3A_261] {strides = array<i32>} : memref<40x128xf32, #tpu.memory_space<vmem>>, vector<1x16xf32>,
          %swap3A_263 = vector.shape_cast %swap3A_262 : vector<1x16xf32> to vector<16xf32>
          %swap3A_264 = vector.shape_cast %max3A_259 : vector<16xf32> to vector<1x16xf32>
          tpu.vector_store %arg24[%swap3A_260, %swap3A_261], %swap3A_264 {strides = array<i32>} : memref<40x128xf32, #tpu.memory_space<vmem>>, vector<1x16xf32>,
          %get3A_265 = arith.index_cast %add3A_157 : i32 to index
          %get3A_266 = arith.constant 80 : index
          %get3A_267 = tpu.vector_load %arg18[%get3A_265, %get3A_266] {strides = array<i32>} : memref<40x128xf32, #tpu.memory_space<vmem>>, vector<1x16xf32>,
          %get3A_268 = vector.shape_cast %get3A_267 : vector<1x16xf32> to vector<16xf32>
          %get3A_269 = arith.index_cast %add3A_157 : i32 to index
          %get3A_270 = arith.constant 80 : index
          %get3A_271 = tpu.vector_load %arg20[%get3A_269, %get3A_270] {strides = array<i32>} : memref<40x128xf32, #tpu.memory_space<vmem>>, vector<1x16xf32>,
          %get3A_272 = vector.shape_cast %get3A_271 : vector<1x16xf32> to vector<16xf32>
          %add3A_273 = arith.addf %get3A_268, %get3A_272 : vector<16xf32>
          %get3A_274 = arith.index_cast %add3A_157 : i32 to index
          %get3A_275 = arith.constant 80 : index
          %get3A_276 = tpu.vector_load %arg22[%get3A_274, %get3A_275] {strides = array<i32>} : memref<40x128xf32, #tpu.memory_space<vmem>>, vector<1x16xf32>,
          %get3A_277 = vector.shape_cast %get3A_276 : vector<1x16xf32> to vector<16xf32>
          %add3A_278 = arith.addf %add3A_273, %get3A_277 : vector<16xf32>
          %max3A_279 = arith.constant 0.000000e+00 : f32
          %max3A_280 = vector.broadcast %max3A_279 : f32 to vector<16xf32>
          %max3A_281 = arith.maximumf %add3A_278, %max3A_280 : vector<16xf32>
          %swap3A_282 = arith.index_cast %add3A_157 : i32 to index
          %swap3A_283 = arith.constant 80 : index
          %swap3A_284 = tpu.vector_load %arg24[%swap3A_282, %swap3A_283] {strides = array<i32>} : memref<40x128xf32, #tpu.memory_space<vmem>>, vector<1x16xf32>,
          %swap3A_285 = vector.shape_cast %swap3A_284 : vector<1x16xf32> to vector<16xf32>
          %swap3A_286 = vector.shape_cast %max3A_281 : vector<16xf32> to vector<1x16xf32>
          tpu.vector_store %arg24[%swap3A_282, %swap3A_283], %swap3A_286 {strides = array<i32>} : memref<40x128xf32, #tpu.memory_space<vmem>>, vector<1x16xf32>,
          %get3A_287 = arith.index_cast %add3A_157 : i32 to index
          %get3A_288 = arith.constant 96 : index
          %get3A_289 = tpu.vector_load %arg18[%get3A_287, %get3A_288] {strides = array<i32>} : memref<40x128xf32, #tpu.memory_space<vmem>>, vector<1x16xf32>,
          %get3A_290 = vector.shape_cast %get3A_289 : vector<1x16xf32> to vector<16xf32>
          %get3A_291 = arith.index_cast %add3A_157 : i32 to index
          %get3A_292 = arith.constant 96 : index
          %get3A_293 = tpu.vector_load %arg20[%get3A_291, %get3A_292] {strides = array<i32>} : memref<40x128xf32, #tpu.memory_space<vmem>>, vector<1x16xf32>,
          %get3A_294 = vector.shape_cast %get3A_293 : vector<1x16xf32> to vector<16xf32>
          %add3A_295 = arith.addf %get3A_290, %get3A_294 : vector<16xf32>
          %get3A_296 = arith.index_cast %add3A_157 : i32 to index
          %get3A_297 = arith.constant 96 : index
          %get3A_298 = tpu.vector_load %arg22[%get3A_296, %get3A_297] {strides = array<i32>} : memref<40x128xf32, #tpu.memory_space<vmem>>, vector<1x16xf32>,
          %get3A_299 = vector.shape_cast %get3A_298 : vector<1x16xf32> to vector<16xf32>
          %add3A_300 = arith.addf %add3A_295, %get3A_299 : vector<16xf32>
          %max3A_301 = arith.constant 0.000000e+00 : f32
          %max3A_302 = vector.broadcast %max3A_301 : f32 to vector<16xf32>
          %max3A_303 = arith.maximumf %add3A_300, %max3A_302 : vector<16xf32>
          %swap3A_304 = arith.index_cast %add3A_157 : i32 to index
          %swap3A_305 = arith.constant 96 : index
          %swap3A_306 = tpu.vector_load %arg24[%swap3A_304, %swap3A_305] {strides = array<i32>} : memref<40x128xf32, #tpu.memory_space<vmem>>, vector<1x16xf32>,
          %swap3A_307 = vector.shape_cast %swap3A_306 : vector<1x16xf32> to vector<16xf32>
          %swap3A_308 = vector.shape_cast %max3A_303 : vector<16xf32> to vector<1x16xf32>
          tpu.vector_store %arg24[%swap3A_304, %swap3A_305], %swap3A_308 {strides = array<i32>} : memref<40x128xf32, #tpu.memory_space<vmem>>, vector<1x16xf32>,
          %get3A_309 = arith.index_cast %add3A_157 : i32 to index
          %get3A_310 = arith.constant 112 : index
          %get3A_311 = tpu.vector_load %arg18[%get3A_309, %get3A_310] {strides = array<i32>} : memref<40x128xf32, #tpu.memory_space<vmem>>, vector<1x16xf32>,
          %get3A_312 = vector.shape_cast %get3A_311 : vector<1x16xf32> to vector<16xf32>
          %get3A_313 = arith.index_cast %add3A_157 : i32 to index
          %get3A_314 = arith.constant 112 : index
          %get3A_315 = tpu.vector_load %arg20[%get3A_313, %get3A_314] {strides = array<i32>} : memref<40x128xf32, #tpu.memory_space<vmem>>, vector<1x16xf32>,
          %get3A_316 = vector.shape_cast %get3A_315 : vector<1x16xf32> to vector<16xf32>
          %add3A_317 = arith.addf %get3A_312, %get3A_316 : vector<16xf32>
          %get3A_318 = arith.index_cast %add3A_157 : i32 to index
          %get3A_319 = arith.constant 112 : index
          %get3A_320 = tpu.vector_load %arg22[%get3A_318, %get3A_319] {strides = array<i32>} : memref<40x128xf32, #tpu.memory_space<vmem>>, vector<1x16xf32>,
          %get3A_321 = vector.shape_cast %get3A_320 : vector<1x16xf32> to vector<16xf32>
          %add3A_322 = arith.addf %add3A_317, %get3A_321 : vector<16xf32>
          %max3A_323 = arith.constant 0.000000e+00 : f32
          %max3A_324 = vector.broadcast %max3A_323 : f32 to vector<16xf32>
          %max3A_325 = arith.maximumf %add3A_322, %max3A_324 : vector<16xf32>
          %swap3A_326 = arith.index_cast %add3A_157 : i32 to index
          %swap3A_327 = arith.constant 112 : index
          %swap3A_328 = tpu.vector_load %arg24[%swap3A_326, %swap3A_327] {strides = array<i32>} : memref<40x128xf32, #tpu.memory_space<vmem>>, vector<1x16xf32>,
          %swap3A_329 = vector.shape_cast %swap3A_328 : vector<1x16xf32> to vector<16xf32>
          %swap3A_330 = vector.shape_cast %max3A_325 : vector<16xf32> to vector<1x16xf32>
          tpu.vector_store %arg24[%swap3A_326, %swap3A_327], %swap3A_330 {strides = array<i32>} : memref<40x128xf32, #tpu.memory_space<vmem>>, vector<1x16xf32>,
        }
        %scan3A_152 = arith.constant 40 : i32
        "tpu.region"() ({
          %run_scoped3A = tpu.sem_alloc : memref<!tpu.dma_semaphore, #tpu.memory_space<semaphore_mem>>
          %dma_start3A_153 = arith.constant 0 : i32
          %dma_start3A_154 = arith.constant 0 : i32
          %dma_start3A_155 = tpu.memref_slice %arg25[%dma_start3A_153, %dma_start3A_154] : memref<10112x128xf32, #tpu.memory_space<vmem_shared>> -> memref<10112x128xf32, #tpu.memory_space<vmem_shared>>
          tpu.enqueue_indirect_dma source(%arg24 : memref<40x128xf32, #tpu.memory_space<vmem>>) target(%dma_start3A_155 : memref<10112x128xf32, #tpu.memory_space<vmem_shared>>) offsets(%arg12 : memref<40xi32, #tpu.memory_space<vmem>>) semaphore(%run_scoped3A : memref<!tpu.dma_semaphore, #tpu.memory_space<semaphore_mem>>) {add = true}
          %dma_wait3A_156 = arith.constant 0 : i32
          %dma_wait3A_157 = arith.constant 0 : i32
          %dma_wait3A_158 = tpu.memref_slice %arg25[%dma_wait3A_156, %dma_wait3A_157] : memref<10112x128xf32, #tpu.memory_space<vmem_shared>> -> memref<10112x128xf32, #tpu.memory_space<vmem_shared>>
          tpu.wait_indirect_dma semaphore(%run_scoped3A : memref<!tpu.dma_semaphore, #tpu.memory_space<semaphore_mem>>) src(%arg24 : memref<40x128xf32, #tpu.memory_space<vmem>>) dst(%dma_wait3A_158 : memref<10112x128xf32, #tpu.memory_space<vmem_shared>>)
          tpu.yield
        }) : () -> ()
      } else {
      }
      %add3A_141 = arith.constant 2 : i32
      %add3A_142 = arith.addi %add3A_123, %add3A_141 : i32
      %lt3A_143 = arith.constant 250 : i32
      %lt3A_144 = arith.cmpi slt, %add3A_142, %lt3A_143 : i32
      %convert_element_type3A_145 = arith.extui %lt3A_144 : i1 to i32
      %cond3A_146 = arith.constant 0 : i32
      %cond3A_147 = arith.cmpi ne, %convert_element_type3A_145, %cond3A_146 : i32
      scf.if %cond3A_147 {
        %add3A_148 = arith.constant 2 : i32
        %add3A_149 = arith.addi %add3A_123, %add3A_148 : i32
        %mul3A_150 = arith.constant 40 : i32
        %mul3A_151 = arith.muli %add3A_149, %mul3A_150 : i32
        %add3A_152 = arith.addi %mul3A_2, %mul3A_151 : i32
        %dma_start3A_153 = tpu.memref_slice %arg5[%add3A_152] : memref<320000xi32, #tpu.memory_space<hbm>> -> memref<40xi32, #tpu.memory_space<hbm>>
        %dma_start3A_154 = tpu.memref_slice %arg5[%add3A_152] : memref<320000xi32, #tpu.memory_space<hbm>> -> memref<40xi32, #tpu.memory_space<hbm>>
        tpu.enqueue_dma source(%dma_start3A_154 : memref<40xi32, #tpu.memory_space<hbm>>) target(%arg10 : memref<40xi32, #tpu.memory_space<vmem>>) target_semaphore(%arg27 : memref<!tpu.dma_semaphore, #tpu.memory_space<semaphore_mem>>)
        %dma_start3A_155 = tpu.memref_slice %arg6[%add3A_152] : memref<320000xi32, #tpu.memory_space<hbm>> -> memref<40xi32, #tpu.memory_space<hbm>>
        %dma_start3A_156 = tpu.memref_slice %arg6[%add3A_152] : memref<320000xi32, #tpu.memory_space<hbm>> -> memref<40xi32, #tpu.memory_space<hbm>>
        tpu.enqueue_dma source(%dma_start3A_156 : memref<40xi32, #tpu.memory_space<hbm>>) target(%arg14 : memref<40xi32, #tpu.memory_space<vmem>>) target_semaphore(%arg27 : memref<!tpu.dma_semaphore, #tpu.memory_space<semaphore_mem>>)
      } else {
      }
    }
    %scan3A_36 = arith.constant 63 : i32
    %barrier3A_37 = arith.constant 0 : index
    tpu.barrier barrier_id(%barrier3A_37)
    %mul3A_38 = arith.constant 632 : i32
    %mul3A_39 = arith.muli %arg1, %mul3A_38 : i32
    %mul3A_40 = arith.constant 632 : i32
    %mul3A_41 = arith.muli %arg1, %mul3A_40 : i32
    "tpu.region"() ({
      %run_scoped3A = tpu.sem_alloc : memref<!tpu.dma_semaphore, #tpu.memory_space<semaphore_mem>>
      %dma_start3A_42 = arith.constant 0 : i32
      %dma_start3A_43 = arith.constant 0 : i32
      %dma_start3A_44 = tpu.memref_slice %arg8[%arg0, %dma_start3A_42, %dma_start3A_43] : memref<2x10112x128xf32, #tpu.memory_space<hbm>> -> memref<1x10112x128xf32, #tpu.memory_space<hbm>>
      %dma_start3A_45 = tpu.memref_squeeze %dma_start3A_44 : memref<1x10112x128xf32, #tpu.memory_space<hbm>> -> memref<10112x128xf32, #tpu.memory_space<hbm>>
      %dma_start3A_46 = arith.constant 0 : i32
      %dma_start3A_47 = tpu.memref_slice %dma_start3A_45[%mul3A_41, %dma_start3A_46] : memref<10112x128xf32, #tpu.memory_space<hbm>> -> memref<632x128xf32, #tpu.memory_space<hbm>>
      %dma_start3A_48 = arith.constant 0 : i32
      %dma_start3A_49 = tpu.memref_slice %arg25[%mul3A_39, %dma_start3A_48] : memref<10112x128xf32, #tpu.memory_space<vmem_shared>> -> memref<632x128xf32, #tpu.memory_space<vmem_shared>>
      tpu.enqueue_dma source(%dma_start3A_49 : memref<632x128xf32, #tpu.memory_space<vmem_shared>>) target(%dma_start3A_47 : memref<632x128xf32, #tpu.memory_space<hbm>>) target_semaphore(%run_scoped3A : memref<!tpu.dma_semaphore, #tpu.memory_space<semaphore_mem>>)
      %dma_wait3A_50 = arith.constant 0 : i32
      %dma_wait3A_51 = arith.constant 0 : i32
      %dma_wait3A_52 = tpu.memref_slice %arg8[%arg0, %dma_wait3A_50, %dma_wait3A_51] : memref<2x10112x128xf32, #tpu.memory_space<hbm>> -> memref<1x10112x128xf32, #tpu.memory_space<hbm>>
      %dma_wait3A_53 = tpu.memref_squeeze %dma_wait3A_52 : memref<1x10112x128xf32, #tpu.memory_space<hbm>> -> memref<10112x128xf32, #tpu.memory_space<hbm>>
      %dma_wait3A_54 = arith.constant 0 : i32
      %dma_wait3A_55 = tpu.memref_slice %dma_wait3A_53[%mul3A_41, %dma_wait3A_54] : memref<10112x128xf32, #tpu.memory_space<hbm>> -> memref<632x128xf32, #tpu.memory_space<hbm>>
      %dma_wait3A_56 = arith.constant 0 : i32
      %dma_wait3A_57 = tpu.memref_slice %arg25[%mul3A_39, %dma_wait3A_56] : memref<10112x128xf32, #tpu.memory_space<vmem_shared>> -> memref<632x128xf32, #tpu.memory_space<vmem_shared>>
      tpu.wait_dma2 semaphore(%run_scoped3A : memref<!tpu.dma_semaphore, #tpu.memory_space<semaphore_mem>>) src(%dma_wait3A_57 : memref<632x128xf32, #tpu.memory_space<vmem_shared>>) dst(%dma_wait3A_55 : memref<632x128xf32, #tpu.memory_space<hbm>>)
      tpu.yield
    }) : () -> ()
    return
  }
}

#map = affine_map<(d0, d1) -> (0, 0)>
#map1 = affine_map<(d0, d1) -> (0)>
#map2 = affine_map<(d0, d1) -> (0, 0, 0)>
module attributes {stable_mosaic.version = 14 : i64} {
  func.func @k(%arg0: i32, %arg1: i32, %arg2: memref<320000x128xf32, #tpu.memory_space<hbm>>, %arg3: memref<10000x128xf32, #tpu.memory_space<hbm>>, %arg4: memref<10000x128xf32, #tpu.memory_space<hbm>>, %arg5: memref<320000xi32, #tpu.memory_space<hbm>>, %arg6: memref<320000xi32, #tpu.memory_space<hbm>>, %arg7: memref<10112x128xf32, #tpu.memory_space<hbm>>, %arg8: memref<2x10112x128xf32, #tpu.memory_space<hbm>>, %arg9: memref<40xi32, #tpu.memory_space<vmem>>, %arg10: memref<40xi32, #tpu.memory_space<vmem>>, %arg11: memref<40xi32, #tpu.memory_space<vmem>>, %arg12: memref<40xi32, #tpu.memory_space<vmem>>, %arg13: memref<40xi32, #tpu.memory_space<vmem>>, %arg14: memref<40xi32, #tpu.memory_space<vmem>>, %arg15: memref<40xi32, #tpu.memory_space<vmem>>, %arg16: memref<40xi32, #tpu.memory_space<vmem>>, %arg17: memref<40x128xf32, #tpu.memory_space<vmem>>, %arg18: memref<40x128xf32, #tpu.memory_space<vmem>>, %arg19: memref<40x128xf32, #tpu.memory_space<vmem>>, %arg20: memref<40x128xf32, #tpu.memory_space<vmem>>, %arg21: memref<40x128xf32, #tpu.memory_space<vmem>>, %arg22: memref<40x128xf32, #tpu.memory_space<vmem>>, %arg23: memref<40x128xf32, #tpu.memory_space<vmem>>, %arg24: memref<40x128xf32, #tpu.memory_space<vmem>>, %arg25: memref<10112x128xf32, #tpu.memory_space<vmem_shared>>, %arg26: memref<!tpu.dma_semaphore, #tpu.memory_space<semaphore_mem>>, %arg27: memref<!tpu.dma_semaphore, #tpu.memory_space<semaphore_mem>>, %arg28: memref<!tpu.dma_semaphore, #tpu.memory_space<semaphore_mem>>, %arg29: memref<!tpu.dma_semaphore, #tpu.memory_space<semaphore_mem>>, %arg30: memref<!tpu.dma_semaphore, #tpu.memory_space<semaphore_mem>>, %arg31: memref<!tpu.dma_semaphore, #tpu.memory_space<semaphore_mem>>, %arg32: memref<!tpu.dma_semaphore, #tpu.memory_space<semaphore_mem>>, %arg33: memref<!tpu.dma_semaphore, #tpu.memory_space<semaphore_mem>>) attributes {dimension_semantics = [#tpu.dimension_semantics<core_parallel>, #tpu.dimension_semantics<subcore_parallel>], iteration_bounds = array<i64: 2, 16>, scalar_prefetch = 0 : i64, scratch_operands = 25 : i64, tpu.core_type = #tpu.core_type<sc_vector_subcore>, window_params = [{transform_indices = #map}, {transform_indices = #map}, {transform_indices = #map}, {transform_indices = #map1}, {transform_indices = #map1}, {transform_indices = #map}, {transform_indices = #map2}]} {
    %mul3A = arith.constant 16 : i32
    %mul3A_0 = arith.muli %arg0, %mul3A : i32
    %add3A = arith.addi %mul3A_0, %arg1 : i32
    %mul3A_1 = arith.constant 10000 : i32
    %mul3A_2 = arith.muli %add3A, %mul3A_1 : i32
    %mul3A_3 = arith.constant 632 : i32
    %mul3A_4 = arith.muli %arg1, %mul3A_3 : i32
    %mul3A_5 = arith.constant 632 : i32
    %mul3A_6 = arith.muli %arg1, %mul3A_5 : i32
    "tpu.region"() ({
      %run_scoped3A = tpu.sem_alloc : memref<!tpu.dma_semaphore, #tpu.memory_space<semaphore_mem>>
      %dma_start3A_42 = arith.constant 0 : i32
      %dma_start3A_43 = tpu.memref_slice %arg25[%mul3A_6, %dma_start3A_42] : memref<10112x128xf32, #tpu.memory_space<vmem_shared>> -> memref<632x128xf32, #tpu.memory_space<vmem_shared>>
      %dma_start3A_44 = arith.constant 0 : i32
      %dma_start3A_45 = tpu.memref_slice %arg7[%mul3A_4, %dma_start3A_44] : memref<10112x128xf32, #tpu.memory_space<hbm>> -> memref<632x128xf32, #tpu.memory_space<hbm>>
      tpu.enqueue_dma source(%dma_start3A_45 : memref<632x128xf32, #tpu.memory_space<hbm>>) target(%dma_start3A_43 : memref<632x128xf32, #tpu.memory_space<vmem_shared>>) target_semaphore(%run_scoped3A : memref<!tpu.dma_semaphore, #tpu.memory_space<semaphore_mem>>)
      %dma_wait3A_46 = arith.constant 0 : i32
      %dma_wait3A_47 = tpu.memref_slice %arg25[%mul3A_6, %dma_wait3A_46] : memref<10112x128xf32, #tpu.memory_space<vmem_shared>> -> memref<632x128xf32, #tpu.memory_space<vmem_shared>>
      %dma_wait3A_48 = arith.constant 0 : i32
      %dma_wait3A_49 = tpu.memref_slice %arg7[%mul3A_4, %dma_wait3A_48] : memref<10112x128xf32, #tpu.memory_space<hbm>> -> memref<632x128xf32, #tpu.memory_space<hbm>>
      tpu.wait_dma2 semaphore(%run_scoped3A : memref<!tpu.dma_semaphore, #tpu.memory_space<semaphore_mem>>) src(%dma_wait3A_49 : memref<632x128xf32, #tpu.memory_space<hbm>>) dst(%dma_wait3A_47 : memref<632x128xf32, #tpu.memory_space<vmem_shared>>)
      tpu.yield
    }) : () -> ()
    %barrier3A = arith.constant 0 : index
    tpu.barrier barrier_id(%barrier3A)
    %add3A_7 = arith.constant 0 : i32
    %add3A_8 = arith.addi %mul3A_2, %add3A_7 : i32
    %dma_start3A = tpu.memref_slice %arg5[%add3A_8] : memref<320000xi32, #tpu.memory_space<hbm>> -> memref<40xi32, #tpu.memory_space<hbm>>
    %dma_start3A_9 = tpu.memref_slice %arg5[%add3A_8] : memref<320000xi32, #tpu.memory_space<hbm>> -> memref<40xi32, #tpu.memory_space<hbm>>
    tpu.enqueue_dma source(%dma_start3A_9 : memref<40xi32, #tpu.memory_space<hbm>>) target(%arg9 : memref<40xi32, #tpu.memory_space<vmem>>) target_semaphore(%arg26 : memref<!tpu.dma_semaphore, #tpu.memory_space<semaphore_mem>>)
    %dma_start3A_10 = tpu.memref_slice %arg6[%add3A_8] : memref<320000xi32, #tpu.memory_space<hbm>> -> memref<40xi32, #tpu.memory_space<hbm>>
    %dma_start3A_11 = tpu.memref_slice %arg6[%add3A_8] : memref<320000xi32, #tpu.memory_space<hbm>> -> memref<40xi32, #tpu.memory_space<hbm>>
    tpu.enqueue_dma source(%dma_start3A_11 : memref<40xi32, #tpu.memory_space<hbm>>) target(%arg13 : memref<40xi32, #tpu.memory_space<vmem>>) target_semaphore(%arg26 : memref<!tpu.dma_semaphore, #tpu.memory_space<semaphore_mem>>)
    %dma_wait3A = tpu.memref_slice %arg5[%mul3A_2] : memref<320000xi32, #tpu.memory_space<hbm>> -> memref<40xi32, #tpu.memory_space<hbm>>
    %dma_wait3A_12 = tpu.memref_slice %arg5[%mul3A_2] : memref<320000xi32, #tpu.memory_space<hbm>> -> memref<40xi32, #tpu.memory_space<hbm>>
    tpu.wait_dma2 semaphore(%arg26 : memref<!tpu.dma_semaphore, #tpu.memory_space<semaphore_mem>>) src(%dma_wait3A_12 : memref<40xi32, #tpu.memory_space<hbm>>) dst(%arg9 : memref<40xi32, #tpu.memory_space<vmem>>)
    %dma_wait3A_13 = tpu.memref_slice %arg6[%mul3A_2] : memref<320000xi32, #tpu.memory_space<hbm>> -> memref<40xi32, #tpu.memory_space<hbm>>
    %dma_wait3A_14 = tpu.memref_slice %arg6[%mul3A_2] : memref<320000xi32, #tpu.memory_space<hbm>> -> memref<40xi32, #tpu.memory_space<hbm>>
    tpu.wait_dma2 semaphore(%arg26 : memref<!tpu.dma_semaphore, #tpu.memory_space<semaphore_mem>>) src(%dma_wait3A_14 : memref<40xi32, #tpu.memory_space<hbm>>) dst(%arg13 : memref<40xi32, #tpu.memory_space<vmem>>)
    %dma_start3A_15 = arith.constant 0 : i32
    %dma_start3A_16 = arith.constant 0 : i32
    %dma_start3A_17 = tpu.memref_slice %arg3[%dma_start3A_15, %dma_start3A_16] : memref<10000x128xf32, #tpu.memory_space<hbm>> -> memref<10000x128xf32, #tpu.memory_space<hbm>>
    tpu.enqueue_indirect_dma source(%dma_start3A_17 : memref<10000x128xf32, #tpu.memory_space<hbm>>) target(%arg17 : memref<40x128xf32, #tpu.memory_space<vmem>>) offsets(%arg9 : memref<40xi32, #tpu.memory_space<vmem>>) semaphore(%arg30 : memref<!tpu.dma_semaphore, #tpu.memory_space<semaphore_mem>>)
    %dma_start3A_18 = arith.constant 0 : i32
    %dma_start3A_19 = arith.constant 0 : i32
    %dma_start3A_20 = tpu.memref_slice %arg4[%dma_start3A_18, %dma_start3A_19] : memref<10000x128xf32, #tpu.memory_space<hbm>> -> memref<10000x128xf32, #tpu.memory_space<hbm>>
    tpu.enqueue_indirect_dma source(%dma_start3A_20 : memref<10000x128xf32, #tpu.memory_space<hbm>>) target(%arg19 : memref<40x128xf32, #tpu.memory_space<vmem>>) offsets(%arg13 : memref<40xi32, #tpu.memory_space<vmem>>) semaphore(%arg30 : memref<!tpu.dma_semaphore, #tpu.memory_space<semaphore_mem>>)
    %add3A_21 = arith.constant 0 : i32
    %add3A_22 = arith.addi %mul3A_2, %add3A_21 : i32
    %dma_start3A_23 = arith.constant 0 : i32
    %dma_start3A_24 = tpu.memref_slice %arg2[%add3A_22, %dma_start3A_23] : memref<320000x128xf32, #tpu.memory_space<hbm>> -> memref<40x128xf32, #tpu.memory_space<hbm>>
    %dma_start3A_25 = arith.constant 0 : i32
    %dma_start3A_26 = tpu.memref_slice %arg2[%add3A_22, %dma_start3A_25] : memref<320000x128xf32, #tpu.memory_space<hbm>> -> memref<40x128xf32, #tpu.memory_space<hbm>>
    tpu.enqueue_dma source(%dma_start3A_26 : memref<40x128xf32, #tpu.memory_space<hbm>>) target(%arg21 : memref<40x128xf32, #tpu.memory_space<vmem>>) target_semaphore(%arg30 : memref<!tpu.dma_semaphore, #tpu.memory_space<semaphore_mem>>)
    %add3A_27 = arith.constant 40 : i32
    %add3A_28 = arith.addi %mul3A_2, %add3A_27 : i32
    %dma_start3A_29 = tpu.memref_slice %arg5[%add3A_28] : memref<320000xi32, #tpu.memory_space<hbm>> -> memref<40xi32, #tpu.memory_space<hbm>>
    %dma_start3A_30 = tpu.memref_slice %arg5[%add3A_28] : memref<320000xi32, #tpu.memory_space<hbm>> -> memref<40xi32, #tpu.memory_space<hbm>>
    tpu.enqueue_dma source(%dma_start3A_30 : memref<40xi32, #tpu.memory_space<hbm>>) target(%arg10 : memref<40xi32, #tpu.memory_space<vmem>>) target_semaphore(%arg27 : memref<!tpu.dma_semaphore, #tpu.memory_space<semaphore_mem>>)
    %dma_start3A_31 = tpu.memref_slice %arg6[%add3A_28] : memref<320000xi32, #tpu.memory_space<hbm>> -> memref<40xi32, #tpu.memory_space<hbm>>
    %dma_start3A_32 = tpu.memref_slice %arg6[%add3A_28] : memref<320000xi32, #tpu.memory_space<hbm>> -> memref<40xi32, #tpu.memory_space<hbm>>
    tpu.enqueue_dma source(%dma_start3A_32 : memref<40xi32, #tpu.memory_space<hbm>>) target(%arg14 : memref<40xi32, #tpu.memory_space<vmem>>) target_semaphore(%arg27 : memref<!tpu.dma_semaphore, #tpu.memory_space<semaphore_mem>>)
    %scan3A = arith.constant 0 : i32
    %scan3A_33 = arith.constant 63 : i32
    %scan3A_34 = arith.addi %scan3A, %scan3A_33 : i32
    %scan3A_35 = arith.constant 1 : i32
    scf.for %scan3A_42 = %scan3A to %scan3A_34 step %scan3A_35  : i32 {
      %mul3A_43 = arith.constant 4 : i32
      %mul3A_44 = arith.muli %scan3A_42, %mul3A_43 : i32
      %add3A_45 = arith.constant 0 : i32
      %add3A_46 = arith.addi %add3A_45, %mul3A_44 : i32
      %add3A_47 = arith.constant 0 : i32
      %add3A_48 = arith.addi %add3A_46, %add3A_47 : i32
      %add3A_49 = arith.constant 1 : i32
      %add3A_50 = arith.addi %add3A_48, %add3A_49 : i32
      %lt3A = arith.constant 250 : i32
      %lt3A_51 = arith.cmpi slt, %add3A_50, %lt3A : i32
      %convert_element_type3A = arith.extui %lt3A_51 : i1 to i32
      %cond3A = arith.constant 0 : i32
      %cond3A_52 = arith.cmpi ne, %convert_element_type3A, %cond3A : i32
      scf.if %cond3A_52 {
        %dma_wait3A_148 = tpu.memref_slice %arg5[%mul3A_2] : memref<320000xi32, #tpu.memory_space<hbm>> -> memref<40xi32, #tpu.memory_space<hbm>>
        %dma_wait3A_149 = tpu.memref_slice %arg5[%mul3A_2] : memref<320000xi32, #tpu.memory_space<hbm>> -> memref<40xi32, #tpu.memory_space<hbm>>
        tpu.wait_dma2 semaphore(%arg27 : memref<!tpu.dma_semaphore, #tpu.memory_space<semaphore_mem>>) src(%dma_wait3A_149 : memref<40xi32, #tpu.memory_space<hbm>>) dst(%arg10 : memref<40xi32, #tpu.memory_space<vmem>>)
        %dma_wait3A_150 = tpu.memref_slice %arg6[%mul3A_2] : memref<320000xi32, #tpu.memory_space<hbm>> -> memref<40xi32, #tpu.memory_space<hbm>>
        %dma_wait3A_151 = tpu.memref_slice %arg6[%mul3A_2] : memref<320000xi32, #tpu.memory_space<hbm>> -> memref<40xi32, #tpu.memory_space<hbm>>
        tpu.wait_dma2 semaphore(%arg27 : memref<!tpu.dma_semaphore, #tpu.memory_space<semaphore_mem>>) src(%dma_wait3A_151 : memref<40xi32, #tpu.memory_space<hbm>>) dst(%arg14 : memref<40xi32, #tpu.memory_space<vmem>>)
        %add3A_152 = arith.constant 1 : i32
        %add3A_153 = arith.addi %add3A_48, %add3A_152 : i32
        %dma_start3A_154 = arith.constant 0 : i32
        %dma_start3A_155 = arith.constant 0 : i32
        %dma_start3A_156 = tpu.memref_slice %arg3[%dma_start3A_154, %dma_start3A_155] : memref<10000x128xf32, #tpu.memory_space<hbm>> -> memref<10000x128xf32, #tpu.memory_space<hbm>>
        tpu.enqueue_indirect_dma source(%dma_start3A_156 : memref<10000x128xf32, #tpu.memory_space<hbm>>) target(%arg18 : memref<40x128xf32, #tpu.memory_space<vmem>>) offsets(%arg10 : memref<40xi32, #tpu.memory_space<vmem>>) semaphore(%arg31 : memref<!tpu.dma_semaphore, #tpu.memory_space<semaphore_mem>>)
        %dma_start3A_157 = arith.constant 0 : i32
        %dma_start3A_158 = arith.constant 0 : i32
        %dma_start3A_159 = tpu.memref_slice %arg4[%dma_start3A_157, %dma_start3A_158] : memref<10000x128xf32, #tpu.memory_space<hbm>> -> memref<10000x128xf32, #tpu.memory_space<hbm>>
        tpu.enqueue_indirect_dma source(%dma_start3A_159 : memref<10000x128xf32, #tpu.memory_space<hbm>>) target(%arg20 : memref<40x128xf32, #tpu.memory_space<vmem>>) offsets(%arg14 : memref<40xi32, #tpu.memory_space<vmem>>) semaphore(%arg31 : memref<!tpu.dma_semaphore, #tpu.memory_space<semaphore_mem>>)
        %mul3A_160 = arith.constant 40 : i32
        %mul3A_161 = arith.muli %add3A_153, %mul3A_160 : i32
        %add3A_162 = arith.addi %mul3A_2, %mul3A_161 : i32
        %dma_start3A_163 = arith.constant 0 : i32
        %dma_start3A_164 = tpu.memref_slice %arg2[%add3A_162, %dma_start3A_163] : memref<320000x128xf32, #tpu.memory_space<hbm>> -> memref<40x128xf32, #tpu.memory_space<hbm>>
        %dma_start3A_165 = arith.constant 0 : i32
        %dma_start3A_166 = tpu.memref_slice %arg2[%add3A_162, %dma_start3A_165] : memref<320000x128xf32, #tpu.memory_space<hbm>> -> memref<40x128xf32, #tpu.memory_space<hbm>>
        tpu.enqueue_dma source(%dma_start3A_166 : memref<40x128xf32, #tpu.memory_space<hbm>>) target(%arg22 : memref<40x128xf32, #tpu.memory_space<vmem>>) target_semaphore(%arg31 : memref<!tpu.dma_semaphore, #tpu.memory_space<semaphore_mem>>)
      } else {
      }
      %lt3A_53 = arith.constant 250 : i32
      %lt3A_54 = arith.cmpi slt, %add3A_48, %lt3A_53 : i32
      %convert_element_type3A_55 = arith.extui %lt3A_54 : i1 to i32
      %cond3A_56 = arith.constant 0 : i32
      %cond3A_57 = arith.cmpi ne, %convert_element_type3A_55, %cond3A_56 : i32
      scf.if %cond3A_57 {
        %dma_wait3A_148 = arith.constant 0 : i32
        %dma_wait3A_149 = arith.constant 0 : i32
        %dma_wait3A_150 = tpu.memref_slice %arg3[%dma_wait3A_148, %dma_wait3A_149] : memref<10000x128xf32, #tpu.memory_space<hbm>> -> memref<10000x128xf32, #tpu.memory_space<hbm>>
        tpu.wait_indirect_dma semaphore(%arg30 : memref<!tpu.dma_semaphore, #tpu.memory_space<semaphore_mem>>) src(%dma_wait3A_150 : memref<10000x128xf32, #tpu.memory_space<hbm>>) dst(%arg17 : memref<40x128xf32, #tpu.memory_space<vmem>>)
        %dma_wait3A_151 = arith.constant 0 : i32
        %dma_wait3A_152 = arith.constant 0 : i32
        %dma_wait3A_153 = tpu.memref_slice %arg4[%dma_wait3A_151, %dma_wait3A_152] : memref<10000x128xf32, #tpu.memory_space<hbm>> -> memref<10000x128xf32, #tpu.memory_space<hbm>>
        tpu.wait_indirect_dma semaphore(%arg30 : memref<!tpu.dma_semaphore, #tpu.memory_space<semaphore_mem>>) src(%dma_wait3A_153 : memref<10000x128xf32, #tpu.memory_space<hbm>>) dst(%arg19 : memref<40x128xf32, #tpu.memory_space<vmem>>)
        %dma_wait3A_154 = arith.constant 0 : i32
        %dma_wait3A_155 = tpu.memref_slice %arg2[%mul3A_2, %dma_wait3A_154] : memref<320000x128xf32, #tpu.memory_space<hbm>> -> memref<40x128xf32, #tpu.memory_space<hbm>>
        %dma_wait3A_156 = arith.constant 0 : i32
        %dma_wait3A_157 = tpu.memref_slice %arg2[%mul3A_2, %dma_wait3A_156] : memref<320000x128xf32, #tpu.memory_space<hbm>> -> memref<40x128xf32, #tpu.memory_space<hbm>>
        tpu.wait_dma2 semaphore(%arg30 : memref<!tpu.dma_semaphore, #tpu.memory_space<semaphore_mem>>) src(%dma_wait3A_157 : memref<40x128xf32, #tpu.memory_space<hbm>>) dst(%arg21 : memref<40x128xf32, #tpu.memory_space<vmem>>)
      } else {
      }
      %lt3A_58 = arith.constant 250 : i32
      %lt3A_59 = arith.cmpi slt, %add3A_48, %lt3A_58 : i32
      %convert_element_type3A_60 = arith.extui %lt3A_59 : i1 to i32
      %cond3A_61 = arith.constant 0 : i32
      %cond3A_62 = arith.cmpi ne, %convert_element_type3A_60, %cond3A_61 : i32
      scf.if %cond3A_62 {
        %scan3A_148 = arith.constant 0 : i32
        %scan3A_149 = arith.constant 40 : i32
        %scan3A_150 = arith.addi %scan3A_148, %scan3A_149 : i32
        %scan3A_151 = arith.constant 1 : i32
        scf.for %scan3A_153 = %scan3A_148 to %scan3A_150 step %scan3A_151  : i32 {
          %mul3A_154 = arith.constant 1 : i32
          %mul3A_155 = arith.muli %scan3A_153, %mul3A_154 : i32
          %add3A_156 = arith.constant 0 : i32
          %add3A_157 = arith.addi %add3A_156, %mul3A_155 : i32
          %get3A = arith.index_cast %add3A_157 : i32 to index
          %get3A_158 = arith.constant 0 : index
          %get3A_159 = tpu.vector_load %arg17[%get3A, %get3A_158] {strides = array<i32>} : memref<40x128xf32, #tpu.memory_space<vmem>>, vector<1x16xf32>,
          %get3A_160 = vector.shape_cast %get3A_159 : vector<1x16xf32> to vector<16xf32>
          %get3A_161 = arith.index_cast %add3A_157 : i32 to index
          %get3A_162 = arith.constant 0 : index
          %get3A_163 = tpu.vector_load %arg19[%get3A_161, %get3A_162] {strides = array<i32>} : memref<40x128xf32, #tpu.memory_space<vmem>>, vector<1x16xf32>,
          %get3A_164 = vector.shape_cast %get3A_163 : vector<1x16xf32> to vector<16xf32>
          %add3A_165 = arith.addf %get3A_160, %get3A_164 : vector<16xf32>
          %get3A_166 = arith.index_cast %add3A_157 : i32 to index
          %get3A_167 = arith.constant 0 : index
          %get3A_168 = tpu.vector_load %arg21[%get3A_166, %get3A_167] {strides = array<i32>} : memref<40x128xf32, #tpu.memory_space<vmem>>, vector<1x16xf32>,
          %get3A_169 = vector.shape_cast %get3A_168 : vector<1x16xf32> to vector<16xf32>
          %add3A_170 = arith.addf %add3A_165, %get3A_169 : vector<16xf32>
          %max3A = arith.constant 0.000000e+00 : f32
          %max3A_171 = vector.broadcast %max3A : f32 to vector<16xf32>
          %max3A_172 = arith.maximumf %add3A_170, %max3A_171 : vector<16xf32>
          %swap3A = arith.index_cast %add3A_157 : i32 to index
          %swap3A_173 = arith.constant 0 : index
          %swap3A_174 = tpu.vector_load %arg23[%swap3A, %swap3A_173] {strides = array<i32>} : memref<40x128xf32, #tpu.memory_space<vmem>>, vector<1x16xf32>,
          %swap3A_175 = vector.shape_cast %swap3A_174 : vector<1x16xf32> to vector<16xf32>
          %swap3A_176 = vector.shape_cast %max3A_172 : vector<16xf32> to vector<1x16xf32>
          tpu.vector_store %arg23[%swap3A, %swap3A_173], %swap3A_176 {strides = array<i32>} : memref<40x128xf32, #tpu.memory_space<vmem>>, vector<1x16xf32>,
          %get3A_177 = arith.index_cast %add3A_157 : i32 to index
          %get3A_178 = arith.constant 16 : index
          %get3A_179 = tpu.vector_load %arg17[%get3A_177, %get3A_178] {strides = array<i32>} : memref<40x128xf32, #tpu.memory_space<vmem>>, vector<1x16xf32>,
          %get3A_180 = vector.shape_cast %get3A_179 : vector<1x16xf32> to vector<16xf32>
          %get3A_181 = arith.index_cast %add3A_157 : i32 to index
          %get3A_182 = arith.constant 16 : index
          %get3A_183 = tpu.vector_load %arg19[%get3A_181, %get3A_182] {strides = array<i32>} : memref<40x128xf32, #tpu.memory_space<vmem>>, vector<1x16xf32>,
          %get3A_184 = vector.shape_cast %get3A_183 : vector<1x16xf32> to vector<16xf32>
          %add3A_185 = arith.addf %get3A_180, %get3A_184 : vector<16xf32>
          %get3A_186 = arith.index_cast %add3A_157 : i32 to index
          %get3A_187 = arith.constant 16 : index
          %get3A_188 = tpu.vector_load %arg21[%get3A_186, %get3A_187] {strides = array<i32>} : memref<40x128xf32, #tpu.memory_space<vmem>>, vector<1x16xf32>,
          %get3A_189 = vector.shape_cast %get3A_188 : vector<1x16xf32> to vector<16xf32>
          %add3A_190 = arith.addf %add3A_185, %get3A_189 : vector<16xf32>
          %max3A_191 = arith.constant 0.000000e+00 : f32
          %max3A_192 = vector.broadcast %max3A_191 : f32 to vector<16xf32>
          %max3A_193 = arith.maximumf %add3A_190, %max3A_192 : vector<16xf32>
          %swap3A_194 = arith.index_cast %add3A_157 : i32 to index
          %swap3A_195 = arith.constant 16 : index
          %swap3A_196 = tpu.vector_load %arg23[%swap3A_194, %swap3A_195] {strides = array<i32>} : memref<40x128xf32, #tpu.memory_space<vmem>>, vector<1x16xf32>,
          %swap3A_197 = vector.shape_cast %swap3A_196 : vector<1x16xf32> to vector<16xf32>
          %swap3A_198 = vector.shape_cast %max3A_193 : vector<16xf32> to vector<1x16xf32>
          tpu.vector_store %arg23[%swap3A_194, %swap3A_195], %swap3A_198 {strides = array<i32>} : memref<40x128xf32, #tpu.memory_space<vmem>>, vector<1x16xf32>,
          %get3A_199 = arith.index_cast %add3A_157 : i32 to index
          %get3A_200 = arith.constant 32 : index
          %get3A_201 = tpu.vector_load %arg17[%get3A_199, %get3A_200] {strides = array<i32>} : memref<40x128xf32, #tpu.memory_space<vmem>>, vector<1x16xf32>,
          %get3A_202 = vector.shape_cast %get3A_201 : vector<1x16xf32> to vector<16xf32>
          %get3A_203 = arith.index_cast %add3A_157 : i32 to index
          %get3A_204 = arith.constant 32 : index
          %get3A_205 = tpu.vector_load %arg19[%get3A_203, %get3A_204] {strides = array<i32>} : memref<40x128xf32, #tpu.memory_space<vmem>>, vector<1x16xf32>,
          %get3A_206 = vector.shape_cast %get3A_205 : vector<1x16xf32> to vector<16xf32>
          %add3A_207 = arith.addf %get3A_202, %get3A_206 : vector<16xf32>
          %get3A_208 = arith.index_cast %add3A_157 : i32 to index
          %get3A_209 = arith.constant 32 : index
          %get3A_210 = tpu.vector_load %arg21[%get3A_208, %get3A_209] {strides = array<i32>} : memref<40x128xf32, #tpu.memory_space<vmem>>, vector<1x16xf32>,
          %get3A_211 = vector.shape_cast %get3A_210 : vector<1x16xf32> to vector<16xf32>
          %add3A_212 = arith.addf %add3A_207, %get3A_211 : vector<16xf32>
          %max3A_213 = arith.constant 0.000000e+00 : f32
          %max3A_214 = vector.broadcast %max3A_213 : f32 to vector<16xf32>
          %max3A_215 = arith.maximumf %add3A_212, %max3A_214 : vector<16xf32>
          %swap3A_216 = arith.index_cast %add3A_157 : i32 to index
          %swap3A_217 = arith.constant 32 : index
          %swap3A_218 = tpu.vector_load %arg23[%swap3A_216, %swap3A_217] {strides = array<i32>} : memref<40x128xf32, #tpu.memory_space<vmem>>, vector<1x16xf32>,
          %swap3A_219 = vector.shape_cast %swap3A_218 : vector<1x16xf32> to vector<16xf32>
          %swap3A_220 = vector.shape_cast %max3A_215 : vector<16xf32> to vector<1x16xf32>
          tpu.vector_store %arg23[%swap3A_216, %swap3A_217], %swap3A_220 {strides = array<i32>} : memref<40x128xf32, #tpu.memory_space<vmem>>, vector<1x16xf32>,
          %get3A_221 = arith.index_cast %add3A_157 : i32 to index
          %get3A_222 = arith.constant 48 : index
          %get3A_223 = tpu.vector_load %arg17[%get3A_221, %get3A_222] {strides = array<i32>} : memref<40x128xf32, #tpu.memory_space<vmem>>, vector<1x16xf32>,
          %get3A_224 = vector.shape_cast %get3A_223 : vector<1x16xf32> to vector<16xf32>
          %get3A_225 = arith.index_cast %add3A_157 : i32 to index
          %get3A_226 = arith.constant 48 : index
          %get3A_227 = tpu.vector_load %arg19[%get3A_225, %get3A_226] {strides = array<i32>} : memref<40x128xf32, #tpu.memory_space<vmem>>, vector<1x16xf32>,
          %get3A_228 = vector.shape_cast %get3A_227 : vector<1x16xf32> to vector<16xf32>
          %add3A_229 = arith.addf %get3A_224, %get3A_228 : vector<16xf32>
          %get3A_230 = arith.index_cast %add3A_157 : i32 to index
          %get3A_231 = arith.constant 48 : index
          %get3A_232 = tpu.vector_load %arg21[%get3A_230, %get3A_231] {strides = array<i32>} : memref<40x128xf32, #tpu.memory_space<vmem>>, vector<1x16xf32>,
          %get3A_233 = vector.shape_cast %get3A_232 : vector<1x16xf32> to vector<16xf32>
          %add3A_234 = arith.addf %add3A_229, %get3A_233 : vector<16xf32>
          %max3A_235 = arith.constant 0.000000e+00 : f32
          %max3A_236 = vector.broadcast %max3A_235 : f32 to vector<16xf32>
          %max3A_237 = arith.maximumf %add3A_234, %max3A_236 : vector<16xf32>
          %swap3A_238 = arith.index_cast %add3A_157 : i32 to index
          %swap3A_239 = arith.constant 48 : index
          %swap3A_240 = tpu.vector_load %arg23[%swap3A_238, %swap3A_239] {strides = array<i32>} : memref<40x128xf32, #tpu.memory_space<vmem>>, vector<1x16xf32>,
          %swap3A_241 = vector.shape_cast %swap3A_240 : vector<1x16xf32> to vector<16xf32>
          %swap3A_242 = vector.shape_cast %max3A_237 : vector<16xf32> to vector<1x16xf32>
          tpu.vector_store %arg23[%swap3A_238, %swap3A_239], %swap3A_242 {strides = array<i32>} : memref<40x128xf32, #tpu.memory_space<vmem>>, vector<1x16xf32>,
          %get3A_243 = arith.index_cast %add3A_157 : i32 to index
          %get3A_244 = arith.constant 64 : index
          %get3A_245 = tpu.vector_load %arg17[%get3A_243, %get3A_244] {strides = array<i32>} : memref<40x128xf32, #tpu.memory_space<vmem>>, vector<1x16xf32>,
          %get3A_246 = vector.shape_cast %get3A_245 : vector<1x16xf32> to vector<16xf32>
          %get3A_247 = arith.index_cast %add3A_157 : i32 to index
          %get3A_248 = arith.constant 64 : index
          %get3A_249 = tpu.vector_load %arg19[%get3A_247, %get3A_248] {strides = array<i32>} : memref<40x128xf32, #tpu.memory_space<vmem>>, vector<1x16xf32>,
          %get3A_250 = vector.shape_cast %get3A_249 : vector<1x16xf32> to vector<16xf32>
          %add3A_251 = arith.addf %get3A_246, %get3A_250 : vector<16xf32>
          %get3A_252 = arith.index_cast %add3A_157 : i32 to index
          %get3A_253 = arith.constant 64 : index
          %get3A_254 = tpu.vector_load %arg21[%get3A_252, %get3A_253] {strides = array<i32>} : memref<40x128xf32, #tpu.memory_space<vmem>>, vector<1x16xf32>,
          %get3A_255 = vector.shape_cast %get3A_254 : vector<1x16xf32> to vector<16xf32>
          %add3A_256 = arith.addf %add3A_251, %get3A_255 : vector<16xf32>
          %max3A_257 = arith.constant 0.000000e+00 : f32
          %max3A_258 = vector.broadcast %max3A_257 : f32 to vector<16xf32>
          %max3A_259 = arith.maximumf %add3A_256, %max3A_258 : vector<16xf32>
          %swap3A_260 = arith.index_cast %add3A_157 : i32 to index
          %swap3A_261 = arith.constant 64 : index
          %swap3A_262 = tpu.vector_load %arg23[%swap3A_260, %swap3A_261] {strides = array<i32>} : memref<40x128xf32, #tpu.memory_space<vmem>>, vector<1x16xf32>,
          %swap3A_263 = vector.shape_cast %swap3A_262 : vector<1x16xf32> to vector<16xf32>
          %swap3A_264 = vector.shape_cast %max3A_259 : vector<16xf32> to vector<1x16xf32>
          tpu.vector_store %arg23[%swap3A_260, %swap3A_261], %swap3A_264 {strides = array<i32>} : memref<40x128xf32, #tpu.memory_space<vmem>>, vector<1x16xf32>,
          %get3A_265 = arith.index_cast %add3A_157 : i32 to index
          %get3A_266 = arith.constant 80 : index
          %get3A_267 = tpu.vector_load %arg17[%get3A_265, %get3A_266] {strides = array<i32>} : memref<40x128xf32, #tpu.memory_space<vmem>>, vector<1x16xf32>,
          %get3A_268 = vector.shape_cast %get3A_267 : vector<1x16xf32> to vector<16xf32>
          %get3A_269 = arith.index_cast %add3A_157 : i32 to index
          %get3A_270 = arith.constant 80 : index
          %get3A_271 = tpu.vector_load %arg19[%get3A_269, %get3A_270] {strides = array<i32>} : memref<40x128xf32, #tpu.memory_space<vmem>>, vector<1x16xf32>,
          %get3A_272 = vector.shape_cast %get3A_271 : vector<1x16xf32> to vector<16xf32>
          %add3A_273 = arith.addf %get3A_268, %get3A_272 : vector<16xf32>
          %get3A_274 = arith.index_cast %add3A_157 : i32 to index
          %get3A_275 = arith.constant 80 : index
          %get3A_276 = tpu.vector_load %arg21[%get3A_274, %get3A_275] {strides = array<i32>} : memref<40x128xf32, #tpu.memory_space<vmem>>, vector<1x16xf32>,
          %get3A_277 = vector.shape_cast %get3A_276 : vector<1x16xf32> to vector<16xf32>
          %add3A_278 = arith.addf %add3A_273, %get3A_277 : vector<16xf32>
          %max3A_279 = arith.constant 0.000000e+00 : f32
          %max3A_280 = vector.broadcast %max3A_279 : f32 to vector<16xf32>
          %max3A_281 = arith.maximumf %add3A_278, %max3A_280 : vector<16xf32>
          %swap3A_282 = arith.index_cast %add3A_157 : i32 to index
          %swap3A_283 = arith.constant 80 : index
          %swap3A_284 = tpu.vector_load %arg23[%swap3A_282, %swap3A_283] {strides = array<i32>} : memref<40x128xf32, #tpu.memory_space<vmem>>, vector<1x16xf32>,
          %swap3A_285 = vector.shape_cast %swap3A_284 : vector<1x16xf32> to vector<16xf32>
          %swap3A_286 = vector.shape_cast %max3A_281 : vector<16xf32> to vector<1x16xf32>
          tpu.vector_store %arg23[%swap3A_282, %swap3A_283], %swap3A_286 {strides = array<i32>} : memref<40x128xf32, #tpu.memory_space<vmem>>, vector<1x16xf32>,
          %get3A_287 = arith.index_cast %add3A_157 : i32 to index
          %get3A_288 = arith.constant 96 : index
          %get3A_289 = tpu.vector_load %arg17[%get3A_287, %get3A_288] {strides = array<i32>} : memref<40x128xf32, #tpu.memory_space<vmem>>, vector<1x16xf32>,
          %get3A_290 = vector.shape_cast %get3A_289 : vector<1x16xf32> to vector<16xf32>
          %get3A_291 = arith.index_cast %add3A_157 : i32 to index
          %get3A_292 = arith.constant 96 : index
          %get3A_293 = tpu.vector_load %arg19[%get3A_291, %get3A_292] {strides = array<i32>} : memref<40x128xf32, #tpu.memory_space<vmem>>, vector<1x16xf32>,
          %get3A_294 = vector.shape_cast %get3A_293 : vector<1x16xf32> to vector<16xf32>
          %add3A_295 = arith.addf %get3A_290, %get3A_294 : vector<16xf32>
          %get3A_296 = arith.index_cast %add3A_157 : i32 to index
          %get3A_297 = arith.constant 96 : index
          %get3A_298 = tpu.vector_load %arg21[%get3A_296, %get3A_297] {strides = array<i32>} : memref<40x128xf32, #tpu.memory_space<vmem>>, vector<1x16xf32>,
          %get3A_299 = vector.shape_cast %get3A_298 : vector<1x16xf32> to vector<16xf32>
          %add3A_300 = arith.addf %add3A_295, %get3A_299 : vector<16xf32>
          %max3A_301 = arith.constant 0.000000e+00 : f32
          %max3A_302 = vector.broadcast %max3A_301 : f32 to vector<16xf32>
          %max3A_303 = arith.maximumf %add3A_300, %max3A_302 : vector<16xf32>
          %swap3A_304 = arith.index_cast %add3A_157 : i32 to index
          %swap3A_305 = arith.constant 96 : index
          %swap3A_306 = tpu.vector_load %arg23[%swap3A_304, %swap3A_305] {strides = array<i32>} : memref<40x128xf32, #tpu.memory_space<vmem>>, vector<1x16xf32>,
          %swap3A_307 = vector.shape_cast %swap3A_306 : vector<1x16xf32> to vector<16xf32>
          %swap3A_308 = vector.shape_cast %max3A_303 : vector<16xf32> to vector<1x16xf32>
          tpu.vector_store %arg23[%swap3A_304, %swap3A_305], %swap3A_308 {strides = array<i32>} : memref<40x128xf32, #tpu.memory_space<vmem>>, vector<1x16xf32>,
          %get3A_309 = arith.index_cast %add3A_157 : i32 to index
          %get3A_310 = arith.constant 112 : index
          %get3A_311 = tpu.vector_load %arg17[%get3A_309, %get3A_310] {strides = array<i32>} : memref<40x128xf32, #tpu.memory_space<vmem>>, vector<1x16xf32>,
          %get3A_312 = vector.shape_cast %get3A_311 : vector<1x16xf32> to vector<16xf32>
          %get3A_313 = arith.index_cast %add3A_157 : i32 to index
          %get3A_314 = arith.constant 112 : index
          %get3A_315 = tpu.vector_load %arg19[%get3A_313, %get3A_314] {strides = array<i32>} : memref<40x128xf32, #tpu.memory_space<vmem>>, vector<1x16xf32>,
          %get3A_316 = vector.shape_cast %get3A_315 : vector<1x16xf32> to vector<16xf32>
          %add3A_317 = arith.addf %get3A_312, %get3A_316 : vector<16xf32>
          %get3A_318 = arith.index_cast %add3A_157 : i32 to index
          %get3A_319 = arith.constant 112 : index
          %get3A_320 = tpu.vector_load %arg21[%get3A_318, %get3A_319] {strides = array<i32>} : memref<40x128xf32, #tpu.memory_space<vmem>>, vector<1x16xf32>,
          %get3A_321 = vector.shape_cast %get3A_320 : vector<1x16xf32> to vector<16xf32>
          %add3A_322 = arith.addf %add3A_317, %get3A_321 : vector<16xf32>
          %max3A_323 = arith.constant 0.000000e+00 : f32
          %max3A_324 = vector.broadcast %max3A_323 : f32 to vector<16xf32>
          %max3A_325 = arith.maximumf %add3A_322, %max3A_324 : vector<16xf32>
          %swap3A_326 = arith.index_cast %add3A_157 : i32 to index
          %swap3A_327 = arith.constant 112 : index
          %swap3A_328 = tpu.vector_load %arg23[%swap3A_326, %swap3A_327] {strides = array<i32>} : memref<40x128xf32, #tpu.memory_space<vmem>>, vector<1x16xf32>,
          %swap3A_329 = vector.shape_cast %swap3A_328 : vector<1x16xf32> to vector<16xf32>
          %swap3A_330 = vector.shape_cast %max3A_325 : vector<16xf32> to vector<1x16xf32>
          tpu.vector_store %arg23[%swap3A_326, %swap3A_327], %swap3A_330 {strides = array<i32>} : memref<40x128xf32, #tpu.memory_space<vmem>>, vector<1x16xf32>,
        }
        %scan3A_152 = arith.constant 40 : i32
        "tpu.region"() ({
          %run_scoped3A = tpu.sem_alloc : memref<!tpu.dma_semaphore, #tpu.memory_space<semaphore_mem>>
          %dma_start3A_153 = arith.constant 0 : i32
          %dma_start3A_154 = arith.constant 0 : i32
          %dma_start3A_155 = tpu.memref_slice %arg25[%dma_start3A_153, %dma_start3A_154] : memref<10112x128xf32, #tpu.memory_space<vmem_shared>> -> memref<10112x128xf32, #tpu.memory_space<vmem_shared>>
          tpu.enqueue_indirect_dma source(%arg23 : memref<40x128xf32, #tpu.memory_space<vmem>>) target(%dma_start3A_155 : memref<10112x128xf32, #tpu.memory_space<vmem_shared>>) offsets(%arg9 : memref<40xi32, #tpu.memory_space<vmem>>) semaphore(%run_scoped3A : memref<!tpu.dma_semaphore, #tpu.memory_space<semaphore_mem>>) {add = true}
          %dma_wait3A_156 = arith.constant 0 : i32
          %dma_wait3A_157 = arith.constant 0 : i32
          %dma_wait3A_158 = tpu.memref_slice %arg25[%dma_wait3A_156, %dma_wait3A_157] : memref<10112x128xf32, #tpu.memory_space<vmem_shared>> -> memref<10112x128xf32, #tpu.memory_space<vmem_shared>>
          tpu.wait_indirect_dma semaphore(%run_scoped3A : memref<!tpu.dma_semaphore, #tpu.memory_space<semaphore_mem>>) src(%arg23 : memref<40x128xf32, #tpu.memory_space<vmem>>) dst(%dma_wait3A_158 : memref<10112x128xf32, #tpu.memory_space<vmem_shared>>)
          tpu.yield
        }) : () -> ()
      } else {
      }
      %add3A_63 = arith.constant 2 : i32
      %add3A_64 = arith.addi %add3A_48, %add3A_63 : i32
      %lt3A_65 = arith.constant 250 : i32
      %lt3A_66 = arith.cmpi slt, %add3A_64, %lt3A_65 : i32
      %convert_element_type3A_67 = arith.extui %lt3A_66 : i1 to i32
      %cond3A_68 = arith.constant 0 : i32
      %cond3A_69 = arith.cmpi ne, %convert_element_type3A_67, %cond3A_68 : i32
      scf.if %cond3A_69 {
        %add3A_148 = arith.constant 2 : i32
        %add3A_149 = arith.addi %add3A_48, %add3A_148 : i32
        %mul3A_150 = arith.constant 40 : i32
        %mul3A_151 = arith.muli %add3A_149, %mul3A_150 : i32
        %add3A_152 = arith.addi %mul3A_2, %mul3A_151 : i32
        %dma_start3A_153 = tpu.memref_slice %arg5[%add3A_152] : memref<320000xi32, #tpu.memory_space<hbm>> -> memref<40xi32, #tpu.memory_space<hbm>>
        %dma_start3A_154 = tpu.memref_slice %arg5[%add3A_152] : memref<320000xi32, #tpu.memory_space<hbm>> -> memref<40xi32, #tpu.memory_space<hbm>>
        tpu.enqueue_dma source(%dma_start3A_154 : memref<40xi32, #tpu.memory_space<hbm>>) target(%arg11 : memref<40xi32, #tpu.memory_space<vmem>>) target_semaphore(%arg28 : memref<!tpu.dma_semaphore, #tpu.memory_space<semaphore_mem>>)
        %dma_start3A_155 = tpu.memref_slice %arg6[%add3A_152] : memref<320000xi32, #tpu.memory_space<hbm>> -> memref<40xi32, #tpu.memory_space<hbm>>
        %dma_start3A_156 = tpu.memref_slice %arg6[%add3A_152] : memref<320000xi32, #tpu.memory_space<hbm>> -> memref<40xi32, #tpu.memory_space<hbm>>
        tpu.enqueue_dma source(%dma_start3A_156 : memref<40xi32, #tpu.memory_space<hbm>>) target(%arg15 : memref<40xi32, #tpu.memory_space<vmem>>) target_semaphore(%arg28 : memref<!tpu.dma_semaphore, #tpu.memory_space<semaphore_mem>>)
      } else {
      }
      %add3A_70 = arith.constant 1 : i32
      %add3A_71 = arith.addi %add3A_46, %add3A_70 : i32
      %add3A_72 = arith.constant 1 : i32
      %add3A_73 = arith.addi %add3A_71, %add3A_72 : i32
      %lt3A_74 = arith.constant 250 : i32
      %lt3A_75 = arith.cmpi slt, %add3A_73, %lt3A_74 : i32
      %convert_element_type3A_76 = arith.extui %lt3A_75 : i1 to i32
      %cond3A_77 = arith.constant 0 : i32
      %cond3A_78 = arith.cmpi ne, %convert_element_type3A_76, %cond3A_77 : i32
      scf.if %cond3A_78 {
        %dma_wait3A_148 = tpu.memref_slice %arg5[%mul3A_2] : memref<320000xi32, #tpu.memory_space<hbm>> -> memref<40xi32, #tpu.memory_space<hbm>>
        %dma_wait3A_149 = tpu.memref_slice %arg5[%mul3A_2] : memref<320000xi32, #tpu.memory_space<hbm>> -> memref<40xi32, #tpu.memory_space<hbm>>
        tpu.wait_dma2 semaphore(%arg28 : memref<!tpu.dma_semaphore, #tpu.memory_space<semaphore_mem>>) src(%dma_wait3A_149 : memref<40xi32, #tpu.memory_space<hbm>>) dst(%arg11 : memref<40xi32, #tpu.memory_space<vmem>>)
        %dma_wait3A_150 = tpu.memref_slice %arg6[%mul3A_2] : memref<320000xi32, #tpu.memory_space<hbm>> -> memref<40xi32, #tpu.memory_space<hbm>>
        %dma_wait3A_151 = tpu.memref_slice %arg6[%mul3A_2] : memref<320000xi32, #tpu.memory_space<hbm>> -> memref<40xi32, #tpu.memory_space<hbm>>
        tpu.wait_dma2 semaphore(%arg28 : memref<!tpu.dma_semaphore, #tpu.memory_space<semaphore_mem>>) src(%dma_wait3A_151 : memref<40xi32, #tpu.memory_space<hbm>>) dst(%arg15 : memref<40xi32, #tpu.memory_space<vmem>>)
        %add3A_152 = arith.constant 1 : i32
        %add3A_153 = arith.addi %add3A_71, %add3A_152 : i32
        %dma_start3A_154 = arith.constant 0 : i32
        %dma_start3A_155 = arith.constant 0 : i32
        %dma_start3A_156 = tpu.memref_slice %arg3[%dma_start3A_154, %dma_start3A_155] : memref<10000x128xf32, #tpu.memory_space<hbm>> -> memref<10000x128xf32, #tpu.memory_space<hbm>>
        tpu.enqueue_indirect_dma source(%dma_start3A_156 : memref<10000x128xf32, #tpu.memory_space<hbm>>) target(%arg17 : memref<40x128xf32, #tpu.memory_space<vmem>>) offsets(%arg11 : memref<40xi32, #tpu.memory_space<vmem>>) semaphore(%arg30 : memref<!tpu.dma_semaphore, #tpu.memory_space<semaphore_mem>>)
        %dma_start3A_157 = arith.constant 0 : i32
        %dma_start3A_158 = arith.constant 0 : i32
        %dma_start3A_159 = tpu.memref_slice %arg4[%dma_start3A_157, %dma_start3A_158] : memref<10000x128xf32, #tpu.memory_space<hbm>> -> memref<10000x128xf32, #tpu.memory_space<hbm>>
        tpu.enqueue_indirect_dma source(%dma_start3A_159 : memref<10000x128xf32, #tpu.memory_space<hbm>>) target(%arg19 : memref<40x128xf32, #tpu.memory_space<vmem>>) offsets(%arg15 : memref<40xi32, #tpu.memory_space<vmem>>) semaphore(%arg30 : memref<!tpu.dma_semaphore, #tpu.memory_space<semaphore_mem>>)
        %mul3A_160 = arith.constant 40 : i32
        %mul3A_161 = arith.muli %add3A_153, %mul3A_160 : i32
        %add3A_162 = arith.addi %mul3A_2, %mul3A_161 : i32
        %dma_start3A_163 = arith.constant 0 : i32
        %dma_start3A_164 = tpu.memref_slice %arg2[%add3A_162, %dma_start3A_163] : memref<320000x128xf32, #tpu.memory_space<hbm>> -> memref<40x128xf32, #tpu.memory_space<hbm>>
        %dma_start3A_165 = arith.constant 0 : i32
        %dma_start3A_166 = tpu.memref_slice %arg2[%add3A_162, %dma_start3A_165] : memref<320000x128xf32, #tpu.memory_space<hbm>> -> memref<40x128xf32, #tpu.memory_space<hbm>>
        tpu.enqueue_dma source(%dma_start3A_166 : memref<40x128xf32, #tpu.memory_space<hbm>>) target(%arg21 : memref<40x128xf32, #tpu.memory_space<vmem>>) target_semaphore(%arg30 : memref<!tpu.dma_semaphore, #tpu.memory_space<semaphore_mem>>)
      } else {
      }
      %lt3A_79 = arith.constant 250 : i32
      %lt3A_80 = arith.cmpi slt, %add3A_71, %lt3A_79 : i32
      %convert_element_type3A_81 = arith.extui %lt3A_80 : i1 to i32
      %cond3A_82 = arith.constant 0 : i32
      %cond3A_83 = arith.cmpi ne, %convert_element_type3A_81, %cond3A_82 : i32
      scf.if %cond3A_83 {
        %dma_wait3A_148 = arith.constant 0 : i32
        %dma_wait3A_149 = arith.constant 0 : i32
        %dma_wait3A_150 = tpu.memref_slice %arg3[%dma_wait3A_148, %dma_wait3A_149] : memref<10000x128xf32, #tpu.memory_space<hbm>> -> memref<10000x128xf32, #tpu.memory_space<hbm>>
        tpu.wait_indirect_dma semaphore(%arg31 : memref<!tpu.dma_semaphore, #tpu.memory_space<semaphore_mem>>) src(%dma_wait3A_150 : memref<10000x128xf32, #tpu.memory_space<hbm>>) dst(%arg18 : memref<40x128xf32, #tpu.memory_space<vmem>>)
        %dma_wait3A_151 = arith.constant 0 : i32
        %dma_wait3A_152 = arith.constant 0 : i32
        %dma_wait3A_153 = tpu.memref_slice %arg4[%dma_wait3A_151, %dma_wait3A_152] : memref<10000x128xf32, #tpu.memory_space<hbm>> -> memref<10000x128xf32, #tpu.memory_space<hbm>>
        tpu.wait_indirect_dma semaphore(%arg31 : memref<!tpu.dma_semaphore, #tpu.memory_space<semaphore_mem>>) src(%dma_wait3A_153 : memref<10000x128xf32, #tpu.memory_space<hbm>>) dst(%arg20 : memref<40x128xf32, #tpu.memory_space<vmem>>)
        %dma_wait3A_154 = arith.constant 0 : i32
        %dma_wait3A_155 = tpu.memref_slice %arg2[%mul3A_2, %dma_wait3A_154] : memref<320000x128xf32, #tpu.memory_space<hbm>> -> memref<40x128xf32, #tpu.memory_space<hbm>>
        %dma_wait3A_156 = arith.constant 0 : i32
        %dma_wait3A_157 = tpu.memref_slice %arg2[%mul3A_2, %dma_wait3A_156] : memref<320000x128xf32, #tpu.memory_space<hbm>> -> memref<40x128xf32, #tpu.memory_space<hbm>>
        tpu.wait_dma2 semaphore(%arg31 : memref<!tpu.dma_semaphore, #tpu.memory_space<semaphore_mem>>) src(%dma_wait3A_157 : memref<40x128xf32, #tpu.memory_space<hbm>>) dst(%arg22 : memref<40x128xf32, #tpu.memory_space<vmem>>)
      } else {
      }
      %lt3A_84 = arith.constant 250 : i32
      %lt3A_85 = arith.cmpi slt, %add3A_71, %lt3A_84 : i32
      %convert_element_type3A_86 = arith.extui %lt3A_85 : i1 to i32
      %cond3A_87 = arith.constant 0 : i32
      %cond3A_88 = arith.cmpi ne, %convert_element_type3A_86, %cond3A_87 : i32
      scf.if %cond3A_88 {
        %scan3A_148 = arith.constant 0 : i32
        %scan3A_149 = arith.constant 40 : i32
        %scan3A_150 = arith.addi %scan3A_148, %scan3A_149 : i32
        %scan3A_151 = arith.constant 1 : i32
        scf.for %scan3A_153 = %scan3A_148 to %scan3A_150 step %scan3A_151  : i32 {
          %mul3A_154 = arith.constant 1 : i32
          %mul3A_155 = arith.muli %scan3A_153, %mul3A_154 : i32
          %add3A_156 = arith.constant 0 : i32
          %add3A_157 = arith.addi %add3A_156, %mul3A_155 : i32
          %get3A = arith.index_cast %add3A_157 : i32 to index
          %get3A_158 = arith.constant 0 : index
          %get3A_159 = tpu.vector_load %arg18[%get3A, %get3A_158] {strides = array<i32>} : memref<40x128xf32, #tpu.memory_space<vmem>>, vector<1x16xf32>,
          %get3A_160 = vector.shape_cast %get3A_159 : vector<1x16xf32> to vector<16xf32>
          %get3A_161 = arith.index_cast %add3A_157 : i32 to index
          %get3A_162 = arith.constant 0 : index
          %get3A_163 = tpu.vector_load %arg20[%get3A_161, %get3A_162] {strides = array<i32>} : memref<40x128xf32, #tpu.memory_space<vmem>>, vector<1x16xf32>,
          %get3A_164 = vector.shape_cast %get3A_163 : vector<1x16xf32> to vector<16xf32>
          %add3A_165 = arith.addf %get3A_160, %get3A_164 : vector<16xf32>
          %get3A_166 = arith.index_cast %add3A_157 : i32 to index
          %get3A_167 = arith.constant 0 : index
          %get3A_168 = tpu.vector_load %arg22[%get3A_166, %get3A_167] {strides = array<i32>} : memref<40x128xf32, #tpu.memory_space<vmem>>, vector<1x16xf32>,
          %get3A_169 = vector.shape_cast %get3A_168 : vector<1x16xf32> to vector<16xf32>
          %add3A_170 = arith.addf %add3A_165, %get3A_169 : vector<16xf32>
          %max3A = arith.constant 0.000000e+00 : f32
          %max3A_171 = vector.broadcast %max3A : f32 to vector<16xf32>
          %max3A_172 = arith.maximumf %add3A_170, %max3A_171 : vector<16xf32>
          %swap3A = arith.index_cast %add3A_157 : i32 to index
          %swap3A_173 = arith.constant 0 : index
          %swap3A_174 = tpu.vector_load %arg24[%swap3A, %swap3A_173] {strides = array<i32>} : memref<40x128xf32, #tpu.memory_space<vmem>>, vector<1x16xf32>,
          %swap3A_175 = vector.shape_cast %swap3A_174 : vector<1x16xf32> to vector<16xf32>
          %swap3A_176 = vector.shape_cast %max3A_172 : vector<16xf32> to vector<1x16xf32>
          tpu.vector_store %arg24[%swap3A, %swap3A_173], %swap3A_176 {strides = array<i32>} : memref<40x128xf32, #tpu.memory_space<vmem>>, vector<1x16xf32>,
          %get3A_177 = arith.index_cast %add3A_157 : i32 to index
          %get3A_178 = arith.constant 16 : index
          %get3A_179 = tpu.vector_load %arg18[%get3A_177, %get3A_178] {strides = array<i32>} : memref<40x128xf32, #tpu.memory_space<vmem>>, vector<1x16xf32>,
          %get3A_180 = vector.shape_cast %get3A_179 : vector<1x16xf32> to vector<16xf32>
          %get3A_181 = arith.index_cast %add3A_157 : i32 to index
          %get3A_182 = arith.constant 16 : index
          %get3A_183 = tpu.vector_load %arg20[%get3A_181, %get3A_182] {strides = array<i32>} : memref<40x128xf32, #tpu.memory_space<vmem>>, vector<1x16xf32>,
          %get3A_184 = vector.shape_cast %get3A_183 : vector<1x16xf32> to vector<16xf32>
          %add3A_185 = arith.addf %get3A_180, %get3A_184 : vector<16xf32>
          %get3A_186 = arith.index_cast %add3A_157 : i32 to index
          %get3A_187 = arith.constant 16 : index
          %get3A_188 = tpu.vector_load %arg22[%get3A_186, %get3A_187] {strides = array<i32>} : memref<40x128xf32, #tpu.memory_space<vmem>>, vector<1x16xf32>,
          %get3A_189 = vector.shape_cast %get3A_188 : vector<1x16xf32> to vector<16xf32>
          %add3A_190 = arith.addf %add3A_185, %get3A_189 : vector<16xf32>
          %max3A_191 = arith.constant 0.000000e+00 : f32
          %max3A_192 = vector.broadcast %max3A_191 : f32 to vector<16xf32>
          %max3A_193 = arith.maximumf %add3A_190, %max3A_192 : vector<16xf32>
          %swap3A_194 = arith.index_cast %add3A_157 : i32 to index
          %swap3A_195 = arith.constant 16 : index
          %swap3A_196 = tpu.vector_load %arg24[%swap3A_194, %swap3A_195] {strides = array<i32>} : memref<40x128xf32, #tpu.memory_space<vmem>>, vector<1x16xf32>,
          %swap3A_197 = vector.shape_cast %swap3A_196 : vector<1x16xf32> to vector<16xf32>
          %swap3A_198 = vector.shape_cast %max3A_193 : vector<16xf32> to vector<1x16xf32>
          tpu.vector_store %arg24[%swap3A_194, %swap3A_195], %swap3A_198 {strides = array<i32>} : memref<40x128xf32, #tpu.memory_space<vmem>>, vector<1x16xf32>,
          %get3A_199 = arith.index_cast %add3A_157 : i32 to index
          %get3A_200 = arith.constant 32 : index
          %get3A_201 = tpu.vector_load %arg18[%get3A_199, %get3A_200] {strides = array<i32>} : memref<40x128xf32, #tpu.memory_space<vmem>>, vector<1x16xf32>,
          %get3A_202 = vector.shape_cast %get3A_201 : vector<1x16xf32> to vector<16xf32>
          %get3A_203 = arith.index_cast %add3A_157 : i32 to index
          %get3A_204 = arith.constant 32 : index
          %get3A_205 = tpu.vector_load %arg20[%get3A_203, %get3A_204] {strides = array<i32>} : memref<40x128xf32, #tpu.memory_space<vmem>>, vector<1x16xf32>,
          %get3A_206 = vector.shape_cast %get3A_205 : vector<1x16xf32> to vector<16xf32>
          %add3A_207 = arith.addf %get3A_202, %get3A_206 : vector<16xf32>
          %get3A_208 = arith.index_cast %add3A_157 : i32 to index
          %get3A_209 = arith.constant 32 : index
          %get3A_210 = tpu.vector_load %arg22[%get3A_208, %get3A_209] {strides = array<i32>} : memref<40x128xf32, #tpu.memory_space<vmem>>, vector<1x16xf32>,
          %get3A_211 = vector.shape_cast %get3A_210 : vector<1x16xf32> to vector<16xf32>
          %add3A_212 = arith.addf %add3A_207, %get3A_211 : vector<16xf32>
          %max3A_213 = arith.constant 0.000000e+00 : f32
          %max3A_214 = vector.broadcast %max3A_213 : f32 to vector<16xf32>
          %max3A_215 = arith.maximumf %add3A_212, %max3A_214 : vector<16xf32>
          %swap3A_216 = arith.index_cast %add3A_157 : i32 to index
          %swap3A_217 = arith.constant 32 : index
          %swap3A_218 = tpu.vector_load %arg24[%swap3A_216, %swap3A_217] {strides = array<i32>} : memref<40x128xf32, #tpu.memory_space<vmem>>, vector<1x16xf32>,
          %swap3A_219 = vector.shape_cast %swap3A_218 : vector<1x16xf32> to vector<16xf32>
          %swap3A_220 = vector.shape_cast %max3A_215 : vector<16xf32> to vector<1x16xf32>
          tpu.vector_store %arg24[%swap3A_216, %swap3A_217], %swap3A_220 {strides = array<i32>} : memref<40x128xf32, #tpu.memory_space<vmem>>, vector<1x16xf32>,
          %get3A_221 = arith.index_cast %add3A_157 : i32 to index
          %get3A_222 = arith.constant 48 : index
          %get3A_223 = tpu.vector_load %arg18[%get3A_221, %get3A_222] {strides = array<i32>} : memref<40x128xf32, #tpu.memory_space<vmem>>, vector<1x16xf32>,
          %get3A_224 = vector.shape_cast %get3A_223 : vector<1x16xf32> to vector<16xf32>
          %get3A_225 = arith.index_cast %add3A_157 : i32 to index
          %get3A_226 = arith.constant 48 : index
          %get3A_227 = tpu.vector_load %arg20[%get3A_225, %get3A_226] {strides = array<i32>} : memref<40x128xf32, #tpu.memory_space<vmem>>, vector<1x16xf32>,
          %get3A_228 = vector.shape_cast %get3A_227 : vector<1x16xf32> to vector<16xf32>
          %add3A_229 = arith.addf %get3A_224, %get3A_228 : vector<16xf32>
          %get3A_230 = arith.index_cast %add3A_157 : i32 to index
          %get3A_231 = arith.constant 48 : index
          %get3A_232 = tpu.vector_load %arg22[%get3A_230, %get3A_231] {strides = array<i32>} : memref<40x128xf32, #tpu.memory_space<vmem>>, vector<1x16xf32>,
          %get3A_233 = vector.shape_cast %get3A_232 : vector<1x16xf32> to vector<16xf32>
          %add3A_234 = arith.addf %add3A_229, %get3A_233 : vector<16xf32>
          %max3A_235 = arith.constant 0.000000e+00 : f32
          %max3A_236 = vector.broadcast %max3A_235 : f32 to vector<16xf32>
          %max3A_237 = arith.maximumf %add3A_234, %max3A_236 : vector<16xf32>
          %swap3A_238 = arith.index_cast %add3A_157 : i32 to index
          %swap3A_239 = arith.constant 48 : index
          %swap3A_240 = tpu.vector_load %arg24[%swap3A_238, %swap3A_239] {strides = array<i32>} : memref<40x128xf32, #tpu.memory_space<vmem>>, vector<1x16xf32>,
          %swap3A_241 = vector.shape_cast %swap3A_240 : vector<1x16xf32> to vector<16xf32>
          %swap3A_242 = vector.shape_cast %max3A_237 : vector<16xf32> to vector<1x16xf32>
          tpu.vector_store %arg24[%swap3A_238, %swap3A_239], %swap3A_242 {strides = array<i32>} : memref<40x128xf32, #tpu.memory_space<vmem>>, vector<1x16xf32>,
          %get3A_243 = arith.index_cast %add3A_157 : i32 to index
          %get3A_244 = arith.constant 64 : index
          %get3A_245 = tpu.vector_load %arg18[%get3A_243, %get3A_244] {strides = array<i32>} : memref<40x128xf32, #tpu.memory_space<vmem>>, vector<1x16xf32>,
          %get3A_246 = vector.shape_cast %get3A_245 : vector<1x16xf32> to vector<16xf32>
          %get3A_247 = arith.index_cast %add3A_157 : i32 to index
          %get3A_248 = arith.constant 64 : index
          %get3A_249 = tpu.vector_load %arg20[%get3A_247, %get3A_248] {strides = array<i32>} : memref<40x128xf32, #tpu.memory_space<vmem>>, vector<1x16xf32>,
          %get3A_250 = vector.shape_cast %get3A_249 : vector<1x16xf32> to vector<16xf32>
          %add3A_251 = arith.addf %get3A_246, %get3A_250 : vector<16xf32>
          %get3A_252 = arith.index_cast %add3A_157 : i32 to index
          %get3A_253 = arith.constant 64 : index
          %get3A_254 = tpu.vector_load %arg22[%get3A_252, %get3A_253] {strides = array<i32>} : memref<40x128xf32, #tpu.memory_space<vmem>>, vector<1x16xf32>,
          %get3A_255 = vector.shape_cast %get3A_254 : vector<1x16xf32> to vector<16xf32>
          %add3A_256 = arith.addf %add3A_251, %get3A_255 : vector<16xf32>
          %max3A_257 = arith.constant 0.000000e+00 : f32
          %max3A_258 = vector.broadcast %max3A_257 : f32 to vector<16xf32>
          %max3A_259 = arith.maximumf %add3A_256, %max3A_258 : vector<16xf32>
          %swap3A_260 = arith.index_cast %add3A_157 : i32 to index
          %swap3A_261 = arith.constant 64 : index
          %swap3A_262 = tpu.vector_load %arg24[%swap3A_260, %swap3A_261] {strides = array<i32>} : memref<40x128xf32, #tpu.memory_space<vmem>>, vector<1x16xf32>,
          %swap3A_263 = vector.shape_cast %swap3A_262 : vector<1x16xf32> to vector<16xf32>
          %swap3A_264 = vector.shape_cast %max3A_259 : vector<16xf32> to vector<1x16xf32>
          tpu.vector_store %arg24[%swap3A_260, %swap3A_261], %swap3A_264 {strides = array<i32>} : memref<40x128xf32, #tpu.memory_space<vmem>>, vector<1x16xf32>,
          %get3A_265 = arith.index_cast %add3A_157 : i32 to index
          %get3A_266 = arith.constant 80 : index
          %get3A_267 = tpu.vector_load %arg18[%get3A_265, %get3A_266] {strides = array<i32>} : memref<40x128xf32, #tpu.memory_space<vmem>>, vector<1x16xf32>,
          %get3A_268 = vector.shape_cast %get3A_267 : vector<1x16xf32> to vector<16xf32>
          %get3A_269 = arith.index_cast %add3A_157 : i32 to index
          %get3A_270 = arith.constant 80 : index
          %get3A_271 = tpu.vector_load %arg20[%get3A_269, %get3A_270] {strides = array<i32>} : memref<40x128xf32, #tpu.memory_space<vmem>>, vector<1x16xf32>,
          %get3A_272 = vector.shape_cast %get3A_271 : vector<1x16xf32> to vector<16xf32>
          %add3A_273 = arith.addf %get3A_268, %get3A_272 : vector<16xf32>
          %get3A_274 = arith.index_cast %add3A_157 : i32 to index
          %get3A_275 = arith.constant 80 : index
          %get3A_276 = tpu.vector_load %arg22[%get3A_274, %get3A_275] {strides = array<i32>} : memref<40x128xf32, #tpu.memory_space<vmem>>, vector<1x16xf32>,
          %get3A_277 = vector.shape_cast %get3A_276 : vector<1x16xf32> to vector<16xf32>
          %add3A_278 = arith.addf %add3A_273, %get3A_277 : vector<16xf32>
          %max3A_279 = arith.constant 0.000000e+00 : f32
          %max3A_280 = vector.broadcast %max3A_279 : f32 to vector<16xf32>
          %max3A_281 = arith.maximumf %add3A_278, %max3A_280 : vector<16xf32>
          %swap3A_282 = arith.index_cast %add3A_157 : i32 to index
          %swap3A_283 = arith.constant 80 : index
          %swap3A_284 = tpu.vector_load %arg24[%swap3A_282, %swap3A_283] {strides = array<i32>} : memref<40x128xf32, #tpu.memory_space<vmem>>, vector<1x16xf32>,
          %swap3A_285 = vector.shape_cast %swap3A_284 : vector<1x16xf32> to vector<16xf32>
          %swap3A_286 = vector.shape_cast %max3A_281 : vector<16xf32> to vector<1x16xf32>
          tpu.vector_store %arg24[%swap3A_282, %swap3A_283], %swap3A_286 {strides = array<i32>} : memref<40x128xf32, #tpu.memory_space<vmem>>, vector<1x16xf32>,
          %get3A_287 = arith.index_cast %add3A_157 : i32 to index
          %get3A_288 = arith.constant 96 : index
          %get3A_289 = tpu.vector_load %arg18[%get3A_287, %get3A_288] {strides = array<i32>} : memref<40x128xf32, #tpu.memory_space<vmem>>, vector<1x16xf32>,
          %get3A_290 = vector.shape_cast %get3A_289 : vector<1x16xf32> to vector<16xf32>
          %get3A_291 = arith.index_cast %add3A_157 : i32 to index
          %get3A_292 = arith.constant 96 : index
          %get3A_293 = tpu.vector_load %arg20[%get3A_291, %get3A_292] {strides = array<i32>} : memref<40x128xf32, #tpu.memory_space<vmem>>, vector<1x16xf32>,
          %get3A_294 = vector.shape_cast %get3A_293 : vector<1x16xf32> to vector<16xf32>
          %add3A_295 = arith.addf %get3A_290, %get3A_294 : vector<16xf32>
          %get3A_296 = arith.index_cast %add3A_157 : i32 to index
          %get3A_297 = arith.constant 96 : index
          %get3A_298 = tpu.vector_load %arg22[%get3A_296, %get3A_297] {strides = array<i32>} : memref<40x128xf32, #tpu.memory_space<vmem>>, vector<1x16xf32>,
          %get3A_299 = vector.shape_cast %get3A_298 : vector<1x16xf32> to vector<16xf32>
          %add3A_300 = arith.addf %add3A_295, %get3A_299 : vector<16xf32>
          %max3A_301 = arith.constant 0.000000e+00 : f32
          %max3A_302 = vector.broadcast %max3A_301 : f32 to vector<16xf32>
          %max3A_303 = arith.maximumf %add3A_300, %max3A_302 : vector<16xf32>
          %swap3A_304 = arith.index_cast %add3A_157 : i32 to index
          %swap3A_305 = arith.constant 96 : index
          %swap3A_306 = tpu.vector_load %arg24[%swap3A_304, %swap3A_305] {strides = array<i32>} : memref<40x128xf32, #tpu.memory_space<vmem>>, vector<1x16xf32>,
          %swap3A_307 = vector.shape_cast %swap3A_306 : vector<1x16xf32> to vector<16xf32>
          %swap3A_308 = vector.shape_cast %max3A_303 : vector<16xf32> to vector<1x16xf32>
          tpu.vector_store %arg24[%swap3A_304, %swap3A_305], %swap3A_308 {strides = array<i32>} : memref<40x128xf32, #tpu.memory_space<vmem>>, vector<1x16xf32>,
          %get3A_309 = arith.index_cast %add3A_157 : i32 to index
          %get3A_310 = arith.constant 112 : index
          %get3A_311 = tpu.vector_load %arg18[%get3A_309, %get3A_310] {strides = array<i32>} : memref<40x128xf32, #tpu.memory_space<vmem>>, vector<1x16xf32>,
          %get3A_312 = vector.shape_cast %get3A_311 : vector<1x16xf32> to vector<16xf32>
          %get3A_313 = arith.index_cast %add3A_157 : i32 to index
          %get3A_314 = arith.constant 112 : index
          %get3A_315 = tpu.vector_load %arg20[%get3A_313, %get3A_314] {strides = array<i32>} : memref<40x128xf32, #tpu.memory_space<vmem>>, vector<1x16xf32>,
          %get3A_316 = vector.shape_cast %get3A_315 : vector<1x16xf32> to vector<16xf32>
          %add3A_317 = arith.addf %get3A_312, %get3A_316 : vector<16xf32>
          %get3A_318 = arith.index_cast %add3A_157 : i32 to index
          %get3A_319 = arith.constant 112 : index
          %get3A_320 = tpu.vector_load %arg22[%get3A_318, %get3A_319] {strides = array<i32>} : memref<40x128xf32, #tpu.memory_space<vmem>>, vector<1x16xf32>,
          %get3A_321 = vector.shape_cast %get3A_320 : vector<1x16xf32> to vector<16xf32>
          %add3A_322 = arith.addf %add3A_317, %get3A_321 : vector<16xf32>
          %max3A_323 = arith.constant 0.000000e+00 : f32
          %max3A_324 = vector.broadcast %max3A_323 : f32 to vector<16xf32>
          %max3A_325 = arith.maximumf %add3A_322, %max3A_324 : vector<16xf32>
          %swap3A_326 = arith.index_cast %add3A_157 : i32 to index
          %swap3A_327 = arith.constant 112 : index
          %swap3A_328 = tpu.vector_load %arg24[%swap3A_326, %swap3A_327] {strides = array<i32>} : memref<40x128xf32, #tpu.memory_space<vmem>>, vector<1x16xf32>,
          %swap3A_329 = vector.shape_cast %swap3A_328 : vector<1x16xf32> to vector<16xf32>
          %swap3A_330 = vector.shape_cast %max3A_325 : vector<16xf32> to vector<1x16xf32>
          tpu.vector_store %arg24[%swap3A_326, %swap3A_327], %swap3A_330 {strides = array<i32>} : memref<40x128xf32, #tpu.memory_space<vmem>>, vector<1x16xf32>,
        }
        %scan3A_152 = arith.constant 40 : i32
        "tpu.region"() ({
          %run_scoped3A = tpu.sem_alloc : memref<!tpu.dma_semaphore, #tpu.memory_space<semaphore_mem>>
          %dma_start3A_153 = arith.constant 0 : i32
          %dma_start3A_154 = arith.constant 0 : i32
          %dma_start3A_155 = tpu.memref_slice %arg25[%dma_start3A_153, %dma_start3A_154] : memref<10112x128xf32, #tpu.memory_space<vmem_shared>> -> memref<10112x128xf32, #tpu.memory_space<vmem_shared>>
          tpu.enqueue_indirect_dma source(%arg24 : memref<40x128xf32, #tpu.memory_space<vmem>>) target(%dma_start3A_155 : memref<10112x128xf32, #tpu.memory_space<vmem_shared>>) offsets(%arg10 : memref<40xi32, #tpu.memory_space<vmem>>) semaphore(%run_scoped3A : memref<!tpu.dma_semaphore, #tpu.memory_space<semaphore_mem>>) {add = true}
          %dma_wait3A_156 = arith.constant 0 : i32
          %dma_wait3A_157 = arith.constant 0 : i32
          %dma_wait3A_158 = tpu.memref_slice %arg25[%dma_wait3A_156, %dma_wait3A_157] : memref<10112x128xf32, #tpu.memory_space<vmem_shared>> -> memref<10112x128xf32, #tpu.memory_space<vmem_shared>>
          tpu.wait_indirect_dma semaphore(%run_scoped3A : memref<!tpu.dma_semaphore, #tpu.memory_space<semaphore_mem>>) src(%arg24 : memref<40x128xf32, #tpu.memory_space<vmem>>) dst(%dma_wait3A_158 : memref<10112x128xf32, #tpu.memory_space<vmem_shared>>)
          tpu.yield
        }) : () -> ()
      } else {
      }
      %add3A_89 = arith.constant 2 : i32
      %add3A_90 = arith.addi %add3A_71, %add3A_89 : i32
      %lt3A_91 = arith.constant 250 : i32
      %lt3A_92 = arith.cmpi slt, %add3A_90, %lt3A_91 : i32
      %convert_element_type3A_93 = arith.extui %lt3A_92 : i1 to i32
      %cond3A_94 = arith.constant 0 : i32
      %cond3A_95 = arith.cmpi ne, %convert_element_type3A_93, %cond3A_94 : i32
      scf.if %cond3A_95 {
        %add3A_148 = arith.constant 2 : i32
        %add3A_149 = arith.addi %add3A_71, %add3A_148 : i32
        %mul3A_150 = arith.constant 40 : i32
        %mul3A_151 = arith.muli %add3A_149, %mul3A_150 : i32
        %add3A_152 = arith.addi %mul3A_2, %mul3A_151 : i32
        %dma_start3A_153 = tpu.memref_slice %arg5[%add3A_152] : memref<320000xi32, #tpu.memory_space<hbm>> -> memref<40xi32, #tpu.memory_space<hbm>>
        %dma_start3A_154 = tpu.memref_slice %arg5[%add3A_152] : memref<320000xi32, #tpu.memory_space<hbm>> -> memref<40xi32, #tpu.memory_space<hbm>>
        tpu.enqueue_dma source(%dma_start3A_154 : memref<40xi32, #tpu.memory_space<hbm>>) target(%arg12 : memref<40xi32, #tpu.memory_space<vmem>>) target_semaphore(%arg29 : memref<!tpu.dma_semaphore, #tpu.memory_space<semaphore_mem>>)
        %dma_start3A_155 = tpu.memref_slice %arg6[%add3A_152] : memref<320000xi32, #tpu.memory_space<hbm>> -> memref<40xi32, #tpu.memory_space<hbm>>
        %dma_start3A_156 = tpu.memref_slice %arg6[%add3A_152] : memref<320000xi32, #tpu.memory_space<hbm>> -> memref<40xi32, #tpu.memory_space<hbm>>
        tpu.enqueue_dma source(%dma_start3A_156 : memref<40xi32, #tpu.memory_space<hbm>>) target(%arg16 : memref<40xi32, #tpu.memory_space<vmem>>) target_semaphore(%arg29 : memref<!tpu.dma_semaphore, #tpu.memory_space<semaphore_mem>>)
      } else {
      }
      %add3A_96 = arith.constant 2 : i32
      %add3A_97 = arith.addi %add3A_46, %add3A_96 : i32
      %add3A_98 = arith.constant 1 : i32
      %add3A_99 = arith.addi %add3A_97, %add3A_98 : i32
      %lt3A_100 = arith.constant 250 : i32
      %lt3A_101 = arith.cmpi slt, %add3A_99, %lt3A_100 : i32
      %convert_element_type3A_102 = arith.extui %lt3A_101 : i1 to i32
      %cond3A_103 = arith.constant 0 : i32
      %cond3A_104 = arith.cmpi ne, %convert_element_type3A_102, %cond3A_103 : i32
      scf.if %cond3A_104 {
        %dma_wait3A_148 = tpu.memref_slice %arg5[%mul3A_2] : memref<320000xi32, #tpu.memory_space<hbm>> -> memref<40xi32, #tpu.memory_space<hbm>>
        %dma_wait3A_149 = tpu.memref_slice %arg5[%mul3A_2] : memref<320000xi32, #tpu.memory_space<hbm>> -> memref<40xi32, #tpu.memory_space<hbm>>
        tpu.wait_dma2 semaphore(%arg29 : memref<!tpu.dma_semaphore, #tpu.memory_space<semaphore_mem>>) src(%dma_wait3A_149 : memref<40xi32, #tpu.memory_space<hbm>>) dst(%arg12 : memref<40xi32, #tpu.memory_space<vmem>>)
        %dma_wait3A_150 = tpu.memref_slice %arg6[%mul3A_2] : memref<320000xi32, #tpu.memory_space<hbm>> -> memref<40xi32, #tpu.memory_space<hbm>>
        %dma_wait3A_151 = tpu.memref_slice %arg6[%mul3A_2] : memref<320000xi32, #tpu.memory_space<hbm>> -> memref<40xi32, #tpu.memory_space<hbm>>
        tpu.wait_dma2 semaphore(%arg29 : memref<!tpu.dma_semaphore, #tpu.memory_space<semaphore_mem>>) src(%dma_wait3A_151 : memref<40xi32, #tpu.memory_space<hbm>>) dst(%arg16 : memref<40xi32, #tpu.memory_space<vmem>>)
        %add3A_152 = arith.constant 1 : i32
        %add3A_153 = arith.addi %add3A_97, %add3A_152 : i32
        %dma_start3A_154 = arith.constant 0 : i32
        %dma_start3A_155 = arith.constant 0 : i32
        %dma_start3A_156 = tpu.memref_slice %arg3[%dma_start3A_154, %dma_start3A_155] : memref<10000x128xf32, #tpu.memory_space<hbm>> -> memref<10000x128xf32, #tpu.memory_space<hbm>>
        tpu.enqueue_indirect_dma source(%dma_start3A_156 : memref<10000x128xf32, #tpu.memory_space<hbm>>) target(%arg18 : memref<40x128xf32, #tpu.memory_space<vmem>>) offsets(%arg12 : memref<40xi32, #tpu.memory_space<vmem>>) semaphore(%arg31 : memref<!tpu.dma_semaphore, #tpu.memory_space<semaphore_mem>>)
        %dma_start3A_157 = arith.constant 0 : i32
        %dma_start3A_158 = arith.constant 0 : i32
        %dma_start3A_159 = tpu.memref_slice %arg4[%dma_start3A_157, %dma_start3A_158] : memref<10000x128xf32, #tpu.memory_space<hbm>> -> memref<10000x128xf32, #tpu.memory_space<hbm>>
        tpu.enqueue_indirect_dma source(%dma_start3A_159 : memref<10000x128xf32, #tpu.memory_space<hbm>>) target(%arg20 : memref<40x128xf32, #tpu.memory_space<vmem>>) offsets(%arg16 : memref<40xi32, #tpu.memory_space<vmem>>) semaphore(%arg31 : memref<!tpu.dma_semaphore, #tpu.memory_space<semaphore_mem>>)
        %mul3A_160 = arith.constant 40 : i32
        %mul3A_161 = arith.muli %add3A_153, %mul3A_160 : i32
        %add3A_162 = arith.addi %mul3A_2, %mul3A_161 : i32
        %dma_start3A_163 = arith.constant 0 : i32
        %dma_start3A_164 = tpu.memref_slice %arg2[%add3A_162, %dma_start3A_163] : memref<320000x128xf32, #tpu.memory_space<hbm>> -> memref<40x128xf32, #tpu.memory_space<hbm>>
        %dma_start3A_165 = arith.constant 0 : i32
        %dma_start3A_166 = tpu.memref_slice %arg2[%add3A_162, %dma_start3A_165] : memref<320000x128xf32, #tpu.memory_space<hbm>> -> memref<40x128xf32, #tpu.memory_space<hbm>>
        tpu.enqueue_dma source(%dma_start3A_166 : memref<40x128xf32, #tpu.memory_space<hbm>>) target(%arg22 : memref<40x128xf32, #tpu.memory_space<vmem>>) target_semaphore(%arg31 : memref<!tpu.dma_semaphore, #tpu.memory_space<semaphore_mem>>)
      } else {
      }
      %lt3A_105 = arith.constant 250 : i32
      %lt3A_106 = arith.cmpi slt, %add3A_97, %lt3A_105 : i32
      %convert_element_type3A_107 = arith.extui %lt3A_106 : i1 to i32
      %cond3A_108 = arith.constant 0 : i32
      %cond3A_109 = arith.cmpi ne, %convert_element_type3A_107, %cond3A_108 : i32
      scf.if %cond3A_109 {
        %dma_wait3A_148 = arith.constant 0 : i32
        %dma_wait3A_149 = arith.constant 0 : i32
        %dma_wait3A_150 = tpu.memref_slice %arg3[%dma_wait3A_148, %dma_wait3A_149] : memref<10000x128xf32, #tpu.memory_space<hbm>> -> memref<10000x128xf32, #tpu.memory_space<hbm>>
        tpu.wait_indirect_dma semaphore(%arg30 : memref<!tpu.dma_semaphore, #tpu.memory_space<semaphore_mem>>) src(%dma_wait3A_150 : memref<10000x128xf32, #tpu.memory_space<hbm>>) dst(%arg17 : memref<40x128xf32, #tpu.memory_space<vmem>>)
        %dma_wait3A_151 = arith.constant 0 : i32
        %dma_wait3A_152 = arith.constant 0 : i32
        %dma_wait3A_153 = tpu.memref_slice %arg4[%dma_wait3A_151, %dma_wait3A_152] : memref<10000x128xf32, #tpu.memory_space<hbm>> -> memref<10000x128xf32, #tpu.memory_space<hbm>>
        tpu.wait_indirect_dma semaphore(%arg30 : memref<!tpu.dma_semaphore, #tpu.memory_space<semaphore_mem>>) src(%dma_wait3A_153 : memref<10000x128xf32, #tpu.memory_space<hbm>>) dst(%arg19 : memref<40x128xf32, #tpu.memory_space<vmem>>)
        %dma_wait3A_154 = arith.constant 0 : i32
        %dma_wait3A_155 = tpu.memref_slice %arg2[%mul3A_2, %dma_wait3A_154] : memref<320000x128xf32, #tpu.memory_space<hbm>> -> memref<40x128xf32, #tpu.memory_space<hbm>>
        %dma_wait3A_156 = arith.constant 0 : i32
        %dma_wait3A_157 = tpu.memref_slice %arg2[%mul3A_2, %dma_wait3A_156] : memref<320000x128xf32, #tpu.memory_space<hbm>> -> memref<40x128xf32, #tpu.memory_space<hbm>>
        tpu.wait_dma2 semaphore(%arg30 : memref<!tpu.dma_semaphore, #tpu.memory_space<semaphore_mem>>) src(%dma_wait3A_157 : memref<40x128xf32, #tpu.memory_space<hbm>>) dst(%arg21 : memref<40x128xf32, #tpu.memory_space<vmem>>)
      } else {
      }
      %lt3A_110 = arith.constant 250 : i32
      %lt3A_111 = arith.cmpi slt, %add3A_97, %lt3A_110 : i32
      %convert_element_type3A_112 = arith.extui %lt3A_111 : i1 to i32
      %cond3A_113 = arith.constant 0 : i32
      %cond3A_114 = arith.cmpi ne, %convert_element_type3A_112, %cond3A_113 : i32
      scf.if %cond3A_114 {
        %scan3A_148 = arith.constant 0 : i32
        %scan3A_149 = arith.constant 40 : i32
        %scan3A_150 = arith.addi %scan3A_148, %scan3A_149 : i32
        %scan3A_151 = arith.constant 1 : i32
        scf.for %scan3A_153 = %scan3A_148 to %scan3A_150 step %scan3A_151  : i32 {
          %mul3A_154 = arith.constant 1 : i32
          %mul3A_155 = arith.muli %scan3A_153, %mul3A_154 : i32
          %add3A_156 = arith.constant 0 : i32
          %add3A_157 = arith.addi %add3A_156, %mul3A_155 : i32
          %get3A = arith.index_cast %add3A_157 : i32 to index
          %get3A_158 = arith.constant 0 : index
          %get3A_159 = tpu.vector_load %arg17[%get3A, %get3A_158] {strides = array<i32>} : memref<40x128xf32, #tpu.memory_space<vmem>>, vector<1x16xf32>,
          %get3A_160 = vector.shape_cast %get3A_159 : vector<1x16xf32> to vector<16xf32>
          %get3A_161 = arith.index_cast %add3A_157 : i32 to index
          %get3A_162 = arith.constant 0 : index
          %get3A_163 = tpu.vector_load %arg19[%get3A_161, %get3A_162] {strides = array<i32>} : memref<40x128xf32, #tpu.memory_space<vmem>>, vector<1x16xf32>,
          %get3A_164 = vector.shape_cast %get3A_163 : vector<1x16xf32> to vector<16xf32>
          %add3A_165 = arith.addf %get3A_160, %get3A_164 : vector<16xf32>
          %get3A_166 = arith.index_cast %add3A_157 : i32 to index
          %get3A_167 = arith.constant 0 : index
          %get3A_168 = tpu.vector_load %arg21[%get3A_166, %get3A_167] {strides = array<i32>} : memref<40x128xf32, #tpu.memory_space<vmem>>, vector<1x16xf32>,
          %get3A_169 = vector.shape_cast %get3A_168 : vector<1x16xf32> to vector<16xf32>
          %add3A_170 = arith.addf %add3A_165, %get3A_169 : vector<16xf32>
          %max3A = arith.constant 0.000000e+00 : f32
          %max3A_171 = vector.broadcast %max3A : f32 to vector<16xf32>
          %max3A_172 = arith.maximumf %add3A_170, %max3A_171 : vector<16xf32>
          %swap3A = arith.index_cast %add3A_157 : i32 to index
          %swap3A_173 = arith.constant 0 : index
          %swap3A_174 = tpu.vector_load %arg23[%swap3A, %swap3A_173] {strides = array<i32>} : memref<40x128xf32, #tpu.memory_space<vmem>>, vector<1x16xf32>,
          %swap3A_175 = vector.shape_cast %swap3A_174 : vector<1x16xf32> to vector<16xf32>
          %swap3A_176 = vector.shape_cast %max3A_172 : vector<16xf32> to vector<1x16xf32>
          tpu.vector_store %arg23[%swap3A, %swap3A_173], %swap3A_176 {strides = array<i32>} : memref<40x128xf32, #tpu.memory_space<vmem>>, vector<1x16xf32>,
          %get3A_177 = arith.index_cast %add3A_157 : i32 to index
          %get3A_178 = arith.constant 16 : index
          %get3A_179 = tpu.vector_load %arg17[%get3A_177, %get3A_178] {strides = array<i32>} : memref<40x128xf32, #tpu.memory_space<vmem>>, vector<1x16xf32>,
          %get3A_180 = vector.shape_cast %get3A_179 : vector<1x16xf32> to vector<16xf32>
          %get3A_181 = arith.index_cast %add3A_157 : i32 to index
          %get3A_182 = arith.constant 16 : index
          %get3A_183 = tpu.vector_load %arg19[%get3A_181, %get3A_182] {strides = array<i32>} : memref<40x128xf32, #tpu.memory_space<vmem>>, vector<1x16xf32>,
          %get3A_184 = vector.shape_cast %get3A_183 : vector<1x16xf32> to vector<16xf32>
          %add3A_185 = arith.addf %get3A_180, %get3A_184 : vector<16xf32>
          %get3A_186 = arith.index_cast %add3A_157 : i32 to index
          %get3A_187 = arith.constant 16 : index
          %get3A_188 = tpu.vector_load %arg21[%get3A_186, %get3A_187] {strides = array<i32>} : memref<40x128xf32, #tpu.memory_space<vmem>>, vector<1x16xf32>,
          %get3A_189 = vector.shape_cast %get3A_188 : vector<1x16xf32> to vector<16xf32>
          %add3A_190 = arith.addf %add3A_185, %get3A_189 : vector<16xf32>
          %max3A_191 = arith.constant 0.000000e+00 : f32
          %max3A_192 = vector.broadcast %max3A_191 : f32 to vector<16xf32>
          %max3A_193 = arith.maximumf %add3A_190, %max3A_192 : vector<16xf32>
          %swap3A_194 = arith.index_cast %add3A_157 : i32 to index
          %swap3A_195 = arith.constant 16 : index
          %swap3A_196 = tpu.vector_load %arg23[%swap3A_194, %swap3A_195] {strides = array<i32>} : memref<40x128xf32, #tpu.memory_space<vmem>>, vector<1x16xf32>,
          %swap3A_197 = vector.shape_cast %swap3A_196 : vector<1x16xf32> to vector<16xf32>
          %swap3A_198 = vector.shape_cast %max3A_193 : vector<16xf32> to vector<1x16xf32>
          tpu.vector_store %arg23[%swap3A_194, %swap3A_195], %swap3A_198 {strides = array<i32>} : memref<40x128xf32, #tpu.memory_space<vmem>>, vector<1x16xf32>,
          %get3A_199 = arith.index_cast %add3A_157 : i32 to index
          %get3A_200 = arith.constant 32 : index
          %get3A_201 = tpu.vector_load %arg17[%get3A_199, %get3A_200] {strides = array<i32>} : memref<40x128xf32, #tpu.memory_space<vmem>>, vector<1x16xf32>,
          %get3A_202 = vector.shape_cast %get3A_201 : vector<1x16xf32> to vector<16xf32>
          %get3A_203 = arith.index_cast %add3A_157 : i32 to index
          %get3A_204 = arith.constant 32 : index
          %get3A_205 = tpu.vector_load %arg19[%get3A_203, %get3A_204] {strides = array<i32>} : memref<40x128xf32, #tpu.memory_space<vmem>>, vector<1x16xf32>,
          %get3A_206 = vector.shape_cast %get3A_205 : vector<1x16xf32> to vector<16xf32>
          %add3A_207 = arith.addf %get3A_202, %get3A_206 : vector<16xf32>
          %get3A_208 = arith.index_cast %add3A_157 : i32 to index
          %get3A_209 = arith.constant 32 : index
          %get3A_210 = tpu.vector_load %arg21[%get3A_208, %get3A_209] {strides = array<i32>} : memref<40x128xf32, #tpu.memory_space<vmem>>, vector<1x16xf32>,
          %get3A_211 = vector.shape_cast %get3A_210 : vector<1x16xf32> to vector<16xf32>
          %add3A_212 = arith.addf %add3A_207, %get3A_211 : vector<16xf32>
          %max3A_213 = arith.constant 0.000000e+00 : f32
          %max3A_214 = vector.broadcast %max3A_213 : f32 to vector<16xf32>
          %max3A_215 = arith.maximumf %add3A_212, %max3A_214 : vector<16xf32>
          %swap3A_216 = arith.index_cast %add3A_157 : i32 to index
          %swap3A_217 = arith.constant 32 : index
          %swap3A_218 = tpu.vector_load %arg23[%swap3A_216, %swap3A_217] {strides = array<i32>} : memref<40x128xf32, #tpu.memory_space<vmem>>, vector<1x16xf32>,
          %swap3A_219 = vector.shape_cast %swap3A_218 : vector<1x16xf32> to vector<16xf32>
          %swap3A_220 = vector.shape_cast %max3A_215 : vector<16xf32> to vector<1x16xf32>
          tpu.vector_store %arg23[%swap3A_216, %swap3A_217], %swap3A_220 {strides = array<i32>} : memref<40x128xf32, #tpu.memory_space<vmem>>, vector<1x16xf32>,
          %get3A_221 = arith.index_cast %add3A_157 : i32 to index
          %get3A_222 = arith.constant 48 : index
          %get3A_223 = tpu.vector_load %arg17[%get3A_221, %get3A_222] {strides = array<i32>} : memref<40x128xf32, #tpu.memory_space<vmem>>, vector<1x16xf32>,
          %get3A_224 = vector.shape_cast %get3A_223 : vector<1x16xf32> to vector<16xf32>
          %get3A_225 = arith.index_cast %add3A_157 : i32 to index
          %get3A_226 = arith.constant 48 : index
          %get3A_227 = tpu.vector_load %arg19[%get3A_225, %get3A_226] {strides = array<i32>} : memref<40x128xf32, #tpu.memory_space<vmem>>, vector<1x16xf32>,
          %get3A_228 = vector.shape_cast %get3A_227 : vector<1x16xf32> to vector<16xf32>
          %add3A_229 = arith.addf %get3A_224, %get3A_228 : vector<16xf32>
          %get3A_230 = arith.index_cast %add3A_157 : i32 to index
          %get3A_231 = arith.constant 48 : index
          %get3A_232 = tpu.vector_load %arg21[%get3A_230, %get3A_231] {strides = array<i32>} : memref<40x128xf32, #tpu.memory_space<vmem>>, vector<1x16xf32>,
          %get3A_233 = vector.shape_cast %get3A_232 : vector<1x16xf32> to vector<16xf32>
          %add3A_234 = arith.addf %add3A_229, %get3A_233 : vector<16xf32>
          %max3A_235 = arith.constant 0.000000e+00 : f32
          %max3A_236 = vector.broadcast %max3A_235 : f32 to vector<16xf32>
          %max3A_237 = arith.maximumf %add3A_234, %max3A_236 : vector<16xf32>
          %swap3A_238 = arith.index_cast %add3A_157 : i32 to index
          %swap3A_239 = arith.constant 48 : index
          %swap3A_240 = tpu.vector_load %arg23[%swap3A_238, %swap3A_239] {strides = array<i32>} : memref<40x128xf32, #tpu.memory_space<vmem>>, vector<1x16xf32>,
          %swap3A_241 = vector.shape_cast %swap3A_240 : vector<1x16xf32> to vector<16xf32>
          %swap3A_242 = vector.shape_cast %max3A_237 : vector<16xf32> to vector<1x16xf32>
          tpu.vector_store %arg23[%swap3A_238, %swap3A_239], %swap3A_242 {strides = array<i32>} : memref<40x128xf32, #tpu.memory_space<vmem>>, vector<1x16xf32>,
          %get3A_243 = arith.index_cast %add3A_157 : i32 to index
          %get3A_244 = arith.constant 64 : index
          %get3A_245 = tpu.vector_load %arg17[%get3A_243, %get3A_244] {strides = array<i32>} : memref<40x128xf32, #tpu.memory_space<vmem>>, vector<1x16xf32>,
          %get3A_246 = vector.shape_cast %get3A_245 : vector<1x16xf32> to vector<16xf32>
          %get3A_247 = arith.index_cast %add3A_157 : i32 to index
          %get3A_248 = arith.constant 64 : index
          %get3A_249 = tpu.vector_load %arg19[%get3A_247, %get3A_248] {strides = array<i32>} : memref<40x128xf32, #tpu.memory_space<vmem>>, vector<1x16xf32>,
          %get3A_250 = vector.shape_cast %get3A_249 : vector<1x16xf32> to vector<16xf32>
          %add3A_251 = arith.addf %get3A_246, %get3A_250 : vector<16xf32>
          %get3A_252 = arith.index_cast %add3A_157 : i32 to index
          %get3A_253 = arith.constant 64 : index
          %get3A_254 = tpu.vector_load %arg21[%get3A_252, %get3A_253] {strides = array<i32>} : memref<40x128xf32, #tpu.memory_space<vmem>>, vector<1x16xf32>,
          %get3A_255 = vector.shape_cast %get3A_254 : vector<1x16xf32> to vector<16xf32>
          %add3A_256 = arith.addf %add3A_251, %get3A_255 : vector<16xf32>
          %max3A_257 = arith.constant 0.000000e+00 : f32
          %max3A_258 = vector.broadcast %max3A_257 : f32 to vector<16xf32>
          %max3A_259 = arith.maximumf %add3A_256, %max3A_258 : vector<16xf32>
          %swap3A_260 = arith.index_cast %add3A_157 : i32 to index
          %swap3A_261 = arith.constant 64 : index
          %swap3A_262 = tpu.vector_load %arg23[%swap3A_260, %swap3A_261] {strides = array<i32>} : memref<40x128xf32, #tpu.memory_space<vmem>>, vector<1x16xf32>,
          %swap3A_263 = vector.shape_cast %swap3A_262 : vector<1x16xf32> to vector<16xf32>
          %swap3A_264 = vector.shape_cast %max3A_259 : vector<16xf32> to vector<1x16xf32>
          tpu.vector_store %arg23[%swap3A_260, %swap3A_261], %swap3A_264 {strides = array<i32>} : memref<40x128xf32, #tpu.memory_space<vmem>>, vector<1x16xf32>,
          %get3A_265 = arith.index_cast %add3A_157 : i32 to index
          %get3A_266 = arith.constant 80 : index
          %get3A_267 = tpu.vector_load %arg17[%get3A_265, %get3A_266] {strides = array<i32>} : memref<40x128xf32, #tpu.memory_space<vmem>>, vector<1x16xf32>,
          %get3A_268 = vector.shape_cast %get3A_267 : vector<1x16xf32> to vector<16xf32>
          %get3A_269 = arith.index_cast %add3A_157 : i32 to index
          %get3A_270 = arith.constant 80 : index
          %get3A_271 = tpu.vector_load %arg19[%get3A_269, %get3A_270] {strides = array<i32>} : memref<40x128xf32, #tpu.memory_space<vmem>>, vector<1x16xf32>,
          %get3A_272 = vector.shape_cast %get3A_271 : vector<1x16xf32> to vector<16xf32>
          %add3A_273 = arith.addf %get3A_268, %get3A_272 : vector<16xf32>
          %get3A_274 = arith.index_cast %add3A_157 : i32 to index
          %get3A_275 = arith.constant 80 : index
          %get3A_276 = tpu.vector_load %arg21[%get3A_274, %get3A_275] {strides = array<i32>} : memref<40x128xf32, #tpu.memory_space<vmem>>, vector<1x16xf32>,
          %get3A_277 = vector.shape_cast %get3A_276 : vector<1x16xf32> to vector<16xf32>
          %add3A_278 = arith.addf %add3A_273, %get3A_277 : vector<16xf32>
          %max3A_279 = arith.constant 0.000000e+00 : f32
          %max3A_280 = vector.broadcast %max3A_279 : f32 to vector<16xf32>
          %max3A_281 = arith.maximumf %add3A_278, %max3A_280 : vector<16xf32>
          %swap3A_282 = arith.index_cast %add3A_157 : i32 to index
          %swap3A_283 = arith.constant 80 : index
          %swap3A_284 = tpu.vector_load %arg23[%swap3A_282, %swap3A_283] {strides = array<i32>} : memref<40x128xf32, #tpu.memory_space<vmem>>, vector<1x16xf32>,
          %swap3A_285 = vector.shape_cast %swap3A_284 : vector<1x16xf32> to vector<16xf32>
          %swap3A_286 = vector.shape_cast %max3A_281 : vector<16xf32> to vector<1x16xf32>
          tpu.vector_store %arg23[%swap3A_282, %swap3A_283], %swap3A_286 {strides = array<i32>} : memref<40x128xf32, #tpu.memory_space<vmem>>, vector<1x16xf32>,
          %get3A_287 = arith.index_cast %add3A_157 : i32 to index
          %get3A_288 = arith.constant 96 : index
          %get3A_289 = tpu.vector_load %arg17[%get3A_287, %get3A_288] {strides = array<i32>} : memref<40x128xf32, #tpu.memory_space<vmem>>, vector<1x16xf32>,
          %get3A_290 = vector.shape_cast %get3A_289 : vector<1x16xf32> to vector<16xf32>
          %get3A_291 = arith.index_cast %add3A_157 : i32 to index
          %get3A_292 = arith.constant 96 : index
          %get3A_293 = tpu.vector_load %arg19[%get3A_291, %get3A_292] {strides = array<i32>} : memref<40x128xf32, #tpu.memory_space<vmem>>, vector<1x16xf32>,
          %get3A_294 = vector.shape_cast %get3A_293 : vector<1x16xf32> to vector<16xf32>
          %add3A_295 = arith.addf %get3A_290, %get3A_294 : vector<16xf32>
          %get3A_296 = arith.index_cast %add3A_157 : i32 to index
          %get3A_297 = arith.constant 96 : index
          %get3A_298 = tpu.vector_load %arg21[%get3A_296, %get3A_297] {strides = array<i32>} : memref<40x128xf32, #tpu.memory_space<vmem>>, vector<1x16xf32>,
          %get3A_299 = vector.shape_cast %get3A_298 : vector<1x16xf32> to vector<16xf32>
          %add3A_300 = arith.addf %add3A_295, %get3A_299 : vector<16xf32>
          %max3A_301 = arith.constant 0.000000e+00 : f32
          %max3A_302 = vector.broadcast %max3A_301 : f32 to vector<16xf32>
          %max3A_303 = arith.maximumf %add3A_300, %max3A_302 : vector<16xf32>
          %swap3A_304 = arith.index_cast %add3A_157 : i32 to index
          %swap3A_305 = arith.constant 96 : index
          %swap3A_306 = tpu.vector_load %arg23[%swap3A_304, %swap3A_305] {strides = array<i32>} : memref<40x128xf32, #tpu.memory_space<vmem>>, vector<1x16xf32>,
          %swap3A_307 = vector.shape_cast %swap3A_306 : vector<1x16xf32> to vector<16xf32>
          %swap3A_308 = vector.shape_cast %max3A_303 : vector<16xf32> to vector<1x16xf32>
          tpu.vector_store %arg23[%swap3A_304, %swap3A_305], %swap3A_308 {strides = array<i32>} : memref<40x128xf32, #tpu.memory_space<vmem>>, vector<1x16xf32>,
          %get3A_309 = arith.index_cast %add3A_157 : i32 to index
          %get3A_310 = arith.constant 112 : index
          %get3A_311 = tpu.vector_load %arg17[%get3A_309, %get3A_310] {strides = array<i32>} : memref<40x128xf32, #tpu.memory_space<vmem>>, vector<1x16xf32>,
          %get3A_312 = vector.shape_cast %get3A_311 : vector<1x16xf32> to vector<16xf32>
          %get3A_313 = arith.index_cast %add3A_157 : i32 to index
          %get3A_314 = arith.constant 112 : index
          %get3A_315 = tpu.vector_load %arg19[%get3A_313, %get3A_314] {strides = array<i32>} : memref<40x128xf32, #tpu.memory_space<vmem>>, vector<1x16xf32>,
          %get3A_316 = vector.shape_cast %get3A_315 : vector<1x16xf32> to vector<16xf32>
          %add3A_317 = arith.addf %get3A_312, %get3A_316 : vector<16xf32>
          %get3A_318 = arith.index_cast %add3A_157 : i32 to index
          %get3A_319 = arith.constant 112 : index
          %get3A_320 = tpu.vector_load %arg21[%get3A_318, %get3A_319] {strides = array<i32>} : memref<40x128xf32, #tpu.memory_space<vmem>>, vector<1x16xf32>,
          %get3A_321 = vector.shape_cast %get3A_320 : vector<1x16xf32> to vector<16xf32>
          %add3A_322 = arith.addf %add3A_317, %get3A_321 : vector<16xf32>
          %max3A_323 = arith.constant 0.000000e+00 : f32
          %max3A_324 = vector.broadcast %max3A_323 : f32 to vector<16xf32>
          %max3A_325 = arith.maximumf %add3A_322, %max3A_324 : vector<16xf32>
          %swap3A_326 = arith.index_cast %add3A_157 : i32 to index
          %swap3A_327 = arith.constant 112 : index
          %swap3A_328 = tpu.vector_load %arg23[%swap3A_326, %swap3A_327] {strides = array<i32>} : memref<40x128xf32, #tpu.memory_space<vmem>>, vector<1x16xf32>,
          %swap3A_329 = vector.shape_cast %swap3A_328 : vector<1x16xf32> to vector<16xf32>
          %swap3A_330 = vector.shape_cast %max3A_325 : vector<16xf32> to vector<1x16xf32>
          tpu.vector_store %arg23[%swap3A_326, %swap3A_327], %swap3A_330 {strides = array<i32>} : memref<40x128xf32, #tpu.memory_space<vmem>>, vector<1x16xf32>,
        }
        %scan3A_152 = arith.constant 40 : i32
        "tpu.region"() ({
          %run_scoped3A = tpu.sem_alloc : memref<!tpu.dma_semaphore, #tpu.memory_space<semaphore_mem>>
          %dma_start3A_153 = arith.constant 0 : i32
          %dma_start3A_154 = arith.constant 0 : i32
          %dma_start3A_155 = tpu.memref_slice %arg25[%dma_start3A_153, %dma_start3A_154] : memref<10112x128xf32, #tpu.memory_space<vmem_shared>> -> memref<10112x128xf32, #tpu.memory_space<vmem_shared>>
          tpu.enqueue_indirect_dma source(%arg23 : memref<40x128xf32, #tpu.memory_space<vmem>>) target(%dma_start3A_155 : memref<10112x128xf32, #tpu.memory_space<vmem_shared>>) offsets(%arg11 : memref<40xi32, #tpu.memory_space<vmem>>) semaphore(%run_scoped3A : memref<!tpu.dma_semaphore, #tpu.memory_space<semaphore_mem>>) {add = true}
          %dma_wait3A_156 = arith.constant 0 : i32
          %dma_wait3A_157 = arith.constant 0 : i32
          %dma_wait3A_158 = tpu.memref_slice %arg25[%dma_wait3A_156, %dma_wait3A_157] : memref<10112x128xf32, #tpu.memory_space<vmem_shared>> -> memref<10112x128xf32, #tpu.memory_space<vmem_shared>>
          tpu.wait_indirect_dma semaphore(%run_scoped3A : memref<!tpu.dma_semaphore, #tpu.memory_space<semaphore_mem>>) src(%arg23 : memref<40x128xf32, #tpu.memory_space<vmem>>) dst(%dma_wait3A_158 : memref<10112x128xf32, #tpu.memory_space<vmem_shared>>)
          tpu.yield
        }) : () -> ()
      } else {
      }
      %add3A_115 = arith.constant 2 : i32
      %add3A_116 = arith.addi %add3A_97, %add3A_115 : i32
      %lt3A_117 = arith.constant 250 : i32
      %lt3A_118 = arith.cmpi slt, %add3A_116, %lt3A_117 : i32
      %convert_element_type3A_119 = arith.extui %lt3A_118 : i1 to i32
      %cond3A_120 = arith.constant 0 : i32
      %cond3A_121 = arith.cmpi ne, %convert_element_type3A_119, %cond3A_120 : i32
      scf.if %cond3A_121 {
        %add3A_148 = arith.constant 2 : i32
        %add3A_149 = arith.addi %add3A_97, %add3A_148 : i32
        %mul3A_150 = arith.constant 40 : i32
        %mul3A_151 = arith.muli %add3A_149, %mul3A_150 : i32
        %add3A_152 = arith.addi %mul3A_2, %mul3A_151 : i32
        %dma_start3A_153 = tpu.memref_slice %arg5[%add3A_152] : memref<320000xi32, #tpu.memory_space<hbm>> -> memref<40xi32, #tpu.memory_space<hbm>>
        %dma_start3A_154 = tpu.memref_slice %arg5[%add3A_152] : memref<320000xi32, #tpu.memory_space<hbm>> -> memref<40xi32, #tpu.memory_space<hbm>>
        tpu.enqueue_dma source(%dma_start3A_154 : memref<40xi32, #tpu.memory_space<hbm>>) target(%arg9 : memref<40xi32, #tpu.memory_space<vmem>>) target_semaphore(%arg26 : memref<!tpu.dma_semaphore, #tpu.memory_space<semaphore_mem>>)
        %dma_start3A_155 = tpu.memref_slice %arg6[%add3A_152] : memref<320000xi32, #tpu.memory_space<hbm>> -> memref<40xi32, #tpu.memory_space<hbm>>
        %dma_start3A_156 = tpu.memref_slice %arg6[%add3A_152] : memref<320000xi32, #tpu.memory_space<hbm>> -> memref<40xi32, #tpu.memory_space<hbm>>
        tpu.enqueue_dma source(%dma_start3A_156 : memref<40xi32, #tpu.memory_space<hbm>>) target(%arg13 : memref<40xi32, #tpu.memory_space<vmem>>) target_semaphore(%arg26 : memref<!tpu.dma_semaphore, #tpu.memory_space<semaphore_mem>>)
      } else {
      }
      %add3A_122 = arith.constant 3 : i32
      %add3A_123 = arith.addi %add3A_46, %add3A_122 : i32
      %add3A_124 = arith.constant 1 : i32
      %add3A_125 = arith.addi %add3A_123, %add3A_124 : i32
      %lt3A_126 = arith.constant 250 : i32
      %lt3A_127 = arith.cmpi slt, %add3A_125, %lt3A_126 : i32
      %convert_element_type3A_128 = arith.extui %lt3A_127 : i1 to i32
      %cond3A_129 = arith.constant 0 : i32
      %cond3A_130 = arith.cmpi ne, %convert_element_type3A_128, %cond3A_129 : i32
      scf.if %cond3A_130 {
        %dma_wait3A_148 = tpu.memref_slice %arg5[%mul3A_2] : memref<320000xi32, #tpu.memory_space<hbm>> -> memref<40xi32, #tpu.memory_space<hbm>>
        %dma_wait3A_149 = tpu.memref_slice %arg5[%mul3A_2] : memref<320000xi32, #tpu.memory_space<hbm>> -> memref<40xi32, #tpu.memory_space<hbm>>
        tpu.wait_dma2 semaphore(%arg26 : memref<!tpu.dma_semaphore, #tpu.memory_space<semaphore_mem>>) src(%dma_wait3A_149 : memref<40xi32, #tpu.memory_space<hbm>>) dst(%arg9 : memref<40xi32, #tpu.memory_space<vmem>>)
        %dma_wait3A_150 = tpu.memref_slice %arg6[%mul3A_2] : memref<320000xi32, #tpu.memory_space<hbm>> -> memref<40xi32, #tpu.memory_space<hbm>>
        %dma_wait3A_151 = tpu.memref_slice %arg6[%mul3A_2] : memref<320000xi32, #tpu.memory_space<hbm>> -> memref<40xi32, #tpu.memory_space<hbm>>
        tpu.wait_dma2 semaphore(%arg26 : memref<!tpu.dma_semaphore, #tpu.memory_space<semaphore_mem>>) src(%dma_wait3A_151 : memref<40xi32, #tpu.memory_space<hbm>>) dst(%arg13 : memref<40xi32, #tpu.memory_space<vmem>>)
        %add3A_152 = arith.constant 1 : i32
        %add3A_153 = arith.addi %add3A_123, %add3A_152 : i32
        %dma_start3A_154 = arith.constant 0 : i32
        %dma_start3A_155 = arith.constant 0 : i32
        %dma_start3A_156 = tpu.memref_slice %arg3[%dma_start3A_154, %dma_start3A_155] : memref<10000x128xf32, #tpu.memory_space<hbm>> -> memref<10000x128xf32, #tpu.memory_space<hbm>>
        tpu.enqueue_indirect_dma source(%dma_start3A_156 : memref<10000x128xf32, #tpu.memory_space<hbm>>) target(%arg17 : memref<40x128xf32, #tpu.memory_space<vmem>>) offsets(%arg9 : memref<40xi32, #tpu.memory_space<vmem>>) semaphore(%arg30 : memref<!tpu.dma_semaphore, #tpu.memory_space<semaphore_mem>>)
        %dma_start3A_157 = arith.constant 0 : i32
        %dma_start3A_158 = arith.constant 0 : i32
        %dma_start3A_159 = tpu.memref_slice %arg4[%dma_start3A_157, %dma_start3A_158] : memref<10000x128xf32, #tpu.memory_space<hbm>> -> memref<10000x128xf32, #tpu.memory_space<hbm>>
        tpu.enqueue_indirect_dma source(%dma_start3A_159 : memref<10000x128xf32, #tpu.memory_space<hbm>>) target(%arg19 : memref<40x128xf32, #tpu.memory_space<vmem>>) offsets(%arg13 : memref<40xi32, #tpu.memory_space<vmem>>) semaphore(%arg30 : memref<!tpu.dma_semaphore, #tpu.memory_space<semaphore_mem>>)
        %mul3A_160 = arith.constant 40 : i32
        %mul3A_161 = arith.muli %add3A_153, %mul3A_160 : i32
        %add3A_162 = arith.addi %mul3A_2, %mul3A_161 : i32
        %dma_start3A_163 = arith.constant 0 : i32
        %dma_start3A_164 = tpu.memref_slice %arg2[%add3A_162, %dma_start3A_163] : memref<320000x128xf32, #tpu.memory_space<hbm>> -> memref<40x128xf32, #tpu.memory_space<hbm>>
        %dma_start3A_165 = arith.constant 0 : i32
        %dma_start3A_166 = tpu.memref_slice %arg2[%add3A_162, %dma_start3A_165] : memref<320000x128xf32, #tpu.memory_space<hbm>> -> memref<40x128xf32, #tpu.memory_space<hbm>>
        tpu.enqueue_dma source(%dma_start3A_166 : memref<40x128xf32, #tpu.memory_space<hbm>>) target(%arg21 : memref<40x128xf32, #tpu.memory_space<vmem>>) target_semaphore(%arg30 : memref<!tpu.dma_semaphore, #tpu.memory_space<semaphore_mem>>)
      } else {
      }
      %lt3A_131 = arith.constant 250 : i32
      %lt3A_132 = arith.cmpi slt, %add3A_123, %lt3A_131 : i32
      %convert_element_type3A_133 = arith.extui %lt3A_132 : i1 to i32
      %cond3A_134 = arith.constant 0 : i32
      %cond3A_135 = arith.cmpi ne, %convert_element_type3A_133, %cond3A_134 : i32
      scf.if %cond3A_135 {
        %dma_wait3A_148 = arith.constant 0 : i32
        %dma_wait3A_149 = arith.constant 0 : i32
        %dma_wait3A_150 = tpu.memref_slice %arg3[%dma_wait3A_148, %dma_wait3A_149] : memref<10000x128xf32, #tpu.memory_space<hbm>> -> memref<10000x128xf32, #tpu.memory_space<hbm>>
        tpu.wait_indirect_dma semaphore(%arg31 : memref<!tpu.dma_semaphore, #tpu.memory_space<semaphore_mem>>) src(%dma_wait3A_150 : memref<10000x128xf32, #tpu.memory_space<hbm>>) dst(%arg18 : memref<40x128xf32, #tpu.memory_space<vmem>>)
        %dma_wait3A_151 = arith.constant 0 : i32
        %dma_wait3A_152 = arith.constant 0 : i32
        %dma_wait3A_153 = tpu.memref_slice %arg4[%dma_wait3A_151, %dma_wait3A_152] : memref<10000x128xf32, #tpu.memory_space<hbm>> -> memref<10000x128xf32, #tpu.memory_space<hbm>>
        tpu.wait_indirect_dma semaphore(%arg31 : memref<!tpu.dma_semaphore, #tpu.memory_space<semaphore_mem>>) src(%dma_wait3A_153 : memref<10000x128xf32, #tpu.memory_space<hbm>>) dst(%arg20 : memref<40x128xf32, #tpu.memory_space<vmem>>)
        %dma_wait3A_154 = arith.constant 0 : i32
        %dma_wait3A_155 = tpu.memref_slice %arg2[%mul3A_2, %dma_wait3A_154] : memref<320000x128xf32, #tpu.memory_space<hbm>> -> memref<40x128xf32, #tpu.memory_space<hbm>>
        %dma_wait3A_156 = arith.constant 0 : i32
        %dma_wait3A_157 = tpu.memref_slice %arg2[%mul3A_2, %dma_wait3A_156] : memref<320000x128xf32, #tpu.memory_space<hbm>> -> memref<40x128xf32, #tpu.memory_space<hbm>>
        tpu.wait_dma2 semaphore(%arg31 : memref<!tpu.dma_semaphore, #tpu.memory_space<semaphore_mem>>) src(%dma_wait3A_157 : memref<40x128xf32, #tpu.memory_space<hbm>>) dst(%arg22 : memref<40x128xf32, #tpu.memory_space<vmem>>)
      } else {
      }
      %lt3A_136 = arith.constant 250 : i32
      %lt3A_137 = arith.cmpi slt, %add3A_123, %lt3A_136 : i32
      %convert_element_type3A_138 = arith.extui %lt3A_137 : i1 to i32
      %cond3A_139 = arith.constant 0 : i32
      %cond3A_140 = arith.cmpi ne, %convert_element_type3A_138, %cond3A_139 : i32
      scf.if %cond3A_140 {
        %scan3A_148 = arith.constant 0 : i32
        %scan3A_149 = arith.constant 40 : i32
        %scan3A_150 = arith.addi %scan3A_148, %scan3A_149 : i32
        %scan3A_151 = arith.constant 1 : i32
        scf.for %scan3A_153 = %scan3A_148 to %scan3A_150 step %scan3A_151  : i32 {
          %mul3A_154 = arith.constant 1 : i32
          %mul3A_155 = arith.muli %scan3A_153, %mul3A_154 : i32
          %add3A_156 = arith.constant 0 : i32
          %add3A_157 = arith.addi %add3A_156, %mul3A_155 : i32
          %get3A = arith.index_cast %add3A_157 : i32 to index
          %get3A_158 = arith.constant 0 : index
          %get3A_159 = tpu.vector_load %arg18[%get3A, %get3A_158] {strides = array<i32>} : memref<40x128xf32, #tpu.memory_space<vmem>>, vector<1x16xf32>,
          %get3A_160 = vector.shape_cast %get3A_159 : vector<1x16xf32> to vector<16xf32>
          %get3A_161 = arith.index_cast %add3A_157 : i32 to index
          %get3A_162 = arith.constant 0 : index
          %get3A_163 = tpu.vector_load %arg20[%get3A_161, %get3A_162] {strides = array<i32>} : memref<40x128xf32, #tpu.memory_space<vmem>>, vector<1x16xf32>,
          %get3A_164 = vector.shape_cast %get3A_163 : vector<1x16xf32> to vector<16xf32>
          %add3A_165 = arith.addf %get3A_160, %get3A_164 : vector<16xf32>
          %get3A_166 = arith.index_cast %add3A_157 : i32 to index
          %get3A_167 = arith.constant 0 : index
          %get3A_168 = tpu.vector_load %arg22[%get3A_166, %get3A_167] {strides = array<i32>} : memref<40x128xf32, #tpu.memory_space<vmem>>, vector<1x16xf32>,
          %get3A_169 = vector.shape_cast %get3A_168 : vector<1x16xf32> to vector<16xf32>
          %add3A_170 = arith.addf %add3A_165, %get3A_169 : vector<16xf32>
          %max3A = arith.constant 0.000000e+00 : f32
          %max3A_171 = vector.broadcast %max3A : f32 to vector<16xf32>
          %max3A_172 = arith.maximumf %add3A_170, %max3A_171 : vector<16xf32>
          %swap3A = arith.index_cast %add3A_157 : i32 to index
          %swap3A_173 = arith.constant 0 : index
          %swap3A_174 = tpu.vector_load %arg24[%swap3A, %swap3A_173] {strides = array<i32>} : memref<40x128xf32, #tpu.memory_space<vmem>>, vector<1x16xf32>,
          %swap3A_175 = vector.shape_cast %swap3A_174 : vector<1x16xf32> to vector<16xf32>
          %swap3A_176 = vector.shape_cast %max3A_172 : vector<16xf32> to vector<1x16xf32>
          tpu.vector_store %arg24[%swap3A, %swap3A_173], %swap3A_176 {strides = array<i32>} : memref<40x128xf32, #tpu.memory_space<vmem>>, vector<1x16xf32>,
          %get3A_177 = arith.index_cast %add3A_157 : i32 to index
          %get3A_178 = arith.constant 16 : index
          %get3A_179 = tpu.vector_load %arg18[%get3A_177, %get3A_178] {strides = array<i32>} : memref<40x128xf32, #tpu.memory_space<vmem>>, vector<1x16xf32>,
          %get3A_180 = vector.shape_cast %get3A_179 : vector<1x16xf32> to vector<16xf32>
          %get3A_181 = arith.index_cast %add3A_157 : i32 to index
          %get3A_182 = arith.constant 16 : index
          %get3A_183 = tpu.vector_load %arg20[%get3A_181, %get3A_182] {strides = array<i32>} : memref<40x128xf32, #tpu.memory_space<vmem>>, vector<1x16xf32>,
          %get3A_184 = vector.shape_cast %get3A_183 : vector<1x16xf32> to vector<16xf32>
          %add3A_185 = arith.addf %get3A_180, %get3A_184 : vector<16xf32>
          %get3A_186 = arith.index_cast %add3A_157 : i32 to index
          %get3A_187 = arith.constant 16 : index
          %get3A_188 = tpu.vector_load %arg22[%get3A_186, %get3A_187] {strides = array<i32>} : memref<40x128xf32, #tpu.memory_space<vmem>>, vector<1x16xf32>,
          %get3A_189 = vector.shape_cast %get3A_188 : vector<1x16xf32> to vector<16xf32>
          %add3A_190 = arith.addf %add3A_185, %get3A_189 : vector<16xf32>
          %max3A_191 = arith.constant 0.000000e+00 : f32
          %max3A_192 = vector.broadcast %max3A_191 : f32 to vector<16xf32>
          %max3A_193 = arith.maximumf %add3A_190, %max3A_192 : vector<16xf32>
          %swap3A_194 = arith.index_cast %add3A_157 : i32 to index
          %swap3A_195 = arith.constant 16 : index
          %swap3A_196 = tpu.vector_load %arg24[%swap3A_194, %swap3A_195] {strides = array<i32>} : memref<40x128xf32, #tpu.memory_space<vmem>>, vector<1x16xf32>,
          %swap3A_197 = vector.shape_cast %swap3A_196 : vector<1x16xf32> to vector<16xf32>
          %swap3A_198 = vector.shape_cast %max3A_193 : vector<16xf32> to vector<1x16xf32>
          tpu.vector_store %arg24[%swap3A_194, %swap3A_195], %swap3A_198 {strides = array<i32>} : memref<40x128xf32, #tpu.memory_space<vmem>>, vector<1x16xf32>,
          %get3A_199 = arith.index_cast %add3A_157 : i32 to index
          %get3A_200 = arith.constant 32 : index
          %get3A_201 = tpu.vector_load %arg18[%get3A_199, %get3A_200] {strides = array<i32>} : memref<40x128xf32, #tpu.memory_space<vmem>>, vector<1x16xf32>,
          %get3A_202 = vector.shape_cast %get3A_201 : vector<1x16xf32> to vector<16xf32>
          %get3A_203 = arith.index_cast %add3A_157 : i32 to index
          %get3A_204 = arith.constant 32 : index
          %get3A_205 = tpu.vector_load %arg20[%get3A_203, %get3A_204] {strides = array<i32>} : memref<40x128xf32, #tpu.memory_space<vmem>>, vector<1x16xf32>,
          %get3A_206 = vector.shape_cast %get3A_205 : vector<1x16xf32> to vector<16xf32>
          %add3A_207 = arith.addf %get3A_202, %get3A_206 : vector<16xf32>
          %get3A_208 = arith.index_cast %add3A_157 : i32 to index
          %get3A_209 = arith.constant 32 : index
          %get3A_210 = tpu.vector_load %arg22[%get3A_208, %get3A_209] {strides = array<i32>} : memref<40x128xf32, #tpu.memory_space<vmem>>, vector<1x16xf32>,
          %get3A_211 = vector.shape_cast %get3A_210 : vector<1x16xf32> to vector<16xf32>
          %add3A_212 = arith.addf %add3A_207, %get3A_211 : vector<16xf32>
          %max3A_213 = arith.constant 0.000000e+00 : f32
          %max3A_214 = vector.broadcast %max3A_213 : f32 to vector<16xf32>
          %max3A_215 = arith.maximumf %add3A_212, %max3A_214 : vector<16xf32>
          %swap3A_216 = arith.index_cast %add3A_157 : i32 to index
          %swap3A_217 = arith.constant 32 : index
          %swap3A_218 = tpu.vector_load %arg24[%swap3A_216, %swap3A_217] {strides = array<i32>} : memref<40x128xf32, #tpu.memory_space<vmem>>, vector<1x16xf32>,
          %swap3A_219 = vector.shape_cast %swap3A_218 : vector<1x16xf32> to vector<16xf32>
          %swap3A_220 = vector.shape_cast %max3A_215 : vector<16xf32> to vector<1x16xf32>
          tpu.vector_store %arg24[%swap3A_216, %swap3A_217], %swap3A_220 {strides = array<i32>} : memref<40x128xf32, #tpu.memory_space<vmem>>, vector<1x16xf32>,
          %get3A_221 = arith.index_cast %add3A_157 : i32 to index
          %get3A_222 = arith.constant 48 : index
          %get3A_223 = tpu.vector_load %arg18[%get3A_221, %get3A_222] {strides = array<i32>} : memref<40x128xf32, #tpu.memory_space<vmem>>, vector<1x16xf32>,
          %get3A_224 = vector.shape_cast %get3A_223 : vector<1x16xf32> to vector<16xf32>
          %get3A_225 = arith.index_cast %add3A_157 : i32 to index
          %get3A_226 = arith.constant 48 : index
          %get3A_227 = tpu.vector_load %arg20[%get3A_225, %get3A_226] {strides = array<i32>} : memref<40x128xf32, #tpu.memory_space<vmem>>, vector<1x16xf32>,
          %get3A_228 = vector.shape_cast %get3A_227 : vector<1x16xf32> to vector<16xf32>
          %add3A_229 = arith.addf %get3A_224, %get3A_228 : vector<16xf32>
          %get3A_230 = arith.index_cast %add3A_157 : i32 to index
          %get3A_231 = arith.constant 48 : index
          %get3A_232 = tpu.vector_load %arg22[%get3A_230, %get3A_231] {strides = array<i32>} : memref<40x128xf32, #tpu.memory_space<vmem>>, vector<1x16xf32>,
          %get3A_233 = vector.shape_cast %get3A_232 : vector<1x16xf32> to vector<16xf32>
          %add3A_234 = arith.addf %add3A_229, %get3A_233 : vector<16xf32>
          %max3A_235 = arith.constant 0.000000e+00 : f32
          %max3A_236 = vector.broadcast %max3A_235 : f32 to vector<16xf32>
          %max3A_237 = arith.maximumf %add3A_234, %max3A_236 : vector<16xf32>
          %swap3A_238 = arith.index_cast %add3A_157 : i32 to index
          %swap3A_239 = arith.constant 48 : index
          %swap3A_240 = tpu.vector_load %arg24[%swap3A_238, %swap3A_239] {strides = array<i32>} : memref<40x128xf32, #tpu.memory_space<vmem>>, vector<1x16xf32>,
          %swap3A_241 = vector.shape_cast %swap3A_240 : vector<1x16xf32> to vector<16xf32>
          %swap3A_242 = vector.shape_cast %max3A_237 : vector<16xf32> to vector<1x16xf32>
          tpu.vector_store %arg24[%swap3A_238, %swap3A_239], %swap3A_242 {strides = array<i32>} : memref<40x128xf32, #tpu.memory_space<vmem>>, vector<1x16xf32>,
          %get3A_243 = arith.index_cast %add3A_157 : i32 to index
          %get3A_244 = arith.constant 64 : index
          %get3A_245 = tpu.vector_load %arg18[%get3A_243, %get3A_244] {strides = array<i32>} : memref<40x128xf32, #tpu.memory_space<vmem>>, vector<1x16xf32>,
          %get3A_246 = vector.shape_cast %get3A_245 : vector<1x16xf32> to vector<16xf32>
          %get3A_247 = arith.index_cast %add3A_157 : i32 to index
          %get3A_248 = arith.constant 64 : index
          %get3A_249 = tpu.vector_load %arg20[%get3A_247, %get3A_248] {strides = array<i32>} : memref<40x128xf32, #tpu.memory_space<vmem>>, vector<1x16xf32>,
          %get3A_250 = vector.shape_cast %get3A_249 : vector<1x16xf32> to vector<16xf32>
          %add3A_251 = arith.addf %get3A_246, %get3A_250 : vector<16xf32>
          %get3A_252 = arith.index_cast %add3A_157 : i32 to index
          %get3A_253 = arith.constant 64 : index
          %get3A_254 = tpu.vector_load %arg22[%get3A_252, %get3A_253] {strides = array<i32>} : memref<40x128xf32, #tpu.memory_space<vmem>>, vector<1x16xf32>,
          %get3A_255 = vector.shape_cast %get3A_254 : vector<1x16xf32> to vector<16xf32>
          %add3A_256 = arith.addf %add3A_251, %get3A_255 : vector<16xf32>
          %max3A_257 = arith.constant 0.000000e+00 : f32
          %max3A_258 = vector.broadcast %max3A_257 : f32 to vector<16xf32>
          %max3A_259 = arith.maximumf %add3A_256, %max3A_258 : vector<16xf32>
          %swap3A_260 = arith.index_cast %add3A_157 : i32 to index
          %swap3A_261 = arith.constant 64 : index
          %swap3A_262 = tpu.vector_load %arg24[%swap3A_260, %swap3A_261] {strides = array<i32>} : memref<40x128xf32, #tpu.memory_space<vmem>>, vector<1x16xf32>,
          %swap3A_263 = vector.shape_cast %swap3A_262 : vector<1x16xf32> to vector<16xf32>
          %swap3A_264 = vector.shape_cast %max3A_259 : vector<16xf32> to vector<1x16xf32>
          tpu.vector_store %arg24[%swap3A_260, %swap3A_261], %swap3A_264 {strides = array<i32>} : memref<40x128xf32, #tpu.memory_space<vmem>>, vector<1x16xf32>,
          %get3A_265 = arith.index_cast %add3A_157 : i32 to index
          %get3A_266 = arith.constant 80 : index
          %get3A_267 = tpu.vector_load %arg18[%get3A_265, %get3A_266] {strides = array<i32>} : memref<40x128xf32, #tpu.memory_space<vmem>>, vector<1x16xf32>,
          %get3A_268 = vector.shape_cast %get3A_267 : vector<1x16xf32> to vector<16xf32>
          %get3A_269 = arith.index_cast %add3A_157 : i32 to index
          %get3A_270 = arith.constant 80 : index
          %get3A_271 = tpu.vector_load %arg20[%get3A_269, %get3A_270] {strides = array<i32>} : memref<40x128xf32, #tpu.memory_space<vmem>>, vector<1x16xf32>,
          %get3A_272 = vector.shape_cast %get3A_271 : vector<1x16xf32> to vector<16xf32>
          %add3A_273 = arith.addf %get3A_268, %get3A_272 : vector<16xf32>
          %get3A_274 = arith.index_cast %add3A_157 : i32 to index
          %get3A_275 = arith.constant 80 : index
          %get3A_276 = tpu.vector_load %arg22[%get3A_274, %get3A_275] {strides = array<i32>} : memref<40x128xf32, #tpu.memory_space<vmem>>, vector<1x16xf32>,
          %get3A_277 = vector.shape_cast %get3A_276 : vector<1x16xf32> to vector<16xf32>
          %add3A_278 = arith.addf %add3A_273, %get3A_277 : vector<16xf32>
          %max3A_279 = arith.constant 0.000000e+00 : f32
          %max3A_280 = vector.broadcast %max3A_279 : f32 to vector<16xf32>
          %max3A_281 = arith.maximumf %add3A_278, %max3A_280 : vector<16xf32>
          %swap3A_282 = arith.index_cast %add3A_157 : i32 to index
          %swap3A_283 = arith.constant 80 : index
          %swap3A_284 = tpu.vector_load %arg24[%swap3A_282, %swap3A_283] {strides = array<i32>} : memref<40x128xf32, #tpu.memory_space<vmem>>, vector<1x16xf32>,
          %swap3A_285 = vector.shape_cast %swap3A_284 : vector<1x16xf32> to vector<16xf32>
          %swap3A_286 = vector.shape_cast %max3A_281 : vector<16xf32> to vector<1x16xf32>
          tpu.vector_store %arg24[%swap3A_282, %swap3A_283], %swap3A_286 {strides = array<i32>} : memref<40x128xf32, #tpu.memory_space<vmem>>, vector<1x16xf32>,
          %get3A_287 = arith.index_cast %add3A_157 : i32 to index
          %get3A_288 = arith.constant 96 : index
          %get3A_289 = tpu.vector_load %arg18[%get3A_287, %get3A_288] {strides = array<i32>} : memref<40x128xf32, #tpu.memory_space<vmem>>, vector<1x16xf32>,
          %get3A_290 = vector.shape_cast %get3A_289 : vector<1x16xf32> to vector<16xf32>
          %get3A_291 = arith.index_cast %add3A_157 : i32 to index
          %get3A_292 = arith.constant 96 : index
          %get3A_293 = tpu.vector_load %arg20[%get3A_291, %get3A_292] {strides = array<i32>} : memref<40x128xf32, #tpu.memory_space<vmem>>, vector<1x16xf32>,
          %get3A_294 = vector.shape_cast %get3A_293 : vector<1x16xf32> to vector<16xf32>
          %add3A_295 = arith.addf %get3A_290, %get3A_294 : vector<16xf32>
          %get3A_296 = arith.index_cast %add3A_157 : i32 to index
          %get3A_297 = arith.constant 96 : index
          %get3A_298 = tpu.vector_load %arg22[%get3A_296, %get3A_297] {strides = array<i32>} : memref<40x128xf32, #tpu.memory_space<vmem>>, vector<1x16xf32>,
          %get3A_299 = vector.shape_cast %get3A_298 : vector<1x16xf32> to vector<16xf32>
          %add3A_300 = arith.addf %add3A_295, %get3A_299 : vector<16xf32>
          %max3A_301 = arith.constant 0.000000e+00 : f32
          %max3A_302 = vector.broadcast %max3A_301 : f32 to vector<16xf32>
          %max3A_303 = arith.maximumf %add3A_300, %max3A_302 : vector<16xf32>
          %swap3A_304 = arith.index_cast %add3A_157 : i32 to index
          %swap3A_305 = arith.constant 96 : index
          %swap3A_306 = tpu.vector_load %arg24[%swap3A_304, %swap3A_305] {strides = array<i32>} : memref<40x128xf32, #tpu.memory_space<vmem>>, vector<1x16xf32>,
          %swap3A_307 = vector.shape_cast %swap3A_306 : vector<1x16xf32> to vector<16xf32>
          %swap3A_308 = vector.shape_cast %max3A_303 : vector<16xf32> to vector<1x16xf32>
          tpu.vector_store %arg24[%swap3A_304, %swap3A_305], %swap3A_308 {strides = array<i32>} : memref<40x128xf32, #tpu.memory_space<vmem>>, vector<1x16xf32>,
          %get3A_309 = arith.index_cast %add3A_157 : i32 to index
          %get3A_310 = arith.constant 112 : index
          %get3A_311 = tpu.vector_load %arg18[%get3A_309, %get3A_310] {strides = array<i32>} : memref<40x128xf32, #tpu.memory_space<vmem>>, vector<1x16xf32>,
          %get3A_312 = vector.shape_cast %get3A_311 : vector<1x16xf32> to vector<16xf32>
          %get3A_313 = arith.index_cast %add3A_157 : i32 to index
          %get3A_314 = arith.constant 112 : index
          %get3A_315 = tpu.vector_load %arg20[%get3A_313, %get3A_314] {strides = array<i32>} : memref<40x128xf32, #tpu.memory_space<vmem>>, vector<1x16xf32>,
          %get3A_316 = vector.shape_cast %get3A_315 : vector<1x16xf32> to vector<16xf32>
          %add3A_317 = arith.addf %get3A_312, %get3A_316 : vector<16xf32>
          %get3A_318 = arith.index_cast %add3A_157 : i32 to index
          %get3A_319 = arith.constant 112 : index
          %get3A_320 = tpu.vector_load %arg22[%get3A_318, %get3A_319] {strides = array<i32>} : memref<40x128xf32, #tpu.memory_space<vmem>>, vector<1x16xf32>,
          %get3A_321 = vector.shape_cast %get3A_320 : vector<1x16xf32> to vector<16xf32>
          %add3A_322 = arith.addf %add3A_317, %get3A_321 : vector<16xf32>
          %max3A_323 = arith.constant 0.000000e+00 : f32
          %max3A_324 = vector.broadcast %max3A_323 : f32 to vector<16xf32>
          %max3A_325 = arith.maximumf %add3A_322, %max3A_324 : vector<16xf32>
          %swap3A_326 = arith.index_cast %add3A_157 : i32 to index
          %swap3A_327 = arith.constant 112 : index
          %swap3A_328 = tpu.vector_load %arg24[%swap3A_326, %swap3A_327] {strides = array<i32>} : memref<40x128xf32, #tpu.memory_space<vmem>>, vector<1x16xf32>,
          %swap3A_329 = vector.shape_cast %swap3A_328 : vector<1x16xf32> to vector<16xf32>
          %swap3A_330 = vector.shape_cast %max3A_325 : vector<16xf32> to vector<1x16xf32>
          tpu.vector_store %arg24[%swap3A_326, %swap3A_327], %swap3A_330 {strides = array<i32>} : memref<40x128xf32, #tpu.memory_space<vmem>>, vector<1x16xf32>,
        }
        %scan3A_152 = arith.constant 40 : i32
        "tpu.region"() ({
          %run_scoped3A = tpu.sem_alloc : memref<!tpu.dma_semaphore, #tpu.memory_space<semaphore_mem>>
          %dma_start3A_153 = arith.constant 0 : i32
          %dma_start3A_154 = arith.constant 0 : i32
          %dma_start3A_155 = tpu.memref_slice %arg25[%dma_start3A_153, %dma_start3A_154] : memref<10112x128xf32, #tpu.memory_space<vmem_shared>> -> memref<10112x128xf32, #tpu.memory_space<vmem_shared>>
          tpu.enqueue_indirect_dma source(%arg24 : memref<40x128xf32, #tpu.memory_space<vmem>>) target(%dma_start3A_155 : memref<10112x128xf32, #tpu.memory_space<vmem_shared>>) offsets(%arg12 : memref<40xi32, #tpu.memory_space<vmem>>) semaphore(%run_scoped3A : memref<!tpu.dma_semaphore, #tpu.memory_space<semaphore_mem>>) {add = true}
          %dma_wait3A_156 = arith.constant 0 : i32
          %dma_wait3A_157 = arith.constant 0 : i32
          %dma_wait3A_158 = tpu.memref_slice %arg25[%dma_wait3A_156, %dma_wait3A_157] : memref<10112x128xf32, #tpu.memory_space<vmem_shared>> -> memref<10112x128xf32, #tpu.memory_space<vmem_shared>>
          tpu.wait_indirect_dma semaphore(%run_scoped3A : memref<!tpu.dma_semaphore, #tpu.memory_space<semaphore_mem>>) src(%arg24 : memref<40x128xf32, #tpu.memory_space<vmem>>) dst(%dma_wait3A_158 : memref<10112x128xf32, #tpu.memory_space<vmem_shared>>)
          tpu.yield
        }) : () -> ()
      } else {
      }
      %add3A_141 = arith.constant 2 : i32
      %add3A_142 = arith.addi %add3A_123, %add3A_141 : i32
      %lt3A_143 = arith.constant 250 : i32
      %lt3A_144 = arith.cmpi slt, %add3A_142, %lt3A_143 : i32
      %convert_element_type3A_145 = arith.extui %lt3A_144 : i1 to i32
      %cond3A_146 = arith.constant 0 : i32
      %cond3A_147 = arith.cmpi ne, %convert_element_type3A_145, %cond3A_146 : i32
      scf.if %cond3A_147 {
        %add3A_148 = arith.constant 2 : i32
        %add3A_149 = arith.addi %add3A_123, %add3A_148 : i32
        %mul3A_150 = arith.constant 40 : i32
        %mul3A_151 = arith.muli %add3A_149, %mul3A_150 : i32
        %add3A_152 = arith.addi %mul3A_2, %mul3A_151 : i32
        %dma_start3A_153 = tpu.memref_slice %arg5[%add3A_152] : memref<320000xi32, #tpu.memory_space<hbm>> -> memref<40xi32, #tpu.memory_space<hbm>>
        %dma_start3A_154 = tpu.memref_slice %arg5[%add3A_152] : memref<320000xi32, #tpu.memory_space<hbm>> -> memref<40xi32, #tpu.memory_space<hbm>>
        tpu.enqueue_dma source(%dma_start3A_154 : memref<40xi32, #tpu.memory_space<hbm>>) target(%arg10 : memref<40xi32, #tpu.memory_space<vmem>>) target_semaphore(%arg27 : memref<!tpu.dma_semaphore, #tpu.memory_space<semaphore_mem>>)
        %dma_start3A_155 = tpu.memref_slice %arg6[%add3A_152] : memref<320000xi32, #tpu.memory_space<hbm>> -> memref<40xi32, #tpu.memory_space<hbm>>
        %dma_start3A_156 = tpu.memref_slice %arg6[%add3A_152] : memref<320000xi32, #tpu.memory_space<hbm>> -> memref<40xi32, #tpu.memory_space<hbm>>
        tpu.enqueue_dma source(%dma_start3A_156 : memref<40xi32, #tpu.memory_space<hbm>>) target(%arg14 : memref<40xi32, #tpu.memory_space<vmem>>) target_semaphore(%arg27 : memref<!tpu.dma_semaphore, #tpu.memory_space<semaphore_mem>>)
      } else {
      }
    }
    %scan3A_36 = arith.constant 63 : i32
    %barrier3A_37 = arith.constant 0 : index
    tpu.barrier barrier_id(%barrier3A_37)
    %mul3A_38 = arith.constant 632 : i32
    %mul3A_39 = arith.muli %arg1, %mul3A_38 : i32
    %mul3A_40 = arith.constant 632 : i32
    %mul3A_41 = arith.muli %arg1, %mul3A_40 : i32
    "tpu.region"() ({
      %run_scoped3A = tpu.sem_alloc : memref<!tpu.dma_semaphore, #tpu.memory_space<semaphore_mem>>
      %dma_start3A_42 = arith.constant 0 : i32
      %dma_start3A_43 = arith.constant 0 : i32
      %dma_start3A_44 = tpu.memref_slice %arg8[%arg0, %dma_start3A_42, %dma_start3A_43] : memref<2x10112x128xf32, #tpu.memory_space<hbm>> -> memref<1x10112x128xf32, #tpu.memory_space<hbm>>
      %dma_start3A_45 = tpu.memref_squeeze %dma_start3A_44 : memref<1x10112x128xf32, #tpu.memory_space<hbm>> -> memref<10112x128xf32, #tpu.memory_space<hbm>>
      %dma_start3A_46 = arith.constant 0 : i32
      %dma_start3A_47 = tpu.memref_slice %dma_start3A_45[%mul3A_41, %dma_start3A_46] : memref<10112x128xf32, #tpu.memory_space<hbm>> -> memref<632x128xf32, #tpu.memory_space<hbm>>
      %dma_start3A_48 = arith.constant 0 : i32
      %dma_start3A_49 = tpu.memref_slice %arg25[%mul3A_39, %dma_start3A_48] : memref<10112x128xf32, #tpu.memory_space<vmem_shared>> -> memref<632x128xf32, #tpu.memory_space<vmem_shared>>
      tpu.enqueue_dma source(%dma_start3A_49 : memref<632x128xf32, #tpu.memory_space<vmem_shared>>) target(%dma_start3A_47 : memref<632x128xf32, #tpu.memory_space<hbm>>) target_semaphore(%run_scoped3A : memref<!tpu.dma_semaphore, #tpu.memory_space<semaphore_mem>>)
      %dma_wait3A_50 = arith.constant 0 : i32
      %dma_wait3A_51 = arith.constant 0 : i32
      %dma_wait3A_52 = tpu.memref_slice %arg8[%arg0, %dma_wait3A_50, %dma_wait3A_51] : memref<2x10112x128xf32, #tpu.memory_space<hbm>> -> memref<1x10112x128xf32, #tpu.memory_space<hbm>>
      %dma_wait3A_53 = tpu.memref_squeeze %dma_wait3A_52 : memref<1x10112x128xf32, #tpu.memory_space<hbm>> -> memref<10112x128xf32, #tpu.memory_space<hbm>>
      %dma_wait3A_54 = arith.constant 0 : i32
      %dma_wait3A_55 = tpu.memref_slice %dma_wait3A_53[%mul3A_41, %dma_wait3A_54] : memref<10112x128xf32, #tpu.memory_space<hbm>> -> memref<632x128xf32, #tpu.memory_space<hbm>>
      %dma_wait3A_56 = arith.constant 0 : i32
      %dma_wait3A_57 = tpu.memref_slice %arg25[%mul3A_39, %dma_wait3A_56] : memref<10112x128xf32, #tpu.memory_space<vmem_shared>> -> memref<632x128xf32, #tpu.memory_space<vmem_shared>>
      tpu.wait_dma2 semaphore(%run_scoped3A : memref<!tpu.dma_semaphore, #tpu.memory_space<semaphore_mem>>) src(%dma_wait3A_57 : memref<632x128xf32, #tpu.memory_space<vmem_shared>>) dst(%dma_wait3A_55 : memref<632x128xf32, #tpu.memory_space<hbm>>)
      tpu.yield
    }) : () -> ()
    return
  }
}

module attributes {stable_mosaic.version = 14 : i64} {
  func.func @_node_pre_body(%arg0: i32, %arg1: memref<1000x16xf32, #tpu.memory_space<vmem>>, %arg2: memref<16x128xf32, #tpu.memory_space<vmem>>, %arg3: memref<1x128xf32, #tpu.memory_space<vmem>>, %arg4: memref<128x128xf32, #tpu.memory_space<vmem>>, %arg5: memref<1x128xf32, #tpu.memory_space<vmem>>, %arg6: memref<16x128xf32, #tpu.memory_space<vmem>>, %arg7: memref<16x128xf32, #tpu.memory_space<vmem>>, %arg8: memref<1x128xf32, #tpu.memory_space<vmem>>, %arg9: memref<128x128xf32, #tpu.memory_space<vmem>>, %arg10: memref<1x128xf32, #tpu.memory_space<vmem>>, %arg11: memref<128x128xf32, #tpu.memory_space<vmem>>, %arg12: memref<128x128xf32, #tpu.memory_space<vmem>>, %arg13: memref<1000x128xf32, #tpu.memory_space<vmem>>, %arg14: memref<1000x128xf32, #tpu.memory_space<vmem>>, %arg15: memref<1000x128xf32, #tpu.memory_space<vmem>>, %arg16: memref<1000x128xf32, #tpu.memory_space<vmem>>, %arg17: memref<1000x128xf32, #tpu.memory_space<vmem>>) attributes {dimension_semantics = [#tpu.dimension_semantics<arbitrary>], iteration_bounds = array<i64: 10>, scalar_prefetch = 0 : i64, scratch_operands = 0 : i64, tpu.core_type = #tpu.core_type<tc>, window_params = [{transform_indices = @transform_0, window_bounds = array<i64: 1000, 16>}, {pipeline_mode = #tpu.pipeline_mode<synchronous>, transform_indices = @transform_1, window_bounds = array<i64: 16, 128>}, {pipeline_mode = #tpu.pipeline_mode<synchronous>, transform_indices = @transform_2, window_bounds = array<i64: 1, 128>}, {pipeline_mode = #tpu.pipeline_mode<synchronous>, transform_indices = @transform_3, window_bounds = array<i64: 128, 128>}, {pipeline_mode = #tpu.pipeline_mode<synchronous>, transform_indices = @transform_4, window_bounds = array<i64: 1, 128>}, {pipeline_mode = #tpu.pipeline_mode<synchronous>, transform_indices = @transform_5, window_bounds = array<i64: 16, 128>}, {pipeline_mode = #tpu.pipeline_mode<synchronous>, transform_indices = @transform_6, window_bounds = array<i64: 16, 128>}, {pipeline_mode = #tpu.pipeline_mode<synchronous>, transform_indices = @transform_7, window_bounds = array<i64: 1, 128>}, {pipeline_mode = #tpu.pipeline_mode<synchronous>, transform_indices = @transform_8, window_bounds = array<i64: 128, 128>}, {pipeline_mode = #tpu.pipeline_mode<synchronous>, transform_indices = @transform_9, window_bounds = array<i64: 1, 128>}, {pipeline_mode = #tpu.pipeline_mode<synchronous>, transform_indices = @transform_10, window_bounds = array<i64: 128, 128>}, {pipeline_mode = #tpu.pipeline_mode<synchronous>, transform_indices = @transform_11, window_bounds = array<i64: 128, 128>}, {transform_indices = @transform_12, window_bounds = array<i64: 1000, 128>}, {transform_indices = @transform_13, window_bounds = array<i64: 1000, 128>}, {transform_indices = @transform_14, window_bounds = array<i64: 1000, 128>}, {transform_indices = @transform_15, window_bounds = array<i64: 1000, 128>}, {transform_indices = @transform_16, window_bounds = array<i64: 1000, 128>}]} {
    %get3A = arith.constant 0 : index
    %get3A_0 = arith.constant 0 : index
    %get3A_1 = vector.load %arg1[%get3A, %get3A_0] : memref<1000x16xf32, #tpu.memory_space<vmem>>, vector<1000x16xf32>
    %get3A_2 = arith.constant 0 : index
    %get3A_3 = arith.constant 0 : index
    %get3A_4 = vector.load %arg2[%get3A_2, %get3A_3] : memref<16x128xf32, #tpu.memory_space<vmem>>, vector<16x128xf32>
    %dot_general3A = arith.constant dense<0.000000e+00> : vector<1000x128xf32>
    %dot_general3A_5 = tpu.matmul %get3A_1, %get3A_4, %dot_general3A {dimension_numbers = #tpu.dot_dimension_numbers<[1], [0], [0], [1], [0, 0, 1, 1], [], []>, transpose_lhs_hint = false} : vector<1000x16xf32>, vector<16x128xf32>, vector<1000x128xf32> -> vector<1000x128xf32>
    %get3A_6 = arith.constant 0 : index
    %get3A_7 = arith.constant 0 : index
    %get3A_8 = vector.load %arg3[%get3A_6, %get3A_7] : memref<1x128xf32, #tpu.memory_space<vmem>>, vector<1x128xf32>
    %add3A = vector.broadcast %get3A_8 : vector<1x128xf32> to vector<1000x128xf32>
    %add3A_9 = arith.addf %dot_general3A_5, %add3A : vector<1000x128xf32>
    %max3A = arith.constant 0.000000e+00 : f32
    %max3A_10 = vector.broadcast %max3A : f32 to vector<1000x128xf32>
    %max3A_11 = arith.maximumf %add3A_9, %max3A_10 : vector<1000x128xf32>
    %get3A_12 = arith.constant 0 : index
    %get3A_13 = arith.constant 0 : index
    %get3A_14 = vector.load %arg4[%get3A_12, %get3A_13] : memref<128x128xf32, #tpu.memory_space<vmem>>, vector<128x128xf32>
    %dot_general3A_15 = arith.constant dense<0.000000e+00> : vector<1000x128xf32>
    %dot_general3A_16 = tpu.matmul %max3A_11, %get3A_14, %dot_general3A_15 {dimension_numbers = #tpu.dot_dimension_numbers<[1], [0], [0], [1], [0, 0, 1, 1], [], []>, transpose_lhs_hint = false} : vector<1000x128xf32>, vector<128x128xf32>, vector<1000x128xf32> -> vector<1000x128xf32>
    %get3A_17 = arith.constant 0 : index
    %get3A_18 = arith.constant 0 : index
    %get3A_19 = vector.load %arg5[%get3A_17, %get3A_18] : memref<1x128xf32, #tpu.memory_space<vmem>>, vector<1x128xf32>
    %add3A_20 = vector.broadcast %get3A_19 : vector<1x128xf32> to vector<1000x128xf32>
    %add3A_21 = arith.addf %dot_general3A_16, %add3A_20 : vector<1000x128xf32>
    %max3A_22 = arith.constant 0.000000e+00 : f32
    %max3A_23 = vector.broadcast %max3A_22 : f32 to vector<1000x128xf32>
    %max3A_24 = arith.maximumf %add3A_21, %max3A_23 : vector<1000x128xf32>
    %get3A_25 = arith.constant 0 : index
    %get3A_26 = arith.constant 0 : index
    %get3A_27 = vector.load %arg6[%get3A_25, %get3A_26] : memref<16x128xf32, #tpu.memory_space<vmem>>, vector<16x128xf32>
    %dot_general3A_28 = arith.constant dense<0.000000e+00> : vector<1000x128xf32>
    %dot_general3A_29 = tpu.matmul %get3A_1, %get3A_27, %dot_general3A_28 {dimension_numbers = #tpu.dot_dimension_numbers<[1], [0], [0], [1], [0, 0, 1, 1], [], []>, transpose_lhs_hint = false} : vector<1000x16xf32>, vector<16x128xf32>, vector<1000x128xf32> -> vector<1000x128xf32>
    %get3A_30 = arith.constant 0 : index
    %get3A_31 = arith.constant 0 : index
    %get3A_32 = vector.load %arg8[%get3A_30, %get3A_31] : memref<1x128xf32, #tpu.memory_space<vmem>>, vector<1x128xf32>
    %add3A_33 = vector.broadcast %get3A_32 : vector<1x128xf32> to vector<1000x128xf32>
    %add3A_34 = arith.addf %dot_general3A_29, %add3A_33 : vector<1000x128xf32>
    %swap3A = arith.constant 0 : index
    %swap3A_35 = arith.constant 0 : index
    %swap3A_36 = vector.load %arg13[%swap3A, %swap3A_35] : memref<1000x128xf32, #tpu.memory_space<vmem>>, vector<1000x128xf32>
    tpu.vector_store %arg13[%swap3A, %swap3A_35], %add3A_34 {strides = array<i32>} : memref<1000x128xf32, #tpu.memory_space<vmem>>, vector<1000x128xf32>,
    %get3A_37 = arith.constant 0 : index
    %get3A_38 = arith.constant 0 : index
    %get3A_39 = vector.load %arg7[%get3A_37, %get3A_38] : memref<16x128xf32, #tpu.memory_space<vmem>>, vector<16x128xf32>
    %dot_general3A_40 = arith.constant dense<0.000000e+00> : vector<1000x128xf32>
    %dot_general3A_41 = tpu.matmul %get3A_1, %get3A_39, %dot_general3A_40 {dimension_numbers = #tpu.dot_dimension_numbers<[1], [0], [0], [1], [0, 0, 1, 1], [], []>, transpose_lhs_hint = false} : vector<1000x16xf32>, vector<16x128xf32>, vector<1000x128xf32> -> vector<1000x128xf32>
    %swap3A_42 = arith.constant 0 : index
    %swap3A_43 = arith.constant 0 : index
    %swap3A_44 = vector.load %arg14[%swap3A_42, %swap3A_43] : memref<1000x128xf32, #tpu.memory_space<vmem>>, vector<1000x128xf32>
    tpu.vector_store %arg14[%swap3A_42, %swap3A_43], %dot_general3A_41 {strides = array<i32>} : memref<1000x128xf32, #tpu.memory_space<vmem>>, vector<1000x128xf32>,
    %get3A_45 = arith.constant 0 : index
    %get3A_46 = arith.constant 0 : index
    %get3A_47 = vector.load %arg9[%get3A_45, %get3A_46] : memref<128x128xf32, #tpu.memory_space<vmem>>, vector<128x128xf32>
    %dot_general3A_48 = arith.constant dense<0.000000e+00> : vector<1000x128xf32>
    %dot_general3A_49 = tpu.matmul %max3A_24, %get3A_47, %dot_general3A_48 {dimension_numbers = #tpu.dot_dimension_numbers<[1], [0], [0], [1], [0, 0, 1, 1], [], []>, transpose_lhs_hint = false} : vector<1000x128xf32>, vector<128x128xf32>, vector<1000x128xf32> -> vector<1000x128xf32>
    %get3A_50 = arith.constant 0 : index
    %get3A_51 = arith.constant 0 : index
    %get3A_52 = vector.load %arg10[%get3A_50, %get3A_51] : memref<1x128xf32, #tpu.memory_space<vmem>>, vector<1x128xf32>
    %add3A_53 = vector.broadcast %get3A_52 : vector<1x128xf32> to vector<1000x128xf32>
    %add3A_54 = arith.addf %dot_general3A_49, %add3A_53 : vector<1000x128xf32>
    %swap3A_55 = arith.constant 0 : index
    %swap3A_56 = arith.constant 0 : index
    %swap3A_57 = vector.load %arg15[%swap3A_55, %swap3A_56] : memref<1000x128xf32, #tpu.memory_space<vmem>>, vector<1000x128xf32>
    tpu.vector_store %arg15[%swap3A_55, %swap3A_56], %add3A_54 {strides = array<i32>} : memref<1000x128xf32, #tpu.memory_space<vmem>>, vector<1000x128xf32>,
    %get3A_58 = arith.constant 0 : index
    %get3A_59 = arith.constant 0 : index
    %get3A_60 = vector.load %arg11[%get3A_58, %get3A_59] : memref<128x128xf32, #tpu.memory_space<vmem>>, vector<128x128xf32>
    %dot_general3A_61 = arith.constant dense<0.000000e+00> : vector<1000x128xf32>
    %dot_general3A_62 = tpu.matmul %max3A_24, %get3A_60, %dot_general3A_61 {dimension_numbers = #tpu.dot_dimension_numbers<[1], [0], [0], [1], [0, 0, 1, 1], [], []>, transpose_lhs_hint = false} : vector<1000x128xf32>, vector<128x128xf32>, vector<1000x128xf32> -> vector<1000x128xf32>
    %swap3A_63 = arith.constant 0 : index
    %swap3A_64 = arith.constant 0 : index
    %swap3A_65 = vector.load %arg16[%swap3A_63, %swap3A_64] : memref<1000x128xf32, #tpu.memory_space<vmem>>, vector<1000x128xf32>
    tpu.vector_store %arg16[%swap3A_63, %swap3A_64], %dot_general3A_62 {strides = array<i32>} : memref<1000x128xf32, #tpu.memory_space<vmem>>, vector<1000x128xf32>,
    %get3A_66 = arith.constant 0 : index
    %get3A_67 = arith.constant 0 : index
    %get3A_68 = vector.load %arg12[%get3A_66, %get3A_67] : memref<128x128xf32, #tpu.memory_space<vmem>>, vector<128x128xf32>
    %dot_general3A_69 = arith.constant dense<0.000000e+00> : vector<1000x128xf32>
    %dot_general3A_70 = tpu.matmul %max3A_24, %get3A_68, %dot_general3A_69 {dimension_numbers = #tpu.dot_dimension_numbers<[1], [0], [0], [1], [0, 0, 1, 1], [], []>, transpose_lhs_hint = false} : vector<1000x128xf32>, vector<128x128xf32>, vector<1000x128xf32> -> vector<1000x128xf32>
    %swap3A_71 = arith.constant 0 : index
    %swap3A_72 = arith.constant 0 : index
    %swap3A_73 = vector.load %arg17[%swap3A_71, %swap3A_72] : memref<1000x128xf32, #tpu.memory_space<vmem>>, vector<1000x128xf32>
    tpu.vector_store %arg17[%swap3A_71, %swap3A_72], %dot_general3A_70 {strides = array<i32>} : memref<1000x128xf32, #tpu.memory_space<vmem>>, vector<1000x128xf32>,
    return
  }
  func.func @transform_0(%arg0: i32) -> (i32, i32) {
    %c0_i32 = arith.constant 0 : i32
    %c0_i32_0 = arith.constant 0 : i32
    return %arg0, %c0_i32 : i32, i32
  }
  func.func @transform_1(%arg0: i32) -> (i32, i32) {
    %c0_i32 = arith.constant 0 : i32
    %c0_i32_0 = arith.constant 0 : i32
    %c0_i32_1 = arith.constant 0 : i32
    return %c0_i32, %c0_i32_0 : i32, i32
  }
  func.func @transform_2(%arg0: i32) -> (i32, i32) {
    %c0_i32 = arith.constant 0 : i32
    %c0_i32_0 = arith.constant 0 : i32
    %c0_i32_1 = arith.constant 0 : i32
    return %c0_i32, %c0_i32_0 : i32, i32
  }
  func.func @transform_3(%arg0: i32) -> (i32, i32) {
    %c0_i32 = arith.constant 0 : i32
    %c0_i32_0 = arith.constant 0 : i32
    %c0_i32_1 = arith.constant 0 : i32
    return %c0_i32, %c0_i32_0 : i32, i32
  }
  func.func @transform_4(%arg0: i32) -> (i32, i32) {
    %c0_i32 = arith.constant 0 : i32
    %c0_i32_0 = arith.constant 0 : i32
    %c0_i32_1 = arith.constant 0 : i32
    return %c0_i32, %c0_i32_0 : i32, i32
  }
  func.func @transform_5(%arg0: i32) -> (i32, i32) {
    %c0_i32 = arith.constant 0 : i32
    %c0_i32_0 = arith.constant 0 : i32
    %c0_i32_1 = arith.constant 0 : i32
    return %c0_i32, %c0_i32_0 : i32, i32
  }
  func.func @transform_6(%arg0: i32) -> (i32, i32) {
    %c0_i32 = arith.constant 0 : i32
    %c0_i32_0 = arith.constant 0 : i32
    %c0_i32_1 = arith.constant 0 : i32
    return %c0_i32, %c0_i32_0 : i32, i32
  }
  func.func @transform_7(%arg0: i32) -> (i32, i32) {
    %c0_i32 = arith.constant 0 : i32
    %c0_i32_0 = arith.constant 0 : i32
    %c0_i32_1 = arith.constant 0 : i32
    return %c0_i32, %c0_i32_0 : i32, i32
  }
  func.func @transform_8(%arg0: i32) -> (i32, i32) {
    %c0_i32 = arith.constant 0 : i32
    %c0_i32_0 = arith.constant 0 : i32
    %c0_i32_1 = arith.constant 0 : i32
    return %c0_i32, %c0_i32_0 : i32, i32
  }
  func.func @transform_9(%arg0: i32) -> (i32, i32) {
    %c0_i32 = arith.constant 0 : i32
    %c0_i32_0 = arith.constant 0 : i32
    %c0_i32_1 = arith.constant 0 : i32
    return %c0_i32, %c0_i32_0 : i32, i32
  }
  func.func @transform_10(%arg0: i32) -> (i32, i32) {
    %c0_i32 = arith.constant 0 : i32
    %c0_i32_0 = arith.constant 0 : i32
    %c0_i32_1 = arith.constant 0 : i32
    return %c0_i32, %c0_i32_0 : i32, i32
  }
  func.func @transform_11(%arg0: i32) -> (i32, i32) {
    %c0_i32 = arith.constant 0 : i32
    %c0_i32_0 = arith.constant 0 : i32
    %c0_i32_1 = arith.constant 0 : i32
    return %c0_i32, %c0_i32_0 : i32, i32
  }
  func.func @transform_12(%arg0: i32) -> (i32, i32) {
    %c0_i32 = arith.constant 0 : i32
    %c0_i32_0 = arith.constant 0 : i32
    return %arg0, %c0_i32 : i32, i32
  }
  func.func @transform_13(%arg0: i32) -> (i32, i32) {
    %c0_i32 = arith.constant 0 : i32
    %c0_i32_0 = arith.constant 0 : i32
    return %arg0, %c0_i32 : i32, i32
  }
  func.func @transform_14(%arg0: i32) -> (i32, i32) {
    %c0_i32 = arith.constant 0 : i32
    %c0_i32_0 = arith.constant 0 : i32
    return %arg0, %c0_i32 : i32, i32
  }
  func.func @transform_15(%arg0: i32) -> (i32, i32) {
    %c0_i32 = arith.constant 0 : i32
    %c0_i32_0 = arith.constant 0 : i32
    return %arg0, %c0_i32 : i32, i32
  }
  func.func @transform_16(%arg0: i32) -> (i32, i32) {
    %c0_i32 = arith.constant 0 : i32
    %c0_i32_0 = arith.constant 0 : i32
    return %arg0, %c0_i32 : i32, i32
  }
}

module attributes {stable_mosaic.version = 14 : i64} {
  func.func @_edge_mlp_body(%arg0: i32, %arg1: memref<3200x128xf32, #tpu.memory_space<vmem>>, %arg2: memref<3200x1xf32, #tpu.memory_space<vmem>>, %arg3: memref<1x128xf32, #tpu.memory_space<vmem>>, %arg4: memref<128x128xbf16, #tpu.memory_space<vmem>>, %arg5: memref<1x128xf32, #tpu.memory_space<vmem>>, %arg6: memref<128x128xbf16, #tpu.memory_space<vmem>>, %arg7: memref<1x128xf32, #tpu.memory_space<vmem>>, %arg8: memref<128x128xbf16, #tpu.memory_space<vmem>>, %arg9: memref<1x128xf32, #tpu.memory_space<vmem>>, %arg10: memref<3200x128xf32, #tpu.memory_space<vmem>>) attributes {dimension_semantics = [#tpu.dimension_semantics<arbitrary>], iteration_bounds = array<i64: 100>, scalar_prefetch = 0 : i64, scratch_operands = 0 : i64, tpu.core_type = #tpu.core_type<tc>, window_params = [{transform_indices = @transform_0, window_bounds = array<i64: 3200, 128>}, {transform_indices = @transform_1, window_bounds = array<i64: 3200, 1>}, {pipeline_mode = #tpu.pipeline_mode<synchronous>, transform_indices = @transform_2, window_bounds = array<i64: 1, 128>}, {pipeline_mode = #tpu.pipeline_mode<synchronous>, transform_indices = @transform_3, window_bounds = array<i64: 128, 128>}, {pipeline_mode = #tpu.pipeline_mode<synchronous>, transform_indices = @transform_4, window_bounds = array<i64: 1, 128>}, {pipeline_mode = #tpu.pipeline_mode<synchronous>, transform_indices = @transform_5, window_bounds = array<i64: 128, 128>}, {pipeline_mode = #tpu.pipeline_mode<synchronous>, transform_indices = @transform_6, window_bounds = array<i64: 1, 128>}, {pipeline_mode = #tpu.pipeline_mode<synchronous>, transform_indices = @transform_7, window_bounds = array<i64: 128, 128>}, {pipeline_mode = #tpu.pipeline_mode<synchronous>, transform_indices = @transform_8, window_bounds = array<i64: 1, 128>}, {transform_indices = @transform_9, window_bounds = array<i64: 3200, 128>}]} {
    %get3A = arith.constant 0 : index
    %get3A_0 = arith.constant 0 : index
    %get3A_1 = vector.load %arg1[%get3A, %get3A_0] : memref<3200x128xf32, #tpu.memory_space<vmem>>, vector<3200x128xf32>
    %get3A_2 = arith.constant 0 : index
    %get3A_3 = arith.constant 0 : index
    %get3A_4 = vector.load %arg2[%get3A_2, %get3A_3] : memref<3200x1xf32, #tpu.memory_space<vmem>>, vector<3200x1xf32>
    %get3A_5 = arith.constant 0 : index
    %get3A_6 = arith.constant 0 : index
    %get3A_7 = vector.load %arg3[%get3A_5, %get3A_6] : memref<1x128xf32, #tpu.memory_space<vmem>>, vector<1x128xf32>
    %mul3A = vector.broadcast %get3A_4 : vector<3200x1xf32> to vector<3200x128xf32>
    %mul3A_8 = vector.broadcast %get3A_7 : vector<1x128xf32> to vector<3200x128xf32>
    %mul3A_9 = arith.mulf %mul3A, %mul3A_8 : vector<3200x128xf32>
    %add3A = arith.addf %get3A_1, %mul3A_9 : vector<3200x128xf32>
    %max3A = arith.constant 0.000000e+00 : f32
    %max3A_10 = vector.broadcast %max3A : f32 to vector<3200x128xf32>
    %max3A_11 = arith.maximumf %add3A, %max3A_10 : vector<3200x128xf32>
    %convert_element_type3A = arith.truncf %max3A_11 : vector<3200x128xf32> to vector<3200x128xbf16>
    %get3A_12 = arith.constant 0 : index
    %get3A_13 = arith.constant 0 : index
    %get3A_14 = vector.load %arg4[%get3A_12, %get3A_13] : memref<128x128xbf16, #tpu.memory_space<vmem>>, vector<128x128xbf16>
    %dot_general3A = arith.constant dense<0.000000e+00> : vector<3200x128xf32>
    %dot_general3A_15 = tpu.matmul %convert_element_type3A, %get3A_14, %dot_general3A {dimension_numbers = #tpu.dot_dimension_numbers<[1], [0], [0], [1], [0, 0, 1, 1], [], []>, transpose_lhs_hint = false} : vector<3200x128xbf16>, vector<128x128xbf16>, vector<3200x128xf32> -> vector<3200x128xf32>
    %get3A_16 = arith.constant 0 : index
    %get3A_17 = arith.constant 0 : index
    %get3A_18 = vector.load %arg5[%get3A_16, %get3A_17] : memref<1x128xf32, #tpu.memory_space<vmem>>, vector<1x128xf32>
    %add3A_19 = vector.broadcast %get3A_18 : vector<1x128xf32> to vector<3200x128xf32>
    %add3A_20 = arith.addf %dot_general3A_15, %add3A_19 : vector<3200x128xf32>
    %max3A_21 = arith.constant 0.000000e+00 : f32
    %max3A_22 = vector.broadcast %max3A_21 : f32 to vector<3200x128xf32>
    %max3A_23 = arith.maximumf %add3A_20, %max3A_22 : vector<3200x128xf32>
    %convert_element_type3A_24 = arith.truncf %max3A_23 : vector<3200x128xf32> to vector<3200x128xbf16>
    %get3A_25 = arith.constant 0 : index
    %get3A_26 = arith.constant 0 : index
    %get3A_27 = vector.load %arg6[%get3A_25, %get3A_26] : memref<128x128xbf16, #tpu.memory_space<vmem>>, vector<128x128xbf16>
    %dot_general3A_28 = arith.constant dense<0.000000e+00> : vector<3200x128xf32>
    %dot_general3A_29 = tpu.matmul %convert_element_type3A_24, %get3A_27, %dot_general3A_28 {dimension_numbers = #tpu.dot_dimension_numbers<[1], [0], [0], [1], [0, 0, 1, 1], [], []>, transpose_lhs_hint = false} : vector<3200x128xbf16>, vector<128x128xbf16>, vector<3200x128xf32> -> vector<3200x128xf32>
    %get3A_30 = arith.constant 0 : index
    %get3A_31 = arith.constant 0 : index
    %get3A_32 = vector.load %arg7[%get3A_30, %get3A_31] : memref<1x128xf32, #tpu.memory_space<vmem>>, vector<1x128xf32>
    %add3A_33 = vector.broadcast %get3A_32 : vector<1x128xf32> to vector<3200x128xf32>
    %add3A_34 = arith.addf %dot_general3A_29, %add3A_33 : vector<3200x128xf32>
    %max3A_35 = arith.constant 0.000000e+00 : f32
    %max3A_36 = vector.broadcast %max3A_35 : f32 to vector<3200x128xf32>
    %max3A_37 = arith.maximumf %add3A_34, %max3A_36 : vector<3200x128xf32>
    %convert_element_type3A_38 = arith.truncf %max3A_37 : vector<3200x128xf32> to vector<3200x128xbf16>
    %get3A_39 = arith.constant 0 : index
    %get3A_40 = arith.constant 0 : index
    %get3A_41 = vector.load %arg8[%get3A_39, %get3A_40] : memref<128x128xbf16, #tpu.memory_space<vmem>>, vector<128x128xbf16>
    %dot_general3A_42 = arith.constant dense<0.000000e+00> : vector<3200x128xf32>
    %dot_general3A_43 = tpu.matmul %convert_element_type3A_38, %get3A_41, %dot_general3A_42 {dimension_numbers = #tpu.dot_dimension_numbers<[1], [0], [0], [1], [0, 0, 1, 1], [], []>, transpose_lhs_hint = false} : vector<3200x128xbf16>, vector<128x128xbf16>, vector<3200x128xf32> -> vector<3200x128xf32>
    %get3A_44 = arith.constant 0 : index
    %get3A_45 = arith.constant 0 : index
    %get3A_46 = vector.load %arg9[%get3A_44, %get3A_45] : memref<1x128xf32, #tpu.memory_space<vmem>>, vector<1x128xf32>
    %add3A_47 = vector.broadcast %get3A_46 : vector<1x128xf32> to vector<3200x128xf32>
    %add3A_48 = arith.addf %dot_general3A_43, %add3A_47 : vector<3200x128xf32>
    %swap3A = arith.constant 0 : index
    %swap3A_49 = arith.constant 0 : index
    %swap3A_50 = vector.load %arg10[%swap3A, %swap3A_49] : memref<3200x128xf32, #tpu.memory_space<vmem>>, vector<3200x128xf32>
    tpu.vector_store %arg10[%swap3A, %swap3A_49], %add3A_48 {strides = array<i32>} : memref<3200x128xf32, #tpu.memory_space<vmem>>, vector<3200x128xf32>,
    return
  }
  func.func @transform_0(%arg0: i32) -> (i32, i32) {
    %c0_i32 = arith.constant 0 : i32
    %c0_i32_0 = arith.constant 0 : i32
    return %arg0, %c0_i32 : i32, i32
  }
  func.func @transform_1(%arg0: i32) -> (i32, i32) {
    %c0_i32 = arith.constant 0 : i32
    %c0_i32_0 = arith.constant 0 : i32
    return %arg0, %c0_i32 : i32, i32
  }
  func.func @transform_2(%arg0: i32) -> (i32, i32) {
    %c0_i32 = arith.constant 0 : i32
    %c0_i32_0 = arith.constant 0 : i32
    %c0_i32_1 = arith.constant 0 : i32
    return %c0_i32, %c0_i32_0 : i32, i32
  }
  func.func @transform_3(%arg0: i32) -> (i32, i32) {
    %c0_i32 = arith.constant 0 : i32
    %c0_i32_0 = arith.constant 0 : i32
    %c0_i32_1 = arith.constant 0 : i32
    return %c0_i32, %c0_i32_0 : i32, i32
  }
  func.func @transform_4(%arg0: i32) -> (i32, i32) {
    %c0_i32 = arith.constant 0 : i32
    %c0_i32_0 = arith.constant 0 : i32
    %c0_i32_1 = arith.constant 0 : i32
    return %c0_i32, %c0_i32_0 : i32, i32
  }
  func.func @transform_5(%arg0: i32) -> (i32, i32) {
    %c0_i32 = arith.constant 0 : i32
    %c0_i32_0 = arith.constant 0 : i32
    %c0_i32_1 = arith.constant 0 : i32
    return %c0_i32, %c0_i32_0 : i32, i32
  }
  func.func @transform_6(%arg0: i32) -> (i32, i32) {
    %c0_i32 = arith.constant 0 : i32
    %c0_i32_0 = arith.constant 0 : i32
    %c0_i32_1 = arith.constant 0 : i32
    return %c0_i32, %c0_i32_0 : i32, i32
  }
  func.func @transform_7(%arg0: i32) -> (i32, i32) {
    %c0_i32 = arith.constant 0 : i32
    %c0_i32_0 = arith.constant 0 : i32
    %c0_i32_1 = arith.constant 0 : i32
    return %c0_i32, %c0_i32_0 : i32, i32
  }
  func.func @transform_8(%arg0: i32) -> (i32, i32) {
    %c0_i32 = arith.constant 0 : i32
    %c0_i32_0 = arith.constant 0 : i32
    %c0_i32_1 = arith.constant 0 : i32
    return %c0_i32, %c0_i32_0 : i32, i32
  }
  func.func @transform_9(%arg0: i32) -> (i32, i32) {
    %c0_i32 = arith.constant 0 : i32
    %c0_i32_0 = arith.constant 0 : i32
    return %arg0, %c0_i32 : i32, i32
  }
}

module attributes {stable_mosaic.version = 14 : i64} {
  func.func @_update_ab_body(%arg0: i32, %arg1: memref<2x1000x128xf32, #tpu.memory_space<vmem>>, %arg2: memref<1000x128xf32, #tpu.memory_space<vmem>>, %arg3: memref<128x128xbf16, #tpu.memory_space<vmem>>, %arg4: memref<128x128xbf16, #tpu.memory_space<vmem>>, %arg5: memref<128x128xbf16, #tpu.memory_space<vmem>>, %arg6: memref<1000x128xf32, #tpu.memory_space<vmem>>, %arg7: memref<1000x128xf32, #tpu.memory_space<vmem>>) attributes {dimension_semantics = [#tpu.dimension_semantics<arbitrary>], iteration_bounds = array<i64: 10>, scalar_prefetch = 0 : i64, scratch_operands = 0 : i64, tpu.core_type = #tpu.core_type<tc>, window_params = [{transform_indices = @transform_0, window_bounds = array<i64: 2, 1000, 128>}, {transform_indices = @transform_1, window_bounds = array<i64: 1000, 128>}, {pipeline_mode = #tpu.pipeline_mode<synchronous>, transform_indices = @transform_2, window_bounds = array<i64: 128, 128>}, {pipeline_mode = #tpu.pipeline_mode<synchronous>, transform_indices = @transform_3, window_bounds = array<i64: 128, 128>}, {pipeline_mode = #tpu.pipeline_mode<synchronous>, transform_indices = @transform_4, window_bounds = array<i64: 128, 128>}, {transform_indices = @transform_5, window_bounds = array<i64: 1000, 128>}, {transform_indices = @transform_6, window_bounds = array<i64: 1000, 128>}]} {
    %get3A = arith.constant 0 : index
    %get3A_0 = arith.constant 0 : index
    %get3A_1 = arith.constant 0 : index
    %get3A_2 = vector.load %arg1[%get3A, %get3A_0, %get3A_1] : memref<2x1000x128xf32, #tpu.memory_space<vmem>>, vector<1x1000x128xf32>
    %get3A_3 = vector.shape_cast %get3A_2 : vector<1x1000x128xf32> to vector<1000x128xf32>
    %get3A_4 = arith.constant 1 : index
    %get3A_5 = arith.constant 0 : index
    %get3A_6 = arith.constant 0 : index
    %get3A_7 = vector.load %arg1[%get3A_4, %get3A_5, %get3A_6] : memref<2x1000x128xf32, #tpu.memory_space<vmem>>, vector<1x1000x128xf32>
    %get3A_8 = vector.shape_cast %get3A_7 : vector<1x1000x128xf32> to vector<1000x128xf32>
    %add3A = arith.addf %get3A_3, %get3A_8 : vector<1000x128xf32>
    %convert_element_type3A = arith.truncf %add3A : vector<1000x128xf32> to vector<1000x128xbf16>
    %get3A_9 = arith.constant 0 : index
    %get3A_10 = arith.constant 0 : index
    %get3A_11 = vector.load %arg2[%get3A_9, %get3A_10] : memref<1000x128xf32, #tpu.memory_space<vmem>>, vector<1000x128xf32>
    %get3A_12 = arith.constant 0 : index
    %get3A_13 = arith.constant 0 : index
    %get3A_14 = vector.load %arg3[%get3A_12, %get3A_13] : memref<128x128xbf16, #tpu.memory_space<vmem>>, vector<128x128xbf16>
    %dot_general3A = arith.constant dense<0.000000e+00> : vector<1000x128xf32>
    %dot_general3A_15 = tpu.matmul %convert_element_type3A, %get3A_14, %dot_general3A {dimension_numbers = #tpu.dot_dimension_numbers<[1], [0], [0], [1], [0, 0, 1, 1], [], []>, transpose_lhs_hint = false} : vector<1000x128xbf16>, vector<128x128xbf16>, vector<1000x128xf32> -> vector<1000x128xf32>
    %add3A_16 = arith.addf %get3A_11, %dot_general3A_15 : vector<1000x128xf32>
    %max3A = arith.constant 0.000000e+00 : f32
    %max3A_17 = vector.broadcast %max3A : f32 to vector<1000x128xf32>
    %max3A_18 = arith.maximumf %add3A_16, %max3A_17 : vector<1000x128xf32>
    %convert_element_type3A_19 = arith.truncf %max3A_18 : vector<1000x128xf32> to vector<1000x128xbf16>
    %get3A_20 = arith.constant 0 : index
    %get3A_21 = arith.constant 0 : index
    %get3A_22 = vector.load %arg4[%get3A_20, %get3A_21] : memref<128x128xbf16, #tpu.memory_space<vmem>>, vector<128x128xbf16>
    %dot_general3A_23 = arith.constant dense<0.000000e+00> : vector<1000x128xf32>
    %dot_general3A_24 = tpu.matmul %convert_element_type3A_19, %get3A_22, %dot_general3A_23 {dimension_numbers = #tpu.dot_dimension_numbers<[1], [0], [0], [1], [0, 0, 1, 1], [], []>, transpose_lhs_hint = false} : vector<1000x128xbf16>, vector<128x128xbf16>, vector<1000x128xf32> -> vector<1000x128xf32>
    %swap3A = arith.constant 0 : index
    %swap3A_25 = arith.constant 0 : index
    %swap3A_26 = vector.load %arg6[%swap3A, %swap3A_25] : memref<1000x128xf32, #tpu.memory_space<vmem>>, vector<1000x128xf32>
    tpu.vector_store %arg6[%swap3A, %swap3A_25], %dot_general3A_24 {strides = array<i32>} : memref<1000x128xf32, #tpu.memory_space<vmem>>, vector<1000x128xf32>,
    %get3A_27 = arith.constant 0 : index
    %get3A_28 = arith.constant 0 : index
    %get3A_29 = vector.load %arg5[%get3A_27, %get3A_28] : memref<128x128xbf16, #tpu.memory_space<vmem>>, vector<128x128xbf16>
    %dot_general3A_30 = arith.constant dense<0.000000e+00> : vector<1000x128xf32>
    %dot_general3A_31 = tpu.matmul %convert_element_type3A_19, %get3A_29, %dot_general3A_30 {dimension_numbers = #tpu.dot_dimension_numbers<[1], [0], [0], [1], [0, 0, 1, 1], [], []>, transpose_lhs_hint = false} : vector<1000x128xbf16>, vector<128x128xbf16>, vector<1000x128xf32> -> vector<1000x128xf32>
    %swap3A_32 = arith.constant 0 : index
    %swap3A_33 = arith.constant 0 : index
    %swap3A_34 = vector.load %arg7[%swap3A_32, %swap3A_33] : memref<1000x128xf32, #tpu.memory_space<vmem>>, vector<1000x128xf32>
    tpu.vector_store %arg7[%swap3A_32, %swap3A_33], %dot_general3A_31 {strides = array<i32>} : memref<1000x128xf32, #tpu.memory_space<vmem>>, vector<1000x128xf32>,
    return
  }
  func.func @transform_0(%arg0: i32) -> (i32, i32, i32) {
    %c0_i32 = arith.constant 0 : i32
    %c0_i32_0 = arith.constant 0 : i32
    %c0_i32_1 = arith.constant 0 : i32
    return %c0_i32, %arg0, %c0_i32_0 : i32, i32, i32
  }
  func.func @transform_1(%arg0: i32) -> (i32, i32) {
    %c0_i32 = arith.constant 0 : i32
    %c0_i32_0 = arith.constant 0 : i32
    return %arg0, %c0_i32 : i32, i32
  }
  func.func @transform_2(%arg0: i32) -> (i32, i32) {
    %c0_i32 = arith.constant 0 : i32
    %c0_i32_0 = arith.constant 0 : i32
    %c0_i32_1 = arith.constant 0 : i32
    return %c0_i32, %c0_i32_0 : i32, i32
  }
  func.func @transform_3(%arg0: i32) -> (i32, i32) {
    %c0_i32 = arith.constant 0 : i32
    %c0_i32_0 = arith.constant 0 : i32
    %c0_i32_1 = arith.constant 0 : i32
    return %c0_i32, %c0_i32_0 : i32, i32
  }
  func.func @transform_4(%arg0: i32) -> (i32, i32) {
    %c0_i32 = arith.constant 0 : i32
    %c0_i32_0 = arith.constant 0 : i32
    %c0_i32_1 = arith.constant 0 : i32
    return %c0_i32, %c0_i32_0 : i32, i32
  }
  func.func @transform_5(%arg0: i32) -> (i32, i32) {
    %c0_i32 = arith.constant 0 : i32
    %c0_i32_0 = arith.constant 0 : i32
    return %arg0, %c0_i32 : i32, i32
  }
  func.func @transform_6(%arg0: i32) -> (i32, i32) {
    %c0_i32 = arith.constant 0 : i32
    %c0_i32_0 = arith.constant 0 : i32
    return %arg0, %c0_i32 : i32, i32
  }
}

module attributes {stable_mosaic.version = 14 : i64} {
  func.func @_update_pred_body(%arg0: i32, %arg1: memref<2x1000x128xf32, #tpu.memory_space<vmem>>, %arg2: memref<1000x128xf32, #tpu.memory_space<vmem>>, %arg3: memref<128x128xbf16, #tpu.memory_space<vmem>>, %arg4: memref<128x128xbf16, #tpu.memory_space<vmem>>, %arg5: memref<1x128xf32, #tpu.memory_space<vmem>>, %arg6: memref<128x128xbf16, #tpu.memory_space<vmem>>, %arg7: memref<1x128xf32, #tpu.memory_space<vmem>>, %arg8: memref<128x3xbf16, #tpu.memory_space<vmem>>, %arg9: memref<1x3xf32, #tpu.memory_space<vmem>>, %arg10: memref<1000x3xf32, #tpu.memory_space<vmem>>) attributes {dimension_semantics = [#tpu.dimension_semantics<arbitrary>], iteration_bounds = array<i64: 10>, scalar_prefetch = 0 : i64, scratch_operands = 0 : i64, tpu.core_type = #tpu.core_type<tc>, window_params = [{transform_indices = @transform_0, window_bounds = array<i64: 2, 1000, 128>}, {transform_indices = @transform_1, window_bounds = array<i64: 1000, 128>}, {pipeline_mode = #tpu.pipeline_mode<synchronous>, transform_indices = @transform_2, window_bounds = array<i64: 128, 128>}, {pipeline_mode = #tpu.pipeline_mode<synchronous>, transform_indices = @transform_3, window_bounds = array<i64: 128, 128>}, {pipeline_mode = #tpu.pipeline_mode<synchronous>, transform_indices = @transform_4, window_bounds = array<i64: 1, 128>}, {pipeline_mode = #tpu.pipeline_mode<synchronous>, transform_indices = @transform_5, window_bounds = array<i64: 128, 128>}, {pipeline_mode = #tpu.pipeline_mode<synchronous>, transform_indices = @transform_6, window_bounds = array<i64: 1, 128>}, {pipeline_mode = #tpu.pipeline_mode<synchronous>, transform_indices = @transform_7, window_bounds = array<i64: 128, 3>}, {pipeline_mode = #tpu.pipeline_mode<synchronous>, transform_indices = @transform_8, window_bounds = array<i64: 1, 3>}, {transform_indices = @transform_9, window_bounds = array<i64: 1000, 3>}]} {
    %get3A = arith.constant 0 : index
    %get3A_0 = arith.constant 0 : index
    %get3A_1 = arith.constant 0 : index
    %get3A_2 = vector.load %arg1[%get3A, %get3A_0, %get3A_1] : memref<2x1000x128xf32, #tpu.memory_space<vmem>>, vector<1x1000x128xf32>
    %get3A_3 = vector.shape_cast %get3A_2 : vector<1x1000x128xf32> to vector<1000x128xf32>
    %get3A_4 = arith.constant 1 : index
    %get3A_5 = arith.constant 0 : index
    %get3A_6 = arith.constant 0 : index
    %get3A_7 = vector.load %arg1[%get3A_4, %get3A_5, %get3A_6] : memref<2x1000x128xf32, #tpu.memory_space<vmem>>, vector<1x1000x128xf32>
    %get3A_8 = vector.shape_cast %get3A_7 : vector<1x1000x128xf32> to vector<1000x128xf32>
    %add3A = arith.addf %get3A_3, %get3A_8 : vector<1000x128xf32>
    %convert_element_type3A = arith.truncf %add3A : vector<1000x128xf32> to vector<1000x128xbf16>
    %get3A_9 = arith.constant 0 : index
    %get3A_10 = arith.constant 0 : index
    %get3A_11 = vector.load %arg2[%get3A_9, %get3A_10] : memref<1000x128xf32, #tpu.memory_space<vmem>>, vector<1000x128xf32>
    %get3A_12 = arith.constant 0 : index
    %get3A_13 = arith.constant 0 : index
    %get3A_14 = vector.load %arg3[%get3A_12, %get3A_13] : memref<128x128xbf16, #tpu.memory_space<vmem>>, vector<128x128xbf16>
    %dot_general3A = arith.constant dense<0.000000e+00> : vector<1000x128xf32>
    %dot_general3A_15 = tpu.matmul %convert_element_type3A, %get3A_14, %dot_general3A {dimension_numbers = #tpu.dot_dimension_numbers<[1], [0], [0], [1], [0, 0, 1, 1], [], []>, transpose_lhs_hint = false} : vector<1000x128xbf16>, vector<128x128xbf16>, vector<1000x128xf32> -> vector<1000x128xf32>
    %add3A_16 = arith.addf %get3A_11, %dot_general3A_15 : vector<1000x128xf32>
    %max3A = arith.constant 0.000000e+00 : f32
    %max3A_17 = vector.broadcast %max3A : f32 to vector<1000x128xf32>
    %max3A_18 = arith.maximumf %add3A_16, %max3A_17 : vector<1000x128xf32>
    %convert_element_type3A_19 = arith.truncf %max3A_18 : vector<1000x128xf32> to vector<1000x128xbf16>
    %get3A_20 = arith.constant 0 : index
    %get3A_21 = arith.constant 0 : index
    %get3A_22 = vector.load %arg4[%get3A_20, %get3A_21] : memref<128x128xbf16, #tpu.memory_space<vmem>>, vector<128x128xbf16>
    %dot_general3A_23 = arith.constant dense<0.000000e+00> : vector<1000x128xf32>
    %dot_general3A_24 = tpu.matmul %convert_element_type3A_19, %get3A_22, %dot_general3A_23 {dimension_numbers = #tpu.dot_dimension_numbers<[1], [0], [0], [1], [0, 0, 1, 1], [], []>, transpose_lhs_hint = false} : vector<1000x128xbf16>, vector<128x128xbf16>, vector<1000x128xf32> -> vector<1000x128xf32>
    %get3A_25 = arith.constant 0 : index
    %get3A_26 = arith.constant 0 : index
    %get3A_27 = vector.load %arg5[%get3A_25, %get3A_26] : memref<1x128xf32, #tpu.memory_space<vmem>>, vector<1x128xf32>
    %add3A_28 = vector.broadcast %get3A_27 : vector<1x128xf32> to vector<1000x128xf32>
    %add3A_29 = arith.addf %dot_general3A_24, %add3A_28 : vector<1000x128xf32>
    %max3A_30 = arith.constant 0.000000e+00 : f32
    %max3A_31 = vector.broadcast %max3A_30 : f32 to vector<1000x128xf32>
    %max3A_32 = arith.maximumf %add3A_29, %max3A_31 : vector<1000x128xf32>
    %convert_element_type3A_33 = arith.truncf %max3A_32 : vector<1000x128xf32> to vector<1000x128xbf16>
    %get3A_34 = arith.constant 0 : index
    %get3A_35 = arith.constant 0 : index
    %get3A_36 = vector.load %arg6[%get3A_34, %get3A_35] : memref<128x128xbf16, #tpu.memory_space<vmem>>, vector<128x128xbf16>
    %dot_general3A_37 = arith.constant dense<0.000000e+00> : vector<1000x128xf32>
    %dot_general3A_38 = tpu.matmul %convert_element_type3A_33, %get3A_36, %dot_general3A_37 {dimension_numbers = #tpu.dot_dimension_numbers<[1], [0], [0], [1], [0, 0, 1, 1], [], []>, transpose_lhs_hint = false} : vector<1000x128xbf16>, vector<128x128xbf16>, vector<1000x128xf32> -> vector<1000x128xf32>
    %get3A_39 = arith.constant 0 : index
    %get3A_40 = arith.constant 0 : index
    %get3A_41 = vector.load %arg7[%get3A_39, %get3A_40] : memref<1x128xf32, #tpu.memory_space<vmem>>, vector<1x128xf32>
    %add3A_42 = vector.broadcast %get3A_41 : vector<1x128xf32> to vector<1000x128xf32>
    %add3A_43 = arith.addf %dot_general3A_38, %add3A_42 : vector<1000x128xf32>
    %max3A_44 = arith.constant 0.000000e+00 : f32
    %max3A_45 = vector.broadcast %max3A_44 : f32 to vector<1000x128xf32>
    %max3A_46 = arith.maximumf %add3A_43, %max3A_45 : vector<1000x128xf32>
    %convert_element_type3A_47 = arith.truncf %max3A_46 : vector<1000x128xf32> to vector<1000x128xbf16>
    %get3A_48 = arith.constant 0 : index
    %get3A_49 = arith.constant 0 : index
    %get3A_50 = vector.load %arg8[%get3A_48, %get3A_49] : memref<128x3xbf16, #tpu.memory_space<vmem>>, vector<128x3xbf16>
    %dot_general3A_51 = arith.constant dense<0.000000e+00> : vector<1000x3xf32>
    %dot_general3A_52 = tpu.matmul %convert_element_type3A_47, %get3A_50, %dot_general3A_51 {dimension_numbers = #tpu.dot_dimension_numbers<[1], [0], [0], [1], [0, 0, 1, 1], [], []>, transpose_lhs_hint = false} : vector<1000x128xbf16>, vector<128x3xbf16>, vector<1000x3xf32> -> vector<1000x3xf32>
    %get3A_53 = arith.constant 0 : index
    %get3A_54 = arith.constant 0 : index
    %get3A_55 = vector.load %arg9[%get3A_53, %get3A_54] : memref<1x3xf32, #tpu.memory_space<vmem>>, vector<1x3xf32>
    %add3A_56 = vector.broadcast %get3A_55 : vector<1x3xf32> to vector<1000x3xf32>
    %add3A_57 = arith.addf %dot_general3A_52, %add3A_56 : vector<1000x3xf32>
    %swap3A = arith.constant 0 : index
    %swap3A_58 = arith.constant 0 : index
    %swap3A_59 = vector.load %arg10[%swap3A, %swap3A_58] : memref<1000x3xf32, #tpu.memory_space<vmem>>, vector<1000x3xf32>
    tpu.vector_store %arg10[%swap3A, %swap3A_58], %add3A_57 {strides = array<i32>} : memref<1000x3xf32, #tpu.memory_space<vmem>>, vector<1000x3xf32>,
    return
  }
  func.func @transform_0(%arg0: i32) -> (i32, i32, i32) {
    %c0_i32 = arith.constant 0 : i32
    %c0_i32_0 = arith.constant 0 : i32
    %c0_i32_1 = arith.constant 0 : i32
    return %c0_i32, %arg0, %c0_i32_0 : i32, i32, i32
  }
  func.func @transform_1(%arg0: i32) -> (i32, i32) {
    %c0_i32 = arith.constant 0 : i32
    %c0_i32_0 = arith.constant 0 : i32
    return %arg0, %c0_i32 : i32, i32
  }
  func.func @transform_2(%arg0: i32) -> (i32, i32) {
    %c0_i32 = arith.constant 0 : i32
    %c0_i32_0 = arith.constant 0 : i32
    %c0_i32_1 = arith.constant 0 : i32
    return %c0_i32, %c0_i32_0 : i32, i32
  }
  func.func @transform_3(%arg0: i32) -> (i32, i32) {
    %c0_i32 = arith.constant 0 : i32
    %c0_i32_0 = arith.constant 0 : i32
    %c0_i32_1 = arith.constant 0 : i32
    return %c0_i32, %c0_i32_0 : i32, i32
  }
  func.func @transform_4(%arg0: i32) -> (i32, i32) {
    %c0_i32 = arith.constant 0 : i32
    %c0_i32_0 = arith.constant 0 : i32
    %c0_i32_1 = arith.constant 0 : i32
    return %c0_i32, %c0_i32_0 : i32, i32
  }
  func.func @transform_5(%arg0: i32) -> (i32, i32) {
    %c0_i32 = arith.constant 0 : i32
    %c0_i32_0 = arith.constant 0 : i32
    %c0_i32_1 = arith.constant 0 : i32
    return %c0_i32, %c0_i32_0 : i32, i32
  }
  func.func @transform_6(%arg0: i32) -> (i32, i32) {
    %c0_i32 = arith.constant 0 : i32
    %c0_i32_0 = arith.constant 0 : i32
    %c0_i32_1 = arith.constant 0 : i32
    return %c0_i32, %c0_i32_0 : i32, i32
  }
  func.func @transform_7(%arg0: i32) -> (i32, i32) {
    %c0_i32 = arith.constant 0 : i32
    %c0_i32_0 = arith.constant 0 : i32
    %c0_i32_1 = arith.constant 0 : i32
    return %c0_i32, %c0_i32_0 : i32, i32
  }
  func.func @transform_8(%arg0: i32) -> (i32, i32) {
    %c0_i32 = arith.constant 0 : i32
    %c0_i32_0 = arith.constant 0 : i32
    %c0_i32_1 = arith.constant 0 : i32
    return %c0_i32, %c0_i32_0 : i32, i32
  }
  func.func @transform_9(%arg0: i32) -> (i32, i32) {
    %c0_i32 = arith.constant 0 : i32
    %c0_i32_0 = arith.constant 0 : i32
    return %arg0, %c0_i32 : i32, i32
  }
}

</mosaic_0001>

<sc_bundles>
// kernel: kernel.12.cloned.1.call-start
scs
__scs_entry_jumppad:
0x0: {  	(pc) =	sbr.rel $0x88, $3  }
0x1: {  	(tag) =	ssettag $0x0;
	lr =	simm.s32 $0x1  }
0x2: {  	[smem:$0x3F89] =	sst lr;
	_ =	strace $0xD0000000  }
0x3: {  	_ = 	snop  }
0x4: {  	_ = 	snop  }
0x5: {  	_ = 	snop  }
0x6: {  	_ = 	snop  }
0x7: {  	_ = 	snop  }
__scs_overlays_trampoline_lowered:
0x8: {  	[smem:$0x3F98] =	sst s0  }
0x9: {  	[smem:$0x3F99] =	sst s1  }
0xa: {  	[smem:$0x3F9A] =	sst s2  }
0xb: {  	[smem:$0x3F9B] =	sst s3  }
0xc: {  	[smem:$0x3F9C] =	sst s4  }
0xd: {  	[smem:$0x3F9D] =	sst s5  }
0xe: {  	[smem:$0x3F9E] =	sst s6  }
0xf: {  	[smem:$0x3F9F] =	sst s7  }
0x10: {  	[smem:$0x3FA0] =	sst s8  }
0x11: {  	[smem:$0x3FA1] =	sst s9;
	s0 =	simm.s32 @!p0 $0x0  }
0x12: {  	s1 =	sld [smem:$0x3F87];
	s0 =	simm.s32 @p0 $0x1  }
0x13: {  	[smem:$0x3FA2] =	sst s0;
	s0 =	simm.s32 @!p1 $0x0  }
0x14: {  	s2 =	sld [smem:$0x3F86];
	s0 =	simm.s32 @p1 $0x1  }
0x15: {  	[smem:$0x3FA3] =	sst s0;
	s0 =	simm.s32 @!p2 $0x0  }
0x16: {  	s3 =	sld [smem:$0x3FDB];
	s0 =	simm.s32 @p2 $0x1  }
0x17: {  	s4 =	simm.s32 $0x1BF5;
	[smem:$0x3FA5] =	sst s0  }
0x18: {  	s0 =	sld [smem:$0x3F88];
	_ =	swait.ge [sflag:s4], $0x0  }
0x19: {  	s7 =	sld [smem:$0x3F89]  }
0x1a: {  	s8 =	sadd.s32 $0xFFFFE003, lr  }
0x1b: {  	s9 =	sadd.s32 $0xFFFFFEF7, lr;
	s5 =	simm.s32 $0xFFFFFFFF;
	p2 =	slt.u32 s8, $0xFFFFF086  }
0x1c: {  	p1 =	slt.u32 s9, $0xF7A;
	s5 =	simm.s32 @!p2 $0x0  }
0x1d: {  	s5 =	simm.s32 @p1 $0x1;
	p0 =	seq.s32 s7, s2  }
0x1e: {  	s7 =	smul.u32 @!p0 $0xF7A, s2;
	p2 =	seq.s32 @!p0 s5, $0x0  }
0x1f: {  	s9 =	smul.u32 $0xF7A, s1;
	s8 =	simm.s32 @!p0 $0x1BF5;
	p2 =	por !p2, p0  }
0x20: {  	[sflag:s8] =	ssyncset.s32 @!p0 $0xFFFFF086;
	s6 =	sadd.s32 @!p0 s3, s7;
	s7 =	simm.s32 @!p0 $0x108  }
0x21: {  	s3 =	sadd.s32 s3, s9;
	s6 =	sadd.s32 @!p0 $0x88, s6;
	s7 =	simm.s32 @p2 $0x1082  }
0x22: {  	[simem:s7], [sflag:s8] =	dma.local @!p0 [hbm:s6], $0xF7A  }
0x23: {  	s9 =	sor.u32 $0xD0000000, s2;
	s6 =	simm.s32 $0x108;
	_ =	swait.ge @!p0 [sflag:s8], $0x0  }
0x24: {  	s3 =	sadd.s32 $0x88, s3;
	s6 =	simm.s32 @!p1 $0x1082;
	[sflag:s4] =	ssyncset.s32 $0xFFFFF086  }
0x25: {  	[simem:s6], [sflag:s4] =	dma.local [hbm:s3], $0xF7A  }
0x26: {  	[smem:$0x3F89] =	sst s1;
	(tag) =	ssettag s2;
	_ =	strace s9  }
0x27: {  	s1 =	sld [smem:$0x3F99]  }
0x28: {  	s2 =	sld [smem:$0x3F9A]  }
0x29: {  	s4 =	sld [smem:$0x3F9C]  }
0x2a: {  	p0 =	seq.s32 s5, $0x0;
	s5 =	sld [smem:$0x3F9D]  }
0x2b: {  	s6 =	sld [smem:$0x3F9E]  }
0x2c: {  	s7 =	sld [smem:$0x3F9F]  }
0x2d: {  	s3 =	simm.s32 $0x108;
	s8 =	sld [smem:$0x3FA0]  }
0x2e: {  	s3 =	simm.s32 @!p0 $0x1082;
	s9 =	sld [smem:$0x3FA1]  }
0x2f: {  	lr =	sadd.s32 s0, s3;
	s0 =	sld [smem:$0x3F98]  }
0x30: {  	s3 =	sld [smem:$0x3F9B]  }
0x31: {  	[smem:$0x3FA4] =	sst s10  }
0x32: {  	s10 =	sld [smem:$0x3FA2];
	_ =	sdelay $0x3  }
0x33: {  	p0 =	seq.s32 s10, $0x1;
	s10 =	sld [smem:$0x3FA4];
	_ =	sdelay $0x3  }
0x34: {  	[smem:$0x3FA4] =	sst s10  }
0x35: {  	s10 =	sld [smem:$0x3FA3];
	_ =	sdelay $0x3  }
0x36: {  	p1 =	seq.s32 s10, $0x1;
	s10 =	sld [smem:$0x3FA4];
	_ =	sdelay $0x3  }
0x37: {  	[smem:$0x3FA4] =	sst s10  }
0x38: {  	s10 =	sld [smem:$0x3FA5]  }
0x39: {  	_ = 	snop;
	(pc) =	sbr.ind lr, $3  }
0x3a: {  	_ = 	snop  }
0x3b: {  	_ = 	snop  }
0x3c: {  	p2 =	seq.s32 s10, $0x1;
	s10 =	sld [smem:$0x3FA4]  }
0x3d: {  	_ =	shalt  }
0x3e: {  	_ =	shalt  }
0x3f: {  	_ =	shalt  }
0x40: {  	_ =	shalt  }
0x41: {  	_ =	shalt  }
0x42: {  	_ =	shalt  }
0x43: {  	_ =	shalt  }
0x44: {  	_ =	shalt  }
0x45: {  	_ =	shalt  }
0x46: {  	_ =	shalt  }
0x47: {  	_ =	shalt  }
0x48: {  	_ =	shalt  }
0x49: {  	_ =	shalt  }
0x4a: {  	_ =	shalt  }
0x4b: {  	_ =	shalt  }
0x4c: {  	_ =	shalt  }
0x4d: {  	_ =	shalt  }
0x4e: {  	_ =	shalt  }
0x4f: {  	_ =	shalt  }
0x50: {  	_ =	shalt  }
0x51: {  	_ =	shalt  }
0x52: {  	_ =	shalt  }
0x53: {  	_ =	shalt  }
0x54: {  	_ =	shalt  }
0x55: {  	_ =	shalt  }
0x56: {  	_ =	shalt  }
0x57: {  	_ =	shalt  }
0x58: {  	_ =	shalt  }
0x59: {  	_ =	shalt  }
0x5a: {  	_ =	shalt  }
0x5b: {  	_ =	shalt  }
0x5c: {  	_ =	shalt  }
0x5d: {  	_ =	shalt  }
0x5e: {  	_ =	shalt  }
0x5f: {  	_ =	shalt  }
0x60: {  	_ =	shalt  }
0x61: {  	_ =	shalt  }
0x62: {  	_ =	shalt  }
0x63: {  	_ =	shalt  }
0x64: {  	_ =	shalt  }
0x65: {  	_ =	shalt  }
0x66: {  	_ =	shalt  }
0x67: {  	_ =	shalt  }
0x68: {  	_ =	shalt  }
0x69: {  	_ =	shalt  }
0x6a: {  	_ =	shalt  }
0x6b: {  	_ =	shalt  }
0x6c: {  	_ =	shalt  }
0x6d: {  	_ =	shalt  }
0x6e: {  	_ =	shalt  }
0x6f: {  	_ =	shalt  }
0x70: {  	_ =	shalt  }
0x71: {  	_ =	shalt  }
0x72: {  	_ =	shalt  }
0x73: {  	_ =	shalt  }
0x74: {  	_ =	shalt  }
0x75: {  	_ =	shalt  }
0x76: {  	_ =	shalt  }
0x77: {  	_ =	shalt  }
0x78: {  	_ =	shalt  }
0x79: {  	_ =	shalt  }
0x7a: {  	_ =	shalt  }
0x7b: {  	_ =	shalt  }
0x7c: {  	_ =	shalt  }
0x7d: {  	_ =	shalt  }
0x7e: {  	_ =	shalt  }
0x7f: {  	_ =	shalt  }
0x80: {  	_ =	shalt  }
0x81: {  	_ =	shalt  }
0x82: {  	_ =	shalt  }
0x83: {  	_ =	shalt  }
0x84: {  	_ =	shalt  }
0x85: {  	_ =	shalt  }
0x86: {  	_ =	shalt  }
0x87: {  	_ =	shalt  }
.Lfunc_end0:
.L_simem_size_0:
called_computation.1_lowered:
.L_overlay_start_0:
0x88: {  	s2 =	sld [smem:$0x3FD9]  }
0x89: {  	s3 =	sld [smem:$0x3FFE];
	_ =	sdelay $0x1  }
0x8a: {  	s1 =	srdreg.scid  }
0x8b: {  	s0 =	sand.u32 $0x1, s1  }
0x8c: {  	s16 =	sshll.u32 s0, $0xA;
	s2 =	sadd.s32 s3, s2  }
0x8d: {  	s2 =	sadd.s32 s2, s16  }
0x8e: {  	[smem:$0x3FB0] =	sst s2  }
0x8f: {  	_ = 	snop  }
0x90: {  	(tm) =	ssettm $0x1  }
0x91: {  	s17 =	sld [smem:$0x3FFB];
	_ =	sdelay $0x3  }
0x92: {  	_ =	strace s17  }
0x93: {  	s2 =	sld [smem:$0x3FFC];
	_ =	sdelay $0x3  }
0x94: {  	_ =	strace s2  }
0x95: {  	s2 =	sld [smem:$0x3FFD];
	_ =	sdelay $0x3  }
0x96: {  	_ =	strace s2  }
0x97: {  	_ =	strace $0x8FFFFFFF  }
0x98: {  	s18 =	sld [smem:$0x3FDB];
	_ =	sdelay $0x1  }
0x99: {  	s19 =	simm.s32 $_scs_section_size  }
0x9a: {  	s4 =	simm.s32 $_size__tile_overlayer_lowered;
	s5 =	simm.s32 $_tile_overlayer_lowered  }
0x9b: {  	s22 =	simm.s32 $0x1BFF;
	s21 =	sshll.u32 s5, $0x1;
	s2 =	sadd.s32 s19, s18  }
0x9c: {  	s6 =	simm.s32 $0x0;
	s20 =	sshll.u32 s4, $0x1;
	s4 =	sadd.s32 s21, s2  }
0x9d: {  	[timem:s6], [sflag:s22] =	dma.local [hbm:s4], s20  }
0x9e: {  	_ =	swait.ge [sflag:s22], s20  }
0x9f: {  	s3 =	ssub.s32 $0x0, s20;
	[sflag:s22] =	ssyncset.done $0x0  }
0xa0: {  	[sflag:s22] =	ssyncadd.s32 s3;
	_ =	sdelay $0x1  }
0xa1: {  	s23 =	simm.s32 $0x1B8B  }
0xa2: {  	_ =	swait.ge [sflag:s23], $0x1  }
0xa3: {  	[sflag:s23] =	ssyncset.done $0x0  }
0xa4: {  	s25 =	simm.s32 $0x1B8E;
	s24 =	sld [smem:$0x3FFE];
	[sflag:s23] =	ssyncadd.s32 $0xFFFFFFFF  }
0xa5: {  	s26 =	simm.s32 $execute0_lowered;
	[smem:$0x3FD2] =	sst s25  }
0xa6: {  	s4 =	sshll.u32 s26, $0x1;
	_ =	strace $0x80000049;
	[dreg:$0x1] =	wrdreg $0xFFFFFFFF  }
0xa7: {  	s28 =	simm.s32 $_size_execute0_lowered;
	s2 =	sadd.s32 s2, s4;
	[dreg:$0x0] =	wrdreg $0x0  }
0xa8: {  	s4 =	sshll.u32 s28, $0x1;
	[dreg:$0x2] =	wrdreg s2  }
0xa9: {  	[dreg:$0x3] =	wrdreg s4  }
0xaa: {  	[dreg:$0x4] =	wrdreg $0xC0  }
0xab: {  	_ =	task [dreg:s6], $0x5FFFF  }
0xac: {  	[dreg:$0x1] =	wrdreg $0xFFFFFFFF  }
0xad: {  	[dreg:$0x0] =	wrdreg $0x60  }
0xae: {  	[dreg:$0x2] =	wrdreg s24  }
0xaf: {  	[dreg:$0x3] =	wrdreg $0xA4000  }
0xb0: {  	[dreg:$0x4] =	wrdreg $0x9  }
0xb1: {  	_ =	task.clear_ibuf [dreg:s6], $0x5FFFF;
	_ =	strace $0x90000049  }
0xb2: {  	s29 =	simm.s32 $0x9;
	_ =	strace $0x8000004B  }
0xb3: {  	_ =	swait.ge [sflag:s29], $0x1  }
0xb4: {  	[sflag:s29] =	ssyncadd.s32 $0xFFFFFFFF  }
0xb5: {  	_ =	strace $0x9000004B  }
0xb6: {  	_ =	sfence  }
0xb7: {  	s30 =	sld [smem:$0x0];
	_ =	sdelay $0x2  }
0xb8: {  	s31 =	sshll.u32 s1, $0xD;
	s1 =	sshrl.u32 s1, $0x2  }
0xb9: {  	s3 =	sand.u32 $0x4000, s31;
	s1 =	sadd.s32 s1, s30  }
0xba: {  	s0 =	sor.u32 s3, s0;
	s1 =	sshll.u32 s1, $0x11  }
0xbb: {  	s0 =	sor.u32 s1, s0  }
0xbc: {  	s0 =	sadd.s32 $0x8F2B, s0  }
0xbd: {  	[sflag:s0] =	ssyncadd.remote.s32 $0x1  }
0xbe: {  	_ =	sfence.sel $0xFFFF  }
0xbf: {  	[dreg:$0x0] =	wrdreg $0xFFFFFFFF;
	(pc) =	sbr.abs _section_cstart, $3  }
0xc0: {  	[dreg:$0x1] =	wrdreg $0xFFFFFFFF  }
0xc1: {  	_ =	task.clear_ibuf [dreg:s6], $0x2FFFF;
	_ =	strace $0x9FFFFFFF  }
0xc2: {  	(tm) =	ssettm $0x7FFFFFFF  }
0xc3: {  	_ =	shalt  }
tec
execute0_lowered:
.L_overlay_start_1:
0x0: {  	(tag) =	ssettag $0x1  }
0x1: {  	s0 =	rddreg [dreg:$0x0]  }
0x2: {  	s1 =	rddreg [dreg:$0x1];
	s3 =	simm.s32 $0x0;
	s15 =	stileid.u32  }
0x3: {  	s8 =	srdreg.scid;
	s31 =	simm.s32 $0x80;
	s29 =	simm.s32 $0x4000  }
0x4: {  	s30 =	simm.s32 $0x6800;
	s17 =	simm.s32 $0x0;
	[smem:$0x7FF] =	sst s3  }
0x5: {  	s4 =	sadd.s32 $0xAA0E00, s0;
	s5 =	sadd.s32 $0x8E600, s0;
	s2 =	smul.u32 $0x2780, s15  }
0x6: {  	s6 =	sadd.s32 $0x40200, s0;
	s7 =	sadd.s32 $0x36400, s0;
	s9 =	sand.u32 $0x1, s8  }
0x7: {  	s8 =	sadd.s32 $0x2C600, s0;
	s13 =	smul.u32 $0x4F000, s15;
	s22 =	sshll.u32 s15, $0x6  }
0x8: {  	_ =	strace $0x8000004A;
	s11 =	smul.u32 $0x27800, s9;
	s12 =	ssub.s32 $0x2, s9  }
0x9: {  	s9 =	sshll.u32 s9, $0x4;
	s16 =	sor.u32 $0x1C07, s22;
	s22 =	simm.s32 $0x7  }
0xa: {  	s10 =	sadd.s32 s2, s0;
	s20 =	sshrl.u32 s12, $0x1;
	s14 =	sor.u32 s15, s9  }
0xb: {  	s21 =	sshrl.u32 s13, $0x2;
	[dreg:$0x4] =	wrdreg s16;
	s0 =	sadd.s32 s11, s0  }
0xc: {  	s12 =	ssub.s32 s12, s20;
	s9 =	smul.u32 $0x2710, s14;
	s10 =	sadd.s32 $0xDCA00, s10  }
0xd: {  	s13 =	sadd.s32 s21, s1;
	s14 =	smul.u32 $0x27100, s14;
	[dreg:$0x3] =	wrdreg s10  }
0xe: {  	s0 =	sadd.s32 $0x104200, s0;
	s28 =	smax.u32 s12, $0x1;
	s23 =	sshrl.u32 s9, $0x3  }
0xf: {  	s11 =	sadd.s32 $0x28, s9;
	s14 =	sadd.s32 s4, s14;
	s18 =	sadd.s32 $0xA0, s9  }
0x10: {  	s19 =	sadd.s32 $0xC8, s9;
	[dreg:$0xa] =	wrdreg s28;
	s0 =	sadd.s32 s2, s0  }
0x11: {  	s2 =	simm.s32 $0x2;
	s24 =	sadd.s32 s7, s23;
	[dreg:$0x7] =	wrdreg s14  }
0x12: {  	s25 =	sshrl.u32 s11, $0x3;
	s15 =	sadd.s32 s8, s23;
	[dreg:$0xc] =	wrdreg s0  }
.Ltmp0:
0x13: {  	s0 =	simm.s32 $0x280;
	[dreg:$0x5] =	wrdreg s24;
	(pc) =	sbr.rel .LBB2_1-.Ltmp0, $4  }
0x14: {  	s23 =	simm.s32 $0x7C00;
	[dreg:$0x6] =	wrdreg s15;
	s26 =	sadd.s32 s7, s25  }
0x15: {  	s14 =	simm.s32 $0x9000;
	s10 =	sadd.s32 s8, s25;
	[dreg:$0x8] =	wrdreg s26  }
0x16: {  	s15 =	sshrl.u32 s13, $0x3;
	s13 =	simm.s32 $0x6;
	[dreg:$0x9] =	wrdreg s10  }
0x17: {  	s26 =	simm.s32 $0x28;
	s10 =	simm.s32 $0x5;
	[dreg:$0xb] =	wrdreg s15  }
.LBB2_16:
0x18: {  	[bflag:$0x0] =	sbarrier.arrive $0xFFFF  }
0x19: {  	s16 =	rddreg [dreg:$0x4]  }
0x1a: {  	s15 =	rddreg [dreg:$0xb]  }
0x1b: {  	s12 =	rddreg [dreg:$0xc]  }
0x1c: {  	[hbm:s12], [sflag:s16] =	dma.local [spmem:s15], $0x2780  }
0x1d: {  	_ =	swait.ge [sflag:s22], $0x2780  }
0x1e: {  	s17 =	rddreg [dreg:$0xd]  }
0x1f: {  	s28 =	rddreg [dreg:$0xa];
	s17 =	sadd.s32 $0x1, s17  }
0x20: {  	p0 =	sne.s32 s17, s28  }
.Ltmp1:
0x21: {  	_ = 	snop;
	(pc) =	sbr.rel @!p0 .LBB2_17-.Ltmp1, $3  }
0x22: {  	_ =	sdelay $0x1  }
0x23: {  	[sflag:s22] =	ssyncset.done $0x0  }
0x24: {  	[sflag:s22] =	ssyncadd.s32 $0xFFFFD880  }
.LBB2_1:
0x25: {  	[dreg:$0xd] =	wrdreg s17  }
0x26: {  	s12 =	rddreg [dreg:$0x3]  }
0x27: {  	[spmem:s15], [sflag:s16] =	dma.local [hbm:s12], $0x2780  }
0x28: {  	_ =	swait.ge [sflag:s22], $0x2780  }
0x29: {  	[sflag:s22] =	ssyncset.done $0x0  }
0x2a: {  	[sflag:s22] =	ssyncadd.s32 $0xFFFFD880  }
0x2b: {  	[bflag:$0x0] =	sbarrier.arrive $0xFFFF  }
0x2c: {  	s24 =	rddreg [dreg:$0x5]  }
0x2d: {  	[tilespmem:s3], [sflag:$0x1] =	stream.linear.gather [hbm4b:s24+s3], $0x28, $0x38;
	[tilespmem:$0x1E000] =	vst v63  }
0x2e: {  	s28 =	simm.s32 $0x200;
	s16 =	simm.s32 $0x1;
	s25 =	rddreg [dreg:$0x6]  }
0x2f: {  	[tilespmem:s28], [sflag:$0x1] =	stream.linear.gather [hbm4b:s25+s3], $0x28, $0x38;
	[tilespmem:$0x1E000] =	vst v63  }
0x30: {  	_ =	swait.ge [sflag:s16], $0x28  }
0x31: {  	[sflag:s16] =	ssyncset.done $0x0  }
0x32: {  	[sflag:s16] =	ssyncadd.s32 $0xFFFFFFD8  }
0x33: {  	_ =	swait.ge [sflag:s16], $0x28  }
0x34: {  	[sflag:s16] =	ssyncset.done $0x0  }
0x35: {  	s17 =	simm.s32 $0x400;
	[sflag:s16] =	ssyncadd.s32 $0xFFFFFFD8  }
0x36: {  	[tilespmem:s17], [sflag:$0x5] =	stream.indirect.gather [hbm4b:s5+s26], $0x80, s3, s26, $0xb8;
	[tilespmem:$0x1E000] =	vst v63  }
0x37: {  	s20 =	simm.s32 $0x2C00  }
0x38: {  	[tilespmem:s20], [sflag:$0x5] =	stream.indirect.gather [hbm4b:s6+s26], $0x80, s28, s26, $0xb8;
	[tilespmem:$0x1E000] =	vst v63  }
0x39: {  	s24 =	simm.s32 $0x5400;
	s21 =	rddreg [dreg:$0x7]  }
0x3a: {  	[tilespmem:s24], [sflag:$0x5] =	stream.linear.gather [hbm4b:s21+s3], $0x1400, $0x38;
	[tilespmem:$0x1E000] =	vst v63  }
0x3b: {  	s25 =	rddreg [dreg:$0x8]  }
0x3c: {  	[tilespmem:s31], [sflag:$0x2] =	stream.linear.gather [hbm4b:s25+s3], $0x28, $0x38;
	[tilespmem:$0x1E000] =	vst v63  }
0x3d: {  	s28 =	rddreg [dreg:$0x9];
	s20 =	simm.s32 $0x0  }
0x3e: {  	[tilespmem:s0], [sflag:$0x2] =	stream.linear.gather [hbm4b:s28+s3], $0x28, $0x38;
	[tilespmem:$0x1E000] =	vst v63  }
.LBB2_2:
0x3f: {  	_ =	swait.ge [sflag:s2], $0x28  }
0x40: {  	[sflag:s2] =	ssyncset.done $0x0  }
0x41: {  	[sflag:s2] =	ssyncadd.s32 $0xFFFFFFD8  }
0x42: {  	s24 =	smul.u32 $0xA0, s20;
	_ =	swait.ge [sflag:s2], $0x28  }
0x43: {  	[sflag:s2] =	ssyncset.done $0x0  }
0x44: {  	s12 =	simm.s32 $0x1800;
	s28 =	sadd.s32 s24, s11;
	[sflag:s2] =	ssyncadd.s32 $0xFFFFFFD8  }
0x45: {  	[tilespmem:s12], [sflag:$0x6] =	stream.indirect.gather [hbm4b:s5+s26], $0x80, s31, s26, $0xb8;
	[tilespmem:$0x1E000] =	vst v63  }
0x46: {  	s12 =	sshll.u32 s28, $0x4  }
0x47: {  	[tilespmem:s29], [sflag:$0x6] =	stream.indirect.gather [hbm4b:s6+s26], $0x80, s0, s26, $0xb8;
	[tilespmem:$0x1E000] =	vst v63  }
0x48: {  	s17 =	simm.s32 $0x0;
	s12 =	sadd.s32 s4, s12  }
0x49: {  	[tilespmem:s30], [sflag:$0x6] =	stream.linear.gather [hbm4b:s12+s17], $0x1400, $0x38;
	[tilespmem:$0x1E000] =	vst v63  }
0x4a: {  	_ =	swait.ge [sflag:s10], $0x1400  }
0x4b: {  	[sflag:s10] =	ssyncset.done $0x0  }
0x4c: {  	[sflag:s10] =	ssyncadd.s32 $0xFFFFEC00  }
0x4d: {  	_ =	swait.ge [sflag:s10], $0x1400  }
0x4e: {  	[sflag:s10] =	ssyncset.done $0x0  }
0x4f: {  	[sflag:s10] =	ssyncadd.s32 $0xFFFFEC00  }
0x50: {  	_ =	swait.ge [sflag:s10], $0x1400  }
0x51: {  	[sflag:s10] =	ssyncset.done $0x0  }
0x52: {  	s12 =	simm.s32 $0x0;
	[sflag:s10] =	ssyncadd.s32 $0xFFFFEC00  }
0x53: {  	v0 =	vld [tilespmem:s12+$0x470]  }
0x54: {  	v1 =	vld [tilespmem:s12+$0x2C70]  }
0x55: {  	v2 =	vld [tilespmem:s12+$0x400]  }
0x56: {  	v3 =	vld [tilespmem:s12+$0x5470]  }
0x57: {  	v4 =	vld [tilespmem:s12+$0x2C00]  }
0x58: {  	v5 =	vld [tilespmem:s12+$0x410]  }
0x59: {  	v6 =	vld [tilespmem:s12+$0x2C10]  }
0x5a: {  	v7 =	vld [tilespmem:s12+$0x2C20]  }
0x5b: {  	v9 =	vld [tilespmem:s12+$0x2C30]  }
0x5c: {  	v10 =	vld [tilespmem:s12+$0x440]  }
0x5d: {  	v11 =	vld [tilespmem:s12+$0x450]  }
0x5e: {  	v12 =	vld [tilespmem:s12+$0x2C50]  }
0x5f: {  	v13 =	vld [tilespmem:s12+$0x460];
	v0 =	vadd.f32 v1, v0  }
0x60: {  	v14 =	vld [tilespmem:s12+$0x2C60]  }
0x61: {  	v15 =	vld [tilespmem:s12+$0x5400];
	v0 =	vadd.f32 v3, v0  }
0x62: {  	v1 =	vld [tilespmem:s12+$0x420]  }
0x63: {  	v3 =	vld [tilespmem:s12+$0x430];
	v0 =	vmax.f32 v0, $0.0e+00  }
0x64: {  	[tilespmem:s12+$0x7C70] =	vst v0;
	v0 =	vld [tilespmem:s12+$0x2C40]  }
0x65: {  	v16 =	vld [tilespmem:s12+$0x5410]  }
0x66: {  	v17 =	vld [tilespmem:s12+$0x5420]  }
0x67: {  	v8 =	vld [tilespmem:s12+$0x5430];
	v2 =	vadd.f32 v4, v2;
	v18 =	vadd.f32 v6, v5  }
0x68: {  	v19 =	vadd.f32 v7, v1;
	v7 =	vld [tilespmem:s12+$0x5440];
	v4 =	vadd.f32 v9, v3  }
0x69: {  	v6 =	vld [tilespmem:s12+$0x5450];
	v3 =	vadd.f32 v0, v10;
	v10 =	vadd.f32 v15, v2  }
0x6a: {  	s21 =	simm.s32 $0x80;
	v5 =	vld [tilespmem:s12+$0x5460];
	v9 =	vadd.f32 v16, v18;
	v2 =	vadd.f32 v12, v11  }
0x6b: {  	s25 =	simm.s32 $0x400;
	v1 =	vld [tilespmem:s21+$0x470];
	v0 =	vadd.f32 v14, v13;
	v11 =	vmax.f32 v10, $0.0e+00;
	v10 =	vadd.f32 v17, v19  }
.LBB2_3:
0x6c: {  	p0 =	sne.s32 s25, $0x4E00;
	v12 =	vld [tilespmem:s21+$0x2C70];
	[tilespmem:s12+$0x7C00] =	vst v11;
	v9 =	vmax.f32 v9, $0.0e+00;
	v4 =	vadd.f32 v8, v4  }
0x6d: {  	v8 =	vld [tilespmem:s21+$0x400];
	[tilespmem:s12+$0x7C10] =	vst v9;
	v9 =	vmax.f32 v10, $0.0e+00;
	v3 =	vadd.f32 v7, v3  }
0x6e: {  	v7 =	vld [tilespmem:s21+$0x5470];
	[tilespmem:s12+$0x7C20] =	vst v9;
	v4 =	vmax.f32 v4, $0.0e+00;
	v2 =	vadd.f32 v6, v2  }
0x6f: {  	v6 =	vld [tilespmem:s21+$0x2C00];
	[tilespmem:s12+$0x7C30] =	vst v4;
	v3 =	vmax.f32 v3, $0.0e+00;
	v0 =	vadd.f32 v5, v0  }
0x70: {  	v4 =	vld [tilespmem:s21+$0x410];
	[tilespmem:s12+$0x7C40] =	vst v3;
	v2 =	vmax.f32 v2, $0.0e+00  }
0x71: {  	v3 =	vld [tilespmem:s21+$0x2C10];
	v1 =	vadd.f32 v12, v1;
	[tilespmem:s12+$0x7C50] =	vst v2;
	v0 =	vmax.f32 v0, $0.0e+00  }
0x72: {  	v2 =	vld [tilespmem:s21+$0x420];
	[tilespmem:s12+$0x7C60] =	vst v0;
	s12 =	smov.u32 s21  }
0x73: {  	v0 =	vld [tilespmem:s12+$0x2C20];
	v1 =	vadd.f32 v7, v1  }
0x74: {  	v5 =	vadd.f32 v6, v8;
	v6 =	vld [tilespmem:s12+$0x430]  }
0x75: {  	v7 =	vld [tilespmem:s12+$0x2C30];
	v1 =	vmax.f32 v1, $0.0e+00  }
0x76: {  	v9 =	vadd.f32 v3, v4;
	v3 =	vld [tilespmem:s12+$0x440];
	[tilespmem:s12+$0x7C70] =	vst v1  }
0x77: {  	v1 =	vld [tilespmem:s12+$0x2C40]  }
0x78: {  	v10 =	vadd.f32 v0, v2;
	v0 =	vld [tilespmem:s12+$0x450]  }
0x79: {  	v2 =	vld [tilespmem:s12+$0x2C50]  }
0x7a: {  	v4 =	vadd.f32 v7, v6;
	v6 =	vld [tilespmem:s12+$0x460]  }
0x7b: {  	v11 =	vld [tilespmem:s12+$0x2C60]  }
0x7c: {  	v12 =	vld [tilespmem:s12+$0x5400];
	v3 =	vadd.f32 v1, v3  }
0x7d: {  	v1 =	vld [tilespmem:s12+$0x5410]  }
0x7e: {  	v13 =	vld [tilespmem:s12+$0x5420];
	v2 =	vadd.f32 v2, v0  }
.Ltmp2:
0x7f: {  	v8 =	vld [tilespmem:s12+$0x5430];
	(pc) =	sbr.rel @p0 .LBB2_3-.Ltmp2, $4  }
0x80: {  	v7 =	vld [tilespmem:s12+$0x5440];
	v0 =	vadd.f32 v11, v6  }
0x81: {  	v11 =	vadd.f32 v12, v5;
	v6 =	vld [tilespmem:s12+$0x5450]  }
0x82: {  	s21 =	sshra.s32 s25, $0x2;
	v9 =	vadd.f32 v1, v9;
	v5 =	vld [tilespmem:s12+$0x5460]  }
0x83: {  	s25 =	sadd.s32 $0x200, s25;
	v1 =	vld [tilespmem:s21+$0x470];
	v11 =	vmax.f32 v11, $0.0e+00;
	v10 =	vadd.f32 v13, v10  }
0x84: {  	v12 =	vld [tilespmem:s21+$0x2C70];
	[tilespmem:s12+$0x7C00] =	vst v11;
	v9 =	vmax.f32 v9, $0.0e+00;
	v4 =	vadd.f32 v8, v4  }
0x85: {  	v11 =	vld [tilespmem:s21+$0x400];
	[tilespmem:s12+$0x7C10] =	vst v9;
	v8 =	vmax.f32 v10, $0.0e+00;
	v3 =	vadd.f32 v7, v3  }
0x86: {  	v9 =	vld [tilespmem:s21+$0x5470];
	[tilespmem:s12+$0x7C20] =	vst v8;
	v4 =	vmax.f32 v4, $0.0e+00;
	v2 =	vadd.f32 v6, v2  }
0x87: {  	v7 =	vld [tilespmem:s21+$0x2C00];
	[tilespmem:s12+$0x7C30] =	vst v4;
	v3 =	vmax.f32 v3, $0.0e+00;
	v0 =	vadd.f32 v5, v0  }
0x88: {  	v4 =	vld [tilespmem:s21+$0x410];
	[tilespmem:s12+$0x7C40] =	vst v3;
	v2 =	vmax.f32 v2, $0.0e+00  }
0x89: {  	v3 =	vld [tilespmem:s21+$0x2C10];
	[tilespmem:s12+$0x7C50] =	vst v2;
	v0 =	vmax.f32 v0, $0.0e+00  }
0x8a: {  	v2 =	vld [tilespmem:s21+$0x420];
	[tilespmem:s12+$0x7C60] =	vst v0  }
0x8b: {  	v0 =	vld [tilespmem:s21+$0x2C20]  }
0x8c: {  	v5 =	vld [tilespmem:s21+$0x430]  }
0x8d: {  	v1 =	vadd.f32 v12, v1;
	v6 =	vld [tilespmem:s21+$0x2C30]  }
0x8e: {  	v8 =	vld [tilespmem:s21+$0x440]  }
0x8f: {  	v1 =	vadd.f32 v9, v1;
	v9 =	vld [tilespmem:s21+$0x450]  }
0x90: {  	v10 =	vld [tilespmem:s21+$0x2C50]  }
0x91: {  	v58 =	vld [tilespmem:s21+$0x460]  }
0x92: {  	v13 =	vld [tilespmem:s21+$0x2C60]  }
0x93: {  	v14 =	vld [tilespmem:s21+$0x5400]  }
0x94: {  	v15 =	vld [tilespmem:s21+$0x5410]  }
0x95: {  	v16 =	vld [tilespmem:s21+$0x5420];
	v1 =	vmax.f32 v1, $0.0e+00  }
0x96: {  	[tilespmem:s21+$0x7C70] =	vst v1;
	v1 =	vld [tilespmem:s21+$0x2C40]  }
0x97: {  	v7 =	vadd.f32 v7, v11;
	v11 =	vld [tilespmem:s21+$0x5430]  }
0x98: {  	v3 =	vadd.f32 v3, v4;
	v4 =	vld [tilespmem:s21+$0x5440]  }
0x99: {  	v0 =	vadd.f32 v0, v2;
	v2 =	vadd.f32 v14, v7;
	v7 =	vld [tilespmem:s21+$0x5450]  }
0x9a: {  	v5 =	vadd.f32 v6, v5;
	v3 =	vadd.f32 v15, v3;
	v6 =	vld [tilespmem:s21+$0x5460]  }
0x9b: {  	v2 =	vmax.f32 v2, $0.0e+00;
	v0 =	vadd.f32 v16, v0;
	v1 =	vadd.f32 v1, v8  }
0x9c: {  	v8 =	vadd.f32 v10, v9;
	[tilespmem:s21+$0x7C00] =	vst v2;
	v2 =	vmax.f32 v3, $0.0e+00;
	v3 =	vadd.f32 v11, v5  }
0x9d: {  	v5 =	vadd.f32 v13, v58;
	[tilespmem:s21+$0x7C10] =	vst v2;
	v0 =	vmax.f32 v0, $0.0e+00;
	v1 =	vadd.f32 v4, v1  }
0x9e: {  	[tilespmem:s21+$0x7C20] =	vst v0;
	v0 =	vmax.f32 v3, $0.0e+00;
	v2 =	vadd.f32 v7, v8  }
0x9f: {  	s12 =	sshll.u32 s20, $0x2;
	[tilespmem:s21+$0x7C30] =	vst v0;
	v0 =	vmax.f32 v1, $0.0e+00;
	v1 =	vadd.f32 v6, v5  }
0xa0: {  	s17 =	sor.u32 $0x2, s12;
	[tilespmem:s21+$0x7C40] =	vst v0;
	v0 =	vmax.f32 v2, $0.0e+00  }
0xa1: {  	p1 =	sgt.u32 s17, $0xF9;
	[tilespmem:s21+$0x7C50] =	vst v0;
	v0 =	vmax.f32 v1, $0.0e+00  }
0xa2: {  	s17 =	smul.u32 @!p1 $0x28, s17;
	[tilespmem:s21+$0x7C60] =	vst v0  }
0xa3: {  	[spmem:s1] =	stream.indirect.scatter.add.f32 [tilespmem:s23], [sflag:$0x7], $0x80, s3, s26, $0xb8;
	[tilespmem:$0x1E000] =	vst v63  }
0xa4: {  	s17 =	sadd.s32 @!p1 s9, s17;
	_ =	swait.ge [sflag:s22], $0x1400  }
0xa5: {  	s15 =	simm.s32 @!p1 $0x0;
	s21 =	sshrl.u32 @!p1 s17, $0x3;
	[sflag:s22] =	ssyncset.done $0x0  }
0xa6: {  	s16 =	simm.s32 @!p1 $0x100;
	s25 =	sadd.s32 @!p1 s7, s21;
	[sflag:s22] =	ssyncadd.s32 $0xFFFFEC00  }
0xa7: {  	[tilespmem:s16], [sflag:$0x3] =	stream.linear.gather @!p1 [hbm4b:s25+s15], $0x28, $0x38;
	[tilespmem:$0x1E000] =	vst v63  }
0xa8: {  	s21 =	sadd.s32 @!p1 s8, s21;
	s25 =	simm.s32 @!p1 $0x300  }
0xa9: {  	[tilespmem:s25], [sflag:$0x3] =	stream.linear.gather @!p1 [hbm4b:s21+s15], $0x28, $0x38;
	[tilespmem:$0x1E000] =	vst v63  }
0xaa: {  	s21 =	simm.s32 @!p1 $0x3  }
0xab: {  	_ =	swait.ge @!p1 [sflag:s21], $0x28  }
0xac: {  	[sflag:s21] =	ssyncset.done @!p1 $0x0  }
0xad: {  	[sflag:s21] =	ssyncadd.s32 @!p1 $0xFFFFFFD8  }
0xae: {  	_ =	swait.ge @!p1 [sflag:s21], $0x28  }
0xaf: {  	[sflag:s21] =	ssyncset.done @!p1 $0x0  }
0xb0: {  	s28 =	simm.s32 @!p1 $0x400;
	[sflag:s21] =	ssyncadd.s32 @!p1 $0xFFFFFFD8;
	s21 =	simm.s32 @!p1 $0x28  }
0xb1: {  	[tilespmem:s28], [sflag:$0x5] =	stream.indirect.gather @!p1 [hbm4b:s5+s21], $0x80, s16, s21, $0xb8;
	[tilespmem:$0x1E000] =	vst v63  }
0xb2: {  	s16 =	simm.s32 @!p1 $0x2C00  }
0xb3: {  	[tilespmem:s16], [sflag:$0x5] =	stream.indirect.gather @!p1 [hbm4b:s6+s21], $0x80, s25, s21, $0xb8;
	[tilespmem:$0x1E000] =	vst v63  }
0xb4: {  	s16 =	sshll.u32 @!p1 s17, $0x4  }
0xb5: {  	s17 =	simm.s32 @!p1 $0x5400;
	s16 =	sadd.s32 @!p1 s4, s16  }
0xb6: {  	[tilespmem:s17], [sflag:$0x5] =	stream.linear.gather @!p1 [hbm4b:s16+s15], $0x1400, $0x38;
	[tilespmem:$0x1E000] =	vst v63  }
0xb7: {  	_ =	swait.ge [sflag:s13], $0x1400  }
0xb8: {  	[sflag:s13] =	ssyncset.done $0x0  }
0xb9: {  	[sflag:s13] =	ssyncadd.s32 $0xFFFFEC00  }
0xba: {  	_ =	swait.ge [sflag:s13], $0x1400  }
0xbb: {  	[sflag:s13] =	ssyncset.done $0x0  }
0xbc: {  	[sflag:s13] =	ssyncadd.s32 $0xFFFFEC00  }
0xbd: {  	_ =	swait.ge [sflag:s13], $0x1400  }
0xbe: {  	[sflag:s13] =	ssyncset.done $0x0  }
0xbf: {  	s21 =	simm.s32 $0x0;
	[sflag:s13] =	ssyncadd.s32 $0xFFFFEC00  }
0xc0: {  	v0 =	vld [tilespmem:s21+$0x1870]  }
0xc1: {  	v1 =	vld [tilespmem:s21+$0x4070]  }
0xc2: {  	v2 =	vld [tilespmem:s21+$0x1800]  }
0xc3: {  	v3 =	vld [tilespmem:s21+$0x6870]  }
0xc4: {  	v4 =	vld [tilespmem:s21+$0x4000]  }
0xc5: {  	v5 =	vld [tilespmem:s21+$0x1810]  }
0xc6: {  	v6 =	vld [tilespmem:s21+$0x4010]  }
0xc7: {  	v7 =	vld [tilespmem:s21+$0x4020]  }
0xc8: {  	v9 =	vld [tilespmem:s21+$0x4030]  }
0xc9: {  	v10 =	vld [tilespmem:s21+$0x1840]  }
0xca: {  	v11 =	vld [tilespmem:s21+$0x1850]  }
0xcb: {  	v59 =	vld [tilespmem:s21+$0x4050]  }
0xcc: {  	v60 =	vld [tilespmem:s21+$0x1860];
	v0 =	vadd.f32 v1, v0  }
0xcd: {  	v61 =	vld [tilespmem:s21+$0x4060]  }
0xce: {  	v62 =	vld [tilespmem:s21+$0x6800];
	v0 =	vadd.f32 v3, v0  }
0xcf: {  	v1 =	vld [tilespmem:s21+$0x1820]  }
0xd0: {  	v3 =	vld [tilespmem:s21+$0x1830];
	v0 =	vmax.f32 v0, $0.0e+00  }
0xd1: {  	[tilespmem:s21+$0x9070] =	vst v0;
	v0 =	vld [tilespmem:s21+$0x4040]  }
0xd2: {  	v63 =	vld [tilespmem:s21+$0x6810]  }
0xd3: {  	v17 =	vld [tilespmem:s21+$0x6820]  }
0xd4: {  	v8 =	vld [tilespmem:s21+$0x6830];
	v2 =	vadd.f32 v4, v2;
	v18 =	vadd.f32 v6, v5  }
0xd5: {  	v19 =	vadd.f32 v7, v1;
	v7 =	vld [tilespmem:s21+$0x6840];
	v4 =	vadd.f32 v9, v3  }
0xd6: {  	v6 =	vld [tilespmem:s21+$0x6850];
	v3 =	vadd.f32 v0, v10;
	v10 =	vadd.f32 v62, v2  }
0xd7: {  	s25 =	simm.s32 $0x80;
	v5 =	vld [tilespmem:s21+$0x6860];
	v9 =	vadd.f32 v63, v18;
	v2 =	vadd.f32 v59, v11  }
0xd8: {  	s17 =	simm.s32 $0x400;
	v1 =	vld [tilespmem:s25+$0x1870];
	v0 =	vadd.f32 v61, v60;
	v11 =	vmax.f32 v10, $0.0e+00;
	v10 =	vadd.f32 v17, v19  }
.LBB2_5:
0xd9: {  	p0 =	sne.s32 s17, $0x4E00;
	v12 =	vld [tilespmem:s25+$0x4070];
	[tilespmem:s21+$0x9000] =	vst v11;
	v9 =	vmax.f32 v9, $0.0e+00;
	v4 =	vadd.f32 v8, v4  }
0xda: {  	v8 =	vld [tilespmem:s25+$0x1800];
	[tilespmem:s21+$0x9010] =	vst v9;
	v9 =	vmax.f32 v10, $0.0e+00;
	v3 =	vadd.f32 v7, v3  }
0xdb: {  	v7 =	vld [tilespmem:s25+$0x6870];
	[tilespmem:s21+$0x9020] =	vst v9;
	v4 =	vmax.f32 v4, $0.0e+00;
	v2 =	vadd.f32 v6, v2  }
0xdc: {  	v6 =	vld [tilespmem:s25+$0x4000];
	[tilespmem:s21+$0x9030] =	vst v4;
	v3 =	vmax.f32 v3, $0.0e+00;
	v0 =	vadd.f32 v5, v0  }
0xdd: {  	v4 =	vld [tilespmem:s25+$0x1810];
	[tilespmem:s21+$0x9040] =	vst v3;
	v2 =	vmax.f32 v2, $0.0e+00  }
0xde: {  	v3 =	vld [tilespmem:s25+$0x4010];
	v1 =	vadd.f32 v12, v1;
	[tilespmem:s21+$0x9050] =	vst v2;
	v0 =	vmax.f32 v0, $0.0e+00  }
0xdf: {  	v2 =	vld [tilespmem:s25+$0x1820];
	[tilespmem:s21+$0x9060] =	vst v0;
	s21 =	smov.u32 s25  }
0xe0: {  	v0 =	vld [tilespmem:s21+$0x4020];
	v1 =	vadd.f32 v7, v1  }
0xe1: {  	v5 =	vadd.f32 v6, v8;
	v6 =	vld [tilespmem:s21+$0x1830]  }
0xe2: {  	v7 =	vld [tilespmem:s21+$0x4030];
	v1 =	vmax.f32 v1, $0.0e+00  }
0xe3: {  	v9 =	vadd.f32 v3, v4;
	v3 =	vld [tilespmem:s21+$0x1840];
	[tilespmem:s21+$0x9070] =	vst v1  }
0xe4: {  	v1 =	vld [tilespmem:s21+$0x4040]  }
0xe5: {  	v10 =	vadd.f32 v0, v2;
	v0 =	vld [tilespmem:s21+$0x1850]  }
0xe6: {  	v2 =	vld [tilespmem:s21+$0x4050]  }
0xe7: {  	v4 =	vadd.f32 v7, v6;
	v6 =	vld [tilespmem:s21+$0x1860]  }
0xe8: {  	v11 =	vld [tilespmem:s21+$0x4060]  }
0xe9: {  	v12 =	vld [tilespmem:s21+$0x6800];
	v3 =	vadd.f32 v1, v3  }
0xea: {  	v1 =	vld [tilespmem:s21+$0x6810]  }
0xeb: {  	v13 =	vld [tilespmem:s21+$0x6820];
	v2 =	vadd.f32 v2, v0  }
.Ltmp3:
0xec: {  	v8 =	vld [tilespmem:s21+$0x6830];
	(pc) =	sbr.rel @p0 .LBB2_5-.Ltmp3, $4  }
0xed: {  	v7 =	vld [tilespmem:s21+$0x6840];
	v0 =	vadd.f32 v11, v6  }
0xee: {  	v11 =	vadd.f32 v12, v5;
	v6 =	vld [tilespmem:s21+$0x6850]  }
0xef: {  	s25 =	sshra.s32 s17, $0x2;
	v9 =	vadd.f32 v1, v9;
	v5 =	vld [tilespmem:s21+$0x6860]  }
0xf0: {  	s17 =	sadd.s32 $0x200, s17;
	v1 =	vld [tilespmem:s25+$0x1870];
	v11 =	vmax.f32 v11, $0.0e+00;
	v10 =	vadd.f32 v13, v10  }
0xf1: {  	v12 =	vld [tilespmem:s25+$0x4070];
	[tilespmem:s21+$0x9000] =	vst v11;
	v9 =	vmax.f32 v9, $0.0e+00;
	v4 =	vadd.f32 v8, v4  }
0xf2: {  	v11 =	vld [tilespmem:s25+$0x1800];
	[tilespmem:s21+$0x9010] =	vst v9;
	v41 =	vmax.f32 v10, $0.0e+00;
	v3 =	vadd.f32 v7, v3  }
0xf3: {  	v9 =	vld [tilespmem:s25+$0x6870];
	[tilespmem:s21+$0x9020] =	vst v41;
	v4 =	vmax.f32 v4, $0.0e+00;
	v2 =	vadd.f32 v6, v2  }
0xf4: {  	v42 =	vld [tilespmem:s25+$0x4000];
	[tilespmem:s21+$0x9030] =	vst v4;
	v3 =	vmax.f32 v3, $0.0e+00;
	v0 =	vadd.f32 v5, v0  }
0xf5: {  	v4 =	vld [tilespmem:s25+$0x1810];
	[tilespmem:s21+$0x9040] =	vst v3;
	v2 =	vmax.f32 v2, $0.0e+00  }
0xf6: {  	v3 =	vld [tilespmem:s25+$0x4010];
	[tilespmem:s21+$0x9050] =	vst v2;
	v0 =	vmax.f32 v0, $0.0e+00  }
0xf7: {  	v2 =	vld [tilespmem:s25+$0x1820];
	[tilespmem:s21+$0x9060] =	vst v0  }
0xf8: {  	v0 =	vld [tilespmem:s25+$0x4020]  }
0xf9: {  	v43 =	vld [tilespmem:s25+$0x1830]  }
0xfa: {  	v44 =	vld [tilespmem:s25+$0x4030]  }
0xfb: {  	v8 =	vld [tilespmem:s25+$0x1840]  }
0xfc: {  	v45 =	vld [tilespmem:s25+$0x4040]  }
0xfd: {  	v46 =	vld [tilespmem:s25+$0x1850]  }
0xfe: {  	v47 =	vld [tilespmem:s25+$0x4050]  }
0xff: {  	v48 =	vld [tilespmem:s25+$0x1860]  }
0x100: {  	v13 =	vld [tilespmem:s25+$0x4060]  }
0x101: {  	v14 =	vld [tilespmem:s25+$0x6800]  }
0x102: {  	v15 =	vld [tilespmem:s25+$0x6810]  }
0x103: {  	v1 =	vadd.f32 v12, v1;
	v16 =	vld [tilespmem:s25+$0x6820]  }
0x104: {  	v49 =	vld [tilespmem:s25+$0x6830];
	v7 =	vadd.f32 v42, v11  }
0x105: {  	v1 =	vadd.f32 v9, v1;
	v50 =	vld [tilespmem:s25+$0x6840];
	v3 =	vadd.f32 v3, v4  }
0x106: {  	v52 =	vld [tilespmem:s25+$0x6850];
	v0 =	vadd.f32 v0, v2;
	v51 =	vadd.f32 v14, v7  }
0x107: {  	v53 =	vld [tilespmem:s25+$0x6860];
	v1 =	vmax.f32 v1, $0.0e+00;
	v5 =	vadd.f32 v44, v43;
	v3 =	vadd.f32 v15, v3  }
0x108: {  	[tilespmem:s25+$0x9070] =	vst v1;
	v1 =	vadd.f32 v45, v8;
	v0 =	vadd.f32 v16, v0;
	v2 =	vmax.f32 v51, $0.0e+00  }
0x109: {  	v54 =	vadd.f32 v47, v46;
	v55 =	vmax.f32 v3, $0.0e+00;
	v56 =	vadd.f32 v49, v5;
	[tilespmem:s25+$0x9000] =	vst v2  }
0x10a: {  	v57 =	vadd.f32 v13, v48;
	v1 =	vadd.f32 v50, v1;
	[tilespmem:s25+$0x9010] =	vst v55;
	v0 =	vmax.f32 v0, $0.0e+00  }
0x10b: {  	v59 =	vadd.f32 v52, v54;
	v58 =	vmax.f32 v56, $0.0e+00;
	[tilespmem:s25+$0x9020] =	vst v0  }
0x10c: {  	v61 =	vadd.f32 v53, v57;
	v60 =	vmax.f32 v1, $0.0e+00;
	[tilespmem:s25+$0x9030] =	vst v58  }
0x10d: {  	s12 =	sor.u32 $0x3, s12;
	v62 =	vmax.f32 v59, $0.0e+00;
	[tilespmem:s25+$0x9040] =	vst v60  }
0x10e: {  	p0 =	sgt.u32 s12, $0xF9;
	v63 =	vmax.f32 v61, $0.0e+00;
	[tilespmem:s25+$0x9050] =	vst v62  }
0x10f: {  	s12 =	smul.u32 @!p0 $0x28, s12;
	[tilespmem:s25+$0x9060] =	vst v63  }
0x110: {  	[spmem:s1] =	stream.indirect.scatter.add.f32 [tilespmem:s14], [sflag:$0x7], $0x80, s31, s26, $0xb8;
	[tilespmem:$0x1E000] =	vst v63  }
0x111: {  	s12 =	sadd.s32 @!p0 s9, s12;
	_ =	swait.ge [sflag:s22], $0x1400  }
0x112: {  	s17 =	simm.s32 @!p0 $0x0;
	s15 =	sshrl.u32 @!p0 s12, $0x3;
	[sflag:s22] =	ssyncset.done $0x0  }
0x113: {  	s16 =	sadd.s32 @!p0 s7, s15;
	s21 =	simm.s32 @!p0 $0x180;
	[sflag:s22] =	ssyncadd.s32 $0xFFFFEC00  }
0x114: {  	[tilespmem:s21], [sflag:$0x4] =	stream.linear.gather @!p0 [hbm4b:s16+s17], $0x28, $0x38;
	[tilespmem:$0x1E000] =	vst v63  }
0x115: {  	s15 =	sadd.s32 @!p0 s8, s15;
	s16 =	simm.s32 @!p0 $0x380  }
0x116: {  	[tilespmem:s16], [sflag:$0x4] =	stream.linear.gather @!p0 [hbm4b:s15+s17], $0x28, $0x38;
	[tilespmem:$0x1E000] =	vst v63  }
0x117: {  	s15 =	simm.s32 @!p0 $0x4  }
0x118: {  	_ =	swait.ge @!p0 [sflag:s15], $0x28  }
0x119: {  	[sflag:s15] =	ssyncset.done @!p0 $0x0  }
0x11a: {  	[sflag:s15] =	ssyncadd.s32 @!p0 $0xFFFFFFD8  }
0x11b: {  	_ =	swait.ge @!p0 [sflag:s15], $0x28  }
0x11c: {  	[sflag:s15] =	ssyncset.done @!p0 $0x0  }
0x11d: {  	s25 =	simm.s32 @!p0 $0x1800;
	[sflag:s15] =	ssyncadd.s32 @!p0 $0xFFFFFFD8;
	s15 =	simm.s32 @!p0 $0x28  }
0x11e: {  	[tilespmem:s25], [sflag:$0x6] =	stream.indirect.gather @!p0 [hbm4b:s5+s15], $0x80, s21, s15, $0xb8;
	[tilespmem:$0x1E000] =	vst v63  }
.Ltmp4:
0x11f: {  	_ = 	snop;
	(pc) =	sbr.rel @p1 .LBB2_10-.Ltmp4, $4  }
0x120: {  	s12 =	sshll.u32 @!p0 s12, $0x4;
	s21 =	simm.s32 @!p0 $0x4000  }
0x121: {  	[tilespmem:s21], [sflag:$0x6] =	stream.indirect.gather @!p0 [hbm4b:s6+s15], $0x80, s16, s15, $0xb8;
	[tilespmem:$0x1E000] =	vst v63  }
0x122: {  	s12 =	sadd.s32 @!p0 s4, s12;
	s15 =	simm.s32 @!p0 $0x6800  }
0x123: {  	[tilespmem:s15], [sflag:$0x6] =	stream.linear.gather @!p0 [hbm4b:s12+s17], $0x1400, $0x38;
	[tilespmem:$0x1E000] =	vst v63  }
0x124: {  	_ =	swait.ge [sflag:s10], $0x1400  }
0x125: {  	[sflag:s10] =	ssyncset.done $0x0  }
0x126: {  	[sflag:s10] =	ssyncadd.s32 $0xFFFFEC00  }
0x127: {  	_ =	swait.ge [sflag:s10], $0x1400  }
0x128: {  	[sflag:s10] =	ssyncset.done $0x0  }
0x129: {  	[sflag:s10] =	ssyncadd.s32 $0xFFFFEC00  }
0x12a: {  	_ =	swait.ge [sflag:s10], $0x1400  }
0x12b: {  	[sflag:s10] =	ssyncset.done $0x0  }
0x12c: {  	s12 =	simm.s32 $0x0;
	[sflag:s10] =	ssyncadd.s32 $0xFFFFEC00  }
0x12d: {  	v0 =	vld [tilespmem:s12+$0x470]  }
0x12e: {  	v1 =	vld [tilespmem:s12+$0x2C70]  }
0x12f: {  	v2 =	vld [tilespmem:s12+$0x400]  }
0x130: {  	v3 =	vld [tilespmem:s12+$0x5470]  }
0x131: {  	v4 =	vld [tilespmem:s12+$0x2C00]  }
0x132: {  	v5 =	vld [tilespmem:s12+$0x410]  }
0x133: {  	v6 =	vld [tilespmem:s12+$0x2C10]  }
0x134: {  	v7 =	vld [tilespmem:s12+$0x2C20]  }
0x135: {  	v9 =	vld [tilespmem:s12+$0x2C30]  }
0x136: {  	v10 =	vld [tilespmem:s12+$0x440]  }
0x137: {  	v11 =	vld [tilespmem:s12+$0x450]  }
0x138: {  	v12 =	vld [tilespmem:s12+$0x2C50]  }
0x139: {  	v13 =	vld [tilespmem:s12+$0x460];
	v0 =	vadd.f32 v1, v0  }
0x13a: {  	v14 =	vld [tilespmem:s12+$0x2C60]  }
0x13b: {  	v15 =	vld [tilespmem:s12+$0x5400];
	v0 =	vadd.f32 v3, v0  }
0x13c: {  	v1 =	vld [tilespmem:s12+$0x420]  }
0x13d: {  	v3 =	vld [tilespmem:s12+$0x430];
	v0 =	vmax.f32 v0, $0.0e+00  }
0x13e: {  	[tilespmem:s12+$0x7C70] =	vst v0;
	v0 =	vld [tilespmem:s12+$0x2C40]  }
0x13f: {  	v16 =	vld [tilespmem:s12+$0x5410]  }
0x140: {  	v17 =	vld [tilespmem:s12+$0x5420]  }
0x141: {  	v8 =	vld [tilespmem:s12+$0x5430];
	v2 =	vadd.f32 v4, v2;
	v18 =	vadd.f32 v6, v5  }
0x142: {  	v19 =	vadd.f32 v7, v1;
	v7 =	vld [tilespmem:s12+$0x5440];
	v4 =	vadd.f32 v9, v3  }
0x143: {  	v6 =	vld [tilespmem:s12+$0x5450];
	v3 =	vadd.f32 v0, v10;
	v10 =	vadd.f32 v15, v2  }
0x144: {  	s21 =	simm.s32 $0x80;
	v5 =	vld [tilespmem:s12+$0x5460];
	v9 =	vadd.f32 v16, v18;
	v2 =	vadd.f32 v12, v11  }
0x145: {  	s17 =	simm.s32 $0x400;
	v1 =	vld [tilespmem:s21+$0x470];
	v0 =	vadd.f32 v14, v13;
	v11 =	vmax.f32 v10, $0.0e+00;
	v10 =	vadd.f32 v17, v19  }
.LBB2_8:
0x146: {  	p1 =	sne.s32 s17, $0x4E00;
	v12 =	vld [tilespmem:s21+$0x2C70];
	[tilespmem:s12+$0x7C00] =	vst v11;
	v9 =	vmax.f32 v9, $0.0e+00;
	v4 =	vadd.f32 v8, v4  }
0x147: {  	v8 =	vld [tilespmem:s21+$0x400];
	[tilespmem:s12+$0x7C10] =	vst v9;
	v9 =	vmax.f32 v10, $0.0e+00;
	v3 =	vadd.f32 v7, v3  }
0x148: {  	v7 =	vld [tilespmem:s21+$0x5470];
	[tilespmem:s12+$0x7C20] =	vst v9;
	v4 =	vmax.f32 v4, $0.0e+00;
	v2 =	vadd.f32 v6, v2  }
0x149: {  	v6 =	vld [tilespmem:s21+$0x2C00];
	[tilespmem:s12+$0x7C30] =	vst v4;
	v3 =	vmax.f32 v3, $0.0e+00;
	v0 =	vadd.f32 v5, v0  }
0x14a: {  	v4 =	vld [tilespmem:s21+$0x410];
	[tilespmem:s12+$0x7C40] =	vst v3;
	v2 =	vmax.f32 v2, $0.0e+00  }
0x14b: {  	v3 =	vld [tilespmem:s21+$0x2C10];
	v1 =	vadd.f32 v12, v1;
	[tilespmem:s12+$0x7C50] =	vst v2;
	v0 =	vmax.f32 v0, $0.0e+00  }
0x14c: {  	v2 =	vld [tilespmem:s21+$0x420];
	[tilespmem:s12+$0x7C60] =	vst v0;
	s12 =	smov.u32 s21  }
0x14d: {  	v0 =	vld [tilespmem:s12+$0x2C20];
	v1 =	vadd.f32 v7, v1  }
0x14e: {  	v5 =	vadd.f32 v6, v8;
	v6 =	vld [tilespmem:s12+$0x430]  }
0x14f: {  	v7 =	vld [tilespmem:s12+$0x2C30];
	v1 =	vmax.f32 v1, $0.0e+00  }
0x150: {  	v9 =	vadd.f32 v3, v4;
	v3 =	vld [tilespmem:s12+$0x440];
	[tilespmem:s12+$0x7C70] =	vst v1  }
0x151: {  	v1 =	vld [tilespmem:s12+$0x2C40]  }
0x152: {  	v10 =	vadd.f32 v0, v2;
	v0 =	vld [tilespmem:s12+$0x450]  }
0x153: {  	v2 =	vld [tilespmem:s12+$0x2C50]  }
0x154: {  	v4 =	vadd.f32 v7, v6;
	v6 =	vld [tilespmem:s12+$0x460]  }
0x155: {  	v11 =	vld [tilespmem:s12+$0x2C60]  }
0x156: {  	v12 =	vld [tilespmem:s12+$0x5400];
	v3 =	vadd.f32 v1, v3  }
0x157: {  	v1 =	vld [tilespmem:s12+$0x5410]  }
0x158: {  	v13 =	vld [tilespmem:s12+$0x5420];
	v2 =	vadd.f32 v2, v0  }
.Ltmp5:
0x159: {  	v8 =	vld [tilespmem:s12+$0x5430];
	(pc) =	sbr.rel @p1 .LBB2_8-.Ltmp5, $4  }
0x15a: {  	v7 =	vld [tilespmem:s12+$0x5440];
	v0 =	vadd.f32 v11, v6  }
0x15b: {  	v11 =	vadd.f32 v12, v5;
	v6 =	vld [tilespmem:s12+$0x5450]  }
0x15c: {  	s21 =	sshra.s32 s17, $0x2;
	v9 =	vadd.f32 v1, v9;
	v5 =	vld [tilespmem:s12+$0x5460]  }
0x15d: {  	s17 =	sadd.s32 $0x200, s17;
	v1 =	vld [tilespmem:s21+$0x470];
	v11 =	vmax.f32 v11, $0.0e+00;
	v10 =	vadd.f32 v13, v10  }
0x15e: {  	v12 =	vld [tilespmem:s21+$0x2C70];
	[tilespmem:s12+$0x7C00] =	vst v11;
	v9 =	vmax.f32 v9, $0.0e+00;
	v4 =	vadd.f32 v8, v4  }
0x15f: {  	v11 =	vld [tilespmem:s21+$0x400];
	[tilespmem:s12+$0x7C10] =	vst v9;
	v41 =	vmax.f32 v10, $0.0e+00;
	v3 =	vadd.f32 v7, v3  }
0x160: {  	v9 =	vld [tilespmem:s21+$0x5470];
	[tilespmem:s12+$0x7C20] =	vst v41;
	v4 =	vmax.f32 v4, $0.0e+00;
	v2 =	vadd.f32 v6, v2  }
0x161: {  	v42 =	vld [tilespmem:s21+$0x2C00];
	[tilespmem:s12+$0x7C30] =	vst v4;
	v3 =	vmax.f32 v3, $0.0e+00;
	v0 =	vadd.f32 v5, v0  }
0x162: {  	v4 =	vld [tilespmem:s21+$0x410];
	[tilespmem:s12+$0x7C40] =	vst v3;
	v2 =	vmax.f32 v2, $0.0e+00  }
0x163: {  	v3 =	vld [tilespmem:s21+$0x2C10];
	[tilespmem:s12+$0x7C50] =	vst v2;
	v0 =	vmax.f32 v0, $0.0e+00  }
0x164: {  	v2 =	vld [tilespmem:s21+$0x420];
	[tilespmem:s12+$0x7C60] =	vst v0  }
0x165: {  	v0 =	vld [tilespmem:s21+$0x2C20]  }
0x166: {  	v43 =	vld [tilespmem:s21+$0x430]  }
0x167: {  	v44 =	vld [tilespmem:s21+$0x2C30]  }
0x168: {  	v8 =	vld [tilespmem:s21+$0x440]  }
0x169: {  	v45 =	vld [tilespmem:s21+$0x2C40]  }
0x16a: {  	v46 =	vld [tilespmem:s21+$0x450]  }
0x16b: {  	v47 =	vld [tilespmem:s21+$0x2C50]  }
0x16c: {  	v48 =	vld [tilespmem:s21+$0x460]  }
0x16d: {  	v13 =	vld [tilespmem:s21+$0x2C60]  }
0x16e: {  	v14 =	vld [tilespmem:s21+$0x5400]  }
0x16f: {  	v15 =	vld [tilespmem:s21+$0x5410]  }
0x170: {  	v1 =	vadd.f32 v12, v1;
	v16 =	vld [tilespmem:s21+$0x5420]  }
0x171: {  	v49 =	vld [tilespmem:s21+$0x5430];
	v7 =	vadd.f32 v42, v11  }
0x172: {  	v1 =	vadd.f32 v9, v1;
	v50 =	vld [tilespmem:s21+$0x5440];
	v3 =	vadd.f32 v3, v4  }
0x173: {  	v52 =	vld [tilespmem:s21+$0x5450];
	v0 =	vadd.f32 v0, v2;
	v51 =	vadd.f32 v14, v7  }
0x174: {  	v53 =	vld [tilespmem:s21+$0x5460];
	v1 =	vmax.f32 v1, $0.0e+00;
	v5 =	vadd.f32 v44, v43;
	v3 =	vadd.f32 v15, v3  }
0x175: {  	[tilespmem:s21+$0x7C70] =	vst v1;
	v1 =	vadd.f32 v45, v8;
	v0 =	vadd.f32 v16, v0;
	v2 =	vmax.f32 v51, $0.0e+00  }
0x176: {  	v54 =	vadd.f32 v47, v46;
	v55 =	vmax.f32 v3, $0.0e+00;
	v56 =	vadd.f32 v49, v5;
	[tilespmem:s21+$0x7C00] =	vst v2  }
0x177: {  	v57 =	vadd.f32 v13, v48;
	v1 =	vadd.f32 v50, v1;
	[tilespmem:s21+$0x7C10] =	vst v55;
	v0 =	vmax.f32 v0, $0.0e+00  }
0x178: {  	v59 =	vadd.f32 v52, v54;
	v58 =	vmax.f32 v56, $0.0e+00;
	[tilespmem:s21+$0x7C20] =	vst v0  }
0x179: {  	v61 =	vadd.f32 v53, v57;
	v60 =	vmax.f32 v1, $0.0e+00;
	[tilespmem:s21+$0x7C30] =	vst v58  }
0x17a: {  	v62 =	vmax.f32 v59, $0.0e+00;
	[tilespmem:s21+$0x7C40] =	vst v60  }
0x17b: {  	v63 =	vmax.f32 v61, $0.0e+00;
	[tilespmem:s21+$0x7C50] =	vst v62  }
0x17c: {  	s28 =	simm.s32 $0x100;
	[tilespmem:s21+$0x7C60] =	vst v63  }
0x17d: {  	[spmem:s1] =	stream.indirect.scatter.add.f32 [tilespmem:s23], [sflag:$0x7], $0x80, s28, s26, $0xb8;
	[tilespmem:$0x1E000] =	vst v63  }
0x17e: {  	_ =	swait.ge [sflag:s22], $0x1400  }
0x17f: {  	[sflag:s22] =	ssyncset.done $0x0  }
0x180: {  	[sflag:s22] =	ssyncadd.s32 $0xFFFFEC00  }
.LBB2_10:
0x181: {  	p1 =	seq.s32 s20, $0x3E  }
0x182: {  	s12 =	sadd.s32 @!p1 s24, s18  }
0x183: {  	s15 =	sshrl.u32 @!p1 s12, $0x3  }
0x184: {  	s17 =	simm.s32 @!p1 $0x0;
	s16 =	sadd.s32 @!p1 s7, s15  }
0x185: {  	[tilespmem:s17], [sflag:$0x1] =	stream.linear.gather @!p1 [hbm4b:s16+s17], $0x28, $0x38;
	[tilespmem:$0x1E000] =	vst v63  }
0x186: {  	s15 =	sadd.s32 @!p1 s8, s15;
	s16 =	simm.s32 @!p1 $0x200  }
0x187: {  	[tilespmem:s16], [sflag:$0x1] =	stream.linear.gather @!p1 [hbm4b:s15+s17], $0x28, $0x38;
	[tilespmem:$0x1E000] =	vst v63  }
0x188: {  	s15 =	simm.s32 @!p1 $0x1  }
0x189: {  	_ =	swait.ge @!p1 [sflag:s15], $0x28  }
0x18a: {  	[sflag:s15] =	ssyncset.done @!p1 $0x0  }
0x18b: {  	[sflag:s15] =	ssyncadd.s32 @!p1 $0xFFFFFFD8  }
0x18c: {  	_ =	swait.ge @!p1 [sflag:s15], $0x28  }
0x18d: {  	[sflag:s15] =	ssyncset.done @!p1 $0x0  }
0x18e: {  	s21 =	simm.s32 @!p1 $0x400;
	[sflag:s15] =	ssyncadd.s32 @!p1 $0xFFFFFFD8;
	s15 =	simm.s32 @!p1 $0x28  }
0x18f: {  	[tilespmem:s21], [sflag:$0x5] =	stream.indirect.gather @!p1 [hbm4b:s5+s15], $0x80, s17, s15, $0xb8;
	[tilespmem:$0x1E000] =	vst v63  }
.Ltmp6:
0x190: {  	_ = 	snop;
	(pc) =	sbr.rel @p0 .LBB2_14-.Ltmp6, $4  }
0x191: {  	s12 =	sshll.u32 @!p1 s12, $0x4;
	s21 =	simm.s32 @!p1 $0x2C00  }
0x192: {  	[tilespmem:s21], [sflag:$0x5] =	stream.indirect.gather @!p1 [hbm4b:s6+s15], $0x80, s16, s15, $0xb8;
	[tilespmem:$0x1E000] =	vst v63  }
0x193: {  	s12 =	sadd.s32 @!p1 s4, s12;
	s15 =	simm.s32 @!p1 $0x5400  }
0x194: {  	[tilespmem:s15], [sflag:$0x5] =	stream.linear.gather @!p1 [hbm4b:s12+s17], $0x1400, $0x38;
	[tilespmem:$0x1E000] =	vst v63  }
0x195: {  	_ =	swait.ge [sflag:s13], $0x1400  }
0x196: {  	[sflag:s13] =	ssyncset.done $0x0  }
0x197: {  	[sflag:s13] =	ssyncadd.s32 $0xFFFFEC00  }
0x198: {  	_ =	swait.ge [sflag:s13], $0x1400  }
0x199: {  	[sflag:s13] =	ssyncset.done $0x0  }
0x19a: {  	[sflag:s13] =	ssyncadd.s32 $0xFFFFEC00  }
0x19b: {  	_ =	swait.ge [sflag:s13], $0x1400  }
0x19c: {  	[sflag:s13] =	ssyncset.done $0x0  }
0x19d: {  	s12 =	simm.s32 $0x0;
	[sflag:s13] =	ssyncadd.s32 $0xFFFFEC00  }
0x19e: {  	v0 =	vld [tilespmem:s12+$0x1870]  }
0x19f: {  	v1 =	vld [tilespmem:s12+$0x4070]  }
0x1a0: {  	v2 =	vld [tilespmem:s12+$0x1800]  }
0x1a1: {  	v3 =	vld [tilespmem:s12+$0x6870]  }
0x1a2: {  	v4 =	vld [tilespmem:s12+$0x4000]  }
0x1a3: {  	v5 =	vld [tilespmem:s12+$0x1810]  }
0x1a4: {  	v6 =	vld [tilespmem:s12+$0x4010]  }
0x1a5: {  	v7 =	vld [tilespmem:s12+$0x4020]  }
0x1a6: {  	v9 =	vld [tilespmem:s12+$0x4030]  }
0x1a7: {  	v10 =	vld [tilespmem:s12+$0x1840]  }
0x1a8: {  	v11 =	vld [tilespmem:s12+$0x1850]  }
0x1a9: {  	v12 =	vld [tilespmem:s12+$0x4050]  }
0x1aa: {  	v13 =	vld [tilespmem:s12+$0x1860];
	v0 =	vadd.f32 v1, v0  }
0x1ab: {  	v14 =	vld [tilespmem:s12+$0x4060]  }
0x1ac: {  	v15 =	vld [tilespmem:s12+$0x6800];
	v0 =	vadd.f32 v3, v0  }
0x1ad: {  	v1 =	vld [tilespmem:s12+$0x1820]  }
0x1ae: {  	v3 =	vld [tilespmem:s12+$0x1830];
	v0 =	vmax.f32 v0, $0.0e+00  }
0x1af: {  	[tilespmem:s12+$0x9070] =	vst v0;
	v0 =	vld [tilespmem:s12+$0x4040]  }
0x1b0: {  	v16 =	vld [tilespmem:s12+$0x6810]  }
0x1b1: {  	v17 =	vld [tilespmem:s12+$0x6820]  }
0x1b2: {  	v8 =	vld [tilespmem:s12+$0x6830];
	v2 =	vadd.f32 v4, v2;
	v18 =	vadd.f32 v6, v5  }
0x1b3: {  	v19 =	vadd.f32 v7, v1;
	v7 =	vld [tilespmem:s12+$0x6840];
	v4 =	vadd.f32 v9, v3  }
0x1b4: {  	v6 =	vld [tilespmem:s12+$0x6850];
	v3 =	vadd.f32 v0, v10;
	v10 =	vadd.f32 v15, v2  }
0x1b5: {  	s21 =	simm.s32 $0x80;
	v5 =	vld [tilespmem:s12+$0x6860];
	v9 =	vadd.f32 v16, v18;
	v2 =	vadd.f32 v12, v11  }
0x1b6: {  	s17 =	simm.s32 $0x400;
	v1 =	vld [tilespmem:s21+$0x1870];
	v0 =	vadd.f32 v14, v13;
	v11 =	vmax.f32 v10, $0.0e+00;
	v10 =	vadd.f32 v17, v19  }
.LBB2_12:
0x1b7: {  	p0 =	sne.s32 s17, $0x4E00;
	v12 =	vld [tilespmem:s21+$0x4070];
	[tilespmem:s12+$0x9000] =	vst v11;
	v9 =	vmax.f32 v9, $0.0e+00;
	v4 =	vadd.f32 v8, v4  }
0x1b8: {  	v8 =	vld [tilespmem:s21+$0x1800];
	[tilespmem:s12+$0x9010] =	vst v9;
	v9 =	vmax.f32 v10, $0.0e+00;
	v3 =	vadd.f32 v7, v3  }
0x1b9: {  	v7 =	vld [tilespmem:s21+$0x6870];
	[tilespmem:s12+$0x9020] =	vst v9;
	v4 =	vmax.f32 v4, $0.0e+00;
	v2 =	vadd.f32 v6, v2  }
0x1ba: {  	v6 =	vld [tilespmem:s21+$0x4000];
	[tilespmem:s12+$0x9030] =	vst v4;
	v3 =	vmax.f32 v3, $0.0e+00;
	v0 =	vadd.f32 v5, v0  }
0x1bb: {  	v4 =	vld [tilespmem:s21+$0x1810];
	[tilespmem:s12+$0x9040] =	vst v3;
	v2 =	vmax.f32 v2, $0.0e+00  }
0x1bc: {  	v3 =	vld [tilespmem:s21+$0x4010];
	v1 =	vadd.f32 v12, v1;
	[tilespmem:s12+$0x9050] =	vst v2;
	v0 =	vmax.f32 v0, $0.0e+00  }
0x1bd: {  	v2 =	vld [tilespmem:s21+$0x1820];
	[tilespmem:s12+$0x9060] =	vst v0;
	s12 =	smov.u32 s21  }
0x1be: {  	v0 =	vld [tilespmem:s12+$0x4020];
	v1 =	vadd.f32 v7, v1  }
0x1bf: {  	v5 =	vadd.f32 v6, v8;
	v6 =	vld [tilespmem:s12+$0x1830]  }
0x1c0: {  	v7 =	vld [tilespmem:s12+$0x4030];
	v1 =	vmax.f32 v1, $0.0e+00  }
0x1c1: {  	v9 =	vadd.f32 v3, v4;
	v3 =	vld [tilespmem:s12+$0x1840];
	[tilespmem:s12+$0x9070] =	vst v1  }
0x1c2: {  	v1 =	vld [tilespmem:s12+$0x4040]  }
0x1c3: {  	v10 =	vadd.f32 v0, v2;
	v0 =	vld [tilespmem:s12+$0x1850]  }
0x1c4: {  	v2 =	vld [tilespmem:s12+$0x4050]  }
0x1c5: {  	v4 =	vadd.f32 v7, v6;
	v6 =	vld [tilespmem:s12+$0x1860]  }
0x1c6: {  	v11 =	vld [tilespmem:s12+$0x4060]  }
0x1c7: {  	v12 =	vld [tilespmem:s12+$0x6800];
	v3 =	vadd.f32 v1, v3  }
0x1c8: {  	v1 =	vld [tilespmem:s12+$0x6810]  }
0x1c9: {  	v13 =	vld [tilespmem:s12+$0x6820];
	v2 =	vadd.f32 v2, v0  }
.Ltmp7:
0x1ca: {  	v8 =	vld [tilespmem:s12+$0x6830];
	(pc) =	sbr.rel @p0 .LBB2_12-.Ltmp7, $4  }
0x1cb: {  	v7 =	vld [tilespmem:s12+$0x6840];
	v0 =	vadd.f32 v11, v6  }
0x1cc: {  	v11 =	vadd.f32 v12, v5;
	v6 =	vld [tilespmem:s12+$0x6850]  }
0x1cd: {  	s21 =	sshra.s32 s17, $0x2;
	v9 =	vadd.f32 v1, v9;
	v5 =	vld [tilespmem:s12+$0x6860]  }
0x1ce: {  	s17 =	sadd.s32 $0x200, s17;
	v1 =	vld [tilespmem:s21+$0x1870];
	v11 =	vmax.f32 v11, $0.0e+00;
	v10 =	vadd.f32 v13, v10  }
0x1cf: {  	v12 =	vld [tilespmem:s21+$0x4070];
	[tilespmem:s12+$0x9000] =	vst v11;
	v9 =	vmax.f32 v9, $0.0e+00;
	v4 =	vadd.f32 v8, v4  }
0x1d0: {  	v11 =	vld [tilespmem:s21+$0x1800];
	[tilespmem:s12+$0x9010] =	vst v9;
	v41 =	vmax.f32 v10, $0.0e+00;
	v3 =	vadd.f32 v7, v3  }
0x1d1: {  	v9 =	vld [tilespmem:s21+$0x6870];
	[tilespmem:s12+$0x9020] =	vst v41;
	v4 =	vmax.f32 v4, $0.0e+00;
	v2 =	vadd.f32 v6, v2  }
0x1d2: {  	v42 =	vld [tilespmem:s21+$0x4000];
	[tilespmem:s12+$0x9030] =	vst v4;
	v3 =	vmax.f32 v3, $0.0e+00;
	v0 =	vadd.f32 v5, v0  }
0x1d3: {  	v4 =	vld [tilespmem:s21+$0x1810];
	[tilespmem:s12+$0x9040] =	vst v3;
	v2 =	vmax.f32 v2, $0.0e+00  }
0x1d4: {  	v3 =	vld [tilespmem:s21+$0x4010];
	[tilespmem:s12+$0x9050] =	vst v2;
	v0 =	vmax.f32 v0, $0.0e+00  }
0x1d5: {  	v2 =	vld [tilespmem:s21+$0x1820];
	[tilespmem:s12+$0x9060] =	vst v0  }
0x1d6: {  	v0 =	vld [tilespmem:s21+$0x4020]  }
0x1d7: {  	v43 =	vld [tilespmem:s21+$0x1830]  }
0x1d8: {  	v44 =	vld [tilespmem:s21+$0x4030]  }
0x1d9: {  	v8 =	vld [tilespmem:s21+$0x1840]  }
0x1da: {  	v45 =	vld [tilespmem:s21+$0x4040]  }
0x1db: {  	v46 =	vld [tilespmem:s21+$0x1850]  }
0x1dc: {  	v47 =	vld [tilespmem:s21+$0x4050]  }
0x1dd: {  	v48 =	vld [tilespmem:s21+$0x1860]  }
0x1de: {  	v13 =	vld [tilespmem:s21+$0x4060]  }
0x1df: {  	v14 =	vld [tilespmem:s21+$0x6800]  }
0x1e0: {  	v15 =	vld [tilespmem:s21+$0x6810]  }
0x1e1: {  	v1 =	vadd.f32 v12, v1;
	v16 =	vld [tilespmem:s21+$0x6820]  }
0x1e2: {  	v49 =	vld [tilespmem:s21+$0x6830];
	v7 =	vadd.f32 v42, v11  }
0x1e3: {  	v1 =	vadd.f32 v9, v1;
	v50 =	vld [tilespmem:s21+$0x6840];
	v3 =	vadd.f32 v3, v4  }
0x1e4: {  	v52 =	vld [tilespmem:s21+$0x6850];
	v0 =	vadd.f32 v0, v2;
	v51 =	vadd.f32 v14, v7  }
0x1e5: {  	v53 =	vld [tilespmem:s21+$0x6860];
	v1 =	vmax.f32 v1, $0.0e+00;
	v5 =	vadd.f32 v44, v43;
	v3 =	vadd.f32 v15, v3  }
0x1e6: {  	[tilespmem:s21+$0x9070] =	vst v1;
	v1 =	vadd.f32 v45, v8;
	v0 =	vadd.f32 v16, v0;
	v2 =	vmax.f32 v51, $0.0e+00  }
0x1e7: {  	v54 =	vadd.f32 v47, v46;
	v55 =	vmax.f32 v3, $0.0e+00;
	v56 =	vadd.f32 v49, v5;
	[tilespmem:s21+$0x9000] =	vst v2  }
0x1e8: {  	v57 =	vadd.f32 v13, v48;
	v1 =	vadd.f32 v50, v1;
	[tilespmem:s21+$0x9010] =	vst v55;
	v0 =	vmax.f32 v0, $0.0e+00  }
0x1e9: {  	v59 =	vadd.f32 v52, v54;
	v58 =	vmax.f32 v56, $0.0e+00;
	[tilespmem:s21+$0x9020] =	vst v0  }
0x1ea: {  	v61 =	vadd.f32 v53, v57;
	v60 =	vmax.f32 v1, $0.0e+00;
	[tilespmem:s21+$0x9030] =	vst v58  }
0x1eb: {  	v62 =	vmax.f32 v59, $0.0e+00;
	[tilespmem:s21+$0x9040] =	vst v60  }
0x1ec: {  	v63 =	vmax.f32 v61, $0.0e+00;
	[tilespmem:s21+$0x9050] =	vst v62  }
0x1ed: {  	s28 =	simm.s32 $0x180;
	[tilespmem:s21+$0x9060] =	vst v63  }
0x1ee: {  	[spmem:s1] =	stream.indirect.scatter.add.f32 [tilespmem:s14], [sflag:$0x7], $0x80, s28, s26, $0xb8;
	[tilespmem:$0x1E000] =	vst v63  }
0x1ef: {  	_ =	swait.ge [sflag:s22], $0x1400  }
0x1f0: {  	[sflag:s22] =	ssyncset.done $0x0  }
0x1f1: {  	[sflag:s22] =	ssyncadd.s32 $0xFFFFEC00  }
.LBB2_14:
.Ltmp8:
0x1f2: {  	(pc) =	sbr.rel @p1 .LBB2_16-.Ltmp8, $1  }
0x1f3: {  	_ =	sdelay $0x3  }
0x1f4: {  	s12 =	sadd.s32 s24, s19  }
.Ltmp9:
0x1f5: {  	s12 =	sshrl.u32 s12, $0x3;
	(pc) =	sbr.rel .LBB2_2-.Ltmp9, $4  }
0x1f6: {  	s15 =	sadd.s32 s7, s12  }
0x1f7: {  	[tilespmem:s31], [sflag:$0x2] =	stream.linear.gather [hbm4b:s15+s3], $0x28, $0x38;
	[tilespmem:$0x1E000] =	vst v63  }
0x1f8: {  	s20 =	sadd.s32 $0x1, s20;
	s12 =	sadd.s32 s8, s12  }
0x1f9: {  	[tilespmem:s0], [sflag:$0x2] =	stream.linear.gather [hbm4b:s12+s3], $0x28, $0x38;
	[tilespmem:$0x1E000] =	vst v63  }
.LBB2_17:
0x1fa: {  	_ =	sfence.sel $0x180000  }
0x1fb: {  	[bflag:$0x0] =	sbarrier.arrive $0xFFFF  }
0x1fc: {  	_ =	strace $0x9000004A  }
0x1fd: {  	s0 =	stileid.u32;
	[bflag:$0x2] =	sbarrier.arrive $0xFFFF  }
0x1fe: {  	p0 =	sne.s32 s0, $0x0;
	s0 =	rddreg [dreg:$0x2]  }
0x1ff: {  	s0 =	sadd.s32 @!p0 $0x100000, s0  }
0x200: {  	[sflag:s0] =	ssyncadd.tile.s32 @!p0 $0x1;
	_ =	shalt  }
.Lfunc_end2:
_tile_overlayer_lowered:
.L_overlay_start_2:
0x201: {  	(tag) =	ssettag $0x2  }
0x202: {  	s0 =	rddreg [dreg:$0x0];
	s2 =	stileid.u32  }
0x203: {  	s1 =	rddreg [dreg:$0x1];
	p0 =	sne.s32 s2, $0x0  }
0x204: {  	s3 =	rddreg [dreg:$0x2];
	[bflag:$0x3] =	sbarrier.arrive $0xFFFF;
	s2 =	simm.s32 @!p0 $0x1C07  }
0x205: {  	[timem:s3], [sflag:s2] =	dma.local @!p0 [hbm:s0], s1  }
0x206: {  	s0 =	simm.s32 @!p0 $0x7  }
0x207: {  	_ =	swait.ge @!p0 [sflag:s0], s1  }
0x208: {  	s1 =	ssub.s32 @!p0 $0x0, s1;
	[sflag:s0] =	ssyncset.done @!p0 $0x0  }
0x209: {  	[sflag:s0] =	ssyncadd.s32 @!p0 s1  }
0x20a: {  	[bflag:$0x3] =	sbarrier.arrive $0xFFFF  }
0x20b: {  	_ =	shalt  }

// kernel: kernel.15.cloned.1.call-start
scs
__scs_entry_jumppad:
0x0: {  	(pc) =	sbr.rel $0x88, $3  }
0x1: {  	(tag) =	ssettag $0x0;
	lr =	simm.s32 $0x1  }
0x2: {  	[smem:$0x3F89] =	sst lr;
	_ =	strace $0xD0000000  }
0x3: {  	_ = 	snop  }
0x4: {  	_ = 	snop  }
0x5: {  	_ = 	snop  }
0x6: {  	_ = 	snop  }
0x7: {  	_ = 	snop  }
__scs_overlays_trampoline_lowered:
0x8: {  	[smem:$0x3F98] =	sst s0  }
0x9: {  	[smem:$0x3F99] =	sst s1  }
0xa: {  	[smem:$0x3F9A] =	sst s2  }
0xb: {  	[smem:$0x3F9B] =	sst s3  }
0xc: {  	[smem:$0x3F9C] =	sst s4  }
0xd: {  	[smem:$0x3F9D] =	sst s5  }
0xe: {  	[smem:$0x3F9E] =	sst s6  }
0xf: {  	[smem:$0x3F9F] =	sst s7  }
0x10: {  	[smem:$0x3FA0] =	sst s8  }
0x11: {  	[smem:$0x3FA1] =	sst s9;
	s0 =	simm.s32 @!p0 $0x0  }
0x12: {  	s1 =	sld [smem:$0x3F87];
	s0 =	simm.s32 @p0 $0x1  }
0x13: {  	[smem:$0x3FA2] =	sst s0;
	s0 =	simm.s32 @!p1 $0x0  }
0x14: {  	s2 =	sld [smem:$0x3F86];
	s0 =	simm.s32 @p1 $0x1  }
0x15: {  	[smem:$0x3FA3] =	sst s0;
	s0 =	simm.s32 @!p2 $0x0  }
0x16: {  	s3 =	sld [smem:$0x3FDB];
	s0 =	simm.s32 @p2 $0x1  }
0x17: {  	s4 =	simm.s32 $0x1BF5;
	[smem:$0x3FA5] =	sst s0  }
0x18: {  	s0 =	sld [smem:$0x3F88];
	_ =	swait.ge [sflag:s4], $0x0  }
0x19: {  	s7 =	sld [smem:$0x3F89]  }
0x1a: {  	s8 =	sadd.s32 $0xFFFFE003, lr  }
0x1b: {  	s9 =	sadd.s32 $0xFFFFFEF7, lr;
	s5 =	simm.s32 $0xFFFFFFFF;
	p2 =	slt.u32 s8, $0xFFFFF086  }
0x1c: {  	p1 =	slt.u32 s9, $0xF7A;
	s5 =	simm.s32 @!p2 $0x0  }
0x1d: {  	s5 =	simm.s32 @p1 $0x1;
	p0 =	seq.s32 s7, s2  }
0x1e: {  	s7 =	smul.u32 @!p0 $0xF7A, s2;
	p2 =	seq.s32 @!p0 s5, $0x0  }
0x1f: {  	s9 =	smul.u32 $0xF7A, s1;
	s8 =	simm.s32 @!p0 $0x1BF5;
	p2 =	por !p2, p0  }
0x20: {  	[sflag:s8] =	ssyncset.s32 @!p0 $0xFFFFF086;
	s6 =	sadd.s32 @!p0 s3, s7;
	s7 =	simm.s32 @!p0 $0x108  }
0x21: {  	s3 =	sadd.s32 s3, s9;
	s6 =	sadd.s32 @!p0 $0x88, s6;
	s7 =	simm.s32 @p2 $0x1082  }
0x22: {  	[simem:s7], [sflag:s8] =	dma.local @!p0 [hbm:s6], $0xF7A  }
0x23: {  	s9 =	sor.u32 $0xD0000000, s2;
	s6 =	simm.s32 $0x108;
	_ =	swait.ge @!p0 [sflag:s8], $0x0  }
0x24: {  	s3 =	sadd.s32 $0x88, s3;
	s6 =	simm.s32 @!p1 $0x1082;
	[sflag:s4] =	ssyncset.s32 $0xFFFFF086  }
0x25: {  	[simem:s6], [sflag:s4] =	dma.local [hbm:s3], $0xF7A  }
0x26: {  	[smem:$0x3F89] =	sst s1;
	(tag) =	ssettag s2;
	_ =	strace s9  }
0x27: {  	s1 =	sld [smem:$0x3F99]  }
0x28: {  	s2 =	sld [smem:$0x3F9A]  }
0x29: {  	s4 =	sld [smem:$0x3F9C]  }
0x2a: {  	p0 =	seq.s32 s5, $0x0;
	s5 =	sld [smem:$0x3F9D]  }
0x2b: {  	s6 =	sld [smem:$0x3F9E]  }
0x2c: {  	s7 =	sld [smem:$0x3F9F]  }
0x2d: {  	s3 =	simm.s32 $0x108;
	s8 =	sld [smem:$0x3FA0]  }
0x2e: {  	s3 =	simm.s32 @!p0 $0x1082;
	s9 =	sld [smem:$0x3FA1]  }
0x2f: {  	lr =	sadd.s32 s0, s3;
	s0 =	sld [smem:$0x3F98]  }
0x30: {  	s3 =	sld [smem:$0x3F9B]  }
0x31: {  	[smem:$0x3FA4] =	sst s10  }
0x32: {  	s10 =	sld [smem:$0x3FA2];
	_ =	sdelay $0x3  }
0x33: {  	p0 =	seq.s32 s10, $0x1;
	s10 =	sld [smem:$0x3FA4];
	_ =	sdelay $0x3  }
0x34: {  	[smem:$0x3FA4] =	sst s10  }
0x35: {  	s10 =	sld [smem:$0x3FA3];
	_ =	sdelay $0x3  }
0x36: {  	p1 =	seq.s32 s10, $0x1;
	s10 =	sld [smem:$0x3FA4];
	_ =	sdelay $0x3  }
0x37: {  	[smem:$0x3FA4] =	sst s10  }
0x38: {  	s10 =	sld [smem:$0x3FA5]  }
0x39: {  	_ = 	snop;
	(pc) =	sbr.ind lr, $3  }
0x3a: {  	_ = 	snop  }
0x3b: {  	_ = 	snop  }
0x3c: {  	p2 =	seq.s32 s10, $0x1;
	s10 =	sld [smem:$0x3FA4]  }
0x3d: {  	_ =	shalt  }
0x3e: {  	_ =	shalt  }
0x3f: {  	_ =	shalt  }
0x40: {  	_ =	shalt  }
0x41: {  	_ =	shalt  }
0x42: {  	_ =	shalt  }
0x43: {  	_ =	shalt  }
0x44: {  	_ =	shalt  }
0x45: {  	_ =	shalt  }
0x46: {  	_ =	shalt  }
0x47: {  	_ =	shalt  }
0x48: {  	_ =	shalt  }
0x49: {  	_ =	shalt  }
0x4a: {  	_ =	shalt  }
0x4b: {  	_ =	shalt  }
0x4c: {  	_ =	shalt  }
0x4d: {  	_ =	shalt  }
0x4e: {  	_ =	shalt  }
0x4f: {  	_ =	shalt  }
0x50: {  	_ =	shalt  }
0x51: {  	_ =	shalt  }
0x52: {  	_ =	shalt  }
0x53: {  	_ =	shalt  }
0x54: {  	_ =	shalt  }
0x55: {  	_ =	shalt  }
0x56: {  	_ =	shalt  }
0x57: {  	_ =	shalt  }
0x58: {  	_ =	shalt  }
0x59: {  	_ =	shalt  }
0x5a: {  	_ =	shalt  }
0x5b: {  	_ =	shalt  }
0x5c: {  	_ =	shalt  }
0x5d: {  	_ =	shalt  }
0x5e: {  	_ =	shalt  }
0x5f: {  	_ =	shalt  }
0x60: {  	_ =	shalt  }
0x61: {  	_ =	shalt  }
0x62: {  	_ =	shalt  }
0x63: {  	_ =	shalt  }
0x64: {  	_ =	shalt  }
0x65: {  	_ =	shalt  }
0x66: {  	_ =	shalt  }
0x67: {  	_ =	shalt  }
0x68: {  	_ =	shalt  }
0x69: {  	_ =	shalt  }
0x6a: {  	_ =	shalt  }
0x6b: {  	_ =	shalt  }
0x6c: {  	_ =	shalt  }
0x6d: {  	_ =	shalt  }
0x6e: {  	_ =	shalt  }
0x6f: {  	_ =	shalt  }
0x70: {  	_ =	shalt  }
0x71: {  	_ =	shalt  }
0x72: {  	_ =	shalt  }
0x73: {  	_ =	shalt  }
0x74: {  	_ =	shalt  }
0x75: {  	_ =	shalt  }
0x76: {  	_ =	shalt  }
0x77: {  	_ =	shalt  }
0x78: {  	_ =	shalt  }
0x79: {  	_ =	shalt  }
0x7a: {  	_ =	shalt  }
0x7b: {  	_ =	shalt  }
0x7c: {  	_ =	shalt  }
0x7d: {  	_ =	shalt  }
0x7e: {  	_ =	shalt  }
0x7f: {  	_ =	shalt  }
0x80: {  	_ =	shalt  }
0x81: {  	_ =	shalt  }
0x82: {  	_ =	shalt  }
0x83: {  	_ =	shalt  }
0x84: {  	_ =	shalt  }
0x85: {  	_ =	shalt  }
0x86: {  	_ =	shalt  }
0x87: {  	_ =	shalt  }
.Lfunc_end0:
.L_simem_size_0:
called_computation.2_lowered:
.L_overlay_start_0:
0x88: {  	s2 =	sld [smem:$0x3FD9]  }
0x89: {  	s3 =	sld [smem:$0x3FFE];
	_ =	sdelay $0x1  }
0x8a: {  	s1 =	srdreg.scid  }
0x8b: {  	s0 =	sand.u32 $0x1, s1  }
0x8c: {  	s16 =	sshll.u32 s0, $0xA;
	s2 =	sadd.s32 s3, s2  }
0x8d: {  	s2 =	sadd.s32 s2, s16  }
0x8e: {  	[smem:$0x3FB0] =	sst s2  }
0x8f: {  	_ = 	snop  }
0x90: {  	(tm) =	ssettm $0x1  }
0x91: {  	s17 =	sld [smem:$0x3FFB];
	_ =	sdelay $0x3  }
0x92: {  	_ =	strace s17  }
0x93: {  	s2 =	sld [smem:$0x3FFC];
	_ =	sdelay $0x3  }
0x94: {  	_ =	strace s2  }
0x95: {  	s2 =	sld [smem:$0x3FFD];
	_ =	sdelay $0x3  }
0x96: {  	_ =	strace s2  }
0x97: {  	_ =	strace $0x8FFFFFFF  }
0x98: {  	s18 =	sld [smem:$0x3FDB];
	_ =	sdelay $0x1  }
0x99: {  	s19 =	simm.s32 $_scs_section_size  }
0x9a: {  	s4 =	simm.s32 $_size__tile_overlayer_lowered;
	s5 =	simm.s32 $_tile_overlayer_lowered  }
0x9b: {  	s22 =	simm.s32 $0x1BFF;
	s21 =	sshll.u32 s5, $0x1;
	s2 =	sadd.s32 s19, s18  }
0x9c: {  	s6 =	simm.s32 $0x0;
	s20 =	sshll.u32 s4, $0x1;
	s4 =	sadd.s32 s21, s2  }
0x9d: {  	[timem:s6], [sflag:s22] =	dma.local [hbm:s4], s20  }
0x9e: {  	_ =	swait.ge [sflag:s22], s20  }
0x9f: {  	s3 =	ssub.s32 $0x0, s20;
	[sflag:s22] =	ssyncset.done $0x0  }
0xa0: {  	[sflag:s22] =	ssyncadd.s32 s3;
	_ =	sdelay $0x1  }
0xa1: {  	s23 =	simm.s32 $0x1B8B  }
0xa2: {  	_ =	swait.ge [sflag:s23], $0x1  }
0xa3: {  	[sflag:s23] =	ssyncset.done $0x0  }
0xa4: {  	s25 =	simm.s32 $0x1B8E;
	s24 =	sld [smem:$0x3FFE];
	[sflag:s23] =	ssyncadd.s32 $0xFFFFFFFF  }
0xa5: {  	s26 =	simm.s32 $execute0_lowered;
	[smem:$0x3FD2] =	sst s25  }
0xa6: {  	s4 =	sshll.u32 s26, $0x1;
	_ =	strace $0x8000004C;
	[dreg:$0x1] =	wrdreg $0xFFFFFFFF  }
0xa7: {  	s28 =	simm.s32 $_size_execute0_lowered;
	s2 =	sadd.s32 s2, s4;
	[dreg:$0x0] =	wrdreg $0x0  }
0xa8: {  	s4 =	sshll.u32 s28, $0x1;
	[dreg:$0x2] =	wrdreg s2  }
0xa9: {  	[dreg:$0x3] =	wrdreg s4  }
0xaa: {  	[dreg:$0x4] =	wrdreg $0xC0  }
0xab: {  	_ =	task [dreg:s6], $0x5FFFF  }
0xac: {  	[dreg:$0x1] =	wrdreg $0xFFFFFFFF  }
0xad: {  	[dreg:$0x0] =	wrdreg $0x60  }
0xae: {  	[dreg:$0x2] =	wrdreg s24  }
0xaf: {  	[dreg:$0x3] =	wrdreg $0xA4000  }
0xb0: {  	[dreg:$0x4] =	wrdreg $0x9  }
0xb1: {  	_ =	task.clear_ibuf [dreg:s6], $0x5FFFF;
	_ =	strace $0x9000004C  }
0xb2: {  	s29 =	simm.s32 $0x9;
	_ =	strace $0x8000004E  }
0xb3: {  	_ =	swait.ge [sflag:s29], $0x1  }
0xb4: {  	[sflag:s29] =	ssyncadd.s32 $0xFFFFFFFF  }
0xb5: {  	_ =	strace $0x9000004E  }
0xb6: {  	_ =	sfence  }
0xb7: {  	s30 =	sld [smem:$0x0];
	_ =	sdelay $0x2  }
0xb8: {  	s31 =	sshll.u32 s1, $0xD;
	s1 =	sshrl.u32 s1, $0x2  }
0xb9: {  	s3 =	sand.u32 $0x4000, s31;
	s1 =	sadd.s32 s1, s30  }
0xba: {  	s0 =	sor.u32 s3, s0;
	s1 =	sshll.u32 s1, $0x11  }
0xbb: {  	s0 =	sor.u32 s1, s0  }
0xbc: {  	s0 =	sadd.s32 $0x8F2B, s0  }
0xbd: {  	[sflag:s0] =	ssyncadd.remote.s32 $0x1  }
0xbe: {  	_ =	sfence.sel $0xFFFF  }
0xbf: {  	[dreg:$0x0] =	wrdreg $0xFFFFFFFF;
	(pc) =	sbr.abs _section_cstart, $3  }
0xc0: {  	[dreg:$0x1] =	wrdreg $0xFFFFFFFF  }
0xc1: {  	_ =	task.clear_ibuf [dreg:s6], $0x2FFFF;
	_ =	strace $0x9FFFFFFF  }
0xc2: {  	(tm) =	ssettm $0x7FFFFFFF  }
0xc3: {  	_ =	shalt  }
tec
execute0_lowered:
.L_overlay_start_1:
0x0: {  	(tag) =	ssettag $0x1  }
0x1: {  	s0 =	rddreg [dreg:$0x0]  }
0x2: {  	s1 =	rddreg [dreg:$0x1];
	s3 =	simm.s32 $0x0;
	s15 =	stileid.u32  }
0x3: {  	s8 =	srdreg.scid;
	s31 =	simm.s32 $0x80;
	s29 =	simm.s32 $0x4000  }
0x4: {  	s30 =	simm.s32 $0x6800;
	s17 =	simm.s32 $0x0;
	[smem:$0x7FF] =	sst s3  }
0x5: {  	s4 =	sadd.s32 $0xAA0E00, s0;
	s5 =	sadd.s32 $0x40200, s0;
	s2 =	smul.u32 $0x2780, s15  }
0x6: {  	s6 =	sadd.s32 $0x67400, s0;
	s7 =	sadd.s32 $0x36400, s0;
	s9 =	sand.u32 $0x1, s8  }
0x7: {  	s8 =	sadd.s32 $0x2C600, s0;
	s13 =	smul.u32 $0x4F000, s15;
	s22 =	sshll.u32 s15, $0x6  }
0x8: {  	_ =	strace $0x8000004D;
	s11 =	smul.u32 $0x27800, s9;
	s12 =	ssub.s32 $0x2, s9  }
0x9: {  	s9 =	sshll.u32 s9, $0x4;
	s16 =	sor.u32 $0x1C07, s22;
	s22 =	simm.s32 $0x7  }
0xa: {  	s10 =	sadd.s32 s2, s0;
	s20 =	sshrl.u32 s12, $0x1;
	s14 =	sor.u32 s15, s9  }
0xb: {  	s21 =	sshrl.u32 s13, $0x2;
	[dreg:$0x4] =	wrdreg s16;
	s0 =	sadd.s32 s11, s0  }
0xc: {  	s12 =	ssub.s32 s12, s20;
	s9 =	smul.u32 $0x2710, s14;
	s10 =	sadd.s32 $0xDCA00, s10  }
0xd: {  	s13 =	sadd.s32 s21, s1;
	s14 =	smul.u32 $0x27100, s14;
	[dreg:$0x3] =	wrdreg s10  }
0xe: {  	s0 =	sadd.s32 $0x104200, s0;
	s28 =	smax.u32 s12, $0x1;
	s23 =	sshrl.u32 s9, $0x3  }
0xf: {  	s11 =	sadd.s32 $0x28, s9;
	s14 =	sadd.s32 s4, s14;
	s18 =	sadd.s32 $0xA0, s9  }
0x10: {  	s19 =	sadd.s32 $0xC8, s9;
	[dreg:$0xa] =	wrdreg s28;
	s0 =	sadd.s32 s2, s0  }
0x11: {  	s2 =	simm.s32 $0x2;
	s24 =	sadd.s32 s7, s23;
	[dreg:$0x7] =	wrdreg s14  }
0x12: {  	s25 =	sshrl.u32 s11, $0x3;
	s15 =	sadd.s32 s8, s23;
	[dreg:$0xc] =	wrdreg s0  }
.Ltmp0:
0x13: {  	s0 =	simm.s32 $0x280;
	[dreg:$0x5] =	wrdreg s24;
	(pc) =	sbr.rel .LBB2_1-.Ltmp0, $4  }
0x14: {  	s23 =	simm.s32 $0x7C00;
	[dreg:$0x6] =	wrdreg s15;
	s26 =	sadd.s32 s7, s25  }
0x15: {  	s14 =	simm.s32 $0x9000;
	s10 =	sadd.s32 s8, s25;
	[dreg:$0x8] =	wrdreg s26  }
0x16: {  	s15 =	sshrl.u32 s13, $0x3;
	s13 =	simm.s32 $0x6;
	[dreg:$0x9] =	wrdreg s10  }
0x17: {  	s26 =	simm.s32 $0x28;
	s10 =	simm.s32 $0x5;
	[dreg:$0xb] =	wrdreg s15  }
.LBB2_16:
0x18: {  	[bflag:$0x0] =	sbarrier.arrive $0xFFFF  }
0x19: {  	s16 =	rddreg [dreg:$0x4]  }
0x1a: {  	s15 =	rddreg [dreg:$0xb]  }
0x1b: {  	s12 =	rddreg [dreg:$0xc]  }
0x1c: {  	[hbm:s12], [sflag:s16] =	dma.local [spmem:s15], $0x2780  }
0x1d: {  	_ =	swait.ge [sflag:s22], $0x2780  }
0x1e: {  	s17 =	rddreg [dreg:$0xd]  }
0x1f: {  	s28 =	rddreg [dreg:$0xa];
	s17 =	sadd.s32 $0x1, s17  }
0x20: {  	p0 =	sne.s32 s17, s28  }
.Ltmp1:
0x21: {  	_ = 	snop;
	(pc) =	sbr.rel @!p0 .LBB2_17-.Ltmp1, $3  }
0x22: {  	_ =	sdelay $0x1  }
0x23: {  	[sflag:s22] =	ssyncset.done $0x0  }
0x24: {  	[sflag:s22] =	ssyncadd.s32 $0xFFFFD880  }
.LBB2_1:
0x25: {  	[dreg:$0xd] =	wrdreg s17  }
0x26: {  	s12 =	rddreg [dreg:$0x3]  }
0x27: {  	[spmem:s15], [sflag:s16] =	dma.local [hbm:s12], $0x2780  }
0x28: {  	_ =	swait.ge [sflag:s22], $0x2780  }
0x29: {  	[sflag:s22] =	ssyncset.done $0x0  }
0x2a: {  	[sflag:s22] =	ssyncadd.s32 $0xFFFFD880  }
0x2b: {  	[bflag:$0x0] =	sbarrier.arrive $0xFFFF  }
0x2c: {  	s24 =	rddreg [dreg:$0x5]  }
0x2d: {  	[tilespmem:s3], [sflag:$0x1] =	stream.linear.gather [hbm4b:s24+s3], $0x28, $0x38;
	[tilespmem:$0x1E000] =	vst v63  }
0x2e: {  	s28 =	simm.s32 $0x200;
	s16 =	simm.s32 $0x1;
	s25 =	rddreg [dreg:$0x6]  }
0x2f: {  	[tilespmem:s28], [sflag:$0x1] =	stream.linear.gather [hbm4b:s25+s3], $0x28, $0x38;
	[tilespmem:$0x1E000] =	vst v63  }
0x30: {  	_ =	swait.ge [sflag:s16], $0x28  }
0x31: {  	[sflag:s16] =	ssyncset.done $0x0  }
0x32: {  	[sflag:s16] =	ssyncadd.s32 $0xFFFFFFD8  }
0x33: {  	_ =	swait.ge [sflag:s16], $0x28  }
0x34: {  	[sflag:s16] =	ssyncset.done $0x0  }
0x35: {  	s17 =	simm.s32 $0x400;
	[sflag:s16] =	ssyncadd.s32 $0xFFFFFFD8  }
0x36: {  	[tilespmem:s17], [sflag:$0x5] =	stream.indirect.gather [hbm4b:s5+s26], $0x80, s3, s26, $0xb8;
	[tilespmem:$0x1E000] =	vst v63  }
0x37: {  	s20 =	simm.s32 $0x2C00  }
0x38: {  	[tilespmem:s20], [sflag:$0x5] =	stream.indirect.gather [hbm4b:s6+s26], $0x80, s28, s26, $0xb8;
	[tilespmem:$0x1E000] =	vst v63  }
0x39: {  	s24 =	simm.s32 $0x5400;
	s21 =	rddreg [dreg:$0x7]  }
0x3a: {  	[tilespmem:s24], [sflag:$0x5] =	stream.linear.gather [hbm4b:s21+s3], $0x1400, $0x38;
	[tilespmem:$0x1E000] =	vst v63  }
0x3b: {  	s25 =	rddreg [dreg:$0x8]  }
0x3c: {  	[tilespmem:s31], [sflag:$0x2] =	stream.linear.gather [hbm4b:s25+s3], $0x28, $0x38;
	[tilespmem:$0x1E000] =	vst v63  }
0x3d: {  	s28 =	rddreg [dreg:$0x9];
	s20 =	simm.s32 $0x0  }
0x3e: {  	[tilespmem:s0], [sflag:$0x2] =	stream.linear.gather [hbm4b:s28+s3], $0x28, $0x38;
	[tilespmem:$0x1E000] =	vst v63  }
.LBB2_2:
0x3f: {  	_ =	swait.ge [sflag:s2], $0x28  }
0x40: {  	[sflag:s2] =	ssyncset.done $0x0  }
0x41: {  	[sflag:s2] =	ssyncadd.s32 $0xFFFFFFD8  }
0x42: {  	s24 =	smul.u32 $0xA0, s20;
	_ =	swait.ge [sflag:s2], $0x28  }
0x43: {  	[sflag:s2] =	ssyncset.done $0x0  }
0x44: {  	s12 =	simm.s32 $0x1800;
	s28 =	sadd.s32 s24, s11;
	[sflag:s2] =	ssyncadd.s32 $0xFFFFFFD8  }
0x45: {  	[tilespmem:s12], [sflag:$0x6] =	stream.indirect.gather [hbm4b:s5+s26], $0x80, s31, s26, $0xb8;
	[tilespmem:$0x1E000] =	vst v63  }
0x46: {  	s12 =	sshll.u32 s28, $0x4  }
0x47: {  	[tilespmem:s29], [sflag:$0x6] =	stream.indirect.gather [hbm4b:s6+s26], $0x80, s0, s26, $0xb8;
	[tilespmem:$0x1E000] =	vst v63  }
0x48: {  	s17 =	simm.s32 $0x0;
	s12 =	sadd.s32 s4, s12  }
0x49: {  	[tilespmem:s30], [sflag:$0x6] =	stream.linear.gather [hbm4b:s12+s17], $0x1400, $0x38;
	[tilespmem:$0x1E000] =	vst v63  }
0x4a: {  	_ =	swait.ge [sflag:s10], $0x1400  }
0x4b: {  	[sflag:s10] =	ssyncset.done $0x0  }
0x4c: {  	[sflag:s10] =	ssyncadd.s32 $0xFFFFEC00  }
0x4d: {  	_ =	swait.ge [sflag:s10], $0x1400  }
0x4e: {  	[sflag:s10] =	ssyncset.done $0x0  }
0x4f: {  	[sflag:s10] =	ssyncadd.s32 $0xFFFFEC00  }
0x50: {  	_ =	swait.ge [sflag:s10], $0x1400  }
0x51: {  	[sflag:s10] =	ssyncset.done $0x0  }
0x52: {  	s12 =	simm.s32 $0x0;
	[sflag:s10] =	ssyncadd.s32 $0xFFFFEC00  }
0x53: {  	v0 =	vld [tilespmem:s12+$0x470]  }
0x54: {  	v1 =	vld [tilespmem:s12+$0x2C70]  }
0x55: {  	v2 =	vld [tilespmem:s12+$0x400]  }
0x56: {  	v3 =	vld [tilespmem:s12+$0x5470]  }
0x57: {  	v4 =	vld [tilespmem:s12+$0x2C00]  }
0x58: {  	v5 =	vld [tilespmem:s12+$0x410]  }
0x59: {  	v6 =	vld [tilespmem:s12+$0x2C10]  }
0x5a: {  	v7 =	vld [tilespmem:s12+$0x2C20]  }
0x5b: {  	v9 =	vld [tilespmem:s12+$0x2C30]  }
0x5c: {  	v10 =	vld [tilespmem:s12+$0x440]  }
0x5d: {  	v11 =	vld [tilespmem:s12+$0x450]  }
0x5e: {  	v12 =	vld [tilespmem:s12+$0x2C50]  }
0x5f: {  	v13 =	vld [tilespmem:s12+$0x460];
	v0 =	vadd.f32 v1, v0  }
0x60: {  	v14 =	vld [tilespmem:s12+$0x2C60]  }
0x61: {  	v15 =	vld [tilespmem:s12+$0x5400];
	v0 =	vadd.f32 v3, v0  }
0x62: {  	v1 =	vld [tilespmem:s12+$0x420]  }
0x63: {  	v3 =	vld [tilespmem:s12+$0x430];
	v0 =	vmax.f32 v0, $0.0e+00  }
0x64: {  	[tilespmem:s12+$0x7C70] =	vst v0;
	v0 =	vld [tilespmem:s12+$0x2C40]  }
0x65: {  	v16 =	vld [tilespmem:s12+$0x5410]  }
0x66: {  	v17 =	vld [tilespmem:s12+$0x5420]  }
0x67: {  	v8 =	vld [tilespmem:s12+$0x5430];
	v2 =	vadd.f32 v4, v2;
	v18 =	vadd.f32 v6, v5  }
0x68: {  	v19 =	vadd.f32 v7, v1;
	v7 =	vld [tilespmem:s12+$0x5440];
	v4 =	vadd.f32 v9, v3  }
0x69: {  	v6 =	vld [tilespmem:s12+$0x5450];
	v3 =	vadd.f32 v0, v10;
	v10 =	vadd.f32 v15, v2  }
0x6a: {  	s21 =	simm.s32 $0x80;
	v5 =	vld [tilespmem:s12+$0x5460];
	v9 =	vadd.f32 v16, v18;
	v2 =	vadd.f32 v12, v11  }
0x6b: {  	s25 =	simm.s32 $0x400;
	v1 =	vld [tilespmem:s21+$0x470];
	v0 =	vadd.f32 v14, v13;
	v11 =	vmax.f32 v10, $0.0e+00;
	v10 =	vadd.f32 v17, v19  }
.LBB2_3:
0x6c: {  	p0 =	sne.s32 s25, $0x4E00;
	v12 =	vld [tilespmem:s21+$0x2C70];
	[tilespmem:s12+$0x7C00] =	vst v11;
	v9 =	vmax.f32 v9, $0.0e+00;
	v4 =	vadd.f32 v8, v4  }
0x6d: {  	v8 =	vld [tilespmem:s21+$0x400];
	[tilespmem:s12+$0x7C10] =	vst v9;
	v9 =	vmax.f32 v10, $0.0e+00;
	v3 =	vadd.f32 v7, v3  }
0x6e: {  	v7 =	vld [tilespmem:s21+$0x5470];
	[tilespmem:s12+$0x7C20] =	vst v9;
	v4 =	vmax.f32 v4, $0.0e+00;
	v2 =	vadd.f32 v6, v2  }
0x6f: {  	v6 =	vld [tilespmem:s21+$0x2C00];
	[tilespmem:s12+$0x7C30] =	vst v4;
	v3 =	vmax.f32 v3, $0.0e+00;
	v0 =	vadd.f32 v5, v0  }
0x70: {  	v4 =	vld [tilespmem:s21+$0x410];
	[tilespmem:s12+$0x7C40] =	vst v3;
	v2 =	vmax.f32 v2, $0.0e+00  }
0x71: {  	v3 =	vld [tilespmem:s21+$0x2C10];
	v1 =	vadd.f32 v12, v1;
	[tilespmem:s12+$0x7C50] =	vst v2;
	v0 =	vmax.f32 v0, $0.0e+00  }
0x72: {  	v2 =	vld [tilespmem:s21+$0x420];
	[tilespmem:s12+$0x7C60] =	vst v0;
	s12 =	smov.u32 s21  }
0x73: {  	v0 =	vld [tilespmem:s12+$0x2C20];
	v1 =	vadd.f32 v7, v1  }
0x74: {  	v5 =	vadd.f32 v6, v8;
	v6 =	vld [tilespmem:s12+$0x430]  }
0x75: {  	v7 =	vld [tilespmem:s12+$0x2C30];
	v1 =	vmax.f32 v1, $0.0e+00  }
0x76: {  	v9 =	vadd.f32 v3, v4;
	v3 =	vld [tilespmem:s12+$0x440];
	[tilespmem:s12+$0x7C70] =	vst v1  }
0x77: {  	v1 =	vld [tilespmem:s12+$0x2C40]  }
0x78: {  	v10 =	vadd.f32 v0, v2;
	v0 =	vld [tilespmem:s12+$0x450]  }
0x79: {  	v2 =	vld [tilespmem:s12+$0x2C50]  }
0x7a: {  	v4 =	vadd.f32 v7, v6;
	v6 =	vld [tilespmem:s12+$0x460]  }
0x7b: {  	v11 =	vld [tilespmem:s12+$0x2C60]  }
0x7c: {  	v12 =	vld [tilespmem:s12+$0x5400];
	v3 =	vadd.f32 v1, v3  }
0x7d: {  	v1 =	vld [tilespmem:s12+$0x5410]  }
0x7e: {  	v13 =	vld [tilespmem:s12+$0x5420];
	v2 =	vadd.f32 v2, v0  }
.Ltmp2:
0x7f: {  	v8 =	vld [tilespmem:s12+$0x5430];
	(pc) =	sbr.rel @p0 .LBB2_3-.Ltmp2, $4  }
0x80: {  	v7 =	vld [tilespmem:s12+$0x5440];
	v0 =	vadd.f32 v11, v6  }
0x81: {  	v11 =	vadd.f32 v12, v5;
	v6 =	vld [tilespmem:s12+$0x5450]  }
0x82: {  	s21 =	sshra.s32 s25, $0x2;
	v9 =	vadd.f32 v1, v9;
	v5 =	vld [tilespmem:s12+$0x5460]  }
0x83: {  	s25 =	sadd.s32 $0x200, s25;
	v1 =	vld [tilespmem:s21+$0x470];
	v11 =	vmax.f32 v11, $0.0e+00;
	v10 =	vadd.f32 v13, v10  }
0x84: {  	v12 =	vld [tilespmem:s21+$0x2C70];
	[tilespmem:s12+$0x7C00] =	vst v11;
	v9 =	vmax.f32 v9, $0.0e+00;
	v4 =	vadd.f32 v8, v4  }
0x85: {  	v11 =	vld [tilespmem:s21+$0x400];
	[tilespmem:s12+$0x7C10] =	vst v9;
	v8 =	vmax.f32 v10, $0.0e+00;
	v3 =	vadd.f32 v7, v3  }
0x86: {  	v9 =	vld [tilespmem:s21+$0x5470];
	[tilespmem:s12+$0x7C20] =	vst v8;
	v4 =	vmax.f32 v4, $0.0e+00;
	v2 =	vadd.f32 v6, v2  }
0x87: {  	v7 =	vld [tilespmem:s21+$0x2C00];
	[tilespmem:s12+$0x7C30] =	vst v4;
	v3 =	vmax.f32 v3, $0.0e+00;
	v0 =	vadd.f32 v5, v0  }
0x88: {  	v4 =	vld [tilespmem:s21+$0x410];
	[tilespmem:s12+$0x7C40] =	vst v3;
	v2 =	vmax.f32 v2, $0.0e+00  }
0x89: {  	v3 =	vld [tilespmem:s21+$0x2C10];
	[tilespmem:s12+$0x7C50] =	vst v2;
	v0 =	vmax.f32 v0, $0.0e+00  }
0x8a: {  	v2 =	vld [tilespmem:s21+$0x420];
	[tilespmem:s12+$0x7C60] =	vst v0  }
0x8b: {  	v0 =	vld [tilespmem:s21+$0x2C20]  }
0x8c: {  	v5 =	vld [tilespmem:s21+$0x430]  }
0x8d: {  	v1 =	vadd.f32 v12, v1;
	v6 =	vld [tilespmem:s21+$0x2C30]  }
0x8e: {  	v8 =	vld [tilespmem:s21+$0x440]  }
0x8f: {  	v1 =	vadd.f32 v9, v1;
	v9 =	vld [tilespmem:s21+$0x450]  }
0x90: {  	v10 =	vld [tilespmem:s21+$0x2C50]  }
0x91: {  	v58 =	vld [tilespmem:s21+$0x460]  }
0x92: {  	v13 =	vld [tilespmem:s21+$0x2C60]  }
0x93: {  	v14 =	vld [tilespmem:s21+$0x5400]  }
0x94: {  	v15 =	vld [tilespmem:s21+$0x5410]  }
0x95: {  	v16 =	vld [tilespmem:s21+$0x5420];
	v1 =	vmax.f32 v1, $0.0e+00  }
0x96: {  	[tilespmem:s21+$0x7C70] =	vst v1;
	v1 =	vld [tilespmem:s21+$0x2C40]  }
0x97: {  	v7 =	vadd.f32 v7, v11;
	v11 =	vld [tilespmem:s21+$0x5430]  }
0x98: {  	v3 =	vadd.f32 v3, v4;
	v4 =	vld [tilespmem:s21+$0x5440]  }
0x99: {  	v0 =	vadd.f32 v0, v2;
	v2 =	vadd.f32 v14, v7;
	v7 =	vld [tilespmem:s21+$0x5450]  }
0x9a: {  	v5 =	vadd.f32 v6, v5;
	v3 =	vadd.f32 v15, v3;
	v6 =	vld [tilespmem:s21+$0x5460]  }
0x9b: {  	v2 =	vmax.f32 v2, $0.0e+00;
	v0 =	vadd.f32 v16, v0;
	v1 =	vadd.f32 v1, v8  }
0x9c: {  	v8 =	vadd.f32 v10, v9;
	[tilespmem:s21+$0x7C00] =	vst v2;
	v2 =	vmax.f32 v3, $0.0e+00;
	v3 =	vadd.f32 v11, v5  }
0x9d: {  	v5 =	vadd.f32 v13, v58;
	[tilespmem:s21+$0x7C10] =	vst v2;
	v0 =	vmax.f32 v0, $0.0e+00;
	v1 =	vadd.f32 v4, v1  }
0x9e: {  	[tilespmem:s21+$0x7C20] =	vst v0;
	v0 =	vmax.f32 v3, $0.0e+00;
	v2 =	vadd.f32 v7, v8  }
0x9f: {  	s12 =	sshll.u32 s20, $0x2;
	[tilespmem:s21+$0x7C30] =	vst v0;
	v0 =	vmax.f32 v1, $0.0e+00;
	v1 =	vadd.f32 v6, v5  }
0xa0: {  	s17 =	sor.u32 $0x2, s12;
	[tilespmem:s21+$0x7C40] =	vst v0;
	v0 =	vmax.f32 v2, $0.0e+00  }
0xa1: {  	p1 =	sgt.u32 s17, $0xF9;
	[tilespmem:s21+$0x7C50] =	vst v0;
	v0 =	vmax.f32 v1, $0.0e+00  }
0xa2: {  	s17 =	smul.u32 @!p1 $0x28, s17;
	[tilespmem:s21+$0x7C60] =	vst v0  }
0xa3: {  	[spmem:s1] =	stream.indirect.scatter.add.f32 [tilespmem:s23], [sflag:$0x7], $0x80, s3, s26, $0xb8;
	[tilespmem:$0x1E000] =	vst v63  }
0xa4: {  	s17 =	sadd.s32 @!p1 s9, s17;
	_ =	swait.ge [sflag:s22], $0x1400  }
0xa5: {  	s15 =	simm.s32 @!p1 $0x0;
	s21 =	sshrl.u32 @!p1 s17, $0x3;
	[sflag:s22] =	ssyncset.done $0x0  }
0xa6: {  	s16 =	simm.s32 @!p1 $0x100;
	s25 =	sadd.s32 @!p1 s7, s21;
	[sflag:s22] =	ssyncadd.s32 $0xFFFFEC00  }
0xa7: {  	[tilespmem:s16], [sflag:$0x3] =	stream.linear.gather @!p1 [hbm4b:s25+s15], $0x28, $0x38;
	[tilespmem:$0x1E000] =	vst v63  }
0xa8: {  	s21 =	sadd.s32 @!p1 s8, s21;
	s25 =	simm.s32 @!p1 $0x300  }
0xa9: {  	[tilespmem:s25], [sflag:$0x3] =	stream.linear.gather @!p1 [hbm4b:s21+s15], $0x28, $0x38;
	[tilespmem:$0x1E000] =	vst v63  }
0xaa: {  	s21 =	simm.s32 @!p1 $0x3  }
0xab: {  	_ =	swait.ge @!p1 [sflag:s21], $0x28  }
0xac: {  	[sflag:s21] =	ssyncset.done @!p1 $0x0  }
0xad: {  	[sflag:s21] =	ssyncadd.s32 @!p1 $0xFFFFFFD8  }
0xae: {  	_ =	swait.ge @!p1 [sflag:s21], $0x28  }
0xaf: {  	[sflag:s21] =	ssyncset.done @!p1 $0x0  }
0xb0: {  	s28 =	simm.s32 @!p1 $0x400;
	[sflag:s21] =	ssyncadd.s32 @!p1 $0xFFFFFFD8;
	s21 =	simm.s32 @!p1 $0x28  }
0xb1: {  	[tilespmem:s28], [sflag:$0x5] =	stream.indirect.gather @!p1 [hbm4b:s5+s21], $0x80, s16, s21, $0xb8;
	[tilespmem:$0x1E000] =	vst v63  }
0xb2: {  	s16 =	simm.s32 @!p1 $0x2C00  }
0xb3: {  	[tilespmem:s16], [sflag:$0x5] =	stream.indirect.gather @!p1 [hbm4b:s6+s21], $0x80, s25, s21, $0xb8;
	[tilespmem:$0x1E000] =	vst v63  }
0xb4: {  	s16 =	sshll.u32 @!p1 s17, $0x4  }
0xb5: {  	s17 =	simm.s32 @!p1 $0x5400;
	s16 =	sadd.s32 @!p1 s4, s16  }
0xb6: {  	[tilespmem:s17], [sflag:$0x5] =	stream.linear.gather @!p1 [hbm4b:s16+s15], $0x1400, $0x38;
	[tilespmem:$0x1E000] =	vst v63  }
0xb7: {  	_ =	swait.ge [sflag:s13], $0x1400  }
0xb8: {  	[sflag:s13] =	ssyncset.done $0x0  }
0xb9: {  	[sflag:s13] =	ssyncadd.s32 $0xFFFFEC00  }
0xba: {  	_ =	swait.ge [sflag:s13], $0x1400  }
0xbb: {  	[sflag:s13] =	ssyncset.done $0x0  }
0xbc: {  	[sflag:s13] =	ssyncadd.s32 $0xFFFFEC00  }
0xbd: {  	_ =	swait.ge [sflag:s13], $0x1400  }
0xbe: {  	[sflag:s13] =	ssyncset.done $0x0  }
0xbf: {  	s21 =	simm.s32 $0x0;
	[sflag:s13] =	ssyncadd.s32 $0xFFFFEC00  }
0xc0: {  	v0 =	vld [tilespmem:s21+$0x1870]  }
0xc1: {  	v1 =	vld [tilespmem:s21+$0x4070]  }
0xc2: {  	v2 =	vld [tilespmem:s21+$0x1800]  }
0xc3: {  	v3 =	vld [tilespmem:s21+$0x6870]  }
0xc4: {  	v4 =	vld [tilespmem:s21+$0x4000]  }
0xc5: {  	v5 =	vld [tilespmem:s21+$0x1810]  }
0xc6: {  	v6 =	vld [tilespmem:s21+$0x4010]  }
0xc7: {  	v7 =	vld [tilespmem:s21+$0x4020]  }
0xc8: {  	v9 =	vld [tilespmem:s21+$0x4030]  }
0xc9: {  	v10 =	vld [tilespmem:s21+$0x1840]  }
0xca: {  	v11 =	vld [tilespmem:s21+$0x1850]  }
0xcb: {  	v59 =	vld [tilespmem:s21+$0x4050]  }
0xcc: {  	v60 =	vld [tilespmem:s21+$0x1860];
	v0 =	vadd.f32 v1, v0  }
0xcd: {  	v61 =	vld [tilespmem:s21+$0x4060]  }
0xce: {  	v62 =	vld [tilespmem:s21+$0x6800];
	v0 =	vadd.f32 v3, v0  }
0xcf: {  	v1 =	vld [tilespmem:s21+$0x1820]  }
0xd0: {  	v3 =	vld [tilespmem:s21+$0x1830];
	v0 =	vmax.f32 v0, $0.0e+00  }
0xd1: {  	[tilespmem:s21+$0x9070] =	vst v0;
	v0 =	vld [tilespmem:s21+$0x4040]  }
0xd2: {  	v63 =	vld [tilespmem:s21+$0x6810]  }
0xd3: {  	v17 =	vld [tilespmem:s21+$0x6820]  }
0xd4: {  	v8 =	vld [tilespmem:s21+$0x6830];
	v2 =	vadd.f32 v4, v2;
	v18 =	vadd.f32 v6, v5  }
0xd5: {  	v19 =	vadd.f32 v7, v1;
	v7 =	vld [tilespmem:s21+$0x6840];
	v4 =	vadd.f32 v9, v3  }
0xd6: {  	v6 =	vld [tilespmem:s21+$0x6850];
	v3 =	vadd.f32 v0, v10;
	v10 =	vadd.f32 v62, v2  }
0xd7: {  	s25 =	simm.s32 $0x80;
	v5 =	vld [tilespmem:s21+$0x6860];
	v9 =	vadd.f32 v63, v18;
	v2 =	vadd.f32 v59, v11  }
0xd8: {  	s17 =	simm.s32 $0x400;
	v1 =	vld [tilespmem:s25+$0x1870];
	v0 =	vadd.f32 v61, v60;
	v11 =	vmax.f32 v10, $0.0e+00;
	v10 =	vadd.f32 v17, v19  }
.LBB2_5:
0xd9: {  	p0 =	sne.s32 s17, $0x4E00;
	v12 =	vld [tilespmem:s25+$0x4070];
	[tilespmem:s21+$0x9000] =	vst v11;
	v9 =	vmax.f32 v9, $0.0e+00;
	v4 =	vadd.f32 v8, v4  }
0xda: {  	v8 =	vld [tilespmem:s25+$0x1800];
	[tilespmem:s21+$0x9010] =	vst v9;
	v9 =	vmax.f32 v10, $0.0e+00;
	v3 =	vadd.f32 v7, v3  }
0xdb: {  	v7 =	vld [tilespmem:s25+$0x6870];
	[tilespmem:s21+$0x9020] =	vst v9;
	v4 =	vmax.f32 v4, $0.0e+00;
	v2 =	vadd.f32 v6, v2  }
0xdc: {  	v6 =	vld [tilespmem:s25+$0x4000];
	[tilespmem:s21+$0x9030] =	vst v4;
	v3 =	vmax.f32 v3, $0.0e+00;
	v0 =	vadd.f32 v5, v0  }
0xdd: {  	v4 =	vld [tilespmem:s25+$0x1810];
	[tilespmem:s21+$0x9040] =	vst v3;
	v2 =	vmax.f32 v2, $0.0e+00  }
0xde: {  	v3 =	vld [tilespmem:s25+$0x4010];
	v1 =	vadd.f32 v12, v1;
	[tilespmem:s21+$0x9050] =	vst v2;
	v0 =	vmax.f32 v0, $0.0e+00  }
0xdf: {  	v2 =	vld [tilespmem:s25+$0x1820];
	[tilespmem:s21+$0x9060] =	vst v0;
	s21 =	smov.u32 s25  }
0xe0: {  	v0 =	vld [tilespmem:s21+$0x4020];
	v1 =	vadd.f32 v7, v1  }
0xe1: {  	v5 =	vadd.f32 v6, v8;
	v6 =	vld [tilespmem:s21+$0x1830]  }
0xe2: {  	v7 =	vld [tilespmem:s21+$0x4030];
	v1 =	vmax.f32 v1, $0.0e+00  }
0xe3: {  	v9 =	vadd.f32 v3, v4;
	v3 =	vld [tilespmem:s21+$0x1840];
	[tilespmem:s21+$0x9070] =	vst v1  }
0xe4: {  	v1 =	vld [tilespmem:s21+$0x4040]  }
0xe5: {  	v10 =	vadd.f32 v0, v2;
	v0 =	vld [tilespmem:s21+$0x1850]  }
0xe6: {  	v2 =	vld [tilespmem:s21+$0x4050]  }
0xe7: {  	v4 =	vadd.f32 v7, v6;
	v6 =	vld [tilespmem:s21+$0x1860]  }
0xe8: {  	v11 =	vld [tilespmem:s21+$0x4060]  }
0xe9: {  	v12 =	vld [tilespmem:s21+$0x6800];
	v3 =	vadd.f32 v1, v3  }
0xea: {  	v1 =	vld [tilespmem:s21+$0x6810]  }
0xeb: {  	v13 =	vld [tilespmem:s21+$0x6820];
	v2 =	vadd.f32 v2, v0  }
.Ltmp3:
0xec: {  	v8 =	vld [tilespmem:s21+$0x6830];
	(pc) =	sbr.rel @p0 .LBB2_5-.Ltmp3, $4  }
0xed: {  	v7 =	vld [tilespmem:s21+$0x6840];
	v0 =	vadd.f32 v11, v6  }
0xee: {  	v11 =	vadd.f32 v12, v5;
	v6 =	vld [tilespmem:s21+$0x6850]  }
0xef: {  	s25 =	sshra.s32 s17, $0x2;
	v9 =	vadd.f32 v1, v9;
	v5 =	vld [tilespmem:s21+$0x6860]  }
0xf0: {  	s17 =	sadd.s32 $0x200, s17;
	v1 =	vld [tilespmem:s25+$0x1870];
	v11 =	vmax.f32 v11, $0.0e+00;
	v10 =	vadd.f32 v13, v10  }
0xf1: {  	v12 =	vld [tilespmem:s25+$0x4070];
	[tilespmem:s21+$0x9000] =	vst v11;
	v9 =	vmax.f32 v9, $0.0e+00;
	v4 =	vadd.f32 v8, v4  }
0xf2: {  	v11 =	vld [tilespmem:s25+$0x1800];
	[tilespmem:s21+$0x9010] =	vst v9;
	v41 =	vmax.f32 v10, $0.0e+00;
	v3 =	vadd.f32 v7, v3  }
0xf3: {  	v9 =	vld [tilespmem:s25+$0x6870];
	[tilespmem:s21+$0x9020] =	vst v41;
	v4 =	vmax.f32 v4, $0.0e+00;
	v2 =	vadd.f32 v6, v2  }
0xf4: {  	v42 =	vld [tilespmem:s25+$0x4000];
	[tilespmem:s21+$0x9030] =	vst v4;
	v3 =	vmax.f32 v3, $0.0e+00;
	v0 =	vadd.f32 v5, v0  }
0xf5: {  	v4 =	vld [tilespmem:s25+$0x1810];
	[tilespmem:s21+$0x9040] =	vst v3;
	v2 =	vmax.f32 v2, $0.0e+00  }
0xf6: {  	v3 =	vld [tilespmem:s25+$0x4010];
	[tilespmem:s21+$0x9050] =	vst v2;
	v0 =	vmax.f32 v0, $0.0e+00  }
0xf7: {  	v2 =	vld [tilespmem:s25+$0x1820];
	[tilespmem:s21+$0x9060] =	vst v0  }
0xf8: {  	v0 =	vld [tilespmem:s25+$0x4020]  }
0xf9: {  	v43 =	vld [tilespmem:s25+$0x1830]  }
0xfa: {  	v44 =	vld [tilespmem:s25+$0x4030]  }
0xfb: {  	v8 =	vld [tilespmem:s25+$0x1840]  }
0xfc: {  	v45 =	vld [tilespmem:s25+$0x4040]  }
0xfd: {  	v46 =	vld [tilespmem:s25+$0x1850]  }
0xfe: {  	v47 =	vld [tilespmem:s25+$0x4050]  }
0xff: {  	v48 =	vld [tilespmem:s25+$0x1860]  }
0x100: {  	v13 =	vld [tilespmem:s25+$0x4060]  }
0x101: {  	v14 =	vld [tilespmem:s25+$0x6800]  }
0x102: {  	v15 =	vld [tilespmem:s25+$0x6810]  }
0x103: {  	v1 =	vadd.f32 v12, v1;
	v16 =	vld [tilespmem:s25+$0x6820]  }
0x104: {  	v49 =	vld [tilespmem:s25+$0x6830];
	v7 =	vadd.f32 v42, v11  }
0x105: {  	v1 =	vadd.f32 v9, v1;
	v50 =	vld [tilespmem:s25+$0x6840];
	v3 =	vadd.f32 v3, v4  }
0x106: {  	v52 =	vld [tilespmem:s25+$0x6850];
	v0 =	vadd.f32 v0, v2;
	v51 =	vadd.f32 v14, v7  }
0x107: {  	v53 =	vld [tilespmem:s25+$0x6860];
	v1 =	vmax.f32 v1, $0.0e+00;
	v5 =	vadd.f32 v44, v43;
	v3 =	vadd.f32 v15, v3  }
0x108: {  	[tilespmem:s25+$0x9070] =	vst v1;
	v1 =	vadd.f32 v45, v8;
	v0 =	vadd.f32 v16, v0;
	v2 =	vmax.f32 v51, $0.0e+00  }
0x109: {  	v54 =	vadd.f32 v47, v46;
	v55 =	vmax.f32 v3, $0.0e+00;
	v56 =	vadd.f32 v49, v5;
	[tilespmem:s25+$0x9000] =	vst v2  }
0x10a: {  	v57 =	vadd.f32 v13, v48;
	v1 =	vadd.f32 v50, v1;
	[tilespmem:s25+$0x9010] =	vst v55;
	v0 =	vmax.f32 v0, $0.0e+00  }
0x10b: {  	v59 =	vadd.f32 v52, v54;
	v58 =	vmax.f32 v56, $0.0e+00;
	[tilespmem:s25+$0x9020] =	vst v0  }
0x10c: {  	v61 =	vadd.f32 v53, v57;
	v60 =	vmax.f32 v1, $0.0e+00;
	[tilespmem:s25+$0x9030] =	vst v58  }
0x10d: {  	s12 =	sor.u32 $0x3, s12;
	v62 =	vmax.f32 v59, $0.0e+00;
	[tilespmem:s25+$0x9040] =	vst v60  }
0x10e: {  	p0 =	sgt.u32 s12, $0xF9;
	v63 =	vmax.f32 v61, $0.0e+00;
	[tilespmem:s25+$0x9050] =	vst v62  }
0x10f: {  	s12 =	smul.u32 @!p0 $0x28, s12;
	[tilespmem:s25+$0x9060] =	vst v63  }
0x110: {  	[spmem:s1] =	stream.indirect.scatter.add.f32 [tilespmem:s14], [sflag:$0x7], $0x80, s31, s26, $0xb8;
	[tilespmem:$0x1E000] =	vst v63  }
0x111: {  	s12 =	sadd.s32 @!p0 s9, s12;
	_ =	swait.ge [sflag:s22], $0x1400  }
0x112: {  	s17 =	simm.s32 @!p0 $0x0;
	s15 =	sshrl.u32 @!p0 s12, $0x3;
	[sflag:s22] =	ssyncset.done $0x0  }
0x113: {  	s16 =	sadd.s32 @!p0 s7, s15;
	s21 =	simm.s32 @!p0 $0x180;
	[sflag:s22] =	ssyncadd.s32 $0xFFFFEC00  }
0x114: {  	[tilespmem:s21], [sflag:$0x4] =	stream.linear.gather @!p0 [hbm4b:s16+s17], $0x28, $0x38;
	[tilespmem:$0x1E000] =	vst v63  }
0x115: {  	s15 =	sadd.s32 @!p0 s8, s15;
	s16 =	simm.s32 @!p0 $0x380  }
0x116: {  	[tilespmem:s16], [sflag:$0x4] =	stream.linear.gather @!p0 [hbm4b:s15+s17], $0x28, $0x38;
	[tilespmem:$0x1E000] =	vst v63  }
0x117: {  	s15 =	simm.s32 @!p0 $0x4  }
0x118: {  	_ =	swait.ge @!p0 [sflag:s15], $0x28  }
0x119: {  	[sflag:s15] =	ssyncset.done @!p0 $0x0  }
0x11a: {  	[sflag:s15] =	ssyncadd.s32 @!p0 $0xFFFFFFD8  }
0x11b: {  	_ =	swait.ge @!p0 [sflag:s15], $0x28  }
0x11c: {  	[sflag:s15] =	ssyncset.done @!p0 $0x0  }
0x11d: {  	s25 =	simm.s32 @!p0 $0x1800;
	[sflag:s15] =	ssyncadd.s32 @!p0 $0xFFFFFFD8;
	s15 =	simm.s32 @!p0 $0x28  }
0x11e: {  	[tilespmem:s25], [sflag:$0x6] =	stream.indirect.gather @!p0 [hbm4b:s5+s15], $0x80, s21, s15, $0xb8;
	[tilespmem:$0x1E000] =	vst v63  }
.Ltmp4:
0x11f: {  	_ = 	snop;
	(pc) =	sbr.rel @p1 .LBB2_10-.Ltmp4, $4  }
0x120: {  	s12 =	sshll.u32 @!p0 s12, $0x4;
	s21 =	simm.s32 @!p0 $0x4000  }
0x121: {  	[tilespmem:s21], [sflag:$0x6] =	stream.indirect.gather @!p0 [hbm4b:s6+s15], $0x80, s16, s15, $0xb8;
	[tilespmem:$0x1E000] =	vst v63  }
0x122: {  	s12 =	sadd.s32 @!p0 s4, s12;
	s15 =	simm.s32 @!p0 $0x6800  }
0x123: {  	[tilespmem:s15], [sflag:$0x6] =	stream.linear.gather @!p0 [hbm4b:s12+s17], $0x1400, $0x38;
	[tilespmem:$0x1E000] =	vst v63  }
0x124: {  	_ =	swait.ge [sflag:s10], $0x1400  }
0x125: {  	[sflag:s10] =	ssyncset.done $0x0  }
0x126: {  	[sflag:s10] =	ssyncadd.s32 $0xFFFFEC00  }
0x127: {  	_ =	swait.ge [sflag:s10], $0x1400  }
0x128: {  	[sflag:s10] =	ssyncset.done $0x0  }
0x129: {  	[sflag:s10] =	ssyncadd.s32 $0xFFFFEC00  }
0x12a: {  	_ =	swait.ge [sflag:s10], $0x1400  }
0x12b: {  	[sflag:s10] =	ssyncset.done $0x0  }
0x12c: {  	s12 =	simm.s32 $0x0;
	[sflag:s10] =	ssyncadd.s32 $0xFFFFEC00  }
0x12d: {  	v0 =	vld [tilespmem:s12+$0x470]  }
0x12e: {  	v1 =	vld [tilespmem:s12+$0x2C70]  }
0x12f: {  	v2 =	vld [tilespmem:s12+$0x400]  }
0x130: {  	v3 =	vld [tilespmem:s12+$0x5470]  }
0x131: {  	v4 =	vld [tilespmem:s12+$0x2C00]  }
0x132: {  	v5 =	vld [tilespmem:s12+$0x410]  }
0x133: {  	v6 =	vld [tilespmem:s12+$0x2C10]  }
0x134: {  	v7 =	vld [tilespmem:s12+$0x2C20]  }
0x135: {  	v9 =	vld [tilespmem:s12+$0x2C30]  }
0x136: {  	v10 =	vld [tilespmem:s12+$0x440]  }
0x137: {  	v11 =	vld [tilespmem:s12+$0x450]  }
0x138: {  	v12 =	vld [tilespmem:s12+$0x2C50]  }
0x139: {  	v13 =	vld [tilespmem:s12+$0x460];
	v0 =	vadd.f32 v1, v0  }
0x13a: {  	v14 =	vld [tilespmem:s12+$0x2C60]  }
0x13b: {  	v15 =	vld [tilespmem:s12+$0x5400];
	v0 =	vadd.f32 v3, v0  }
0x13c: {  	v1 =	vld [tilespmem:s12+$0x420]  }
0x13d: {  	v3 =	vld [tilespmem:s12+$0x430];
	v0 =	vmax.f32 v0, $0.0e+00  }
0x13e: {  	[tilespmem:s12+$0x7C70] =	vst v0;
	v0 =	vld [tilespmem:s12+$0x2C40]  }
0x13f: {  	v16 =	vld [tilespmem:s12+$0x5410]  }
0x140: {  	v17 =	vld [tilespmem:s12+$0x5420]  }
0x141: {  	v8 =	vld [tilespmem:s12+$0x5430];
	v2 =	vadd.f32 v4, v2;
	v18 =	vadd.f32 v6, v5  }
0x142: {  	v19 =	vadd.f32 v7, v1;
	v7 =	vld [tilespmem:s12+$0x5440];
	v4 =	vadd.f32 v9, v3  }
0x143: {  	v6 =	vld [tilespmem:s12+$0x5450];
	v3 =	vadd.f32 v0, v10;
	v10 =	vadd.f32 v15, v2  }
0x144: {  	s21 =	simm.s32 $0x80;
	v5 =	vld [tilespmem:s12+$0x5460];
	v9 =	vadd.f32 v16, v18;
	v2 =	vadd.f32 v12, v11  }
0x145: {  	s17 =	simm.s32 $0x400;
	v1 =	vld [tilespmem:s21+$0x470];
	v0 =	vadd.f32 v14, v13;
	v11 =	vmax.f32 v10, $0.0e+00;
	v10 =	vadd.f32 v17, v19  }
.LBB2_8:
0x146: {  	p1 =	sne.s32 s17, $0x4E00;
	v12 =	vld [tilespmem:s21+$0x2C70];
	[tilespmem:s12+$0x7C00] =	vst v11;
	v9 =	vmax.f32 v9, $0.0e+00;
	v4 =	vadd.f32 v8, v4  }
0x147: {  	v8 =	vld [tilespmem:s21+$0x400];
	[tilespmem:s12+$0x7C10] =	vst v9;
	v9 =	vmax.f32 v10, $0.0e+00;
	v3 =	vadd.f32 v7, v3  }
0x148: {  	v7 =	vld [tilespmem:s21+$0x5470];
	[tilespmem:s12+$0x7C20] =	vst v9;
	v4 =	vmax.f32 v4, $0.0e+00;
	v2 =	vadd.f32 v6, v2  }
0x149: {  	v6 =	vld [tilespmem:s21+$0x2C00];
	[tilespmem:s12+$0x7C30] =	vst v4;
	v3 =	vmax.f32 v3, $0.0e+00;
	v0 =	vadd.f32 v5, v0  }
0x14a: {  	v4 =	vld [tilespmem:s21+$0x410];
	[tilespmem:s12+$0x7C40] =	vst v3;
	v2 =	vmax.f32 v2, $0.0e+00  }
0x14b: {  	v3 =	vld [tilespmem:s21+$0x2C10];
	v1 =	vadd.f32 v12, v1;
	[tilespmem:s12+$0x7C50] =	vst v2;
	v0 =	vmax.f32 v0, $0.0e+00  }
0x14c: {  	v2 =	vld [tilespmem:s21+$0x420];
	[tilespmem:s12+$0x7C60] =	vst v0;
	s12 =	smov.u32 s21  }
0x14d: {  	v0 =	vld [tilespmem:s12+$0x2C20];
	v1 =	vadd.f32 v7, v1  }
0x14e: {  	v5 =	vadd.f32 v6, v8;
	v6 =	vld [tilespmem:s12+$0x430]  }
0x14f: {  	v7 =	vld [tilespmem:s12+$0x2C30];
	v1 =	vmax.f32 v1, $0.0e+00  }
0x150: {  	v9 =	vadd.f32 v3, v4;
	v3 =	vld [tilespmem:s12+$0x440];
	[tilespmem:s12+$0x7C70] =	vst v1  }
0x151: {  	v1 =	vld [tilespmem:s12+$0x2C40]  }
0x152: {  	v10 =	vadd.f32 v0, v2;
	v0 =	vld [tilespmem:s12+$0x450]  }
0x153: {  	v2 =	vld [tilespmem:s12+$0x2C50]  }
0x154: {  	v4 =	vadd.f32 v7, v6;
	v6 =	vld [tilespmem:s12+$0x460]  }
0x155: {  	v11 =	vld [tilespmem:s12+$0x2C60]  }
0x156: {  	v12 =	vld [tilespmem:s12+$0x5400];
	v3 =	vadd.f32 v1, v3  }
0x157: {  	v1 =	vld [tilespmem:s12+$0x5410]  }
0x158: {  	v13 =	vld [tilespmem:s12+$0x5420];
	v2 =	vadd.f32 v2, v0  }
.Ltmp5:
0x159: {  	v8 =	vld [tilespmem:s12+$0x5430];
	(pc) =	sbr.rel @p1 .LBB2_8-.Ltmp5, $4  }
0x15a: {  	v7 =	vld [tilespmem:s12+$0x5440];
	v0 =	vadd.f32 v11, v6  }
0x15b: {  	v11 =	vadd.f32 v12, v5;
	v6 =	vld [tilespmem:s12+$0x5450]  }
0x15c: {  	s21 =	sshra.s32 s17, $0x2;
	v9 =	vadd.f32 v1, v9;
	v5 =	vld [tilespmem:s12+$0x5460]  }
0x15d: {  	s17 =	sadd.s32 $0x200, s17;
	v1 =	vld [tilespmem:s21+$0x470];
	v11 =	vmax.f32 v11, $0.0e+00;
	v10 =	vadd.f32 v13, v10  }
0x15e: {  	v12 =	vld [tilespmem:s21+$0x2C70];
	[tilespmem:s12+$0x7C00] =	vst v11;
	v9 =	vmax.f32 v9, $0.0e+00;
	v4 =	vadd.f32 v8, v4  }
0x15f: {  	v11 =	vld [tilespmem:s21+$0x400];
	[tilespmem:s12+$0x7C10] =	vst v9;
	v41 =	vmax.f32 v10, $0.0e+00;
	v3 =	vadd.f32 v7, v3  }
0x160: {  	v9 =	vld [tilespmem:s21+$0x5470];
	[tilespmem:s12+$0x7C20] =	vst v41;
	v4 =	vmax.f32 v4, $0.0e+00;
	v2 =	vadd.f32 v6, v2  }
0x161: {  	v42 =	vld [tilespmem:s21+$0x2C00];
	[tilespmem:s12+$0x7C30] =	vst v4;
	v3 =	vmax.f32 v3, $0.0e+00;
	v0 =	vadd.f32 v5, v0  }
0x162: {  	v4 =	vld [tilespmem:s21+$0x410];
	[tilespmem:s12+$0x7C40] =	vst v3;
	v2 =	vmax.f32 v2, $0.0e+00  }
0x163: {  	v3 =	vld [tilespmem:s21+$0x2C10];
	[tilespmem:s12+$0x7C50] =	vst v2;
	v0 =	vmax.f32 v0, $0.0e+00  }
0x164: {  	v2 =	vld [tilespmem:s21+$0x420];
	[tilespmem:s12+$0x7C60] =	vst v0  }
0x165: {  	v0 =	vld [tilespmem:s21+$0x2C20]  }
0x166: {  	v43 =	vld [tilespmem:s21+$0x430]  }
0x167: {  	v44 =	vld [tilespmem:s21+$0x2C30]  }
0x168: {  	v8 =	vld [tilespmem:s21+$0x440]  }
0x169: {  	v45 =	vld [tilespmem:s21+$0x2C40]  }
0x16a: {  	v46 =	vld [tilespmem:s21+$0x450]  }
0x16b: {  	v47 =	vld [tilespmem:s21+$0x2C50]  }
0x16c: {  	v48 =	vld [tilespmem:s21+$0x460]  }
0x16d: {  	v13 =	vld [tilespmem:s21+$0x2C60]  }
0x16e: {  	v14 =	vld [tilespmem:s21+$0x5400]  }
0x16f: {  	v15 =	vld [tilespmem:s21+$0x5410]  }
0x170: {  	v1 =	vadd.f32 v12, v1;
	v16 =	vld [tilespmem:s21+$0x5420]  }
0x171: {  	v49 =	vld [tilespmem:s21+$0x5430];
	v7 =	vadd.f32 v42, v11  }
0x172: {  	v1 =	vadd.f32 v9, v1;
	v50 =	vld [tilespmem:s21+$0x5440];
	v3 =	vadd.f32 v3, v4  }
0x173: {  	v52 =	vld [tilespmem:s21+$0x5450];
	v0 =	vadd.f32 v0, v2;
	v51 =	vadd.f32 v14, v7  }
0x174: {  	v53 =	vld [tilespmem:s21+$0x5460];
	v1 =	vmax.f32 v1, $0.0e+00;
	v5 =	vadd.f32 v44, v43;
	v3 =	vadd.f32 v15, v3  }
0x175: {  	[tilespmem:s21+$0x7C70] =	vst v1;
	v1 =	vadd.f32 v45, v8;
	v0 =	vadd.f32 v16, v0;
	v2 =	vmax.f32 v51, $0.0e+00  }
0x176: {  	v54 =	vadd.f32 v47, v46;
	v55 =	vmax.f32 v3, $0.0e+00;
	v56 =	vadd.f32 v49, v5;
	[tilespmem:s21+$0x7C00] =	vst v2  }
0x177: {  	v57 =	vadd.f32 v13, v48;
	v1 =	vadd.f32 v50, v1;
	[tilespmem:s21+$0x7C10] =	vst v55;
	v0 =	vmax.f32 v0, $0.0e+00  }
0x178: {  	v59 =	vadd.f32 v52, v54;
	v58 =	vmax.f32 v56, $0.0e+00;
	[tilespmem:s21+$0x7C20] =	vst v0  }
0x179: {  	v61 =	vadd.f32 v53, v57;
	v60 =	vmax.f32 v1, $0.0e+00;
	[tilespmem:s21+$0x7C30] =	vst v58  }
0x17a: {  	v62 =	vmax.f32 v59, $0.0e+00;
	[tilespmem:s21+$0x7C40] =	vst v60  }
0x17b: {  	v63 =	vmax.f32 v61, $0.0e+00;
	[tilespmem:s21+$0x7C50] =	vst v62  }
0x17c: {  	s28 =	simm.s32 $0x100;
	[tilespmem:s21+$0x7C60] =	vst v63  }
0x17d: {  	[spmem:s1] =	stream.indirect.scatter.add.f32 [tilespmem:s23], [sflag:$0x7], $0x80, s28, s26, $0xb8;
	[tilespmem:$0x1E000] =	vst v63  }
0x17e: {  	_ =	swait.ge [sflag:s22], $0x1400  }
0x17f: {  	[sflag:s22] =	ssyncset.done $0x0  }
0x180: {  	[sflag:s22] =	ssyncadd.s32 $0xFFFFEC00  }
.LBB2_10:
0x181: {  	p1 =	seq.s32 s20, $0x3E  }
0x182: {  	s12 =	sadd.s32 @!p1 s24, s18  }
0x183: {  	s15 =	sshrl.u32 @!p1 s12, $0x3  }
0x184: {  	s17 =	simm.s32 @!p1 $0x0;
	s16 =	sadd.s32 @!p1 s7, s15  }
0x185: {  	[tilespmem:s17], [sflag:$0x1] =	stream.linear.gather @!p1 [hbm4b:s16+s17], $0x28, $0x38;
	[tilespmem:$0x1E000] =	vst v63  }
0x186: {  	s15 =	sadd.s32 @!p1 s8, s15;
	s16 =	simm.s32 @!p1 $0x200  }
0x187: {  	[tilespmem:s16], [sflag:$0x1] =	stream.linear.gather @!p1 [hbm4b:s15+s17], $0x28, $0x38;
	[tilespmem:$0x1E000] =	vst v63  }
0x188: {  	s15 =	simm.s32 @!p1 $0x1  }
0x189: {  	_ =	swait.ge @!p1 [sflag:s15], $0x28  }
0x18a: {  	[sflag:s15] =	ssyncset.done @!p1 $0x0  }
0x18b: {  	[sflag:s15] =	ssyncadd.s32 @!p1 $0xFFFFFFD8  }
0x18c: {  	_ =	swait.ge @!p1 [sflag:s15], $0x28  }
0x18d: {  	[sflag:s15] =	ssyncset.done @!p1 $0x0  }
0x18e: {  	s21 =	simm.s32 @!p1 $0x400;
	[sflag:s15] =	ssyncadd.s32 @!p1 $0xFFFFFFD8;
	s15 =	simm.s32 @!p1 $0x28  }
0x18f: {  	[tilespmem:s21], [sflag:$0x5] =	stream.indirect.gather @!p1 [hbm4b:s5+s15], $0x80, s17, s15, $0xb8;
	[tilespmem:$0x1E000] =	vst v63  }
.Ltmp6:
0x190: {  	_ = 	snop;
	(pc) =	sbr.rel @p0 .LBB2_14-.Ltmp6, $4  }
0x191: {  	s12 =	sshll.u32 @!p1 s12, $0x4;
	s21 =	simm.s32 @!p1 $0x2C00  }
0x192: {  	[tilespmem:s21], [sflag:$0x5] =	stream.indirect.gather @!p1 [hbm4b:s6+s15], $0x80, s16, s15, $0xb8;
	[tilespmem:$0x1E000] =	vst v63  }
0x193: {  	s12 =	sadd.s32 @!p1 s4, s12;
	s15 =	simm.s32 @!p1 $0x5400  }
0x194: {  	[tilespmem:s15], [sflag:$0x5] =	stream.linear.gather @!p1 [hbm4b:s12+s17], $0x1400, $0x38;
	[tilespmem:$0x1E000] =	vst v63  }
0x195: {  	_ =	swait.ge [sflag:s13], $0x1400  }
0x196: {  	[sflag:s13] =	ssyncset.done $0x0  }
0x197: {  	[sflag:s13] =	ssyncadd.s32 $0xFFFFEC00  }
0x198: {  	_ =	swait.ge [sflag:s13], $0x1400  }
0x199: {  	[sflag:s13] =	ssyncset.done $0x0  }
0x19a: {  	[sflag:s13] =	ssyncadd.s32 $0xFFFFEC00  }
0x19b: {  	_ =	swait.ge [sflag:s13], $0x1400  }
0x19c: {  	[sflag:s13] =	ssyncset.done $0x0  }
0x19d: {  	s12 =	simm.s32 $0x0;
	[sflag:s13] =	ssyncadd.s32 $0xFFFFEC00  }
0x19e: {  	v0 =	vld [tilespmem:s12+$0x1870]  }
0x19f: {  	v1 =	vld [tilespmem:s12+$0x4070]  }
0x1a0: {  	v2 =	vld [tilespmem:s12+$0x1800]  }
0x1a1: {  	v3 =	vld [tilespmem:s12+$0x6870]  }
0x1a2: {  	v4 =	vld [tilespmem:s12+$0x4000]  }
0x1a3: {  	v5 =	vld [tilespmem:s12+$0x1810]  }
0x1a4: {  	v6 =	vld [tilespmem:s12+$0x4010]  }
0x1a5: {  	v7 =	vld [tilespmem:s12+$0x4020]  }
0x1a6: {  	v9 =	vld [tilespmem:s12+$0x4030]  }
0x1a7: {  	v10 =	vld [tilespmem:s12+$0x1840]  }
0x1a8: {  	v11 =	vld [tilespmem:s12+$0x1850]  }
0x1a9: {  	v12 =	vld [tilespmem:s12+$0x4050]  }
0x1aa: {  	v13 =	vld [tilespmem:s12+$0x1860];
	v0 =	vadd.f32 v1, v0  }
0x1ab: {  	v14 =	vld [tilespmem:s12+$0x4060]  }
0x1ac: {  	v15 =	vld [tilespmem:s12+$0x6800];
	v0 =	vadd.f32 v3, v0  }
0x1ad: {  	v1 =	vld [tilespmem:s12+$0x1820]  }
0x1ae: {  	v3 =	vld [tilespmem:s12+$0x1830];
	v0 =	vmax.f32 v0, $0.0e+00  }
0x1af: {  	[tilespmem:s12+$0x9070] =	vst v0;
	v0 =	vld [tilespmem:s12+$0x4040]  }
0x1b0: {  	v16 =	vld [tilespmem:s12+$0x6810]  }
0x1b1: {  	v17 =	vld [tilespmem:s12+$0x6820]  }
0x1b2: {  	v8 =	vld [tilespmem:s12+$0x6830];
	v2 =	vadd.f32 v4, v2;
	v18 =	vadd.f32 v6, v5  }
0x1b3: {  	v19 =	vadd.f32 v7, v1;
	v7 =	vld [tilespmem:s12+$0x6840];
	v4 =	vadd.f32 v9, v3  }
0x1b4: {  	v6 =	vld [tilespmem:s12+$0x6850];
	v3 =	vadd.f32 v0, v10;
	v10 =	vadd.f32 v15, v2  }
0x1b5: {  	s21 =	simm.s32 $0x80;
	v5 =	vld [tilespmem:s12+$0x6860];
	v9 =	vadd.f32 v16, v18;
	v2 =	vadd.f32 v12, v11  }
0x1b6: {  	s17 =	simm.s32 $0x400;
	v1 =	vld [tilespmem:s21+$0x1870];
	v0 =	vadd.f32 v14, v13;
	v11 =	vmax.f32 v10, $0.0e+00;
	v10 =	vadd.f32 v17, v19  }
.LBB2_12:
0x1b7: {  	p0 =	sne.s32 s17, $0x4E00;
	v12 =	vld [tilespmem:s21+$0x4070];
	[tilespmem:s12+$0x9000] =	vst v11;
	v9 =	vmax.f32 v9, $0.0e+00;
	v4 =	vadd.f32 v8, v4  }
0x1b8: {  	v8 =	vld [tilespmem:s21+$0x1800];
	[tilespmem:s12+$0x9010] =	vst v9;
	v9 =	vmax.f32 v10, $0.0e+00;
	v3 =	vadd.f32 v7, v3  }
0x1b9: {  	v7 =	vld [tilespmem:s21+$0x6870];
	[tilespmem:s12+$0x9020] =	vst v9;
	v4 =	vmax.f32 v4, $0.0e+00;
	v2 =	vadd.f32 v6, v2  }
0x1ba: {  	v6 =	vld [tilespmem:s21+$0x4000];
	[tilespmem:s12+$0x9030] =	vst v4;
	v3 =	vmax.f32 v3, $0.0e+00;
	v0 =	vadd.f32 v5, v0  }
0x1bb: {  	v4 =	vld [tilespmem:s21+$0x1810];
	[tilespmem:s12+$0x9040] =	vst v3;
	v2 =	vmax.f32 v2, $0.0e+00  }
0x1bc: {  	v3 =	vld [tilespmem:s21+$0x4010];
	v1 =	vadd.f32 v12, v1;
	[tilespmem:s12+$0x9050] =	vst v2;
	v0 =	vmax.f32 v0, $0.0e+00  }
0x1bd: {  	v2 =	vld [tilespmem:s21+$0x1820];
	[tilespmem:s12+$0x9060] =	vst v0;
	s12 =	smov.u32 s21  }
0x1be: {  	v0 =	vld [tilespmem:s12+$0x4020];
	v1 =	vadd.f32 v7, v1  }
0x1bf: {  	v5 =	vadd.f32 v6, v8;
	v6 =	vld [tilespmem:s12+$0x1830]  }
0x1c0: {  	v7 =	vld [tilespmem:s12+$0x4030];
	v1 =	vmax.f32 v1, $0.0e+00  }
0x1c1: {  	v9 =	vadd.f32 v3, v4;
	v3 =	vld [tilespmem:s12+$0x1840];
	[tilespmem:s12+$0x9070] =	vst v1  }
0x1c2: {  	v1 =	vld [tilespmem:s12+$0x4040]  }
0x1c3: {  	v10 =	vadd.f32 v0, v2;
	v0 =	vld [tilespmem:s12+$0x1850]  }
0x1c4: {  	v2 =	vld [tilespmem:s12+$0x4050]  }
0x1c5: {  	v4 =	vadd.f32 v7, v6;
	v6 =	vld [tilespmem:s12+$0x1860]  }
0x1c6: {  	v11 =	vld [tilespmem:s12+$0x4060]  }
0x1c7: {  	v12 =	vld [tilespmem:s12+$0x6800];
	v3 =	vadd.f32 v1, v3  }
0x1c8: {  	v1 =	vld [tilespmem:s12+$0x6810]  }
0x1c9: {  	v13 =	vld [tilespmem:s12+$0x6820];
	v2 =	vadd.f32 v2, v0  }
.Ltmp7:
0x1ca: {  	v8 =	vld [tilespmem:s12+$0x6830];
	(pc) =	sbr.rel @p0 .LBB2_12-.Ltmp7, $4  }
0x1cb: {  	v7 =	vld [tilespmem:s12+$0x6840];
	v0 =	vadd.f32 v11, v6  }
0x1cc: {  	v11 =	vadd.f32 v12, v5;
	v6 =	vld [tilespmem:s12+$0x6850]  }
0x1cd: {  	s21 =	sshra.s32 s17, $0x2;
	v9 =	vadd.f32 v1, v9;
	v5 =	vld [tilespmem:s12+$0x6860]  }
0x1ce: {  	s17 =	sadd.s32 $0x200, s17;
	v1 =	vld [tilespmem:s21+$0x1870];
	v11 =	vmax.f32 v11, $0.0e+00;
	v10 =	vadd.f32 v13, v10  }
0x1cf: {  	v12 =	vld [tilespmem:s21+$0x4070];
	[tilespmem:s12+$0x9000] =	vst v11;
	v9 =	vmax.f32 v9, $0.0e+00;
	v4 =	vadd.f32 v8, v4  }
0x1d0: {  	v11 =	vld [tilespmem:s21+$0x1800];
	[tilespmem:s12+$0x9010] =	vst v9;
	v41 =	vmax.f32 v10, $0.0e+00;
	v3 =	vadd.f32 v7, v3  }
0x1d1: {  	v9 =	vld [tilespmem:s21+$0x6870];
	[tilespmem:s12+$0x9020] =	vst v41;
	v4 =	vmax.f32 v4, $0.0e+00;
	v2 =	vadd.f32 v6, v2  }
0x1d2: {  	v42 =	vld [tilespmem:s21+$0x4000];
	[tilespmem:s12+$0x9030] =	vst v4;
	v3 =	vmax.f32 v3, $0.0e+00;
	v0 =	vadd.f32 v5, v0  }
0x1d3: {  	v4 =	vld [tilespmem:s21+$0x1810];
	[tilespmem:s12+$0x9040] =	vst v3;
	v2 =	vmax.f32 v2, $0.0e+00  }
0x1d4: {  	v3 =	vld [tilespmem:s21+$0x4010];
	[tilespmem:s12+$0x9050] =	vst v2;
	v0 =	vmax.f32 v0, $0.0e+00  }
0x1d5: {  	v2 =	vld [tilespmem:s21+$0x1820];
	[tilespmem:s12+$0x9060] =	vst v0  }
0x1d6: {  	v0 =	vld [tilespmem:s21+$0x4020]  }
0x1d7: {  	v43 =	vld [tilespmem:s21+$0x1830]  }
0x1d8: {  	v44 =	vld [tilespmem:s21+$0x4030]  }
0x1d9: {  	v8 =	vld [tilespmem:s21+$0x1840]  }
0x1da: {  	v45 =	vld [tilespmem:s21+$0x4040]  }
0x1db: {  	v46 =	vld [tilespmem:s21+$0x1850]  }
0x1dc: {  	v47 =	vld [tilespmem:s21+$0x4050]  }
0x1dd: {  	v48 =	vld [tilespmem:s21+$0x1860]  }
0x1de: {  	v13 =	vld [tilespmem:s21+$0x4060]  }
0x1df: {  	v14 =	vld [tilespmem:s21+$0x6800]  }
0x1e0: {  	v15 =	vld [tilespmem:s21+$0x6810]  }
0x1e1: {  	v1 =	vadd.f32 v12, v1;
	v16 =	vld [tilespmem:s21+$0x6820]  }
0x1e2: {  	v49 =	vld [tilespmem:s21+$0x6830];
	v7 =	vadd.f32 v42, v11  }
0x1e3: {  	v1 =	vadd.f32 v9, v1;
	v50 =	vld [tilespmem:s21+$0x6840];
	v3 =	vadd.f32 v3, v4  }
0x1e4: {  	v52 =	vld [tilespmem:s21+$0x6850];
	v0 =	vadd.f32 v0, v2;
	v51 =	vadd.f32 v14, v7  }
0x1e5: {  	v53 =	vld [tilespmem:s21+$0x6860];
	v1 =	vmax.f32 v1, $0.0e+00;
	v5 =	vadd.f32 v44, v43;
	v3 =	vadd.f32 v15, v3  }
0x1e6: {  	[tilespmem:s21+$0x9070] =	vst v1;
	v1 =	vadd.f32 v45, v8;
	v0 =	vadd.f32 v16, v0;
	v2 =	vmax.f32 v51, $0.0e+00  }
0x1e7: {  	v54 =	vadd.f32 v47, v46;
	v55 =	vmax.f32 v3, $0.0e+00;
	v56 =	vadd.f32 v49, v5;
	[tilespmem:s21+$0x9000] =	vst v2  }
0x1e8: {  	v57 =	vadd.f32 v13, v48;
	v1 =	vadd.f32 v50, v1;
	[tilespmem:s21+$0x9010] =	vst v55;
	v0 =	vmax.f32 v0, $0.0e+00  }
0x1e9: {  	v59 =	vadd.f32 v52, v54;
	v58 =	vmax.f32 v56, $0.0e+00;
	[tilespmem:s21+$0x9020] =	vst v0  }
0x1ea: {  	v61 =	vadd.f32 v53, v57;
	v60 =	vmax.f32 v1, $0.0e+00;
	[tilespmem:s21+$0x9030] =	vst v58  }
0x1eb: {  	v62 =	vmax.f32 v59, $0.0e+00;
	[tilespmem:s21+$0x9040] =	vst v60  }
0x1ec: {  	v63 =	vmax.f32 v61, $0.0e+00;
	[tilespmem:s21+$0x9050] =	vst v62  }
0x1ed: {  	s28 =	simm.s32 $0x180;
	[tilespmem:s21+$0x9060] =	vst v63  }
0x1ee: {  	[spmem:s1] =	stream.indirect.scatter.add.f32 [tilespmem:s14], [sflag:$0x7], $0x80, s28, s26, $0xb8;
	[tilespmem:$0x1E000] =	vst v63  }
0x1ef: {  	_ =	swait.ge [sflag:s22], $0x1400  }
0x1f0: {  	[sflag:s22] =	ssyncset.done $0x0  }
0x1f1: {  	[sflag:s22] =	ssyncadd.s32 $0xFFFFEC00  }
.LBB2_14:
.Ltmp8:
0x1f2: {  	(pc) =	sbr.rel @p1 .LBB2_16-.Ltmp8, $1  }
0x1f3: {  	_ =	sdelay $0x3  }
0x1f4: {  	s12 =	sadd.s32 s24, s19  }
.Ltmp9:
0x1f5: {  	s12 =	sshrl.u32 s12, $0x3;
	(pc) =	sbr.rel .LBB2_2-.Ltmp9, $4  }
0x1f6: {  	s15 =	sadd.s32 s7, s12  }
0x1f7: {  	[tilespmem:s31], [sflag:$0x2] =	stream.linear.gather [hbm4b:s15+s3], $0x28, $0x38;
	[tilespmem:$0x1E000] =	vst v63  }
0x1f8: {  	s20 =	sadd.s32 $0x1, s20;
	s12 =	sadd.s32 s8, s12  }
0x1f9: {  	[tilespmem:s0], [sflag:$0x2] =	stream.linear.gather [hbm4b:s12+s3], $0x28, $0x38;
	[tilespmem:$0x1E000] =	vst v63  }
.LBB2_17:
0x1fa: {  	_ =	sfence.sel $0x180000  }
0x1fb: {  	[bflag:$0x0] =	sbarrier.arrive $0xFFFF  }
0x1fc: {  	_ =	strace $0x9000004D  }
0x1fd: {  	s0 =	stileid.u32;
	[bflag:$0x2] =	sbarrier.arrive $0xFFFF  }
0x1fe: {  	p0 =	sne.s32 s0, $0x0;
	s0 =	rddreg [dreg:$0x2]  }
0x1ff: {  	s0 =	sadd.s32 @!p0 $0x100000, s0  }
0x200: {  	[sflag:s0] =	ssyncadd.tile.s32 @!p0 $0x1;
	_ =	shalt  }
.Lfunc_end2:
_tile_overlayer_lowered:
.L_overlay_start_2:
0x201: {  	(tag) =	ssettag $0x2  }
0x202: {  	s0 =	rddreg [dreg:$0x0];
	s2 =	stileid.u32  }
0x203: {  	s1 =	rddreg [dreg:$0x1];
	p0 =	sne.s32 s2, $0x0  }
0x204: {  	s3 =	rddreg [dreg:$0x2];
	[bflag:$0x3] =	sbarrier.arrive $0xFFFF;
	s2 =	simm.s32 @!p0 $0x1C07  }
0x205: {  	[timem:s3], [sflag:s2] =	dma.local @!p0 [hbm:s0], s1  }
0x206: {  	s0 =	simm.s32 @!p0 $0x7  }
0x207: {  	_ =	swait.ge @!p0 [sflag:s0], s1  }
0x208: {  	s1 =	ssub.s32 @!p0 $0x0, s1;
	[sflag:s0] =	ssyncset.done @!p0 $0x0  }
0x209: {  	[sflag:s0] =	ssyncadd.s32 @!p0 s1  }
0x20a: {  	[bflag:$0x3] =	sbarrier.arrive $0xFFFF  }
0x20b: {  	_ =	shalt  }

// kernel: kernel.9.cloned.1.call-start
scs
__scs_entry_jumppad:
0x0: {  	(pc) =	sbr.rel $0x88, $3  }
0x1: {  	(tag) =	ssettag $0x0;
	lr =	simm.s32 $0x1  }
0x2: {  	[smem:$0x3F89] =	sst lr;
	_ =	strace $0xD0000000  }
0x3: {  	_ = 	snop  }
0x4: {  	_ = 	snop  }
0x5: {  	_ = 	snop  }
0x6: {  	_ = 	snop  }
0x7: {  	_ = 	snop  }
__scs_overlays_trampoline_lowered:
0x8: {  	[smem:$0x3F98] =	sst s0  }
0x9: {  	[smem:$0x3F99] =	sst s1  }
0xa: {  	[smem:$0x3F9A] =	sst s2  }
0xb: {  	[smem:$0x3F9B] =	sst s3  }
0xc: {  	[smem:$0x3F9C] =	sst s4  }
0xd: {  	[smem:$0x3F9D] =	sst s5  }
0xe: {  	[smem:$0x3F9E] =	sst s6  }
0xf: {  	[smem:$0x3F9F] =	sst s7  }
0x10: {  	[smem:$0x3FA0] =	sst s8  }
0x11: {  	[smem:$0x3FA1] =	sst s9;
	s0 =	simm.s32 @!p0 $0x0  }
0x12: {  	s1 =	sld [smem:$0x3F87];
	s0 =	simm.s32 @p0 $0x1  }
0x13: {  	[smem:$0x3FA2] =	sst s0;
	s0 =	simm.s32 @!p1 $0x0  }
0x14: {  	s2 =	sld [smem:$0x3F86];
	s0 =	simm.s32 @p1 $0x1  }
0x15: {  	[smem:$0x3FA3] =	sst s0;
	s0 =	simm.s32 @!p2 $0x0  }
0x16: {  	s3 =	sld [smem:$0x3FDB];
	s0 =	simm.s32 @p2 $0x1  }
0x17: {  	s4 =	simm.s32 $0x1BF5;
	[smem:$0x3FA5] =	sst s0  }
0x18: {  	s0 =	sld [smem:$0x3F88];
	_ =	swait.ge [sflag:s4], $0x0  }
0x19: {  	s7 =	sld [smem:$0x3F89]  }
0x1a: {  	s8 =	sadd.s32 $0xFFFFE003, lr  }
0x1b: {  	s9 =	sadd.s32 $0xFFFFFEF7, lr;
	s5 =	simm.s32 $0xFFFFFFFF;
	p2 =	slt.u32 s8, $0xFFFFF086  }
0x1c: {  	p1 =	slt.u32 s9, $0xF7A;
	s5 =	simm.s32 @!p2 $0x0  }
0x1d: {  	s5 =	simm.s32 @p1 $0x1;
	p0 =	seq.s32 s7, s2  }
0x1e: {  	s7 =	smul.u32 @!p0 $0xF7A, s2;
	p2 =	seq.s32 @!p0 s5, $0x0  }
0x1f: {  	s9 =	smul.u32 $0xF7A, s1;
	s8 =	simm.s32 @!p0 $0x1BF5;
	p2 =	por !p2, p0  }
0x20: {  	[sflag:s8] =	ssyncset.s32 @!p0 $0xFFFFF086;
	s6 =	sadd.s32 @!p0 s3, s7;
	s7 =	simm.s32 @!p0 $0x108  }
0x21: {  	s3 =	sadd.s32 s3, s9;
	s6 =	sadd.s32 @!p0 $0x88, s6;
	s7 =	simm.s32 @p2 $0x1082  }
0x22: {  	[simem:s7], [sflag:s8] =	dma.local @!p0 [hbm:s6], $0xF7A  }
0x23: {  	s9 =	sor.u32 $0xD0000000, s2;
	s6 =	simm.s32 $0x108;
	_ =	swait.ge @!p0 [sflag:s8], $0x0  }
0x24: {  	s3 =	sadd.s32 $0x88, s3;
	s6 =	simm.s32 @!p1 $0x1082;
	[sflag:s4] =	ssyncset.s32 $0xFFFFF086  }
0x25: {  	[simem:s6], [sflag:s4] =	dma.local [hbm:s3], $0xF7A  }
0x26: {  	[smem:$0x3F89] =	sst s1;
	(tag) =	ssettag s2;
	_ =	strace s9  }
0x27: {  	s1 =	sld [smem:$0x3F99]  }
0x28: {  	s2 =	sld [smem:$0x3F9A]  }
0x29: {  	s4 =	sld [smem:$0x3F9C]  }
0x2a: {  	p0 =	seq.s32 s5, $0x0;
	s5 =	sld [smem:$0x3F9D]  }
0x2b: {  	s6 =	sld [smem:$0x3F9E]  }
0x2c: {  	s7 =	sld [smem:$0x3F9F]  }
0x2d: {  	s3 =	simm.s32 $0x108;
	s8 =	sld [smem:$0x3FA0]  }
0x2e: {  	s3 =	simm.s32 @!p0 $0x1082;
	s9 =	sld [smem:$0x3FA1]  }
0x2f: {  	lr =	sadd.s32 s0, s3;
	s0 =	sld [smem:$0x3F98]  }
0x30: {  	s3 =	sld [smem:$0x3F9B]  }
0x31: {  	[smem:$0x3FA4] =	sst s10  }
0x32: {  	s10 =	sld [smem:$0x3FA2];
	_ =	sdelay $0x3  }
0x33: {  	p0 =	seq.s32 s10, $0x1;
	s10 =	sld [smem:$0x3FA4];
	_ =	sdelay $0x3  }
0x34: {  	[smem:$0x3FA4] =	sst s10  }
0x35: {  	s10 =	sld [smem:$0x3FA3];
	_ =	sdelay $0x3  }
0x36: {  	p1 =	seq.s32 s10, $0x1;
	s10 =	sld [smem:$0x3FA4];
	_ =	sdelay $0x3  }
0x37: {  	[smem:$0x3FA4] =	sst s10  }
0x38: {  	s10 =	sld [smem:$0x3FA5]  }
0x39: {  	_ = 	snop;
	(pc) =	sbr.ind lr, $3  }
0x3a: {  	_ = 	snop  }
0x3b: {  	_ = 	snop  }
0x3c: {  	p2 =	seq.s32 s10, $0x1;
	s10 =	sld [smem:$0x3FA4]  }
0x3d: {  	_ =	shalt  }
0x3e: {  	_ =	shalt  }
0x3f: {  	_ =	shalt  }
0x40: {  	_ =	shalt  }
0x41: {  	_ =	shalt  }
0x42: {  	_ =	shalt  }
0x43: {  	_ =	shalt  }
0x44: {  	_ =	shalt  }
0x45: {  	_ =	shalt  }
0x46: {  	_ =	shalt  }
0x47: {  	_ =	shalt  }
0x48: {  	_ =	shalt  }
0x49: {  	_ =	shalt  }
0x4a: {  	_ =	shalt  }
0x4b: {  	_ =	shalt  }
0x4c: {  	_ =	shalt  }
0x4d: {  	_ =	shalt  }
0x4e: {  	_ =	shalt  }
0x4f: {  	_ =	shalt  }
0x50: {  	_ =	shalt  }
0x51: {  	_ =	shalt  }
0x52: {  	_ =	shalt  }
0x53: {  	_ =	shalt  }
0x54: {  	_ =	shalt  }
0x55: {  	_ =	shalt  }
0x56: {  	_ =	shalt  }
0x57: {  	_ =	shalt  }
0x58: {  	_ =	shalt  }
0x59: {  	_ =	shalt  }
0x5a: {  	_ =	shalt  }
0x5b: {  	_ =	shalt  }
0x5c: {  	_ =	shalt  }
0x5d: {  	_ =	shalt  }
0x5e: {  	_ =	shalt  }
0x5f: {  	_ =	shalt  }
0x60: {  	_ =	shalt  }
0x61: {  	_ =	shalt  }
0x62: {  	_ =	shalt  }
0x63: {  	_ =	shalt  }
0x64: {  	_ =	shalt  }
0x65: {  	_ =	shalt  }
0x66: {  	_ =	shalt  }
0x67: {  	_ =	shalt  }
0x68: {  	_ =	shalt  }
0x69: {  	_ =	shalt  }
0x6a: {  	_ =	shalt  }
0x6b: {  	_ =	shalt  }
0x6c: {  	_ =	shalt  }
0x6d: {  	_ =	shalt  }
0x6e: {  	_ =	shalt  }
0x6f: {  	_ =	shalt  }
0x70: {  	_ =	shalt  }
0x71: {  	_ =	shalt  }
0x72: {  	_ =	shalt  }
0x73: {  	_ =	shalt  }
0x74: {  	_ =	shalt  }
0x75: {  	_ =	shalt  }
0x76: {  	_ =	shalt  }
0x77: {  	_ =	shalt  }
0x78: {  	_ =	shalt  }
0x79: {  	_ =	shalt  }
0x7a: {  	_ =	shalt  }
0x7b: {  	_ =	shalt  }
0x7c: {  	_ =	shalt  }
0x7d: {  	_ =	shalt  }
0x7e: {  	_ =	shalt  }
0x7f: {  	_ =	shalt  }
0x80: {  	_ =	shalt  }
0x81: {  	_ =	shalt  }
0x82: {  	_ =	shalt  }
0x83: {  	_ =	shalt  }
0x84: {  	_ =	shalt  }
0x85: {  	_ =	shalt  }
0x86: {  	_ =	shalt  }
0x87: {  	_ =	shalt  }
.Lfunc_end0:
.L_simem_size_0:
called_computation_lowered:
.L_overlay_start_0:
0x88: {  	s2 =	sld [smem:$0x3FD9]  }
0x89: {  	s3 =	sld [smem:$0x3FFE];
	_ =	sdelay $0x1  }
0x8a: {  	s1 =	srdreg.scid  }
0x8b: {  	s0 =	sand.u32 $0x1, s1  }
0x8c: {  	s16 =	sshll.u32 s0, $0xA;
	s2 =	sadd.s32 s3, s2  }
0x8d: {  	s2 =	sadd.s32 s2, s16  }
0x8e: {  	[smem:$0x3FB0] =	sst s2  }
0x8f: {  	_ = 	snop  }
0x90: {  	(tm) =	ssettm $0x1  }
0x91: {  	s17 =	sld [smem:$0x3FFB];
	_ =	sdelay $0x3  }
0x92: {  	_ =	strace s17  }
0x93: {  	s2 =	sld [smem:$0x3FFC];
	_ =	sdelay $0x3  }
0x94: {  	_ =	strace s2  }
0x95: {  	s2 =	sld [smem:$0x3FFD];
	_ =	sdelay $0x3  }
0x96: {  	_ =	strace s2  }
0x97: {  	_ =	strace $0x8FFFFFFF  }
0x98: {  	s18 =	sld [smem:$0x3FDB];
	_ =	sdelay $0x1  }
0x99: {  	s19 =	simm.s32 $_scs_section_size  }
0x9a: {  	s4 =	simm.s32 $_size__tile_overlayer_lowered;
	s5 =	simm.s32 $_tile_overlayer_lowered  }
0x9b: {  	s22 =	simm.s32 $0x1BFF;
	s21 =	sshll.u32 s5, $0x1;
	s2 =	sadd.s32 s19, s18  }
0x9c: {  	s6 =	simm.s32 $0x0;
	s20 =	sshll.u32 s4, $0x1;
	s4 =	sadd.s32 s21, s2  }
0x9d: {  	[timem:s6], [sflag:s22] =	dma.local [hbm:s4], s20  }
0x9e: {  	_ =	swait.ge [sflag:s22], s20  }
0x9f: {  	s3 =	ssub.s32 $0x0, s20;
	[sflag:s22] =	ssyncset.done $0x0  }
0xa0: {  	[sflag:s22] =	ssyncadd.s32 s3;
	_ =	sdelay $0x1  }
0xa1: {  	s23 =	simm.s32 $0x1B8B  }
0xa2: {  	_ =	swait.ge [sflag:s23], $0x1  }
0xa3: {  	[sflag:s23] =	ssyncset.done $0x0  }
0xa4: {  	s25 =	simm.s32 $0x1B8E;
	s24 =	sld [smem:$0x3FFE];
	[sflag:s23] =	ssyncadd.s32 $0xFFFFFFFF  }
0xa5: {  	s26 =	simm.s32 $execute0_lowered;
	[smem:$0x3FD2] =	sst s25  }
0xa6: {  	s4 =	sshll.u32 s26, $0x1;
	_ =	strace $0x80000046;
	[dreg:$0x1] =	wrdreg $0xFFFFFFFF  }
0xa7: {  	s28 =	simm.s32 $_size_execute0_lowered;
	s2 =	sadd.s32 s2, s4;
	[dreg:$0x0] =	wrdreg $0x0  }
0xa8: {  	s4 =	sshll.u32 s28, $0x1;
	[dreg:$0x2] =	wrdreg s2  }
0xa9: {  	[dreg:$0x3] =	wrdreg s4  }
0xaa: {  	[dreg:$0x4] =	wrdreg $0xC0  }
0xab: {  	_ =	task [dreg:s6], $0x5FFFF  }
0xac: {  	[dreg:$0x1] =	wrdreg $0xFFFFFFFF  }
0xad: {  	[dreg:$0x0] =	wrdreg $0x60  }
0xae: {  	[dreg:$0x2] =	wrdreg s24  }
0xaf: {  	[dreg:$0x3] =	wrdreg $0x9  }
0xb0: {  	_ =	task.clear_ibuf [dreg:s6], $0x4FFFF;
	_ =	strace $0x90000046  }
0xb1: {  	s29 =	simm.s32 $0x9;
	_ =	strace $0x80000048  }
0xb2: {  	_ =	swait.ge [sflag:s29], $0x1  }
0xb3: {  	[sflag:s29] =	ssyncadd.s32 $0xFFFFFFFF  }
0xb4: {  	_ =	strace $0x90000048  }
0xb5: {  	_ =	sfence  }
0xb6: {  	s30 =	sld [smem:$0x0];
	_ =	sdelay $0x2  }
0xb7: {  	s31 =	sshll.u32 s1, $0xD;
	s1 =	sshrl.u32 s1, $0x2  }
0xb8: {  	s3 =	sand.u32 $0x4000, s31;
	s1 =	sadd.s32 s1, s30  }
0xb9: {  	s0 =	sor.u32 s3, s0;
	s1 =	sshll.u32 s1, $0x11  }
0xba: {  	s0 =	sor.u32 s1, s0  }
0xbb: {  	s0 =	sadd.s32 $0x8F2B, s0  }
0xbc: {  	[sflag:s0] =	ssyncadd.remote.s32 $0x1  }
0xbd: {  	_ =	sfence.sel $0xFFFF  }
0xbe: {  	[dreg:$0x0] =	wrdreg $0xFFFFFFFF;
	(pc) =	sbr.abs _section_cstart, $3  }
0xbf: {  	[dreg:$0x1] =	wrdreg $0xFFFFFFFF  }
0xc0: {  	_ =	task.clear_ibuf [dreg:s6], $0x2FFFF;
	_ =	strace $0x9FFFFFFF  }
0xc1: {  	(tm) =	ssettm $0x7FFFFFFF  }
tec
execute0_lowered:
.L_overlay_start_1:
0x0: {  	(tag) =	ssettag $0x1  }
0x1: {  	s0 =	rddreg [dreg:$0x0];
	s1 =	srdreg.scid  }
0x2: {  	s2 =	simm.s32 $0x0;
	s4 =	stileid.u32;
	s17 =	simm.s32 $0x1  }
0x3: {  	s18 =	simm.s32 $0x50;
	s23 =	simm.s32 $0x5;
	s24 =	simm.s32 $0x7  }
0x4: {  	s25 =	simm.s32 $0xA400;
	s26 =	simm.s32 $0xCC00;
	s1 =	sand.u32 $0x1, s1  }
0x5: {  	s28 =	simm.s32 $0x0;
	[smem:$0x7FF] =	sst s2;
	s3 =	sshll.u32 s1, $0x4  }
0x6: {  	s6 =	sadd.s32 $0x5400, s0;
	s7 =	sadd.s32 $0x67400, s0;
	s5 =	sor.u32 s4, s3  }
0x7: {  	s8 =	sadd.s32 $0xDCA00, s0;
	s1 =	ssub.s32 $0x2, s1;
	s5 =	smul.u32 $0x2710, s5  }
.Ltmp0:
0x8: {  	_ =	strace $0x80000047;
	s30 =	sshrl.u32 s1, $0x1;
	(pc) =	sbr.rel .LBB2_1-.Ltmp0, $4  }
0x9: {  	s3 =	sadd.s32 $0x36400, s0;
	s4 =	sadd.s32 $0x2C600, s0;
	s0 =	ssub.s32 s1, s30  }
0xa: {  	s15 =	smax.u32 s0, $0x1;
	s10 =	sshrl.u32 s5, $0x3;
	s13 =	sadd.s32 $0x140, s5  }
0xb: {  	s14 =	sadd.s32 $0x190, s5;
	s9 =	sadd.s32 s3, s10;
	s31 =	sadd.s32 $0xA, s10  }
0xc: {  	s10 =	sadd.s32 s4, s10;
	s11 =	sadd.s32 s3, s31;
	s12 =	sadd.s32 s4, s31  }
.LBB2_17:
0xd: {  	s28 =	sadd.s32 $0x1, s28  }
0xe: {  	p0 =	sne.s32 s28, s15  }
.Ltmp1:
0xf: {  	_ = 	snop;
	(pc) =	sbr.rel @!p0 .LBB2_18-.Ltmp1, $1  }
0x10: {  	_ =	sdelay $0x3  }
.LBB2_1:
0x11: {  	[tilespmem:s2], [sflag:$0x1] =	stream.linear.gather [hbm4b:s9+s2], $0x50, $0x38;
	[tilespmem:$0xF400] =	vst v63  }
0x12: {  	s0 =	simm.s32 $0x200  }
0x13: {  	[tilespmem:s0], [sflag:$0x1] =	stream.linear.gather [hbm4b:s10+s2], $0x50, $0x38;
	[tilespmem:$0xF400] =	vst v63  }
0x14: {  	_ =	swait.ge [sflag:s17], $0x50  }
0x15: {  	[sflag:s17] =	ssyncset.done $0x0  }
0x16: {  	[sflag:s17] =	ssyncadd.s32 $0xFFFFFFB0  }
0x17: {  	_ =	swait.ge [sflag:s17], $0x50  }
0x18: {  	[sflag:s17] =	ssyncset.done $0x0  }
0x19: {  	s1 =	simm.s32 $0x400;
	[sflag:s17] =	ssyncadd.s32 $0xFFFFFFB0  }
0x1a: {  	[tilespmem:s1], [sflag:$0x5] =	stream.indirect.gather [hbm4b:s6+s18], $0x80, s2, s18, $0xb8;
	[tilespmem:$0xF400] =	vst v63  }
0x1b: {  	s22 =	simm.s32 $0x5400  }
0x1c: {  	[tilespmem:s22], [sflag:$0x5] =	stream.indirect.gather [hbm4b:s7+s18], $0x80, s0, s18, $0xb8;
	[tilespmem:$0xF400] =	vst v63  }
.Ltmp2:
0x1d: {  	_ = 	snop;
	(pc) =	sbr.rel .LBB2_2-.Ltmp2, $4  }
0x1e: {  	s30 =	simm.s32 $0x80  }
0x1f: {  	[tilespmem:s30], [sflag:$0x2] =	stream.linear.gather [hbm4b:s11+s2], $0x50, $0x38;
	[tilespmem:$0xF400] =	vst v63  }
0x20: {  	s31 =	simm.s32 $0x280;
	s29 =	simm.s32 $0x0  }
0x21: {  	[tilespmem:s31], [sflag:$0x2] =	stream.linear.gather [hbm4b:s12+s2], $0x50, $0x38;
	[tilespmem:$0xF400] =	vst v63  }
.LBB2_16:
0x22: {  	s29 =	sadd.s32 $0x1, s29  }
0x23: {  	p0 =	sne.s32 s29, $0x20  }
.Ltmp3:
0x24: {  	_ = 	snop;
	(pc) =	sbr.rel @!p0 .LBB2_17-.Ltmp3, $1  }
0x25: {  	_ =	sdelay $0x3  }
.LBB2_2:
0x26: {  	s31 =	sshll.u32 s29, $0x2  }
0x27: {  	s1 =	sor.u32 $0x1, s31  }
0x28: {  	p2 =	sgt.u32 s1, $0x7C  }
0x29: {  	s0 =	simm.s32 @!p2 $0x2  }
0x2a: {  	_ =	swait.ge @!p2 [sflag:s0], $0x50  }
0x2b: {  	[sflag:s0] =	ssyncset.done @!p2 $0x0  }
0x2c: {  	[sflag:s0] =	ssyncadd.s32 @!p2 $0xFFFFFFB0  }
0x2d: {  	_ =	swait.ge @!p2 [sflag:s0], $0x50  }
0x2e: {  	s16 =	simm.s32 @!p2 $0x80;
	[sflag:s0] =	ssyncset.done @!p2 $0x0  }
0x2f: {  	s19 =	simm.s32 @!p2 $0x2C00;
	[sflag:s0] =	ssyncadd.s32 @!p2 $0xFFFFFFB0;
	s0 =	simm.s32 @!p2 $0x50  }
0x30: {  	[tilespmem:s19], [sflag:$0x6] =	stream.indirect.gather @!p2 [hbm4b:s6+s0], $0x80, s16, s0, $0xb8;
	[tilespmem:$0xF400] =	vst v63  }
0x31: {  	s30 =	sor.u32 $0x2, s31;
	s16 =	simm.s32 @!p2 $0x280;
	s19 =	simm.s32 @!p2 $0x7C00  }
0x32: {  	[tilespmem:s19], [sflag:$0x6] =	stream.indirect.gather @!p2 [hbm4b:s7+s0], $0x80, s16, s0, $0xb8;
	[tilespmem:$0xF400] =	vst v63  }
0x33: {  	p0 =	sgt.u32 s30, $0x7C;
	_ =	swait.ge [sflag:s23], $0x2800  }
0x34: {  	s0 =	smul.u32 @!p0 $0x50, s30;
	[sflag:s23] =	ssyncset.done $0x0  }
0x35: {  	[sflag:s23] =	ssyncadd.s32 $0xFFFFD800  }
0x36: {  	s0 =	sadd.s32 @!p0 s5, s0;
	_ =	swait.ge [sflag:s23], $0x2800  }
0x37: {  	s20 =	simm.s32 @!p0 $0x100;
	s0 =	sshrl.u32 @!p0 s0, $0x3;
	[sflag:s23] =	ssyncset.done $0x0  }
0x38: {  	s19 =	simm.s32 @!p0 $0x0;
	s16 =	sadd.s32 @!p0 s3, s0;
	[sflag:s23] =	ssyncadd.s32 $0xFFFFD800  }
0x39: {  	[tilespmem:s20], [sflag:$0x3] =	stream.linear.gather @!p0 [hbm4b:s16+s19], $0x50, $0x38;
	[tilespmem:$0xF400] =	vst v63  }
0x3a: {  	s0 =	sadd.s32 @!p0 s4, s0;
	s16 =	simm.s32 @!p0 $0x300  }
0x3b: {  	[tilespmem:s16], [sflag:$0x3] =	stream.linear.gather @!p0 [hbm4b:s0+s19], $0x50, $0x38;
	[tilespmem:$0xF400] =	vst v63  }
0x3c: {  	s0 =	sadd.s32 @!p0 $0xFFFFFFFE, s31  }
0x3d: {  	p1 =	sgt.u32 @!p0 s0, $0x7C  }
0x3e: {  	p1 =	por p0, !p1  }
0x3f: {  	_ =	swait.ge @p1 [sflag:s24], $0x2800  }
0x40: {  	[sflag:s24] =	ssyncset.done @p1 $0x0  }
0x41: {  	s0 =	simm.s32 $0x0;
	[sflag:s24] =	ssyncadd.s32 @p1 $0xFFFFD800  }
0x42: {  	v0 =	vld [tilespmem:s0+$0x470]  }
0x43: {  	v1 =	vld [tilespmem:s0+$0x5470]  }
0x44: {  	v2 =	vld [tilespmem:s0+$0x400]  }
0x45: {  	v3 =	vld [tilespmem:s0+$0x5400]  }
0x46: {  	v4 =	vld [tilespmem:s0+$0x410]  }
0x47: {  	v5 =	vld [tilespmem:s0+$0x5410]  }
0x48: {  	v6 =	vld [tilespmem:s0+$0x420]  }
0x49: {  	v7 =	vld [tilespmem:s0+$0x430]  }
0x4a: {  	v0 =	vadd.f32 v1, v0;
	v1 =	vld [tilespmem:s0+$0x5420]  }
0x4b: {  	v8 =	vld [tilespmem:s0+$0x5430]  }
0x4c: {  	v9 =	vld [tilespmem:s0+$0x5440];
	v2 =	vadd.f32 v3, v2  }
0x4d: {  	[tilespmem:s0+$0xA470] =	vst v0;
	v0 =	vadd.f32 v5, v4;
	v5 =	vld [tilespmem:s0+$0x440]  }
0x4e: {  	v3 =	vld [tilespmem:s0+$0x5450];
	[tilespmem:s0+$0xA400] =	vst v2  }
0x4f: {  	v2 =	vld [tilespmem:s0+$0x450];
	[tilespmem:s0+$0xA410] =	vst v0;
	v0 =	vadd.f32 v1, v6  }
0x50: {  	v4 =	vld [tilespmem:s0+$0x5460];
	v6 =	vadd.f32 v8, v7  }
0x51: {  	s19 =	simm.s32 $0x80;
	[tilespmem:s0+$0xA420] =	vst v0;
	v0 =	vld [tilespmem:s0+$0x460]  }
0x52: {  	s20 =	simm.s32 $0x400;
	v5 =	vadd.f32 v9, v5;
	v1 =	vld [tilespmem:s19+$0x470];
	[tilespmem:s0+$0xA430] =	vst v6  }
.LBB2_3:
0x53: {  	p1 =	sne.s32 s20, $0x9E00;
	v6 =	vld [tilespmem:s19+$0x5470]  }
0x54: {  	v7 =	vld [tilespmem:s19+$0x400];
	[tilespmem:s0+$0xA440] =	vst v5;
	v2 =	vadd.f32 v3, v2  }
0x55: {  	v3 =	vld [tilespmem:s19+$0x5400]  }
0x56: {  	v5 =	vld [tilespmem:s19+$0x410];
	[tilespmem:s0+$0xA450] =	vst v2;
	v0 =	vadd.f32 v4, v0  }
0x57: {  	v2 =	vld [tilespmem:s19+$0x5410]  }
0x58: {  	v4 =	vld [tilespmem:s19+$0x420];
	v1 =	vadd.f32 v6, v1;
	[tilespmem:s0+$0xA460] =	vst v0;
	s0 =	smov.u32 s19  }
0x59: {  	v0 =	vld [tilespmem:s0+$0x5420]  }
0x5a: {  	v3 =	vadd.f32 v3, v7;
	v6 =	vld [tilespmem:s0+$0x430];
	[tilespmem:s0+$0xA470] =	vst v1  }
0x5b: {  	v1 =	vld [tilespmem:s0+$0x5430]  }
0x5c: {  	[tilespmem:s0+$0xA400] =	vst v3;
	v2 =	vadd.f32 v2, v5;
	v5 =	vld [tilespmem:s0+$0x440]  }
0x5d: {  	v7 =	vld [tilespmem:s0+$0x5440]  }
.Ltmp4:
0x5e: {  	[tilespmem:s0+$0xA410] =	vst v2;
	v0 =	vadd.f32 v0, v4;
	v2 =	vld [tilespmem:s0+$0x450];
	(pc) =	sbr.rel @p1 .LBB2_3-.Ltmp4, $4  }
0x5f: {  	v3 =	vld [tilespmem:s0+$0x5450]  }
0x60: {  	[tilespmem:s0+$0xA420] =	vst v0;
	v6 =	vadd.f32 v1, v6;
	v0 =	vld [tilespmem:s0+$0x460]  }
0x61: {  	s19 =	sshra.s32 s20, $0x2;
	v4 =	vld [tilespmem:s0+$0x5460]  }
0x62: {  	s20 =	sadd.s32 $0x200, s20;
	v1 =	vld [tilespmem:s19+$0x470];
	[tilespmem:s0+$0xA430] =	vst v6;
	v5 =	vadd.f32 v7, v5  }
0x63: {  	v6 =	vld [tilespmem:s19+$0x5470]  }
0x64: {  	v7 =	vld [tilespmem:s19+$0x400];
	[tilespmem:s0+$0xA440] =	vst v5;
	v2 =	vadd.f32 v3, v2  }
0x65: {  	v51 =	vld [tilespmem:s19+$0x5400]  }
0x66: {  	v5 =	vld [tilespmem:s19+$0x410];
	[tilespmem:s0+$0xA450] =	vst v2;
	v0 =	vadd.f32 v4, v0  }
0x67: {  	v2 =	vld [tilespmem:s19+$0x5410]  }
0x68: {  	v52 =	vld [tilespmem:s19+$0x420];
	[tilespmem:s0+$0xA460] =	vst v0  }
0x69: {  	v54 =	vld [tilespmem:s19+$0x5420]  }
0x6a: {  	v55 =	vld [tilespmem:s19+$0x430]  }
0x6b: {  	v56 =	vld [tilespmem:s19+$0x5430]  }
0x6c: {  	v57 =	vld [tilespmem:s19+$0x440]  }
0x6d: {  	v58 =	vld [tilespmem:s19+$0x5440]  }
0x6e: {  	v59 =	vld [tilespmem:s19+$0x450]  }
0x6f: {  	v53 =	vadd.f32 v6, v1;
	v60 =	vld [tilespmem:s19+$0x5450]  }
0x70: {  	v61 =	vld [tilespmem:s19+$0x460];
	v3 =	vadd.f32 v51, v7  }
0x71: {  	v62 =	vld [tilespmem:s19+$0x5460];
	[tilespmem:s19+$0xA470] =	vst v53;
	v2 =	vadd.f32 v2, v5  }
0x72: {  	[tilespmem:s19+$0xA400] =	vst v3;
	v1 =	vadd.f32 v54, v52  }
0x73: {  	[tilespmem:s19+$0xA410] =	vst v2;
	v0 =	vadd.f32 v56, v55  }
0x74: {  	s0 =	smul.u32 $0x140, s29;
	v3 =	vadd.f32 v58, v57;
	[tilespmem:s19+$0xA420] =	vst v1  }
0x75: {  	v63 =	vadd.f32 v60, v59;
	[tilespmem:s19+$0xA430] =	vst v0  }
0x76: {  	s16 =	sadd.s32 s5, s0;
	[tilespmem:s19+$0xA440] =	vst v3;
	v1 =	vadd.f32 v62, v61  }
0x77: {  	s16 =	sshll.u32 s16, $0x4;
	[tilespmem:s19+$0xA450] =	vst v63  }
0x78: {  	s16 =	sadd.s32 s8, s16;
	[tilespmem:s19+$0xA460] =	vst v1  }
0x79: {  	[hbm4b:s16+s2] =	stream.linear.scatter [tilespmem:s25], [sflag:$0x7], $0x2800, $0x38;
	[tilespmem:$0xF400] =	vst v63  }
0x7a: {  	s16 =	simm.s32 @!p0 $0x3  }
0x7b: {  	_ =	swait.ge @!p0 [sflag:s16], $0x50  }
0x7c: {  	[sflag:s16] =	ssyncset.done @!p0 $0x0  }
0x7d: {  	[sflag:s16] =	ssyncadd.s32 @!p0 $0xFFFFFFB0  }
0x7e: {  	_ =	swait.ge @!p0 [sflag:s16], $0x50  }
0x7f: {  	s20 =	simm.s32 @!p0 $0x400;
	[sflag:s16] =	ssyncset.done @!p0 $0x0  }
0x80: {  	s19 =	simm.s32 @!p0 $0x100;
	[sflag:s16] =	ssyncadd.s32 @!p0 $0xFFFFFFB0;
	s16 =	simm.s32 @!p0 $0x50  }
0x81: {  	[tilespmem:s20], [sflag:$0x5] =	stream.indirect.gather @!p0 [hbm4b:s6+s16], $0x80, s19, s16, $0xb8;
	[tilespmem:$0xF400] =	vst v63  }
0x82: {  	s19 =	simm.s32 @!p0 $0x300;
	s20 =	simm.s32 @!p0 $0x5400  }
0x83: {  	[tilespmem:s20], [sflag:$0x5] =	stream.indirect.gather @!p0 [hbm4b:s7+s16], $0x80, s19, s16, $0xb8;
	[tilespmem:$0xF400] =	vst v63  }
0x84: {  	s16 =	simm.s32 @!p2 $0x6  }
0x85: {  	s31 =	sor.u32 $0x3, s31;
	_ =	swait.ge @!p2 [sflag:s16], $0x2800  }
0x86: {  	p1 =	sgt.u32 s31, $0x7C;
	[sflag:s16] =	ssyncset.done @!p2 $0x0  }
0x87: {  	s19 =	smul.u32 @!p1 $0x50, s31;
	[sflag:s16] =	ssyncadd.s32 @!p2 $0xFFFFD800  }
0x88: {  	_ =	swait.ge @!p2 [sflag:s16], $0x2800  }
0x89: {  	s19 =	sadd.s32 @!p1 s5, s19;
	[sflag:s16] =	ssyncset.done @!p2 $0x0  }
0x8a: {  	[sflag:s16] =	ssyncadd.s32 @!p2 $0xFFFFD800;
	s16 =	sshrl.u32 @!p1 s19, $0x3  }
0x8b: {  	s21 =	simm.s32 @!p1 $0x0;
	s19 =	simm.s32 @!p1 $0x180;
	s20 =	sadd.s32 @!p1 s3, s16  }
0x8c: {  	[tilespmem:s19], [sflag:$0x4] =	stream.linear.gather @!p1 [hbm4b:s20+s21], $0x50, $0x38;
	[tilespmem:$0xF400] =	vst v63  }
0x8d: {  	s16 =	sadd.s32 @!p1 s4, s16;
	s20 =	simm.s32 @!p1 $0x380  }
0x8e: {  	[tilespmem:s20], [sflag:$0x4] =	stream.linear.gather @!p1 [hbm4b:s16+s21], $0x50, $0x38;
	[tilespmem:$0xF400] =	vst v63  }
.Ltmp5:
0x8f: {  	p3 =	seq.s32 s29, $0x0;
	(pc) =	sbr.rel @p2 .LBB2_8-.Ltmp5, $4  }
0x90: {  	s16 =	simm.s32 @!p3 $0x8  }
0x91: {  	_ =	swait.ge @!p3 [sflag:s16], $0x2800  }
0x92: {  	[sflag:s16] =	ssyncset.done @!p3 $0x0  }
0x93: {  	[sflag:s16] =	ssyncadd.s32 @!p3 $0xFFFFD800  }
0x94: {  	s21 =	simm.s32 $0x0  }
0x95: {  	v0 =	vld [tilespmem:s21+$0x2C70]  }
0x96: {  	v1 =	vld [tilespmem:s21+$0x7C70]  }
0x97: {  	v2 =	vld [tilespmem:s21+$0x2C00]  }
0x98: {  	v3 =	vld [tilespmem:s21+$0x7C00]  }
0x99: {  	v4 =	vld [tilespmem:s21+$0x2C10]  }
0x9a: {  	v5 =	vld [tilespmem:s21+$0x7C10]  }
0x9b: {  	v6 =	vld [tilespmem:s21+$0x2C20]  }
0x9c: {  	v7 =	vld [tilespmem:s21+$0x2C30]  }
0x9d: {  	v0 =	vadd.f32 v1, v0;
	v1 =	vld [tilespmem:s21+$0x7C20]  }
0x9e: {  	v8 =	vld [tilespmem:s21+$0x7C30]  }
0x9f: {  	v9 =	vld [tilespmem:s21+$0x7C40];
	v2 =	vadd.f32 v3, v2  }
0xa0: {  	[tilespmem:s21+$0xCC70] =	vst v0;
	v0 =	vadd.f32 v5, v4;
	v5 =	vld [tilespmem:s21+$0x2C40]  }
0xa1: {  	v3 =	vld [tilespmem:s21+$0x7C50];
	[tilespmem:s21+$0xCC00] =	vst v2  }
0xa2: {  	v2 =	vld [tilespmem:s21+$0x2C50];
	[tilespmem:s21+$0xCC10] =	vst v0;
	v0 =	vadd.f32 v1, v6  }
0xa3: {  	v4 =	vld [tilespmem:s21+$0x7C60];
	v6 =	vadd.f32 v8, v7  }
0xa4: {  	s22 =	simm.s32 $0x80;
	[tilespmem:s21+$0xCC20] =	vst v0;
	v0 =	vld [tilespmem:s21+$0x2C60]  }
0xa5: {  	s16 =	simm.s32 $0x400;
	v5 =	vadd.f32 v9, v5;
	v1 =	vld [tilespmem:s22+$0x2C70];
	[tilespmem:s21+$0xCC30] =	vst v6  }
.LBB2_6:
0xa6: {  	p2 =	sne.s32 s16, $0x9E00;
	v6 =	vld [tilespmem:s22+$0x7C70]  }
0xa7: {  	v7 =	vld [tilespmem:s22+$0x2C00];
	[tilespmem:s21+$0xCC40] =	vst v5;
	v2 =	vadd.f32 v3, v2  }
0xa8: {  	v3 =	vld [tilespmem:s22+$0x7C00]  }
0xa9: {  	v5 =	vld [tilespmem:s22+$0x2C10];
	[tilespmem:s21+$0xCC50] =	vst v2;
	v0 =	vadd.f32 v4, v0  }
0xaa: {  	v2 =	vld [tilespmem:s22+$0x7C10]  }
0xab: {  	v4 =	vld [tilespmem:s22+$0x2C20];
	v1 =	vadd.f32 v6, v1;
	[tilespmem:s21+$0xCC60] =	vst v0;
	s21 =	smov.u32 s22  }
0xac: {  	v0 =	vld [tilespmem:s21+$0x7C20]  }
0xad: {  	v3 =	vadd.f32 v3, v7;
	v6 =	vld [tilespmem:s21+$0x2C30];
	[tilespmem:s21+$0xCC70] =	vst v1  }
0xae: {  	v1 =	vld [tilespmem:s21+$0x7C30]  }
0xaf: {  	[tilespmem:s21+$0xCC00] =	vst v3;
	v2 =	vadd.f32 v2, v5;
	v5 =	vld [tilespmem:s21+$0x2C40]  }
0xb0: {  	v7 =	vld [tilespmem:s21+$0x7C40]  }
.Ltmp6:
0xb1: {  	[tilespmem:s21+$0xCC10] =	vst v2;
	v0 =	vadd.f32 v0, v4;
	v2 =	vld [tilespmem:s21+$0x2C50];
	(pc) =	sbr.rel @p2 .LBB2_6-.Ltmp6, $4  }
0xb2: {  	v3 =	vld [tilespmem:s21+$0x7C50]  }
0xb3: {  	[tilespmem:s21+$0xCC20] =	vst v0;
	v6 =	vadd.f32 v1, v6;
	v0 =	vld [tilespmem:s21+$0x2C60]  }
0xb4: {  	s22 =	sshra.s32 s16, $0x2;
	v4 =	vld [tilespmem:s21+$0x7C60]  }
0xb5: {  	s16 =	sadd.s32 $0x200, s16;
	v1 =	vld [tilespmem:s22+$0x2C70];
	[tilespmem:s21+$0xCC30] =	vst v6;
	v5 =	vadd.f32 v7, v5  }
0xb6: {  	v6 =	vld [tilespmem:s22+$0x7C70]  }
0xb7: {  	v7 =	vld [tilespmem:s22+$0x2C00];
	[tilespmem:s21+$0xCC40] =	vst v5;
	v2 =	vadd.f32 v3, v2  }
0xb8: {  	v51 =	vld [tilespmem:s22+$0x7C00]  }
0xb9: {  	v5 =	vld [tilespmem:s22+$0x2C10];
	[tilespmem:s21+$0xCC50] =	vst v2;
	v0 =	vadd.f32 v4, v0  }
0xba: {  	v2 =	vld [tilespmem:s22+$0x7C10]  }
0xbb: {  	v52 =	vld [tilespmem:s22+$0x2C20];
	[tilespmem:s21+$0xCC60] =	vst v0  }
0xbc: {  	v54 =	vld [tilespmem:s22+$0x7C20]  }
0xbd: {  	v55 =	vld [tilespmem:s22+$0x2C30]  }
0xbe: {  	v56 =	vld [tilespmem:s22+$0x7C30]  }
0xbf: {  	v57 =	vld [tilespmem:s22+$0x2C40]  }
0xc0: {  	v58 =	vld [tilespmem:s22+$0x7C40]  }
0xc1: {  	v59 =	vld [tilespmem:s22+$0x2C50]  }
0xc2: {  	v53 =	vadd.f32 v6, v1;
	v60 =	vld [tilespmem:s22+$0x7C50]  }
0xc3: {  	v61 =	vld [tilespmem:s22+$0x2C60];
	v3 =	vadd.f32 v51, v7  }
0xc4: {  	v62 =	vld [tilespmem:s22+$0x7C60];
	[tilespmem:s22+$0xCC70] =	vst v53;
	v2 =	vadd.f32 v2, v5  }
0xc5: {  	[tilespmem:s22+$0xCC00] =	vst v3;
	v1 =	vadd.f32 v54, v52  }
0xc6: {  	[tilespmem:s22+$0xCC10] =	vst v2;
	v0 =	vadd.f32 v56, v55  }
0xc7: {  	s1 =	smul.u32 $0x50, s1;
	v3 =	vadd.f32 v58, v57;
	[tilespmem:s22+$0xCC20] =	vst v1  }
0xc8: {  	v63 =	vadd.f32 v60, v59;
	[tilespmem:s22+$0xCC30] =	vst v0  }
0xc9: {  	s1 =	sadd.s32 s5, s1;
	[tilespmem:s22+$0xCC40] =	vst v3;
	v1 =	vadd.f32 v62, v61  }
0xca: {  	s1 =	sshll.u32 s1, $0x4;
	[tilespmem:s22+$0xCC50] =	vst v63  }
0xcb: {  	s1 =	sadd.s32 s8, s1;
	[tilespmem:s22+$0xCC60] =	vst v1  }
0xcc: {  	[hbm4b:s1+s2] =	stream.linear.scatter [tilespmem:s26], [sflag:$0x8], $0x2800, $0x38;
	[tilespmem:$0xF400] =	vst v63  }
.LBB2_8:
0xcd: {  	s1 =	simm.s32 @!p1 $0x4  }
0xce: {  	_ =	swait.ge @!p1 [sflag:s1], $0x50  }
0xcf: {  	[sflag:s1] =	ssyncset.done @!p1 $0x0  }
0xd0: {  	[sflag:s1] =	ssyncadd.s32 @!p1 $0xFFFFFFB0  }
0xd1: {  	_ =	swait.ge @!p1 [sflag:s1], $0x50  }
0xd2: {  	[sflag:s1] =	ssyncset.done @!p1 $0x0  }
0xd3: {  	s16 =	simm.s32 @!p1 $0x2C00;
	[sflag:s1] =	ssyncadd.s32 @!p1 $0xFFFFFFB0;
	s1 =	simm.s32 @!p1 $0x50  }
0xd4: {  	[tilespmem:s16], [sflag:$0x6] =	stream.indirect.gather @!p1 [hbm4b:s6+s1], $0x80, s19, s1, $0xb8;
	[tilespmem:$0xF400] =	vst v63  }
0xd5: {  	s16 =	simm.s32 @!p1 $0x7C00  }
0xd6: {  	[tilespmem:s16], [sflag:$0x6] =	stream.indirect.gather @!p1 [hbm4b:s7+s1], $0x80, s20, s1, $0xb8;
	[tilespmem:$0xF400] =	vst v63  }
0xd7: {  	s1 =	simm.s32 @!p0 $0x5  }
0xd8: {  	_ =	swait.ge @!p0 [sflag:s1], $0x2800  }
0xd9: {  	[sflag:s1] =	ssyncset.done @!p0 $0x0  }
0xda: {  	p2 =	seq.s32 s29, $0x1F;
	[sflag:s1] =	ssyncadd.s32 @!p0 $0xFFFFD800  }
0xdb: {  	s16 =	sadd.s32 @!p2 s0, s13;
	_ =	swait.ge @!p0 [sflag:s1], $0x2800  }
0xdc: {  	s16 =	sshrl.u32 @!p2 s16, $0x3;
	[sflag:s1] =	ssyncset.done @!p0 $0x0  }
0xdd: {  	s19 =	sadd.s32 @!p2 s3, s16;
	[sflag:s1] =	ssyncadd.s32 @!p0 $0xFFFFD800;
	s1 =	simm.s32 @!p2 $0x0  }
0xde: {  	[tilespmem:s1], [sflag:$0x1] =	stream.linear.gather @!p2 [hbm4b:s19+s1], $0x50, $0x38;
	[tilespmem:$0xF400] =	vst v63  }
.Ltmp7:
0xdf: {  	s16 =	sadd.s32 @!p2 s4, s16;
	s19 =	simm.s32 @!p2 $0x200;
	(pc) =	sbr.rel @p0 .LBB2_12-.Ltmp7, $4  }
0xe0: {  	[tilespmem:s19], [sflag:$0x1] =	stream.linear.gather @!p2 [hbm4b:s16+s1], $0x50, $0x38;
	[tilespmem:$0xF400] =	vst v63  }
0xe1: {  	_ =	swait.ge [sflag:s24], $0x2800  }
0xe2: {  	[sflag:s24] =	ssyncset.done $0x0  }
0xe3: {  	[sflag:s24] =	ssyncadd.s32 $0xFFFFD800  }
0xe4: {  	s20 =	simm.s32 $0x0  }
0xe5: {  	v0 =	vld [tilespmem:s20+$0x470]  }
0xe6: {  	v1 =	vld [tilespmem:s20+$0x5470]  }
0xe7: {  	v2 =	vld [tilespmem:s20+$0x400]  }
0xe8: {  	v3 =	vld [tilespmem:s20+$0x5400]  }
0xe9: {  	v4 =	vld [tilespmem:s20+$0x410]  }
0xea: {  	v5 =	vld [tilespmem:s20+$0x5410]  }
0xeb: {  	v6 =	vld [tilespmem:s20+$0x420]  }
0xec: {  	v7 =	vld [tilespmem:s20+$0x430]  }
0xed: {  	v0 =	vadd.f32 v1, v0;
	v1 =	vld [tilespmem:s20+$0x5420]  }
0xee: {  	v8 =	vld [tilespmem:s20+$0x5430]  }
0xef: {  	v9 =	vld [tilespmem:s20+$0x5440];
	v2 =	vadd.f32 v3, v2  }
0xf0: {  	[tilespmem:s20+$0xA470] =	vst v0;
	v0 =	vadd.f32 v5, v4;
	v5 =	vld [tilespmem:s20+$0x440]  }
0xf1: {  	v3 =	vld [tilespmem:s20+$0x5450];
	[tilespmem:s20+$0xA400] =	vst v2  }
0xf2: {  	v2 =	vld [tilespmem:s20+$0x450];
	[tilespmem:s20+$0xA410] =	vst v0;
	v0 =	vadd.f32 v1, v6  }
0xf3: {  	v4 =	vld [tilespmem:s20+$0x5460];
	v6 =	vadd.f32 v8, v7  }
0xf4: {  	s21 =	simm.s32 $0x80;
	[tilespmem:s20+$0xA420] =	vst v0;
	v0 =	vld [tilespmem:s20+$0x460]  }
0xf5: {  	s16 =	simm.s32 $0x400;
	v5 =	vadd.f32 v9, v5;
	v1 =	vld [tilespmem:s21+$0x470];
	[tilespmem:s20+$0xA430] =	vst v6  }
.LBB2_10:
0xf6: {  	p0 =	sne.s32 s16, $0x9E00;
	v6 =	vld [tilespmem:s21+$0x5470]  }
0xf7: {  	v7 =	vld [tilespmem:s21+$0x400];
	[tilespmem:s20+$0xA440] =	vst v5;
	v2 =	vadd.f32 v3, v2  }
0xf8: {  	v3 =	vld [tilespmem:s21+$0x5400]  }
0xf9: {  	v5 =	vld [tilespmem:s21+$0x410];
	[tilespmem:s20+$0xA450] =	vst v2;
	v0 =	vadd.f32 v4, v0  }
0xfa: {  	v2 =	vld [tilespmem:s21+$0x5410]  }
0xfb: {  	v4 =	vld [tilespmem:s21+$0x420];
	v1 =	vadd.f32 v6, v1;
	[tilespmem:s20+$0xA460] =	vst v0;
	s20 =	smov.u32 s21  }
0xfc: {  	v0 =	vld [tilespmem:s20+$0x5420]  }
0xfd: {  	v3 =	vadd.f32 v3, v7;
	v6 =	vld [tilespmem:s20+$0x430];
	[tilespmem:s20+$0xA470] =	vst v1  }
0xfe: {  	v1 =	vld [tilespmem:s20+$0x5430]  }
0xff: {  	[tilespmem:s20+$0xA400] =	vst v3;
	v2 =	vadd.f32 v2, v5;
	v5 =	vld [tilespmem:s20+$0x440]  }
0x100: {  	v7 =	vld [tilespmem:s20+$0x5440]  }
.Ltmp8:
0x101: {  	[tilespmem:s20+$0xA410] =	vst v2;
	v0 =	vadd.f32 v0, v4;
	v2 =	vld [tilespmem:s20+$0x450];
	(pc) =	sbr.rel @p0 .LBB2_10-.Ltmp8, $4  }
0x102: {  	v3 =	vld [tilespmem:s20+$0x5450]  }
0x103: {  	[tilespmem:s20+$0xA420] =	vst v0;
	v6 =	vadd.f32 v1, v6;
	v0 =	vld [tilespmem:s20+$0x460]  }
0x104: {  	s21 =	sshra.s32 s16, $0x2;
	v4 =	vld [tilespmem:s20+$0x5460]  }
0x105: {  	s16 =	sadd.s32 $0x200, s16;
	v1 =	vld [tilespmem:s21+$0x470];
	[tilespmem:s20+$0xA430] =	vst v6;
	v5 =	vadd.f32 v7, v5  }
0x106: {  	v6 =	vld [tilespmem:s21+$0x5470]  }
0x107: {  	v7 =	vld [tilespmem:s21+$0x400];
	[tilespmem:s20+$0xA440] =	vst v5;
	v2 =	vadd.f32 v3, v2  }
0x108: {  	v51 =	vld [tilespmem:s21+$0x5400]  }
0x109: {  	v5 =	vld [tilespmem:s21+$0x410];
	[tilespmem:s20+$0xA450] =	vst v2;
	v0 =	vadd.f32 v4, v0  }
0x10a: {  	v2 =	vld [tilespmem:s21+$0x5410]  }
0x10b: {  	v52 =	vld [tilespmem:s21+$0x420];
	[tilespmem:s20+$0xA460] =	vst v0  }
0x10c: {  	v54 =	vld [tilespmem:s21+$0x5420]  }
0x10d: {  	v55 =	vld [tilespmem:s21+$0x430]  }
0x10e: {  	v56 =	vld [tilespmem:s21+$0x5430]  }
0x10f: {  	v57 =	vld [tilespmem:s21+$0x440]  }
0x110: {  	v58 =	vld [tilespmem:s21+$0x5440]  }
0x111: {  	v59 =	vld [tilespmem:s21+$0x450]  }
0x112: {  	v53 =	vadd.f32 v6, v1;
	v60 =	vld [tilespmem:s21+$0x5450]  }
0x113: {  	v61 =	vld [tilespmem:s21+$0x460];
	v3 =	vadd.f32 v51, v7  }
0x114: {  	v62 =	vld [tilespmem:s21+$0x5460];
	[tilespmem:s21+$0xA470] =	vst v53;
	v2 =	vadd.f32 v2, v5  }
0x115: {  	[tilespmem:s21+$0xA400] =	vst v3;
	v1 =	vadd.f32 v54, v52  }
0x116: {  	[tilespmem:s21+$0xA410] =	vst v2;
	v0 =	vadd.f32 v56, v55  }
0x117: {  	s16 =	smul.u32 $0x50, s30;
	v3 =	vadd.f32 v58, v57;
	[tilespmem:s21+$0xA420] =	vst v1  }
0x118: {  	v63 =	vadd.f32 v60, v59;
	[tilespmem:s21+$0xA430] =	vst v0  }
0x119: {  	s16 =	sadd.s32 s5, s16;
	[tilespmem:s21+$0xA440] =	vst v3;
	v1 =	vadd.f32 v62, v61  }
0x11a: {  	s16 =	sshll.u32 s16, $0x4;
	[tilespmem:s21+$0xA450] =	vst v63  }
0x11b: {  	s16 =	sadd.s32 s8, s16;
	[tilespmem:s21+$0xA460] =	vst v1  }
0x11c: {  	[hbm4b:s16+s2] =	stream.linear.scatter [tilespmem:s25], [sflag:$0x7], $0x2800, $0x38;
	[tilespmem:$0xF400] =	vst v63  }
.LBB2_12:
0x11d: {  	s16 =	simm.s32 @!p2 $0x1  }
0x11e: {  	_ =	swait.ge @!p2 [sflag:s16], $0x50  }
0x11f: {  	[sflag:s16] =	ssyncset.done @!p2 $0x0  }
0x120: {  	[sflag:s16] =	ssyncadd.s32 @!p2 $0xFFFFFFB0  }
0x121: {  	_ =	swait.ge @!p2 [sflag:s16], $0x50  }
0x122: {  	[sflag:s16] =	ssyncset.done @!p2 $0x0  }
0x123: {  	s20 =	simm.s32 @!p2 $0x400;
	[sflag:s16] =	ssyncadd.s32 @!p2 $0xFFFFFFB0;
	s16 =	simm.s32 @!p2 $0x50  }
0x124: {  	[tilespmem:s20], [sflag:$0x5] =	stream.indirect.gather @!p2 [hbm4b:s6+s16], $0x80, s1, s16, $0xb8;
	[tilespmem:$0xF400] =	vst v63  }
0x125: {  	s1 =	simm.s32 @!p2 $0x5400  }
0x126: {  	[tilespmem:s1], [sflag:$0x5] =	stream.indirect.gather @!p2 [hbm4b:s7+s16], $0x80, s19, s16, $0xb8;
	[tilespmem:$0xF400] =	vst v63  }
0x127: {  	s1 =	simm.s32 @!p1 $0x6  }
0x128: {  	_ =	swait.ge @!p1 [sflag:s1], $0x2800  }
0x129: {  	[sflag:s1] =	ssyncset.done @!p1 $0x0  }
0x12a: {  	p0 =	sgt.u32 s29, $0x1D;
	[sflag:s1] =	ssyncadd.s32 @!p1 $0xFFFFD800  }
0x12b: {  	s0 =	sadd.s32 @!p0 s0, s14;
	_ =	swait.ge @!p1 [sflag:s1], $0x2800  }
0x12c: {  	s0 =	sshrl.u32 @!p0 s0, $0x3;
	s16 =	simm.s32 @!p0 $0x0;
	[sflag:s1] =	ssyncset.done @!p1 $0x0  }
0x12d: {  	s19 =	simm.s32 @!p0 $0x80;
	[sflag:s1] =	ssyncadd.s32 @!p1 $0xFFFFD800;
	s1 =	sadd.s32 @!p0 s3, s0  }
0x12e: {  	[tilespmem:s19], [sflag:$0x2] =	stream.linear.gather @!p0 [hbm4b:s1+s16], $0x50, $0x38;
	[tilespmem:$0xF400] =	vst v63  }
0x12f: {  	s0 =	sadd.s32 @!p0 s4, s0;
	s1 =	simm.s32 @!p0 $0x280  }
0x130: {  	[tilespmem:s1], [sflag:$0x2] =	stream.linear.gather @!p0 [hbm4b:s0+s16], $0x50, $0x38;
	[tilespmem:$0xF400] =	vst v63  }
0x131: {  	p0 =	sgt.u32 s31, $0x7E  }
0x132: {  	p1 =	sgt.u32 @!p0 s31, $0x7C  }
0x133: {  	p1 =	por p0, p1  }
.Ltmp9:
0x134: {  	_ = 	snop;
	(pc) =	sbr.rel @p1 .LBB2_16-.Ltmp9, $4  }
0x135: {  	s0 =	simm.s32 @!p0 $0x8  }
0x136: {  	_ =	swait.ge @!p0 [sflag:s0], $0x2800  }
0x137: {  	[sflag:s0] =	ssyncset.done @!p0 $0x0  }
0x138: {  	[sflag:s0] =	ssyncadd.s32 @!p0 $0xFFFFD800  }
0x139: {  	s0 =	simm.s32 $0x0  }
0x13a: {  	v0 =	vld [tilespmem:s0+$0x2C70]  }
0x13b: {  	v1 =	vld [tilespmem:s0+$0x7C70]  }
0x13c: {  	v2 =	vld [tilespmem:s0+$0x2C00]  }
0x13d: {  	v3 =	vld [tilespmem:s0+$0x7C00]  }
0x13e: {  	v4 =	vld [tilespmem:s0+$0x2C10]  }
0x13f: {  	v5 =	vld [tilespmem:s0+$0x7C10]  }
0x140: {  	v6 =	vld [tilespmem:s0+$0x2C20]  }
0x141: {  	v7 =	vld [tilespmem:s0+$0x2C30]  }
0x142: {  	v0 =	vadd.f32 v1, v0;
	v1 =	vld [tilespmem:s0+$0x7C20]  }
0x143: {  	v8 =	vld [tilespmem:s0+$0x7C30]  }
0x144: {  	v9 =	vld [tilespmem:s0+$0x7C40];
	v2 =	vadd.f32 v3, v2  }
0x145: {  	[tilespmem:s0+$0xCC70] =	vst v0;
	v0 =	vadd.f32 v5, v4;
	v5 =	vld [tilespmem:s0+$0x2C40]  }
0x146: {  	v3 =	vld [tilespmem:s0+$0x7C50];
	[tilespmem:s0+$0xCC00] =	vst v2  }
0x147: {  	v2 =	vld [tilespmem:s0+$0x2C50];
	[tilespmem:s0+$0xCC10] =	vst v0;
	v0 =	vadd.f32 v1, v6  }
0x148: {  	v4 =	vld [tilespmem:s0+$0x7C60];
	v6 =	vadd.f32 v8, v7  }
0x149: {  	s1 =	simm.s32 $0x80;
	[tilespmem:s0+$0xCC20] =	vst v0;
	v0 =	vld [tilespmem:s0+$0x2C60]  }
0x14a: {  	s16 =	simm.s32 $0x400;
	v5 =	vadd.f32 v9, v5;
	v1 =	vld [tilespmem:s1+$0x2C70];
	[tilespmem:s0+$0xCC30] =	vst v6  }
.LBB2_14:
0x14b: {  	p0 =	sne.s32 s16, $0x9E00;
	v6 =	vld [tilespmem:s1+$0x7C70]  }
0x14c: {  	v7 =	vld [tilespmem:s1+$0x2C00];
	[tilespmem:s0+$0xCC40] =	vst v5;
	v2 =	vadd.f32 v3, v2  }
0x14d: {  	v3 =	vld [tilespmem:s1+$0x7C00]  }
0x14e: {  	v5 =	vld [tilespmem:s1+$0x2C10];
	[tilespmem:s0+$0xCC50] =	vst v2;
	v0 =	vadd.f32 v4, v0  }
0x14f: {  	v2 =	vld [tilespmem:s1+$0x7C10]  }
0x150: {  	v4 =	vld [tilespmem:s1+$0x2C20];
	v1 =	vadd.f32 v6, v1;
	[tilespmem:s0+$0xCC60] =	vst v0;
	s0 =	smov.u32 s1  }
0x151: {  	v0 =	vld [tilespmem:s0+$0x7C20]  }
0x152: {  	v3 =	vadd.f32 v3, v7;
	v6 =	vld [tilespmem:s0+$0x2C30];
	[tilespmem:s0+$0xCC70] =	vst v1  }
0x153: {  	v1 =	vld [tilespmem:s0+$0x7C30]  }
0x154: {  	[tilespmem:s0+$0xCC00] =	vst v3;
	v2 =	vadd.f32 v2, v5;
	v5 =	vld [tilespmem:s0+$0x2C40]  }
0x155: {  	v7 =	vld [tilespmem:s0+$0x7C40]  }
.Ltmp10:
0x156: {  	[tilespmem:s0+$0xCC10] =	vst v2;
	v0 =	vadd.f32 v0, v4;
	v2 =	vld [tilespmem:s0+$0x2C50];
	(pc) =	sbr.rel @p0 .LBB2_14-.Ltmp10, $4  }
0x157: {  	v3 =	vld [tilespmem:s0+$0x7C50]  }
0x158: {  	[tilespmem:s0+$0xCC20] =	vst v0;
	v6 =	vadd.f32 v1, v6;
	v0 =	vld [tilespmem:s0+$0x2C60]  }
0x159: {  	s1 =	sshra.s32 s16, $0x2;
	v4 =	vld [tilespmem:s0+$0x7C60]  }
0x15a: {  	s16 =	sadd.s32 $0x200, s16;
	v1 =	vld [tilespmem:s1+$0x2C70];
	[tilespmem:s0+$0xCC30] =	vst v6;
	v5 =	vadd.f32 v7, v5  }
0x15b: {  	v6 =	vld [tilespmem:s1+$0x7C70]  }
0x15c: {  	v7 =	vld [tilespmem:s1+$0x2C00];
	[tilespmem:s0+$0xCC40] =	vst v5;
	v2 =	vadd.f32 v3, v2  }
0x15d: {  	v51 =	vld [tilespmem:s1+$0x7C00]  }
0x15e: {  	v5 =	vld [tilespmem:s1+$0x2C10];
	[tilespmem:s0+$0xCC50] =	vst v2;
	v0 =	vadd.f32 v4, v0  }
0x15f: {  	v2 =	vld [tilespmem:s1+$0x7C10]  }
0x160: {  	v52 =	vld [tilespmem:s1+$0x2C20];
	[tilespmem:s0+$0xCC60] =	vst v0  }
0x161: {  	v54 =	vld [tilespmem:s1+$0x7C20]  }
0x162: {  	v55 =	vld [tilespmem:s1+$0x2C30]  }
0x163: {  	v56 =	vld [tilespmem:s1+$0x7C30]  }
0x164: {  	v57 =	vld [tilespmem:s1+$0x2C40]  }
0x165: {  	v58 =	vld [tilespmem:s1+$0x7C40]  }
0x166: {  	v59 =	vld [tilespmem:s1+$0x2C50]  }
0x167: {  	v53 =	vadd.f32 v6, v1;
	v60 =	vld [tilespmem:s1+$0x7C50]  }
0x168: {  	v61 =	vld [tilespmem:s1+$0x2C60];
	v3 =	vadd.f32 v51, v7  }
0x169: {  	v62 =	vld [tilespmem:s1+$0x7C60];
	[tilespmem:s1+$0xCC70] =	vst v53;
	v2 =	vadd.f32 v2, v5  }
0x16a: {  	[tilespmem:s1+$0xCC00] =	vst v3;
	v1 =	vadd.f32 v54, v52  }
0x16b: {  	[tilespmem:s1+$0xCC10] =	vst v2;
	v0 =	vadd.f32 v56, v55  }
0x16c: {  	s31 =	smul.u32 $0x50, s31;
	v3 =	vadd.f32 v58, v57;
	[tilespmem:s1+$0xCC20] =	vst v1  }
.Ltmp11:
0x16d: {  	v63 =	vadd.f32 v60, v59;
	[tilespmem:s1+$0xCC30] =	vst v0;
	(pc) =	sbr.rel .LBB2_16-.Ltmp11, $4  }
0x16e: {  	s0 =	sadd.s32 s5, s31;
	[tilespmem:s1+$0xCC40] =	vst v3;
	v1 =	vadd.f32 v62, v61  }
0x16f: {  	s0 =	sshll.u32 s0, $0x4;
	[tilespmem:s1+$0xCC50] =	vst v63  }
0x170: {  	s0 =	sadd.s32 s8, s0;
	[tilespmem:s1+$0xCC60] =	vst v1  }
0x171: {  	[hbm4b:s0+s2] =	stream.linear.scatter [tilespmem:s26], [sflag:$0x8], $0x2800, $0x38;
	[tilespmem:$0xF400] =	vst v63  }
.LBB2_18:
0x172: {  	_ =	sfence.sel $0x180000  }
0x173: {  	[bflag:$0x0] =	sbarrier.arrive $0xFFFF  }
0x174: {  	_ =	strace $0x90000047  }
0x175: {  	s0 =	stileid.u32;
	[bflag:$0x2] =	sbarrier.arrive $0xFFFF  }
0x176: {  	p0 =	sne.s32 s0, $0x0;
	s0 =	rddreg [dreg:$0x1]  }
0x177: {  	s0 =	sadd.s32 @!p0 $0x100000, s0  }
0x178: {  	[sflag:s0] =	ssyncadd.tile.s32 @!p0 $0x1;
	_ =	shalt  }
.Lfunc_end2:
_tile_overlayer_lowered:
.L_overlay_start_2:
0x179: {  	(tag) =	ssettag $0x2  }
0x17a: {  	s0 =	rddreg [dreg:$0x0];
	s2 =	stileid.u32  }
0x17b: {  	s1 =	rddreg [dreg:$0x1];
	p0 =	sne.s32 s2, $0x0  }
0x17c: {  	s3 =	rddreg [dreg:$0x2];
	[bflag:$0x3] =	sbarrier.arrive $0xFFFF;
	s2 =	simm.s32 @!p0 $0x1C09  }
0x17d: {  	[timem:s3], [sflag:s2] =	dma.local @!p0 [hbm:s0], s1  }
0x17e: {  	s0 =	simm.s32 @!p0 $0x9  }
0x17f: {  	_ =	swait.ge @!p0 [sflag:s0], s1  }
0x180: {  	s1 =	ssub.s32 @!p0 $0x0, s1;
	[sflag:s0] =	ssyncset.done @!p0 $0x0  }
0x181: {  	[sflag:s0] =	ssyncadd.s32 @!p0 s1  }
0x182: {  	[bflag:$0x3] =	sbarrier.arrive $0xFFFF  }
0x183: {  	_ =	shalt  }

</sc_bundles>
